<compile_context>
chip_gen: v7x
topology: tpu7x:2x2x1
jax: 0.10.2.dev20260603
libtpu: 0.0.44.dev20260713+nightly
codegen_flags: <defaults>
</compile_context>

<pallas_src>
import functools
import jax
import jax.numpy as jnp
from jax import lax
from jax.experimental import pallas as pl
from jax.experimental.pallas import tpu as pltpu
from jax.experimental.pallas import tpu_sc as plsc

N = 10000
H = 128
NUM_LAYERS = 3
RES_FREQ = 2

NW = 32
CH = 128
E2 = 640000
NCH = 160
EPW = NCH * CH
EP = NW * EPW
IXR = EP // CH + 8
PADI = IXR * CH - E2
ZR = 10112
DUMMY = N
RPT = ZR // 16
ORB = 624
CW = 128

_SC_MESH = plsc.VectorSubcoreMesh(core_axis_name="c", subcore_axis_name="s")


def _zero_acc(zbuf, acc, s):
    for t in range(RPT // CH):
        pltpu.sync_copy(zbuf, acc.at[pl.ds(s * RPT + t * CH, CH)])
    rem = RPT % CH
    if rem:
        pltpu.sync_copy(zbuf.at[pl.ds(0, rem)],
                        acc.at[pl.ds(s * RPT + (RPT // CH) * CH, rem)])


def _zero_rows(ref, nrows, width):
    z = jnp.zeros((16,), jnp.float32)

    def body(i, _):
        for j in range(width // 16):
            ref[i, pl.ds(j * 16, 16)] = z
        return 0

    lax.fori_loop(0, nrows, body, 0)


def _staged_readout(acc, stage, out_hbm, c, s):
    for t in range(5):
        base = s * ORB + t * CH
        pltpu.sync_copy(acc.at[pl.ds(base, CH)], stage)
        pltpu.sync_copy(stage, out_hbm.at[c, pl.ds(base, CH)])


@functools.partial(
    pl.kernel,
    mesh=_SC_MESH,
    out_type=jax.ShapeDtypeStruct((2, N, H), jnp.float32),
    scratch_types=[
        pltpu.VMEM((CH,), jnp.int32),
        pltpu.VMEM((CH,), jnp.int32),
        pltpu.VMEM((CH,), jnp.int32),
        pltpu.VMEM((CH,), jnp.int32),
        pltpu.VMEM((CH,), jnp.int32),
        pltpu.VMEM((CH,), jnp.int32),
        pltpu.VMEM((CH, H), jnp.float32),
        pltpu.VMEM((CH, H), jnp.float32),
        pltpu.VMEM((CH, H), jnp.float32),
        pltpu.VMEM_SHARED((ZR, H), jnp.float32),
        pltpu.SemaphoreType.DMA,
        pltpu.SemaphoreType.DMA,
        pltpu.SemaphoreType.DMA,
    ],
)
def _sc_msg(y_hbm, src_hbm, dst_hbm, z_hbm, si0, di0, si1, di1, si2, di2,
            rows0, rows1, rows2, zsh, sem0, sem1, sem2):
    c = lax.axis_index("c")
    s = lax.axis_index("s")
    wid = s * 2 + c
    base = wid * EPW
    sidx = [si0, si1, si2]
    didx = [di0, di1, di2]
    rows = [rows0, rows1, rows2]
    sems = [sem0, sem1, sem2]

    _zero_rows(rows0, CH, H)
    _zero_acc(rows0, zsh, s)
    plsc.subcore_barrier()

    def load_idx(i, q):
        off = base + i * CH
        pltpu.sync_copy(src_hbm.at[pl.ds(off, CH)], sidx[q])
        pltpu.sync_copy(dst_hbm.at[pl.ds(off, CH)], didx[q])

    for q in range(3):
        load_idx(q, q)
        pltpu.async_copy(y_hbm.at[sidx[q]], rows[q], sems[q])

    def triple(j, _):
        i0 = j * 3
        for q in range(3):
            i = i0 + q
            pltpu.make_async_copy(y_hbm.at[sidx[q]], rows[q], sems[q]).wait()
            pltpu.sync_copy(rows[q], zsh.at[didx[q]], add=True)
            load_idx(i + 3, q)
            pltpu.async_copy(y_hbm.at[sidx[q]], rows[q], sems[q])
        return 0

    lax.fori_loop(0, (NCH - 1) // 3, triple, 0)
    pltpu.make_async_copy(y_hbm.at[si0], rows0, sem0).wait()
    pltpu.sync_copy(rows0, zsh.at[di0], add=True)
    pltpu.make_async_copy(y_hbm.at[si1], rows1, sem1).wait()
    pltpu.make_async_copy(y_hbm.at[si2], rows2, sem2).wait()
    plsc.subcore_barrier()
    _staged_readout(zsh, rows0, z_hbm, c, s)


@functools.partial(
    pl.kernel,
    mesh=_SC_MESH,
    out_type=jax.ShapeDtypeStruct((2, N, CW), jnp.float32),
    scratch_types=[
        pltpu.VMEM((CH,), jnp.int32),
        pltpu.VMEM((CH,), jnp.int32),
        pltpu.VMEM((CH, CW), jnp.float32),
        pltpu.VMEM_SHARED((ZR, CW), jnp.float32),
        pltpu.SemaphoreType.DMA,
        pltpu.SemaphoreType.DMA,
    ],
)
def _sc_cnt(idx_hbm, c_hbm, ci0, ci1, obuf, csh, sm0, sm1):
    c = lax.axis_index("c")
    s = lax.axis_index("s")
    wid = s * 2 + c
    base = wid * NCH
    cidx = [ci0, ci1]
    sm = [sm0, sm1]

    _zero_rows(obuf, CH, CW)
    _zero_acc(obuf, csh, s)
    plsc.subcore_barrier()

    one = jnp.ones((16,), jnp.float32)

    def fill(i, _):
        for j in range(CW // 16):
            obuf[i, pl.ds(j * 16, 16)] = one
        return 0

    lax.fori_loop(0, CH, fill, 0)

    def idx_load(i, q):
        pltpu.async_copy(idx_hbm.at[pl.ds((base + i) * CH, CH)], cidx[q],
                         sm[q])

    def idx_wait(q):
        pltpu.make_async_copy(idx_hbm.at[pl.ds(base * CH, CH)], cidx[q],
                              sm[q]).wait()

    idx_load(0, 0)
    idx_load(1, 1)

    def body(g, _):
        i0 = g * 2
        for q in range(2):
            idx_wait(q)
            pltpu.sync_copy(obuf, csh.at[cidx[q]], add=True)
            idx_load(i0 + q + 2, q)
        return 0

    lax.fori_loop(0, NCH // 2, body, 0)
    idx_wait(0)
    idx_wait(1)
    plsc.subcore_barrier()
    _staged_readout(csh, obuf, c_hbm, c, s)



def _relu(v):
    return jnp.maximum(v, 0.0)


def _mm(a, b):
    return jnp.dot(a, b, preferred_element_type=jnp.float32)


def _tc_in_body(x, w1, b1, w2, b2, wg, cp, wr, oh, oy, od):
    h = _mm(_relu(_mm(x[...], w1[...]) + b1[...]), w2[...]) + b2[...]
    cnt = (cp[0] + cp[1])[:, 0:1]
    dinv = lax.rsqrt(wr[0, 0] * cnt + 2.0)
    oh[...] = h
    od[...] = dinv
    oy[...] = dinv * _mm(h, wg[...])


def _tc_in(x, w1, b1, w2, b2, wg, cp, wr):
    return pl.pallas_call(
        _tc_in_body,
        out_shape=(
            jax.ShapeDtypeStruct((N, H), jnp.float32),
            jax.ShapeDtypeStruct((N, H), jnp.float32),
            jax.ShapeDtypeStruct((N, 1), jnp.float32),
        ),
    )(x, w1, b1.reshape(1, H), w2, b2.reshape(1, H), wg, cp, wr)


def _tc_post_body(has_skip, is_final, *refs):
    if is_final:
        (zp, y, h, dinv, wr, gb, ms, nw, nb, skw, skb,
         hw1, hb1, hw2, hb2, hw3, hb3, out) = refs
    elif has_skip:
        (zp, y, h, dinv, wr, gb, ms, nw, nb, skw, skb, wgn, oh, oy) = refs
    else:
        (zp, y, h, dinv, wr, gb, ms, nw, nb, wgn, oh, oy) = refs
    di = dinv[...]
    g = di * (wr[0, 0] * (zp[0] + zp[1]) + 2.0 * y[...]) + gb[...]
    mean = jnp.mean(g, axis=0, keepdims=True)
    o = g - ms[...] * mean
    var = jnp.mean(o * o, axis=0, keepdims=True)
    g = nw[...] * o * lax.rsqrt(var + 1e-5) + nb[...]
    g = jnp.where(g > 0, g, jnp.exp(g) - 1.0)
    if has_skip:
        g = g + _mm(h[...], skw[...]) + skb[...]
    if is_final:
        q = _relu(_mm(g, hw1[...]) + hb1[...])
        q = _relu(_mm(q, hw2[...]) + hb2[...])
        q = _mm(q, hw3[...]) + hb3[...]
        out[...] = 1.0 / (1.0 + jnp.exp(-q))
    else:
        oh[...] = g
        oy[...] = di * _mm(g, wgn[...])


def _tc_mid(has_skip, args):
    return pl.pallas_call(
        functools.partial(_tc_post_body, has_skip, False),
        out_shape=(
            jax.ShapeDtypeStruct((N, H), jnp.float32),
            jax.ShapeDtypeStruct((N, H), jnp.float32),
        ),
    )(*args)


def _tc_final(args):
    return pl.pallas_call(
        functools.partial(_tc_post_body, True, True),
        out_shape=jax.ShapeDtypeStruct((N, 1), jnp.float32),
    )(*args)


def kernel(x, edge_index, batch, params):
    p = params
    wr = p['edge_weight'].reshape(1, 1)
    row, col = edge_index[0], edge_index[1]
    spread = jnp.arange(PADI, dtype=jnp.int32) % (ZR - N)
    pad0 = spread
    padd = DUMMY + spread
    srcg = jnp.concatenate([row, col, pad0])
    cidx = jnp.concatenate([row, col, padd])
    dst = jnp.concatenate([col, row, padd])

    cp = _sc_cnt(cidx)
    h, y, dinv = _tc_in(x, p['in_W1'], p['in_b1'], p['in_W2'], p['in_b2'],
                        p['gcn_W0'], cp, wr)

    for i in range(NUM_LAYERS):
        zp = _sc_msg(y, srcg, dst)
        gb = p['gcn_b%d' % i].reshape(1, H)
        ms = p['norm_ms%d' % i].reshape(1, H)
        nw = p['norm_w%d' % i].reshape(1, H)
        nb = p['norm_b%d' % i].reshape(1, H)
        if i < NUM_LAYERS - 1:
            args = [zp, y, h, dinv, wr, gb, ms, nw, nb]
            has_skip = i % RES_FREQ == 0
            if has_skip:
                args += [p['skip_W%d' % i], p['skip_b%d' % i].reshape(1, H)]
            args += [p['gcn_W%d' % (i + 1)]]
            h, y = _tc_mid(has_skip, args)
        else:
            args = [zp, y, h, dinv, wr, gb, ms, nw, nb,
                    p['skip_W%d' % i], p['skip_b%d' % i].reshape(1, H),
                    p['head_W1'], p['head_b1'].reshape(1, H),
                    p['head_W2'], p['head_b2'].reshape(1, H // 2),
                    p['head_W3'], p['head_b3'].reshape(1, 1)]
            out = _tc_final(args)
    return out.reshape(-1)

# --- scband reference (transcript-rebuilt; emitter-appended) ---
"""Pipeline reference for scband-light-gnn-72198400246405 (READ-ONLY COPY).

The authoritative reference and input builder live on the scoring server;
editing this copy changes nothing except your own understanding.
"""

import jax, jax.numpy as jnp
import numpy as np

N = 10000
E = 320000
D = 128
H = 128
NUM_LAYERS = 3
RES_FREQ = 2
NUM_GRAPHS = 1


def _lin_init(key, fan_in, fan_out):
    k1, k2 = jax.random.split(key)
    bound = 1.0 / np.sqrt(fan_in)
    W = jax.random.uniform(k1, (fan_in, fan_out), minval=-bound, maxval=bound, dtype=jnp.float32)
    b = jax.random.uniform(k2, (fan_out,), minval=-bound, maxval=bound, dtype=jnp.float32)
    return W, b


def setup_inputs(seed: int = 0):
    key = jax.random.key(seed)
    ks = jax.random.split(key, 20)
    x = jax.random.normal(ks[0], (N, D), dtype=jnp.float32)
    edge_index = jax.random.randint(ks[1], (2, E), 0, N, dtype=jnp.int32)
    batch = jnp.zeros((N,), dtype=jnp.int32)
    params = {}
    params['in_W1'], params['in_b1'] = _lin_init(ks[2], D, H)
    params['in_W2'], params['in_b2'] = _lin_init(ks[3], H, H)
    for i in range(NUM_LAYERS):
        params['gcn_W%d' % i], _ = _lin_init(jax.random.fold_in(key, 100 + i), H, H)
        params['gcn_b%d' % i] = jnp.zeros((H,), dtype=jnp.float32)
        params['norm_w%d' % i] = jnp.ones((H,), dtype=jnp.float32)
        params['norm_b%d' % i] = jnp.zeros((H,), dtype=jnp.float32)
        params['norm_ms%d' % i] = jnp.ones((H,), dtype=jnp.float32)
        params['skip_W%d' % i], params['skip_b%d' % i] = _lin_init(jax.random.fold_in(key, 200 + i), H, H)
    params['head_W1'], params['head_b1'] = _lin_init(ks[4], H, H)
    params['head_W2'], params['head_b2'] = _lin_init(ks[5], H, H // 2)
    params['head_W3'], params['head_b3'] = _lin_init(ks[6], H // 2, 1)
    params['edge_weight'] = jnp.ones((1,), dtype=jnp.float32)
    return {'x': x, 'edge_index': edge_index, 'batch': batch, 'params': params}


def _gcn_conv(x, edge_index, edge_weight, W, b):
    n = x.shape[0]
    row, col = edge_index[0], edge_index[1]
    loop = jnp.arange(n, dtype=edge_index.dtype)
    row2 = jnp.concatenate([row, loop])
    col2 = jnp.concatenate([col, loop])
    ew2 = jnp.concatenate([edge_weight, 2.0 * jnp.ones((n,), dtype=x.dtype)])
    deg = jax.ops.segment_sum(ew2, col2, num_segments=n)
    dinv = jnp.where(deg > 0, jax.lax.rsqrt(jnp.maximum(deg, 1e-12)), 0.0)
    norm = dinv[row2] * ew2 * dinv[col2]
    xw = x @ W
    msg = norm[:, None] * xw[row2]
    out = jax.ops.segment_sum(msg, col2, num_segments=n)
    return out + b


def _graph_norm(x, batch, weight, bias, mean_scale):
    cnt = jax.ops.segment_sum(jnp.ones((x.shape[0],), dtype=x.dtype), batch, num_segments=NUM_GRAPHS)
    mean = jax.ops.segment_sum(x, batch, num_segments=NUM_GRAPHS) / cnt[:, None]
    out = x - mean_scale * mean[batch]
    var = jax.ops.segment_sum(out * out, batch, num_segments=NUM_GRAPHS) / cnt[:, None]
    std = jnp.sqrt(var + 1e-5)
    return weight * out / std[batch] + bias


def _forward(x, params, edge_index, batch):
    ei = jnp.concatenate([edge_index, edge_index[::-1]], axis=1)
    ew = params['edge_weight'][0] * jnp.ones((ei.shape[1],), dtype=x.dtype)
    h = jnp.maximum(x @ params['in_W1'] + params['in_b1'], 0.0)
    h = h @ params['in_W2'] + params['in_b2']
    for i in range(NUM_LAYERS):
        prev = h
        g = _gcn_conv(h, ei, ew, params['gcn_W%d' % i], params['gcn_b%d' % i])
        g = _graph_norm(g, batch, params['norm_w%d' % i], params['norm_b%d' % i], params['norm_ms%d' % i])
        g = jax.nn.elu(g)
        if i % RES_FREQ == 0:
            g = g + (prev @ params['skip_W%d' % i] + params['skip_b%d' % i])
        h = g
    p = jnp.maximum(h @ params['head_W1'] + params['head_b1'], 0.0)
    p = jnp.maximum(p @ params['head_W2'] + params['head_b2'], 0.0)
    p = p @ params['head_W3'] + params['head_b3']
    return jax.nn.sigmoid(p).reshape(-1)


def reference(x, edge_index, batch, params):
    return _forward(x, params, edge_index, batch)

if __name__ == "__main__":
    import jax
    _d = setup_inputs()
    print(jax.jit(kernel)(*tuple(_d.values())))

</pallas_src>

<mosaic_0001>
#map = affine_map<(d0, d1) -> (0, 0)>
#map1 = affine_map<(d0, d1) -> (0)>
#map2 = affine_map<(d0, d1) -> (0, 0, 0)>
module attributes {stable_mosaic.version = 14 : i64} {
  func.func @_sc_msg(%arg0: i32, %arg1: i32, %arg2: memref<10000x128xf32, #tpu.memory_space<hbm>>, %arg3: memref<656384xi32, #tpu.memory_space<hbm>>, %arg4: memref<656384xi32, #tpu.memory_space<hbm>>, %arg5: memref<2x10000x128xf32, #tpu.memory_space<hbm>>, %arg6: memref<128xi32, #tpu.memory_space<vmem>>, %arg7: memref<128xi32, #tpu.memory_space<vmem>>, %arg8: memref<128xi32, #tpu.memory_space<vmem>>, %arg9: memref<128xi32, #tpu.memory_space<vmem>>, %arg10: memref<128xi32, #tpu.memory_space<vmem>>, %arg11: memref<128xi32, #tpu.memory_space<vmem>>, %arg12: memref<128x128xf32, #tpu.memory_space<vmem>>, %arg13: memref<128x128xf32, #tpu.memory_space<vmem>>, %arg14: memref<128x128xf32, #tpu.memory_space<vmem>>, %arg15: memref<10112x128xf32, #tpu.memory_space<vmem_shared>>, %arg16: memref<!tpu.dma_semaphore, #tpu.memory_space<semaphore_mem>>, %arg17: memref<!tpu.dma_semaphore, #tpu.memory_space<semaphore_mem>>, %arg18: memref<!tpu.dma_semaphore, #tpu.memory_space<semaphore_mem>>) attributes {dimension_semantics = [#tpu.dimension_semantics<core_parallel>, #tpu.dimension_semantics<subcore_parallel>], iteration_bounds = array<i64: 2, 16>, scalar_prefetch = 0 : i64, scratch_operands = 13 : i64, tpu.core_type = #tpu.core_type<sc_vector_subcore>, window_params = [{transform_indices = #map}, {transform_indices = #map1}, {transform_indices = #map1}, {transform_indices = #map2}]} {
    %mul3A = arith.constant 2 : i32
    %mul3A_0 = arith.muli %arg1, %mul3A : i32
    %add3A = arith.addi %mul3A_0, %arg0 : i32
    %mul3A_1 = arith.constant 20480 : i32
    %mul3A_2 = arith.muli %add3A, %mul3A_1 : i32
    %broadcast_in_dim3A = arith.constant 0.000000e+00 : f32
    %broadcast_in_dim3A_3 = vector.broadcast %broadcast_in_dim3A : f32 to vector<16xf32>
    %scan3A = arith.constant 0 : i32
    %scan3A_4 = arith.constant 0 : i32
    %scan3A_5 = arith.constant 128 : i32
    %scan3A_6 = arith.addi %scan3A_4, %scan3A_5 : i32
    %scan3A_7 = arith.constant 1 : i32
    %scan3A_8 = scf.for %scan3A_80 = %scan3A_4 to %scan3A_6 step %scan3A_7 iter_args(%scan3A_81 = %scan3A) -> (i32)  : i32 {
      %swap3A = arith.index_cast %scan3A_80 : i32 to index
      %swap3A_82 = arith.constant 0 : index
      %swap3A_83 = tpu.vector_load %arg12[%swap3A, %swap3A_82] {strides = array<i32>} : memref<128x128xf32, #tpu.memory_space<vmem>>, vector<1x16xf32>,
      %swap3A_84 = vector.shape_cast %swap3A_83 : vector<1x16xf32> to vector<16xf32>
      %swap3A_85 = vector.shape_cast %broadcast_in_dim3A_3 : vector<16xf32> to vector<1x16xf32>
      tpu.vector_store %arg12[%swap3A, %swap3A_82], %swap3A_85 {strides = array<i32>} : memref<128x128xf32, #tpu.memory_space<vmem>>, vector<1x16xf32>,
      %swap3A_86 = arith.index_cast %scan3A_80 : i32 to index
      %swap3A_87 = arith.constant 16 : index
      %swap3A_88 = tpu.vector_load %arg12[%swap3A_86, %swap3A_87] {strides = array<i32>} : memref<128x128xf32, #tpu.memory_space<vmem>>, vector<1x16xf32>,
      %swap3A_89 = vector.shape_cast %swap3A_88 : vector<1x16xf32> to vector<16xf32>
      %swap3A_90 = vector.shape_cast %broadcast_in_dim3A_3 : vector<16xf32> to vector<1x16xf32>
      tpu.vector_store %arg12[%swap3A_86, %swap3A_87], %swap3A_90 {strides = array<i32>} : memref<128x128xf32, #tpu.memory_space<vmem>>, vector<1x16xf32>,
      %swap3A_91 = arith.index_cast %scan3A_80 : i32 to index
      %swap3A_92 = arith.constant 32 : index
      %swap3A_93 = tpu.vector_load %arg12[%swap3A_91, %swap3A_92] {strides = array<i32>} : memref<128x128xf32, #tpu.memory_space<vmem>>, vector<1x16xf32>,
      %swap3A_94 = vector.shape_cast %swap3A_93 : vector<1x16xf32> to vector<16xf32>
      %swap3A_95 = vector.shape_cast %broadcast_in_dim3A_3 : vector<16xf32> to vector<1x16xf32>
      tpu.vector_store %arg12[%swap3A_91, %swap3A_92], %swap3A_95 {strides = array<i32>} : memref<128x128xf32, #tpu.memory_space<vmem>>, vector<1x16xf32>,
      %swap3A_96 = arith.index_cast %scan3A_80 : i32 to index
      %swap3A_97 = arith.constant 48 : index
      %swap3A_98 = tpu.vector_load %arg12[%swap3A_96, %swap3A_97] {strides = array<i32>} : memref<128x128xf32, #tpu.memory_space<vmem>>, vector<1x16xf32>,
      %swap3A_99 = vector.shape_cast %swap3A_98 : vector<1x16xf32> to vector<16xf32>
      %swap3A_100 = vector.shape_cast %broadcast_in_dim3A_3 : vector<16xf32> to vector<1x16xf32>
      tpu.vector_store %arg12[%swap3A_96, %swap3A_97], %swap3A_100 {strides = array<i32>} : memref<128x128xf32, #tpu.memory_space<vmem>>, vector<1x16xf32>,
      %swap3A_101 = arith.index_cast %scan3A_80 : i32 to index
      %swap3A_102 = arith.constant 64 : index
      %swap3A_103 = tpu.vector_load %arg12[%swap3A_101, %swap3A_102] {strides = array<i32>} : memref<128x128xf32, #tpu.memory_space<vmem>>, vector<1x16xf32>,
      %swap3A_104 = vector.shape_cast %swap3A_103 : vector<1x16xf32> to vector<16xf32>
      %swap3A_105 = vector.shape_cast %broadcast_in_dim3A_3 : vector<16xf32> to vector<1x16xf32>
      tpu.vector_store %arg12[%swap3A_101, %swap3A_102], %swap3A_105 {strides = array<i32>} : memref<128x128xf32, #tpu.memory_space<vmem>>, vector<1x16xf32>,
      %swap3A_106 = arith.index_cast %scan3A_80 : i32 to index
      %swap3A_107 = arith.constant 80 : index
      %swap3A_108 = tpu.vector_load %arg12[%swap3A_106, %swap3A_107] {strides = array<i32>} : memref<128x128xf32, #tpu.memory_space<vmem>>, vector<1x16xf32>,
      %swap3A_109 = vector.shape_cast %swap3A_108 : vector<1x16xf32> to vector<16xf32>
      %swap3A_110 = vector.shape_cast %broadcast_in_dim3A_3 : vector<16xf32> to vector<1x16xf32>
      tpu.vector_store %arg12[%swap3A_106, %swap3A_107], %swap3A_110 {strides = array<i32>} : memref<128x128xf32, #tpu.memory_space<vmem>>, vector<1x16xf32>,
      %swap3A_111 = arith.index_cast %scan3A_80 : i32 to index
      %swap3A_112 = arith.constant 96 : index
      %swap3A_113 = tpu.vector_load %arg12[%swap3A_111, %swap3A_112] {strides = array<i32>} : memref<128x128xf32, #tpu.memory_space<vmem>>, vector<1x16xf32>,
      %swap3A_114 = vector.shape_cast %swap3A_113 : vector<1x16xf32> to vector<16xf32>
      %swap3A_115 = vector.shape_cast %broadcast_in_dim3A_3 : vector<16xf32> to vector<1x16xf32>
      tpu.vector_store %arg12[%swap3A_111, %swap3A_112], %swap3A_115 {strides = array<i32>} : memref<128x128xf32, #tpu.memory_space<vmem>>, vector<1x16xf32>,
      %swap3A_116 = arith.index_cast %scan3A_80 : i32 to index
      %swap3A_117 = arith.constant 112 : index
      %swap3A_118 = tpu.vector_load %arg12[%swap3A_116, %swap3A_117] {strides = array<i32>} : memref<128x128xf32, #tpu.memory_space<vmem>>, vector<1x16xf32>,
      %swap3A_119 = vector.shape_cast %swap3A_118 : vector<1x16xf32> to vector<16xf32>
      %swap3A_120 = vector.shape_cast %broadcast_in_dim3A_3 : vector<16xf32> to vector<1x16xf32>
      tpu.vector_store %arg12[%swap3A_116, %swap3A_117], %swap3A_120 {strides = array<i32>} : memref<128x128xf32, #tpu.memory_space<vmem>>, vector<1x16xf32>,
      %scan3A_121 = arith.constant 0 : i32
      scf.yield %scan3A_121 : i32
    }
    %scan3A_9 = arith.constant 128 : i32
    %mul3A_10 = arith.constant 632 : i32
    %mul3A_11 = arith.muli %arg1, %mul3A_10 : i32
    %add3A_12 = arith.constant 0 : i32
    %add3A_13 = arith.addi %mul3A_11, %add3A_12 : i32
    "tpu.region"() ({
      %run_scoped3A = tpu.sem_alloc : memref<!tpu.dma_semaphore, #tpu.memory_space<semaphore_mem>>
      %dma_start3A_80 = arith.constant 0 : i32
      %dma_start3A_81 = tpu.memref_slice %arg15[%add3A_13, %dma_start3A_80] : memref<10112x128xf32, #tpu.memory_space<vmem_shared>> -> memref<128x128xf32, #tpu.memory_space<vmem_shared>>
      %dma_start3A_82 = arith.constant 0 : i32
      %dma_start3A_83 = tpu.memref_slice %arg15[%add3A_13, %dma_start3A_82] : memref<10112x128xf32, #tpu.memory_space<vmem_shared>> -> memref<128x128xf32, #tpu.memory_space<vmem_shared>>
      tpu.enqueue_dma source(%arg12 : memref<128x128xf32, #tpu.memory_space<vmem>>) target(%dma_start3A_83 : memref<128x128xf32, #tpu.memory_space<vmem_shared>>) target_semaphore(%run_scoped3A : memref<!tpu.dma_semaphore, #tpu.memory_space<semaphore_mem>>)
      %dma_wait3A_84 = arith.constant 0 : i32
      %dma_wait3A_85 = tpu.memref_slice %arg15[%add3A_13, %dma_wait3A_84] : memref<10112x128xf32, #tpu.memory_space<vmem_shared>> -> memref<128x128xf32, #tpu.memory_space<vmem_shared>>
      %dma_wait3A_86 = arith.constant 0 : i32
      %dma_wait3A_87 = tpu.memref_slice %arg15[%add3A_13, %dma_wait3A_86] : memref<10112x128xf32, #tpu.memory_space<vmem_shared>> -> memref<128x128xf32, #tpu.memory_space<vmem_shared>>
      tpu.wait_dma2 semaphore(%run_scoped3A : memref<!tpu.dma_semaphore, #tpu.memory_space<semaphore_mem>>) src(%arg12 : memref<128x128xf32, #tpu.memory_space<vmem>>) dst(%dma_wait3A_87 : memref<128x128xf32, #tpu.memory_space<vmem_shared>>)
      tpu.yield
    }) : () -> ()
    %mul3A_14 = arith.constant 632 : i32
    %mul3A_15 = arith.muli %arg1, %mul3A_14 : i32
    %add3A_16 = arith.constant 128 : i32
    %add3A_17 = arith.addi %mul3A_15, %add3A_16 : i32
    "tpu.region"() ({
      %run_scoped3A = tpu.sem_alloc : memref<!tpu.dma_semaphore, #tpu.memory_space<semaphore_mem>>
      %dma_start3A_80 = arith.constant 0 : i32
      %dma_start3A_81 = tpu.memref_slice %arg15[%add3A_17, %dma_start3A_80] : memref<10112x128xf32, #tpu.memory_space<vmem_shared>> -> memref<128x128xf32, #tpu.memory_space<vmem_shared>>
      %dma_start3A_82 = arith.constant 0 : i32
      %dma_start3A_83 = tpu.memref_slice %arg15[%add3A_17, %dma_start3A_82] : memref<10112x128xf32, #tpu.memory_space<vmem_shared>> -> memref<128x128xf32, #tpu.memory_space<vmem_shared>>
      tpu.enqueue_dma source(%arg12 : memref<128x128xf32, #tpu.memory_space<vmem>>) target(%dma_start3A_83 : memref<128x128xf32, #tpu.memory_space<vmem_shared>>) target_semaphore(%run_scoped3A : memref<!tpu.dma_semaphore, #tpu.memory_space<semaphore_mem>>)
      %dma_wait3A_84 = arith.constant 0 : i32
      %dma_wait3A_85 = tpu.memref_slice %arg15[%add3A_17, %dma_wait3A_84] : memref<10112x128xf32, #tpu.memory_space<vmem_shared>> -> memref<128x128xf32, #tpu.memory_space<vmem_shared>>
      %dma_wait3A_86 = arith.constant 0 : i32
      %dma_wait3A_87 = tpu.memref_slice %arg15[%add3A_17, %dma_wait3A_86] : memref<10112x128xf32, #tpu.memory_space<vmem_shared>> -> memref<128x128xf32, #tpu.memory_space<vmem_shared>>
      tpu.wait_dma2 semaphore(%run_scoped3A : memref<!tpu.dma_semaphore, #tpu.memory_space<semaphore_mem>>) src(%arg12 : memref<128x128xf32, #tpu.memory_space<vmem>>) dst(%dma_wait3A_87 : memref<128x128xf32, #tpu.memory_space<vmem_shared>>)
      tpu.yield
    }) : () -> ()
    %mul3A_18 = arith.constant 632 : i32
    %mul3A_19 = arith.muli %arg1, %mul3A_18 : i32
    %add3A_20 = arith.constant 256 : i32
    %add3A_21 = arith.addi %mul3A_19, %add3A_20 : i32
    "tpu.region"() ({
      %run_scoped3A = tpu.sem_alloc : memref<!tpu.dma_semaphore, #tpu.memory_space<semaphore_mem>>
      %dma_start3A_80 = arith.constant 0 : i32
      %dma_start3A_81 = tpu.memref_slice %arg15[%add3A_21, %dma_start3A_80] : memref<10112x128xf32, #tpu.memory_space<vmem_shared>> -> memref<128x128xf32, #tpu.memory_space<vmem_shared>>
      %dma_start3A_82 = arith.constant 0 : i32
      %dma_start3A_83 = tpu.memref_slice %arg15[%add3A_21, %dma_start3A_82] : memref<10112x128xf32, #tpu.memory_space<vmem_shared>> -> memref<128x128xf32, #tpu.memory_space<vmem_shared>>
      tpu.enqueue_dma source(%arg12 : memref<128x128xf32, #tpu.memory_space<vmem>>) target(%dma_start3A_83 : memref<128x128xf32, #tpu.memory_space<vmem_shared>>) target_semaphore(%run_scoped3A : memref<!tpu.dma_semaphore, #tpu.memory_space<semaphore_mem>>)
      %dma_wait3A_84 = arith.constant 0 : i32
      %dma_wait3A_85 = tpu.memref_slice %arg15[%add3A_21, %dma_wait3A_84] : memref<10112x128xf32, #tpu.memory_space<vmem_shared>> -> memref<128x128xf32, #tpu.memory_space<vmem_shared>>
      %dma_wait3A_86 = arith.constant 0 : i32
      %dma_wait3A_87 = tpu.memref_slice %arg15[%add3A_21, %dma_wait3A_86] : memref<10112x128xf32, #tpu.memory_space<vmem_shared>> -> memref<128x128xf32, #tpu.memory_space<vmem_shared>>
      tpu.wait_dma2 semaphore(%run_scoped3A : memref<!tpu.dma_semaphore, #tpu.memory_space<semaphore_mem>>) src(%arg12 : memref<128x128xf32, #tpu.memory_space<vmem>>) dst(%dma_wait3A_87 : memref<128x128xf32, #tpu.memory_space<vmem_shared>>)
      tpu.yield
    }) : () -> ()
    %mul3A_22 = arith.constant 632 : i32
    %mul3A_23 = arith.muli %arg1, %mul3A_22 : i32
    %add3A_24 = arith.constant 384 : i32
    %add3A_25 = arith.addi %mul3A_23, %add3A_24 : i32
    "tpu.region"() ({
      %run_scoped3A = tpu.sem_alloc : memref<!tpu.dma_semaphore, #tpu.memory_space<semaphore_mem>>
      %dma_start3A_80 = arith.constant 0 : i32
      %dma_start3A_81 = tpu.memref_slice %arg15[%add3A_25, %dma_start3A_80] : memref<10112x128xf32, #tpu.memory_space<vmem_shared>> -> memref<128x128xf32, #tpu.memory_space<vmem_shared>>
      %dma_start3A_82 = arith.constant 0 : i32
      %dma_start3A_83 = tpu.memref_slice %arg15[%add3A_25, %dma_start3A_82] : memref<10112x128xf32, #tpu.memory_space<vmem_shared>> -> memref<128x128xf32, #tpu.memory_space<vmem_shared>>
      tpu.enqueue_dma source(%arg12 : memref<128x128xf32, #tpu.memory_space<vmem>>) target(%dma_start3A_83 : memref<128x128xf32, #tpu.memory_space<vmem_shared>>) target_semaphore(%run_scoped3A : memref<!tpu.dma_semaphore, #tpu.memory_space<semaphore_mem>>)
      %dma_wait3A_84 = arith.constant 0 : i32
      %dma_wait3A_85 = tpu.memref_slice %arg15[%add3A_25, %dma_wait3A_84] : memref<10112x128xf32, #tpu.memory_space<vmem_shared>> -> memref<128x128xf32, #tpu.memory_space<vmem_shared>>
      %dma_wait3A_86 = arith.constant 0 : i32
      %dma_wait3A_87 = tpu.memref_slice %arg15[%add3A_25, %dma_wait3A_86] : memref<10112x128xf32, #tpu.memory_space<vmem_shared>> -> memref<128x128xf32, #tpu.memory_space<vmem_shared>>
      tpu.wait_dma2 semaphore(%run_scoped3A : memref<!tpu.dma_semaphore, #tpu.memory_space<semaphore_mem>>) src(%arg12 : memref<128x128xf32, #tpu.memory_space<vmem>>) dst(%dma_wait3A_87 : memref<128x128xf32, #tpu.memory_space<vmem_shared>>)
      tpu.yield
    }) : () -> ()
    %mul3A_26 = arith.constant 632 : i32
    %mul3A_27 = arith.muli %arg1, %mul3A_26 : i32
    %add3A_28 = arith.constant 512 : i32
    %add3A_29 = arith.addi %mul3A_27, %add3A_28 : i32
    "tpu.region"() ({
      %run_scoped3A = tpu.sem_alloc : memref<!tpu.dma_semaphore, #tpu.memory_space<semaphore_mem>>
      %dma_start3A_80 = arith.constant 0 : i32
      %dma_start3A_81 = arith.constant 0 : i32
      %dma_start3A_82 = tpu.memref_slice %arg12[%dma_start3A_80, %dma_start3A_81] : memref<128x128xf32, #tpu.memory_space<vmem>> -> memref<120x128xf32, #tpu.memory_space<vmem>>
      %dma_start3A_83 = arith.constant 0 : i32
      %dma_start3A_84 = tpu.memref_slice %arg15[%add3A_29, %dma_start3A_83] : memref<10112x128xf32, #tpu.memory_space<vmem_shared>> -> memref<120x128xf32, #tpu.memory_space<vmem_shared>>
      %dma_start3A_85 = arith.constant 0 : i32
      %dma_start3A_86 = tpu.memref_slice %arg15[%add3A_29, %dma_start3A_85] : memref<10112x128xf32, #tpu.memory_space<vmem_shared>> -> memref<120x128xf32, #tpu.memory_space<vmem_shared>>
      %dma_start3A_87 = arith.constant 0 : i32
      %dma_start3A_88 = arith.constant 0 : i32
      %dma_start3A_89 = tpu.memref_slice %arg12[%dma_start3A_87, %dma_start3A_88] : memref<128x128xf32, #tpu.memory_space<vmem>> -> memref<120x128xf32, #tpu.memory_space<vmem>>
      tpu.enqueue_dma source(%dma_start3A_89 : memref<120x128xf32, #tpu.memory_space<vmem>>) target(%dma_start3A_86 : memref<120x128xf32, #tpu.memory_space<vmem_shared>>) target_semaphore(%run_scoped3A : memref<!tpu.dma_semaphore, #tpu.memory_space<semaphore_mem>>)
      %dma_wait3A_90 = arith.constant 0 : i32
      %dma_wait3A_91 = arith.constant 0 : i32
      %dma_wait3A_92 = tpu.memref_slice %arg12[%dma_wait3A_90, %dma_wait3A_91] : memref<128x128xf32, #tpu.memory_space<vmem>> -> memref<120x128xf32, #tpu.memory_space<vmem>>
      %dma_wait3A_93 = arith.constant 0 : i32
      %dma_wait3A_94 = tpu.memref_slice %arg15[%add3A_29, %dma_wait3A_93] : memref<10112x128xf32, #tpu.memory_space<vmem_shared>> -> memref<120x128xf32, #tpu.memory_space<vmem_shared>>
      %dma_wait3A_95 = arith.constant 0 : i32
      %dma_wait3A_96 = tpu.memref_slice %arg15[%add3A_29, %dma_wait3A_95] : memref<10112x128xf32, #tpu.memory_space<vmem_shared>> -> memref<120x128xf32, #tpu.memory_space<vmem_shared>>
      %dma_wait3A_97 = arith.constant 0 : i32
      %dma_wait3A_98 = arith.constant 0 : i32
      %dma_wait3A_99 = tpu.memref_slice %arg12[%dma_wait3A_97, %dma_wait3A_98] : memref<128x128xf32, #tpu.memory_space<vmem>> -> memref<120x128xf32, #tpu.memory_space<vmem>>
      tpu.wait_dma2 semaphore(%run_scoped3A : memref<!tpu.dma_semaphore, #tpu.memory_space<semaphore_mem>>) src(%dma_wait3A_99 : memref<120x128xf32, #tpu.memory_space<vmem>>) dst(%dma_wait3A_96 : memref<120x128xf32, #tpu.memory_space<vmem_shared>>)
      tpu.yield
    }) : () -> ()
    %barrier3A = arith.constant 0 : index
    tpu.barrier barrier_id(%barrier3A)
    %add3A_30 = arith.constant 0 : i32
    %add3A_31 = arith.addi %mul3A_2, %add3A_30 : i32
    "tpu.region"() ({
      %run_scoped3A = tpu.sem_alloc : memref<!tpu.dma_semaphore, #tpu.memory_space<semaphore_mem>>
      %dma_start3A_80 = tpu.memref_slice %arg3[%add3A_31] : memref<656384xi32, #tpu.memory_space<hbm>> -> memref<128xi32, #tpu.memory_space<hbm>>
      %dma_start3A_81 = tpu.memref_slice %arg3[%add3A_31] : memref<656384xi32, #tpu.memory_space<hbm>> -> memref<128xi32, #tpu.memory_space<hbm>>
      tpu.enqueue_dma source(%dma_start3A_81 : memref<128xi32, #tpu.memory_space<hbm>>) target(%arg6 : memref<128xi32, #tpu.memory_space<vmem>>) target_semaphore(%run_scoped3A : memref<!tpu.dma_semaphore, #tpu.memory_space<semaphore_mem>>)
      %dma_wait3A_82 = tpu.memref_slice %arg3[%add3A_31] : memref<656384xi32, #tpu.memory_space<hbm>> -> memref<128xi32, #tpu.memory_space<hbm>>
      %dma_wait3A_83 = tpu.memref_slice %arg3[%add3A_31] : memref<656384xi32, #tpu.memory_space<hbm>> -> memref<128xi32, #tpu.memory_space<hbm>>
      tpu.wait_dma2 semaphore(%run_scoped3A : memref<!tpu.dma_semaphore, #tpu.memory_space<semaphore_mem>>) src(%dma_wait3A_83 : memref<128xi32, #tpu.memory_space<hbm>>) dst(%arg6 : memref<128xi32, #tpu.memory_space<vmem>>)
      tpu.yield
    }) : () -> ()
    "tpu.region"() ({
      %run_scoped3A = tpu.sem_alloc : memref<!tpu.dma_semaphore, #tpu.memory_space<semaphore_mem>>
      %dma_start3A_80 = tpu.memref_slice %arg4[%add3A_31] : memref<656384xi32, #tpu.memory_space<hbm>> -> memref<128xi32, #tpu.memory_space<hbm>>
      %dma_start3A_81 = tpu.memref_slice %arg4[%add3A_31] : memref<656384xi32, #tpu.memory_space<hbm>> -> memref<128xi32, #tpu.memory_space<hbm>>
      tpu.enqueue_dma source(%dma_start3A_81 : memref<128xi32, #tpu.memory_space<hbm>>) target(%arg7 : memref<128xi32, #tpu.memory_space<vmem>>) target_semaphore(%run_scoped3A : memref<!tpu.dma_semaphore, #tpu.memory_space<semaphore_mem>>)
      %dma_wait3A_82 = tpu.memref_slice %arg4[%add3A_31] : memref<656384xi32, #tpu.memory_space<hbm>> -> memref<128xi32, #tpu.memory_space<hbm>>
      %dma_wait3A_83 = tpu.memref_slice %arg4[%add3A_31] : memref<656384xi32, #tpu.memory_space<hbm>> -> memref<128xi32, #tpu.memory_space<hbm>>
      tpu.wait_dma2 semaphore(%run_scoped3A : memref<!tpu.dma_semaphore, #tpu.memory_space<semaphore_mem>>) src(%dma_wait3A_83 : memref<128xi32, #tpu.memory_space<hbm>>) dst(%arg7 : memref<128xi32, #tpu.memory_space<vmem>>)
      tpu.yield
    }) : () -> ()
    %dma_start3A = arith.constant 0 : i32
    %dma_start3A_32 = arith.constant 0 : i32
    %dma_start3A_33 = tpu.memref_slice %arg2[%dma_start3A, %dma_start3A_32] : memref<10000x128xf32, #tpu.memory_space<hbm>> -> memref<10000x128xf32, #tpu.memory_space<hbm>>
    tpu.enqueue_indirect_dma source(%dma_start3A_33 : memref<10000x128xf32, #tpu.memory_space<hbm>>) target(%arg12 : memref<128x128xf32, #tpu.memory_space<vmem>>) offsets(%arg6 : memref<128xi32, #tpu.memory_space<vmem>>) semaphore(%arg16 : memref<!tpu.dma_semaphore, #tpu.memory_space<semaphore_mem>>)
    %add3A_34 = arith.constant 128 : i32
    %add3A_35 = arith.addi %mul3A_2, %add3A_34 : i32
    "tpu.region"() ({
      %run_scoped3A = tpu.sem_alloc : memref<!tpu.dma_semaphore, #tpu.memory_space<semaphore_mem>>
      %dma_start3A_80 = tpu.memref_slice %arg3[%add3A_35] : memref<656384xi32, #tpu.memory_space<hbm>> -> memref<128xi32, #tpu.memory_space<hbm>>
      %dma_start3A_81 = tpu.memref_slice %arg3[%add3A_35] : memref<656384xi32, #tpu.memory_space<hbm>> -> memref<128xi32, #tpu.memory_space<hbm>>
      tpu.enqueue_dma source(%dma_start3A_81 : memref<128xi32, #tpu.memory_space<hbm>>) target(%arg8 : memref<128xi32, #tpu.memory_space<vmem>>) target_semaphore(%run_scoped3A : memref<!tpu.dma_semaphore, #tpu.memory_space<semaphore_mem>>)
      %dma_wait3A_82 = tpu.memref_slice %arg3[%add3A_35] : memref<656384xi32, #tpu.memory_space<hbm>> -> memref<128xi32, #tpu.memory_space<hbm>>
      %dma_wait3A_83 = tpu.memref_slice %arg3[%add3A_35] : memref<656384xi32, #tpu.memory_space<hbm>> -> memref<128xi32, #tpu.memory_space<hbm>>
      tpu.wait_dma2 semaphore(%run_scoped3A : memref<!tpu.dma_semaphore, #tpu.memory_space<semaphore_mem>>) src(%dma_wait3A_83 : memref<128xi32, #tpu.memory_space<hbm>>) dst(%arg8 : memref<128xi32, #tpu.memory_space<vmem>>)
      tpu.yield
    }) : () -> ()
    "tpu.region"() ({
      %run_scoped3A = tpu.sem_alloc : memref<!tpu.dma_semaphore, #tpu.memory_space<semaphore_mem>>
      %dma_start3A_80 = tpu.memref_slice %arg4[%add3A_35] : memref<656384xi32, #tpu.memory_space<hbm>> -> memref<128xi32, #tpu.memory_space<hbm>>
      %dma_start3A_81 = tpu.memref_slice %arg4[%add3A_35] : memref<656384xi32, #tpu.memory_space<hbm>> -> memref<128xi32, #tpu.memory_space<hbm>>
      tpu.enqueue_dma source(%dma_start3A_81 : memref<128xi32, #tpu.memory_space<hbm>>) target(%arg9 : memref<128xi32, #tpu.memory_space<vmem>>) target_semaphore(%run_scoped3A : memref<!tpu.dma_semaphore, #tpu.memory_space<semaphore_mem>>)
      %dma_wait3A_82 = tpu.memref_slice %arg4[%add3A_35] : memref<656384xi32, #tpu.memory_space<hbm>> -> memref<128xi32, #tpu.memory_space<hbm>>
      %dma_wait3A_83 = tpu.memref_slice %arg4[%add3A_35] : memref<656384xi32, #tpu.memory_space<hbm>> -> memref<128xi32, #tpu.memory_space<hbm>>
      tpu.wait_dma2 semaphore(%run_scoped3A : memref<!tpu.dma_semaphore, #tpu.memory_space<semaphore_mem>>) src(%dma_wait3A_83 : memref<128xi32, #tpu.memory_space<hbm>>) dst(%arg9 : memref<128xi32, #tpu.memory_space<vmem>>)
      tpu.yield
    }) : () -> ()
    %dma_start3A_36 = arith.constant 0 : i32
    %dma_start3A_37 = arith.constant 0 : i32
    %dma_start3A_38 = tpu.memref_slice %arg2[%dma_start3A_36, %dma_start3A_37] : memref<10000x128xf32, #tpu.memory_space<hbm>> -> memref<10000x128xf32, #tpu.memory_space<hbm>>
    tpu.enqueue_indirect_dma source(%dma_start3A_38 : memref<10000x128xf32, #tpu.memory_space<hbm>>) target(%arg13 : memref<128x128xf32, #tpu.memory_space<vmem>>) offsets(%arg8 : memref<128xi32, #tpu.memory_space<vmem>>) semaphore(%arg17 : memref<!tpu.dma_semaphore, #tpu.memory_space<semaphore_mem>>)
    %add3A_39 = arith.constant 256 : i32
    %add3A_40 = arith.addi %mul3A_2, %add3A_39 : i32
    "tpu.region"() ({
      %run_scoped3A = tpu.sem_alloc : memref<!tpu.dma_semaphore, #tpu.memory_space<semaphore_mem>>
      %dma_start3A_80 = tpu.memref_slice %arg3[%add3A_40] : memref<656384xi32, #tpu.memory_space<hbm>> -> memref<128xi32, #tpu.memory_space<hbm>>
      %dma_start3A_81 = tpu.memref_slice %arg3[%add3A_40] : memref<656384xi32, #tpu.memory_space<hbm>> -> memref<128xi32, #tpu.memory_space<hbm>>
      tpu.enqueue_dma source(%dma_start3A_81 : memref<128xi32, #tpu.memory_space<hbm>>) target(%arg10 : memref<128xi32, #tpu.memory_space<vmem>>) target_semaphore(%run_scoped3A : memref<!tpu.dma_semaphore, #tpu.memory_space<semaphore_mem>>)
      %dma_wait3A_82 = tpu.memref_slice %arg3[%add3A_40] : memref<656384xi32, #tpu.memory_space<hbm>> -> memref<128xi32, #tpu.memory_space<hbm>>
      %dma_wait3A_83 = tpu.memref_slice %arg3[%add3A_40] : memref<656384xi32, #tpu.memory_space<hbm>> -> memref<128xi32, #tpu.memory_space<hbm>>
      tpu.wait_dma2 semaphore(%run_scoped3A : memref<!tpu.dma_semaphore, #tpu.memory_space<semaphore_mem>>) src(%dma_wait3A_83 : memref<128xi32, #tpu.memory_space<hbm>>) dst(%arg10 : memref<128xi32, #tpu.memory_space<vmem>>)
      tpu.yield
    }) : () -> ()
    "tpu.region"() ({
      %run_scoped3A = tpu.sem_alloc : memref<!tpu.dma_semaphore, #tpu.memory_space<semaphore_mem>>
      %dma_start3A_80 = tpu.memref_slice %arg4[%add3A_40] : memref<656384xi32, #tpu.memory_space<hbm>> -> memref<128xi32, #tpu.memory_space<hbm>>
      %dma_start3A_81 = tpu.memref_slice %arg4[%add3A_40] : memref<656384xi32, #tpu.memory_space<hbm>> -> memref<128xi32, #tpu.memory_space<hbm>>
      tpu.enqueue_dma source(%dma_start3A_81 : memref<128xi32, #tpu.memory_space<hbm>>) target(%arg11 : memref<128xi32, #tpu.memory_space<vmem>>) target_semaphore(%run_scoped3A : memref<!tpu.dma_semaphore, #tpu.memory_space<semaphore_mem>>)
      %dma_wait3A_82 = tpu.memref_slice %arg4[%add3A_40] : memref<656384xi32, #tpu.memory_space<hbm>> -> memref<128xi32, #tpu.memory_space<hbm>>
      %dma_wait3A_83 = tpu.memref_slice %arg4[%add3A_40] : memref<656384xi32, #tpu.memory_space<hbm>> -> memref<128xi32, #tpu.memory_space<hbm>>
      tpu.wait_dma2 semaphore(%run_scoped3A : memref<!tpu.dma_semaphore, #tpu.memory_space<semaphore_mem>>) src(%dma_wait3A_83 : memref<128xi32, #tpu.memory_space<hbm>>) dst(%arg11 : memref<128xi32, #tpu.memory_space<vmem>>)
      tpu.yield
    }) : () -> ()
    %dma_start3A_41 = arith.constant 0 : i32
    %dma_start3A_42 = arith.constant 0 : i32
    %dma_start3A_43 = tpu.memref_slice %arg2[%dma_start3A_41, %dma_start3A_42] : memref<10000x128xf32, #tpu.memory_space<hbm>> -> memref<10000x128xf32, #tpu.memory_space<hbm>>
    tpu.enqueue_indirect_dma source(%dma_start3A_43 : memref<10000x128xf32, #tpu.memory_space<hbm>>) target(%arg14 : memref<128x128xf32, #tpu.memory_space<vmem>>) offsets(%arg10 : memref<128xi32, #tpu.memory_space<vmem>>) semaphore(%arg18 : memref<!tpu.dma_semaphore, #tpu.memory_space<semaphore_mem>>)
    %scan3A_44 = arith.constant 0 : i32
    %scan3A_45 = arith.constant 0 : i32
    %scan3A_46 = arith.constant 53 : i32
    %scan3A_47 = arith.addi %scan3A_45, %scan3A_46 : i32
    %scan3A_48 = arith.constant 1 : i32
    %scan3A_49 = scf.for %scan3A_80 = %scan3A_45 to %scan3A_47 step %scan3A_48 iter_args(%scan3A_81 = %scan3A_44) -> (i32)  : i32 {
      %mul3A_82 = arith.constant 3 : i32
      %mul3A_83 = arith.muli %scan3A_80, %mul3A_82 : i32
      %add3A_84 = arith.constant 0 : i32
      %add3A_85 = arith.addi %mul3A_83, %add3A_84 : i32
      %dma_wait3A_86 = arith.constant 0 : i32
      %dma_wait3A_87 = arith.constant 0 : i32
      %dma_wait3A_88 = tpu.memref_slice %arg2[%dma_wait3A_86, %dma_wait3A_87] : memref<10000x128xf32, #tpu.memory_space<hbm>> -> memref<10000x128xf32, #tpu.memory_space<hbm>>
      tpu.wait_indirect_dma semaphore(%arg16 : memref<!tpu.dma_semaphore, #tpu.memory_space<semaphore_mem>>) src(%dma_wait3A_88 : memref<10000x128xf32, #tpu.memory_space<hbm>>) dst(%arg12 : memref<128x128xf32, #tpu.memory_space<vmem>>)
      "tpu.region"() ({
        %run_scoped3A = tpu.sem_alloc : memref<!tpu.dma_semaphore, #tpu.memory_space<semaphore_mem>>
        %dma_start3A_124 = arith.constant 0 : i32
        %dma_start3A_125 = arith.constant 0 : i32
        %dma_start3A_126 = tpu.memref_slice %arg15[%dma_start3A_124, %dma_start3A_125] : memref<10112x128xf32, #tpu.memory_space<vmem_shared>> -> memref<10112x128xf32, #tpu.memory_space<vmem_shared>>
        tpu.enqueue_indirect_dma source(%arg12 : memref<128x128xf32, #tpu.memory_space<vmem>>) target(%dma_start3A_126 : memref<10112x128xf32, #tpu.memory_space<vmem_shared>>) offsets(%arg7 : memref<128xi32, #tpu.memory_space<vmem>>) semaphore(%run_scoped3A : memref<!tpu.dma_semaphore, #tpu.memory_space<semaphore_mem>>) {add = true}
        %dma_wait3A_127 = arith.constant 0 : i32
        %dma_wait3A_128 = arith.constant 0 : i32
        %dma_wait3A_129 = tpu.memref_slice %arg15[%dma_wait3A_127, %dma_wait3A_128] : memref<10112x128xf32, #tpu.memory_space<vmem_shared>> -> memref<10112x128xf32, #tpu.memory_space<vmem_shared>>
        tpu.wait_indirect_dma semaphore(%run_scoped3A : memref<!tpu.dma_semaphore, #tpu.memory_space<semaphore_mem>>) src(%arg12 : memref<128x128xf32, #tpu.memory_space<vmem>>) dst(%dma_wait3A_129 : memref<10112x128xf32, #tpu.memory_space<vmem_shared>>)
        tpu.yield
      }) : () -> ()
      %add3A_89 = arith.constant 3 : i32
      %add3A_90 = arith.addi %add3A_85, %add3A_89 : i32
      %mul3A_91 = arith.constant 128 : i32
      %mul3A_92 = arith.muli %add3A_90, %mul3A_91 : i32
      %add3A_93 = arith.addi %mul3A_2, %mul3A_92 : i32
      "tpu.region"() ({
        %run_scoped3A = tpu.sem_alloc : memref<!tpu.dma_semaphore, #tpu.memory_space<semaphore_mem>>
        %dma_start3A_124 = tpu.memref_slice %arg3[%add3A_93] : memref<656384xi32, #tpu.memory_space<hbm>> -> memref<128xi32, #tpu.memory_space<hbm>>
        %dma_start3A_125 = tpu.memref_slice %arg3[%add3A_93] : memref<656384xi32, #tpu.memory_space<hbm>> -> memref<128xi32, #tpu.memory_space<hbm>>
        tpu.enqueue_dma source(%dma_start3A_125 : memref<128xi32, #tpu.memory_space<hbm>>) target(%arg6 : memref<128xi32, #tpu.memory_space<vmem>>) target_semaphore(%run_scoped3A : memref<!tpu.dma_semaphore, #tpu.memory_space<semaphore_mem>>)
        %dma_wait3A_126 = tpu.memref_slice %arg3[%add3A_93] : memref<656384xi32, #tpu.memory_space<hbm>> -> memref<128xi32, #tpu.memory_space<hbm>>
        %dma_wait3A_127 = tpu.memref_slice %arg3[%add3A_93] : memref<656384xi32, #tpu.memory_space<hbm>> -> memref<128xi32, #tpu.memory_space<hbm>>
        tpu.wait_dma2 semaphore(%run_scoped3A : memref<!tpu.dma_semaphore, #tpu.memory_space<semaphore_mem>>) src(%dma_wait3A_127 : memref<128xi32, #tpu.memory_space<hbm>>) dst(%arg6 : memref<128xi32, #tpu.memory_space<vmem>>)
        tpu.yield
      }) : () -> ()
      "tpu.region"() ({
        %run_scoped3A = tpu.sem_alloc : memref<!tpu.dma_semaphore, #tpu.memory_space<semaphore_mem>>
        %dma_start3A_124 = tpu.memref_slice %arg4[%add3A_93] : memref<656384xi32, #tpu.memory_space<hbm>> -> memref<128xi32, #tpu.memory_space<hbm>>
        %dma_start3A_125 = tpu.memref_slice %arg4[%add3A_93] : memref<656384xi32, #tpu.memory_space<hbm>> -> memref<128xi32, #tpu.memory_space<hbm>>
        tpu.enqueue_dma source(%dma_start3A_125 : memref<128xi32, #tpu.memory_space<hbm>>) target(%arg7 : memref<128xi32, #tpu.memory_space<vmem>>) target_semaphore(%run_scoped3A : memref<!tpu.dma_semaphore, #tpu.memory_space<semaphore_mem>>)
        %dma_wait3A_126 = tpu.memref_slice %arg4[%add3A_93] : memref<656384xi32, #tpu.memory_space<hbm>> -> memref<128xi32, #tpu.memory_space<hbm>>
        %dma_wait3A_127 = tpu.memref_slice %arg4[%add3A_93] : memref<656384xi32, #tpu.memory_space<hbm>> -> memref<128xi32, #tpu.memory_space<hbm>>
        tpu.wait_dma2 semaphore(%run_scoped3A : memref<!tpu.dma_semaphore, #tpu.memory_space<semaphore_mem>>) src(%dma_wait3A_127 : memref<128xi32, #tpu.memory_space<hbm>>) dst(%arg7 : memref<128xi32, #tpu.memory_space<vmem>>)
        tpu.yield
      }) : () -> ()
      %dma_start3A_94 = arith.constant 0 : i32
      %dma_start3A_95 = arith.constant 0 : i32
      %dma_start3A_96 = tpu.memref_slice %arg2[%dma_start3A_94, %dma_start3A_95] : memref<10000x128xf32, #tpu.memory_space<hbm>> -> memref<10000x128xf32, #tpu.memory_space<hbm>>
      tpu.enqueue_indirect_dma source(%dma_start3A_96 : memref<10000x128xf32, #tpu.memory_space<hbm>>) target(%arg12 : memref<128x128xf32, #tpu.memory_space<vmem>>) offsets(%arg6 : memref<128xi32, #tpu.memory_space<vmem>>) semaphore(%arg16 : memref<!tpu.dma_semaphore, #tpu.memory_space<semaphore_mem>>)
      %add3A_97 = arith.constant 1 : i32
      %add3A_98 = arith.addi %mul3A_83, %add3A_97 : i32
      %dma_wait3A_99 = arith.constant 0 : i32
      %dma_wait3A_100 = arith.constant 0 : i32
      %dma_wait3A_101 = tpu.memref_slice %arg2[%dma_wait3A_99, %dma_wait3A_100] : memref<10000x128xf32, #tpu.memory_space<hbm>> -> memref<10000x128xf32, #tpu.memory_space<hbm>>
      tpu.wait_indirect_dma semaphore(%arg17 : memref<!tpu.dma_semaphore, #tpu.memory_space<semaphore_mem>>) src(%dma_wait3A_101 : memref<10000x128xf32, #tpu.memory_space<hbm>>) dst(%arg13 : memref<128x128xf32, #tpu.memory_space<vmem>>)
      "tpu.region"() ({
        %run_scoped3A = tpu.sem_alloc : memref<!tpu.dma_semaphore, #tpu.memory_space<semaphore_mem>>
        %dma_start3A_124 = arith.constant 0 : i32
        %dma_start3A_125 = arith.constant 0 : i32
        %dma_start3A_126 = tpu.memref_slice %arg15[%dma_start3A_124, %dma_start3A_125] : memref<10112x128xf32, #tpu.memory_space<vmem_shared>> -> memref<10112x128xf32, #tpu.memory_space<vmem_shared>>
        tpu.enqueue_indirect_dma source(%arg13 : memref<128x128xf32, #tpu.memory_space<vmem>>) target(%dma_start3A_126 : memref<10112x128xf32, #tpu.memory_space<vmem_shared>>) offsets(%arg9 : memref<128xi32, #tpu.memory_space<vmem>>) semaphore(%run_scoped3A : memref<!tpu.dma_semaphore, #tpu.memory_space<semaphore_mem>>) {add = true}
        %dma_wait3A_127 = arith.constant 0 : i32
        %dma_wait3A_128 = arith.constant 0 : i32
        %dma_wait3A_129 = tpu.memref_slice %arg15[%dma_wait3A_127, %dma_wait3A_128] : memref<10112x128xf32, #tpu.memory_space<vmem_shared>> -> memref<10112x128xf32, #tpu.memory_space<vmem_shared>>
        tpu.wait_indirect_dma semaphore(%run_scoped3A : memref<!tpu.dma_semaphore, #tpu.memory_space<semaphore_mem>>) src(%arg13 : memref<128x128xf32, #tpu.memory_space<vmem>>) dst(%dma_wait3A_129 : memref<10112x128xf32, #tpu.memory_space<vmem_shared>>)
        tpu.yield
      }) : () -> ()
      %add3A_102 = arith.constant 3 : i32
      %add3A_103 = arith.addi %add3A_98, %add3A_102 : i32
      %mul3A_104 = arith.constant 128 : i32
      %mul3A_105 = arith.muli %add3A_103, %mul3A_104 : i32
      %add3A_106 = arith.addi %mul3A_2, %mul3A_105 : i32
      "tpu.region"() ({
        %run_scoped3A = tpu.sem_alloc : memref<!tpu.dma_semaphore, #tpu.memory_space<semaphore_mem>>
        %dma_start3A_124 = tpu.memref_slice %arg3[%add3A_106] : memref<656384xi32, #tpu.memory_space<hbm>> -> memref<128xi32, #tpu.memory_space<hbm>>
        %dma_start3A_125 = tpu.memref_slice %arg3[%add3A_106] : memref<656384xi32, #tpu.memory_space<hbm>> -> memref<128xi32, #tpu.memory_space<hbm>>
        tpu.enqueue_dma source(%dma_start3A_125 : memref<128xi32, #tpu.memory_space<hbm>>) target(%arg8 : memref<128xi32, #tpu.memory_space<vmem>>) target_semaphore(%run_scoped3A : memref<!tpu.dma_semaphore, #tpu.memory_space<semaphore_mem>>)
        %dma_wait3A_126 = tpu.memref_slice %arg3[%add3A_106] : memref<656384xi32, #tpu.memory_space<hbm>> -> memref<128xi32, #tpu.memory_space<hbm>>
        %dma_wait3A_127 = tpu.memref_slice %arg3[%add3A_106] : memref<656384xi32, #tpu.memory_space<hbm>> -> memref<128xi32, #tpu.memory_space<hbm>>
        tpu.wait_dma2 semaphore(%run_scoped3A : memref<!tpu.dma_semaphore, #tpu.memory_space<semaphore_mem>>) src(%dma_wait3A_127 : memref<128xi32, #tpu.memory_space<hbm>>) dst(%arg8 : memref<128xi32, #tpu.memory_space<vmem>>)
        tpu.yield
      }) : () -> ()
      "tpu.region"() ({
        %run_scoped3A = tpu.sem_alloc : memref<!tpu.dma_semaphore, #tpu.memory_space<semaphore_mem>>
        %dma_start3A_124 = tpu.memref_slice %arg4[%add3A_106] : memref<656384xi32, #tpu.memory_space<hbm>> -> memref<128xi32, #tpu.memory_space<hbm>>
        %dma_start3A_125 = tpu.memref_slice %arg4[%add3A_106] : memref<656384xi32, #tpu.memory_space<hbm>> -> memref<128xi32, #tpu.memory_space<hbm>>
        tpu.enqueue_dma source(%dma_start3A_125 : memref<128xi32, #tpu.memory_space<hbm>>) target(%arg9 : memref<128xi32, #tpu.memory_space<vmem>>) target_semaphore(%run_scoped3A : memref<!tpu.dma_semaphore, #tpu.memory_space<semaphore_mem>>)
        %dma_wait3A_126 = tpu.memref_slice %arg4[%add3A_106] : memref<656384xi32, #tpu.memory_space<hbm>> -> memref<128xi32, #tpu.memory_space<hbm>>
        %dma_wait3A_127 = tpu.memref_slice %arg4[%add3A_106] : memref<656384xi32, #tpu.memory_space<hbm>> -> memref<128xi32, #tpu.memory_space<hbm>>
        tpu.wait_dma2 semaphore(%run_scoped3A : memref<!tpu.dma_semaphore, #tpu.memory_space<semaphore_mem>>) src(%dma_wait3A_127 : memref<128xi32, #tpu.memory_space<hbm>>) dst(%arg9 : memref<128xi32, #tpu.memory_space<vmem>>)
        tpu.yield
      }) : () -> ()
      %dma_start3A_107 = arith.constant 0 : i32
      %dma_start3A_108 = arith.constant 0 : i32
      %dma_start3A_109 = tpu.memref_slice %arg2[%dma_start3A_107, %dma_start3A_108] : memref<10000x128xf32, #tpu.memory_space<hbm>> -> memref<10000x128xf32, #tpu.memory_space<hbm>>
      tpu.enqueue_indirect_dma source(%dma_start3A_109 : memref<10000x128xf32, #tpu.memory_space<hbm>>) target(%arg13 : memref<128x128xf32, #tpu.memory_space<vmem>>) offsets(%arg8 : memref<128xi32, #tpu.memory_space<vmem>>) semaphore(%arg17 : memref<!tpu.dma_semaphore, #tpu.memory_space<semaphore_mem>>)
      %add3A_110 = arith.constant 2 : i32
      %add3A_111 = arith.addi %mul3A_83, %add3A_110 : i32
      %dma_wait3A_112 = arith.constant 0 : i32
      %dma_wait3A_113 = arith.constant 0 : i32
      %dma_wait3A_114 = tpu.memref_slice %arg2[%dma_wait3A_112, %dma_wait3A_113] : memref<10000x128xf32, #tpu.memory_space<hbm>> -> memref<10000x128xf32, #tpu.memory_space<hbm>>
      tpu.wait_indirect_dma semaphore(%arg18 : memref<!tpu.dma_semaphore, #tpu.memory_space<semaphore_mem>>) src(%dma_wait3A_114 : memref<10000x128xf32, #tpu.memory_space<hbm>>) dst(%arg14 : memref<128x128xf32, #tpu.memory_space<vmem>>)
      "tpu.region"() ({
        %run_scoped3A = tpu.sem_alloc : memref<!tpu.dma_semaphore, #tpu.memory_space<semaphore_mem>>
        %dma_start3A_124 = arith.constant 0 : i32
        %dma_start3A_125 = arith.constant 0 : i32
        %dma_start3A_126 = tpu.memref_slice %arg15[%dma_start3A_124, %dma_start3A_125] : memref<10112x128xf32, #tpu.memory_space<vmem_shared>> -> memref<10112x128xf32, #tpu.memory_space<vmem_shared>>
        tpu.enqueue_indirect_dma source(%arg14 : memref<128x128xf32, #tpu.memory_space<vmem>>) target(%dma_start3A_126 : memref<10112x128xf32, #tpu.memory_space<vmem_shared>>) offsets(%arg11 : memref<128xi32, #tpu.memory_space<vmem>>) semaphore(%run_scoped3A : memref<!tpu.dma_semaphore, #tpu.memory_space<semaphore_mem>>) {add = true}
        %dma_wait3A_127 = arith.constant 0 : i32
        %dma_wait3A_128 = arith.constant 0 : i32
        %dma_wait3A_129 = tpu.memref_slice %arg15[%dma_wait3A_127, %dma_wait3A_128] : memref<10112x128xf32, #tpu.memory_space<vmem_shared>> -> memref<10112x128xf32, #tpu.memory_space<vmem_shared>>
        tpu.wait_indirect_dma semaphore(%run_scoped3A : memref<!tpu.dma_semaphore, #tpu.memory_space<semaphore_mem>>) src(%arg14 : memref<128x128xf32, #tpu.memory_space<vmem>>) dst(%dma_wait3A_129 : memref<10112x128xf32, #tpu.memory_space<vmem_shared>>)
        tpu.yield
      }) : () -> ()
      %add3A_115 = arith.constant 3 : i32
      %add3A_116 = arith.addi %add3A_111, %add3A_115 : i32
      %mul3A_117 = arith.constant 128 : i32
      %mul3A_118 = arith.muli %add3A_116, %mul3A_117 : i32
      %add3A_119 = arith.addi %mul3A_2, %mul3A_118 : i32
      "tpu.region"() ({
        %run_scoped3A = tpu.sem_alloc : memref<!tpu.dma_semaphore, #tpu.memory_space<semaphore_mem>>
        %dma_start3A_124 = tpu.memref_slice %arg3[%add3A_119] : memref<656384xi32, #tpu.memory_space<hbm>> -> memref<128xi32, #tpu.memory_space<hbm>>
        %dma_start3A_125 = tpu.memref_slice %arg3[%add3A_119] : memref<656384xi32, #tpu.memory_space<hbm>> -> memref<128xi32, #tpu.memory_space<hbm>>
        tpu.enqueue_dma source(%dma_start3A_125 : memref<128xi32, #tpu.memory_space<hbm>>) target(%arg10 : memref<128xi32, #tpu.memory_space<vmem>>) target_semaphore(%run_scoped3A : memref<!tpu.dma_semaphore, #tpu.memory_space<semaphore_mem>>)
        %dma_wait3A_126 = tpu.memref_slice %arg3[%add3A_119] : memref<656384xi32, #tpu.memory_space<hbm>> -> memref<128xi32, #tpu.memory_space<hbm>>
        %dma_wait3A_127 = tpu.memref_slice %arg3[%add3A_119] : memref<656384xi32, #tpu.memory_space<hbm>> -> memref<128xi32, #tpu.memory_space<hbm>>
        tpu.wait_dma2 semaphore(%run_scoped3A : memref<!tpu.dma_semaphore, #tpu.memory_space<semaphore_mem>>) src(%dma_wait3A_127 : memref<128xi32, #tpu.memory_space<hbm>>) dst(%arg10 : memref<128xi32, #tpu.memory_space<vmem>>)
        tpu.yield
      }) : () -> ()
      "tpu.region"() ({
        %run_scoped3A = tpu.sem_alloc : memref<!tpu.dma_semaphore, #tpu.memory_space<semaphore_mem>>
        %dma_start3A_124 = tpu.memref_slice %arg4[%add3A_119] : memref<656384xi32, #tpu.memory_space<hbm>> -> memref<128xi32, #tpu.memory_space<hbm>>
        %dma_start3A_125 = tpu.memref_slice %arg4[%add3A_119] : memref<656384xi32, #tpu.memory_space<hbm>> -> memref<128xi32, #tpu.memory_space<hbm>>
        tpu.enqueue_dma source(%dma_start3A_125 : memref<128xi32, #tpu.memory_space<hbm>>) target(%arg11 : memref<128xi32, #tpu.memory_space<vmem>>) target_semaphore(%run_scoped3A : memref<!tpu.dma_semaphore, #tpu.memory_space<semaphore_mem>>)
        %dma_wait3A_126 = tpu.memref_slice %arg4[%add3A_119] : memref<656384xi32, #tpu.memory_space<hbm>> -> memref<128xi32, #tpu.memory_space<hbm>>
        %dma_wait3A_127 = tpu.memref_slice %arg4[%add3A_119] : memref<656384xi32, #tpu.memory_space<hbm>> -> memref<128xi32, #tpu.memory_space<hbm>>
        tpu.wait_dma2 semaphore(%run_scoped3A : memref<!tpu.dma_semaphore, #tpu.memory_space<semaphore_mem>>) src(%dma_wait3A_127 : memref<128xi32, #tpu.memory_space<hbm>>) dst(%arg11 : memref<128xi32, #tpu.memory_space<vmem>>)
        tpu.yield
      }) : () -> ()
      %dma_start3A_120 = arith.constant 0 : i32
      %dma_start3A_121 = arith.constant 0 : i32
      %dma_start3A_122 = tpu.memref_slice %arg2[%dma_start3A_120, %dma_start3A_121] : memref<10000x128xf32, #tpu.memory_space<hbm>> -> memref<10000x128xf32, #tpu.memory_space<hbm>>
      tpu.enqueue_indirect_dma source(%dma_start3A_122 : memref<10000x128xf32, #tpu.memory_space<hbm>>) target(%arg14 : memref<128x128xf32, #tpu.memory_space<vmem>>) offsets(%arg10 : memref<128xi32, #tpu.memory_space<vmem>>) semaphore(%arg18 : memref<!tpu.dma_semaphore, #tpu.memory_space<semaphore_mem>>)
      %scan3A_123 = arith.constant 0 : i32
      scf.yield %scan3A_123 : i32
    }
    %scan3A_50 = arith.constant 53 : i32
    %dma_wait3A = arith.constant 0 : i32
    %dma_wait3A_51 = arith.constant 0 : i32
    %dma_wait3A_52 = tpu.memref_slice %arg2[%dma_wait3A, %dma_wait3A_51] : memref<10000x128xf32, #tpu.memory_space<hbm>> -> memref<10000x128xf32, #tpu.memory_space<hbm>>
    tpu.wait_indirect_dma semaphore(%arg16 : memref<!tpu.dma_semaphore, #tpu.memory_space<semaphore_mem>>) src(%dma_wait3A_52 : memref<10000x128xf32, #tpu.memory_space<hbm>>) dst(%arg12 : memref<128x128xf32, #tpu.memory_space<vmem>>)
    "tpu.region"() ({
      %run_scoped3A = tpu.sem_alloc : memref<!tpu.dma_semaphore, #tpu.memory_space<semaphore_mem>>
      %dma_start3A_80 = arith.constant 0 : i32
      %dma_start3A_81 = arith.constant 0 : i32
      %dma_start3A_82 = tpu.memref_slice %arg15[%dma_start3A_80, %dma_start3A_81] : memref<10112x128xf32, #tpu.memory_space<vmem_shared>> -> memref<10112x128xf32, #tpu.memory_space<vmem_shared>>
      tpu.enqueue_indirect_dma source(%arg12 : memref<128x128xf32, #tpu.memory_space<vmem>>) target(%dma_start3A_82 : memref<10112x128xf32, #tpu.memory_space<vmem_shared>>) offsets(%arg7 : memref<128xi32, #tpu.memory_space<vmem>>) semaphore(%run_scoped3A : memref<!tpu.dma_semaphore, #tpu.memory_space<semaphore_mem>>) {add = true}
      %dma_wait3A_83 = arith.constant 0 : i32
      %dma_wait3A_84 = arith.constant 0 : i32
      %dma_wait3A_85 = tpu.memref_slice %arg15[%dma_wait3A_83, %dma_wait3A_84] : memref<10112x128xf32, #tpu.memory_space<vmem_shared>> -> memref<10112x128xf32, #tpu.memory_space<vmem_shared>>
      tpu.wait_indirect_dma semaphore(%run_scoped3A : memref<!tpu.dma_semaphore, #tpu.memory_space<semaphore_mem>>) src(%arg12 : memref<128x128xf32, #tpu.memory_space<vmem>>) dst(%dma_wait3A_85 : memref<10112x128xf32, #tpu.memory_space<vmem_shared>>)
      tpu.yield
    }) : () -> ()
    %dma_wait3A_53 = arith.constant 0 : i32
    %dma_wait3A_54 = arith.constant 0 : i32
    %dma_wait3A_55 = tpu.memref_slice %arg2[%dma_wait3A_53, %dma_wait3A_54] : memref<10000x128xf32, #tpu.memory_space<hbm>> -> memref<10000x128xf32, #tpu.memory_space<hbm>>
    tpu.wait_indirect_dma semaphore(%arg17 : memref<!tpu.dma_semaphore, #tpu.memory_space<semaphore_mem>>) src(%dma_wait3A_55 : memref<10000x128xf32, #tpu.memory_space<hbm>>) dst(%arg13 : memref<128x128xf32, #tpu.memory_space<vmem>>)
    %dma_wait3A_56 = arith.constant 0 : i32
    %dma_wait3A_57 = arith.constant 0 : i32
    %dma_wait3A_58 = tpu.memref_slice %arg2[%dma_wait3A_56, %dma_wait3A_57] : memref<10000x128xf32, #tpu.memory_space<hbm>> -> memref<10000x128xf32, #tpu.memory_space<hbm>>
    tpu.wait_indirect_dma semaphore(%arg18 : memref<!tpu.dma_semaphore, #tpu.memory_space<semaphore_mem>>) src(%dma_wait3A_58 : memref<10000x128xf32, #tpu.memory_space<hbm>>) dst(%arg14 : memref<128x128xf32, #tpu.memory_space<vmem>>)
    %barrier3A_59 = arith.constant 0 : index
    tpu.barrier barrier_id(%barrier3A_59)
    %mul3A_60 = arith.constant 624 : i32
    %mul3A_61 = arith.muli %arg1, %mul3A_60 : i32
    %add3A_62 = arith.constant 0 : i32
    %add3A_63 = arith.addi %mul3A_61, %add3A_62 : i32
    "tpu.region"() ({
      %run_scoped3A = tpu.sem_alloc : memref<!tpu.dma_semaphore, #tpu.memory_space<semaphore_mem>>
      %dma_start3A_80 = arith.constant 0 : i32
      %dma_start3A_81 = tpu.memref_slice %arg15[%add3A_63, %dma_start3A_80] : memref<10112x128xf32, #tpu.memory_space<vmem_shared>> -> memref<128x128xf32, #tpu.memory_space<vmem_shared>>
      %dma_start3A_82 = arith.constant 0 : i32
      %dma_start3A_83 = tpu.memref_slice %arg15[%add3A_63, %dma_start3A_82] : memref<10112x128xf32, #tpu.memory_space<vmem_shared>> -> memref<128x128xf32, #tpu.memory_space<vmem_shared>>
      tpu.enqueue_dma source(%dma_start3A_83 : memref<128x128xf32, #tpu.memory_space<vmem_shared>>) target(%arg12 : memref<128x128xf32, #tpu.memory_space<vmem>>) target_semaphore(%run_scoped3A : memref<!tpu.dma_semaphore, #tpu.memory_space<semaphore_mem>>)
      %dma_wait3A_84 = arith.constant 0 : i32
      %dma_wait3A_85 = tpu.memref_slice %arg15[%add3A_63, %dma_wait3A_84] : memref<10112x128xf32, #tpu.memory_space<vmem_shared>> -> memref<128x128xf32, #tpu.memory_space<vmem_shared>>
      %dma_wait3A_86 = arith.constant 0 : i32
      %dma_wait3A_87 = tpu.memref_slice %arg15[%add3A_63, %dma_wait3A_86] : memref<10112x128xf32, #tpu.memory_space<vmem_shared>> -> memref<128x128xf32, #tpu.memory_space<vmem_shared>>
      tpu.wait_dma2 semaphore(%run_scoped3A : memref<!tpu.dma_semaphore, #tpu.memory_space<semaphore_mem>>) src(%dma_wait3A_87 : memref<128x128xf32, #tpu.memory_space<vmem_shared>>) dst(%arg12 : memref<128x128xf32, #tpu.memory_space<vmem>>)
      tpu.yield
    }) : () -> ()
    "tpu.region"() ({
      %run_scoped3A = tpu.sem_alloc : memref<!tpu.dma_semaphore, #tpu.memory_space<semaphore_mem>>
      %dma_start3A_80 = arith.constant 0 : i32
      %dma_start3A_81 = tpu.memref_slice %arg5[%arg0, %add3A_63, %dma_start3A_80] : memref<2x10000x128xf32, #tpu.memory_space<hbm>> -> memref<1x128x128xf32, #tpu.memory_space<hbm>>
      %dma_start3A_82 = tpu.memref_squeeze %dma_start3A_81 : memref<1x128x128xf32, #tpu.memory_space<hbm>> -> memref<128x128xf32, #tpu.memory_space<hbm>>
      %dma_start3A_83 = arith.constant 0 : i32
      %dma_start3A_84 = tpu.memref_slice %arg5[%arg0, %add3A_63, %dma_start3A_83] : memref<2x10000x128xf32, #tpu.memory_space<hbm>> -> memref<1x128x128xf32, #tpu.memory_space<hbm>>
      %dma_start3A_85 = tpu.memref_squeeze %dma_start3A_84 : memref<1x128x128xf32, #tpu.memory_space<hbm>> -> memref<128x128xf32, #tpu.memory_space<hbm>>
      tpu.enqueue_dma source(%arg12 : memref<128x128xf32, #tpu.memory_space<vmem>>) target(%dma_start3A_85 : memref<128x128xf32, #tpu.memory_space<hbm>>) target_semaphore(%run_scoped3A : memref<!tpu.dma_semaphore, #tpu.memory_space<semaphore_mem>>)
      %dma_wait3A_86 = arith.constant 0 : i32
      %dma_wait3A_87 = tpu.memref_slice %arg5[%arg0, %add3A_63, %dma_wait3A_86] : memref<2x10000x128xf32, #tpu.memory_space<hbm>> -> memref<1x128x128xf32, #tpu.memory_space<hbm>>
      %dma_wait3A_88 = tpu.memref_squeeze %dma_wait3A_87 : memref<1x128x128xf32, #tpu.memory_space<hbm>> -> memref<128x128xf32, #tpu.memory_space<hbm>>
      %dma_wait3A_89 = arith.constant 0 : i32
      %dma_wait3A_90 = tpu.memref_slice %arg5[%arg0, %add3A_63, %dma_wait3A_89] : memref<2x10000x128xf32, #tpu.memory_space<hbm>> -> memref<1x128x128xf32, #tpu.memory_space<hbm>>
      %dma_wait3A_91 = tpu.memref_squeeze %dma_wait3A_90 : memref<1x128x128xf32, #tpu.memory_space<hbm>> -> memref<128x128xf32, #tpu.memory_space<hbm>>
      tpu.wait_dma2 semaphore(%run_scoped3A : memref<!tpu.dma_semaphore, #tpu.memory_space<semaphore_mem>>) src(%arg12 : memref<128x128xf32, #tpu.memory_space<vmem>>) dst(%dma_wait3A_91 : memref<128x128xf32, #tpu.memory_space<hbm>>)
      tpu.yield
    }) : () -> ()
    %mul3A_64 = arith.constant 624 : i32
    %mul3A_65 = arith.muli %arg1, %mul3A_64 : i32
    %add3A_66 = arith.constant 128 : i32
    %add3A_67 = arith.addi %mul3A_65, %add3A_66 : i32
    "tpu.region"() ({
      %run_scoped3A = tpu.sem_alloc : memref<!tpu.dma_semaphore, #tpu.memory_space<semaphore_mem>>
      %dma_start3A_80 = arith.constant 0 : i32
      %dma_start3A_81 = tpu.memref_slice %arg15[%add3A_67, %dma_start3A_80] : memref<10112x128xf32, #tpu.memory_space<vmem_shared>> -> memref<128x128xf32, #tpu.memory_space<vmem_shared>>
      %dma_start3A_82 = arith.constant 0 : i32
      %dma_start3A_83 = tpu.memref_slice %arg15[%add3A_67, %dma_start3A_82] : memref<10112x128xf32, #tpu.memory_space<vmem_shared>> -> memref<128x128xf32, #tpu.memory_space<vmem_shared>>
      tpu.enqueue_dma source(%dma_start3A_83 : memref<128x128xf32, #tpu.memory_space<vmem_shared>>) target(%arg12 : memref<128x128xf32, #tpu.memory_space<vmem>>) target_semaphore(%run_scoped3A : memref<!tpu.dma_semaphore, #tpu.memory_space<semaphore_mem>>)
      %dma_wait3A_84 = arith.constant 0 : i32
      %dma_wait3A_85 = tpu.memref_slice %arg15[%add3A_67, %dma_wait3A_84] : memref<10112x128xf32, #tpu.memory_space<vmem_shared>> -> memref<128x128xf32, #tpu.memory_space<vmem_shared>>
      %dma_wait3A_86 = arith.constant 0 : i32
      %dma_wait3A_87 = tpu.memref_slice %arg15[%add3A_67, %dma_wait3A_86] : memref<10112x128xf32, #tpu.memory_space<vmem_shared>> -> memref<128x128xf32, #tpu.memory_space<vmem_shared>>
      tpu.wait_dma2 semaphore(%run_scoped3A : memref<!tpu.dma_semaphore, #tpu.memory_space<semaphore_mem>>) src(%dma_wait3A_87 : memref<128x128xf32, #tpu.memory_space<vmem_shared>>) dst(%arg12 : memref<128x128xf32, #tpu.memory_space<vmem>>)
      tpu.yield
    }) : () -> ()
    "tpu.region"() ({
      %run_scoped3A = tpu.sem_alloc : memref<!tpu.dma_semaphore, #tpu.memory_space<semaphore_mem>>
      %dma_start3A_80 = arith.constant 0 : i32
      %dma_start3A_81 = tpu.memref_slice %arg5[%arg0, %add3A_67, %dma_start3A_80] : memref<2x10000x128xf32, #tpu.memory_space<hbm>> -> memref<1x128x128xf32, #tpu.memory_space<hbm>>
      %dma_start3A_82 = tpu.memref_squeeze %dma_start3A_81 : memref<1x128x128xf32, #tpu.memory_space<hbm>> -> memref<128x128xf32, #tpu.memory_space<hbm>>
      %dma_start3A_83 = arith.constant 0 : i32
      %dma_start3A_84 = tpu.memref_slice %arg5[%arg0, %add3A_67, %dma_start3A_83] : memref<2x10000x128xf32, #tpu.memory_space<hbm>> -> memref<1x128x128xf32, #tpu.memory_space<hbm>>
      %dma_start3A_85 = tpu.memref_squeeze %dma_start3A_84 : memref<1x128x128xf32, #tpu.memory_space<hbm>> -> memref<128x128xf32, #tpu.memory_space<hbm>>
      tpu.enqueue_dma source(%arg12 : memref<128x128xf32, #tpu.memory_space<vmem>>) target(%dma_start3A_85 : memref<128x128xf32, #tpu.memory_space<hbm>>) target_semaphore(%run_scoped3A : memref<!tpu.dma_semaphore, #tpu.memory_space<semaphore_mem>>)
      %dma_wait3A_86 = arith.constant 0 : i32
      %dma_wait3A_87 = tpu.memref_slice %arg5[%arg0, %add3A_67, %dma_wait3A_86] : memref<2x10000x128xf32, #tpu.memory_space<hbm>> -> memref<1x128x128xf32, #tpu.memory_space<hbm>>
      %dma_wait3A_88 = tpu.memref_squeeze %dma_wait3A_87 : memref<1x128x128xf32, #tpu.memory_space<hbm>> -> memref<128x128xf32, #tpu.memory_space<hbm>>
      %dma_wait3A_89 = arith.constant 0 : i32
      %dma_wait3A_90 = tpu.memref_slice %arg5[%arg0, %add3A_67, %dma_wait3A_89] : memref<2x10000x128xf32, #tpu.memory_space<hbm>> -> memref<1x128x128xf32, #tpu.memory_space<hbm>>
      %dma_wait3A_91 = tpu.memref_squeeze %dma_wait3A_90 : memref<1x128x128xf32, #tpu.memory_space<hbm>> -> memref<128x128xf32, #tpu.memory_space<hbm>>
      tpu.wait_dma2 semaphore(%run_scoped3A : memref<!tpu.dma_semaphore, #tpu.memory_space<semaphore_mem>>) src(%arg12 : memref<128x128xf32, #tpu.memory_space<vmem>>) dst(%dma_wait3A_91 : memref<128x128xf32, #tpu.memory_space<hbm>>)
      tpu.yield
    }) : () -> ()
    %mul3A_68 = arith.constant 624 : i32
    %mul3A_69 = arith.muli %arg1, %mul3A_68 : i32
    %add3A_70 = arith.constant 256 : i32
    %add3A_71 = arith.addi %mul3A_69, %add3A_70 : i32
    "tpu.region"() ({
      %run_scoped3A = tpu.sem_alloc : memref<!tpu.dma_semaphore, #tpu.memory_space<semaphore_mem>>
      %dma_start3A_80 = arith.constant 0 : i32
      %dma_start3A_81 = tpu.memref_slice %arg15[%add3A_71, %dma_start3A_80] : memref<10112x128xf32, #tpu.memory_space<vmem_shared>> -> memref<128x128xf32, #tpu.memory_space<vmem_shared>>
      %dma_start3A_82 = arith.constant 0 : i32
      %dma_start3A_83 = tpu.memref_slice %arg15[%add3A_71, %dma_start3A_82] : memref<10112x128xf32, #tpu.memory_space<vmem_shared>> -> memref<128x128xf32, #tpu.memory_space<vmem_shared>>
      tpu.enqueue_dma source(%dma_start3A_83 : memref<128x128xf32, #tpu.memory_space<vmem_shared>>) target(%arg12 : memref<128x128xf32, #tpu.memory_space<vmem>>) target_semaphore(%run_scoped3A : memref<!tpu.dma_semaphore, #tpu.memory_space<semaphore_mem>>)
      %dma_wait3A_84 = arith.constant 0 : i32
      %dma_wait3A_85 = tpu.memref_slice %arg15[%add3A_71, %dma_wait3A_84] : memref<10112x128xf32, #tpu.memory_space<vmem_shared>> -> memref<128x128xf32, #tpu.memory_space<vmem_shared>>
      %dma_wait3A_86 = arith.constant 0 : i32
      %dma_wait3A_87 = tpu.memref_slice %arg15[%add3A_71, %dma_wait3A_86] : memref<10112x128xf32, #tpu.memory_space<vmem_shared>> -> memref<128x128xf32, #tpu.memory_space<vmem_shared>>
      tpu.wait_dma2 semaphore(%run_scoped3A : memref<!tpu.dma_semaphore, #tpu.memory_space<semaphore_mem>>) src(%dma_wait3A_87 : memref<128x128xf32, #tpu.memory_space<vmem_shared>>) dst(%arg12 : memref<128x128xf32, #tpu.memory_space<vmem>>)
      tpu.yield
    }) : () -> ()
    "tpu.region"() ({
      %run_scoped3A = tpu.sem_alloc : memref<!tpu.dma_semaphore, #tpu.memory_space<semaphore_mem>>
      %dma_start3A_80 = arith.constant 0 : i32
      %dma_start3A_81 = tpu.memref_slice %arg5[%arg0, %add3A_71, %dma_start3A_80] : memref<2x10000x128xf32, #tpu.memory_space<hbm>> -> memref<1x128x128xf32, #tpu.memory_space<hbm>>
      %dma_start3A_82 = tpu.memref_squeeze %dma_start3A_81 : memref<1x128x128xf32, #tpu.memory_space<hbm>> -> memref<128x128xf32, #tpu.memory_space<hbm>>
      %dma_start3A_83 = arith.constant 0 : i32
      %dma_start3A_84 = tpu.memref_slice %arg5[%arg0, %add3A_71, %dma_start3A_83] : memref<2x10000x128xf32, #tpu.memory_space<hbm>> -> memref<1x128x128xf32, #tpu.memory_space<hbm>>
      %dma_start3A_85 = tpu.memref_squeeze %dma_start3A_84 : memref<1x128x128xf32, #tpu.memory_space<hbm>> -> memref<128x128xf32, #tpu.memory_space<hbm>>
      tpu.enqueue_dma source(%arg12 : memref<128x128xf32, #tpu.memory_space<vmem>>) target(%dma_start3A_85 : memref<128x128xf32, #tpu.memory_space<hbm>>) target_semaphore(%run_scoped3A : memref<!tpu.dma_semaphore, #tpu.memory_space<semaphore_mem>>)
      %dma_wait3A_86 = arith.constant 0 : i32
      %dma_wait3A_87 = tpu.memref_slice %arg5[%arg0, %add3A_71, %dma_wait3A_86] : memref<2x10000x128xf32, #tpu.memory_space<hbm>> -> memref<1x128x128xf32, #tpu.memory_space<hbm>>
      %dma_wait3A_88 = tpu.memref_squeeze %dma_wait3A_87 : memref<1x128x128xf32, #tpu.memory_space<hbm>> -> memref<128x128xf32, #tpu.memory_space<hbm>>
      %dma_wait3A_89 = arith.constant 0 : i32
      %dma_wait3A_90 = tpu.memref_slice %arg5[%arg0, %add3A_71, %dma_wait3A_89] : memref<2x10000x128xf32, #tpu.memory_space<hbm>> -> memref<1x128x128xf32, #tpu.memory_space<hbm>>
      %dma_wait3A_91 = tpu.memref_squeeze %dma_wait3A_90 : memref<1x128x128xf32, #tpu.memory_space<hbm>> -> memref<128x128xf32, #tpu.memory_space<hbm>>
      tpu.wait_dma2 semaphore(%run_scoped3A : memref<!tpu.dma_semaphore, #tpu.memory_space<semaphore_mem>>) src(%arg12 : memref<128x128xf32, #tpu.memory_space<vmem>>) dst(%dma_wait3A_91 : memref<128x128xf32, #tpu.memory_space<hbm>>)
      tpu.yield
    }) : () -> ()
    %mul3A_72 = arith.constant 624 : i32
    %mul3A_73 = arith.muli %arg1, %mul3A_72 : i32
    %add3A_74 = arith.constant 384 : i32
    %add3A_75 = arith.addi %mul3A_73, %add3A_74 : i32
    "tpu.region"() ({
      %run_scoped3A = tpu.sem_alloc : memref<!tpu.dma_semaphore, #tpu.memory_space<semaphore_mem>>
      %dma_start3A_80 = arith.constant 0 : i32
      %dma_start3A_81 = tpu.memref_slice %arg15[%add3A_75, %dma_start3A_80] : memref<10112x128xf32, #tpu.memory_space<vmem_shared>> -> memref<128x128xf32, #tpu.memory_space<vmem_shared>>
      %dma_start3A_82 = arith.constant 0 : i32
      %dma_start3A_83 = tpu.memref_slice %arg15[%add3A_75, %dma_start3A_82] : memref<10112x128xf32, #tpu.memory_space<vmem_shared>> -> memref<128x128xf32, #tpu.memory_space<vmem_shared>>
      tpu.enqueue_dma source(%dma_start3A_83 : memref<128x128xf32, #tpu.memory_space<vmem_shared>>) target(%arg12 : memref<128x128xf32, #tpu.memory_space<vmem>>) target_semaphore(%run_scoped3A : memref<!tpu.dma_semaphore, #tpu.memory_space<semaphore_mem>>)
      %dma_wait3A_84 = arith.constant 0 : i32
      %dma_wait3A_85 = tpu.memref_slice %arg15[%add3A_75, %dma_wait3A_84] : memref<10112x128xf32, #tpu.memory_space<vmem_shared>> -> memref<128x128xf32, #tpu.memory_space<vmem_shared>>
      %dma_wait3A_86 = arith.constant 0 : i32
      %dma_wait3A_87 = tpu.memref_slice %arg15[%add3A_75, %dma_wait3A_86] : memref<10112x128xf32, #tpu.memory_space<vmem_shared>> -> memref<128x128xf32, #tpu.memory_space<vmem_shared>>
      tpu.wait_dma2 semaphore(%run_scoped3A : memref<!tpu.dma_semaphore, #tpu.memory_space<semaphore_mem>>) src(%dma_wait3A_87 : memref<128x128xf32, #tpu.memory_space<vmem_shared>>) dst(%arg12 : memref<128x128xf32, #tpu.memory_space<vmem>>)
      tpu.yield
    }) : () -> ()
    "tpu.region"() ({
      %run_scoped3A = tpu.sem_alloc : memref<!tpu.dma_semaphore, #tpu.memory_space<semaphore_mem>>
      %dma_start3A_80 = arith.constant 0 : i32
      %dma_start3A_81 = tpu.memref_slice %arg5[%arg0, %add3A_75, %dma_start3A_80] : memref<2x10000x128xf32, #tpu.memory_space<hbm>> -> memref<1x128x128xf32, #tpu.memory_space<hbm>>
      %dma_start3A_82 = tpu.memref_squeeze %dma_start3A_81 : memref<1x128x128xf32, #tpu.memory_space<hbm>> -> memref<128x128xf32, #tpu.memory_space<hbm>>
      %dma_start3A_83 = arith.constant 0 : i32
      %dma_start3A_84 = tpu.memref_slice %arg5[%arg0, %add3A_75, %dma_start3A_83] : memref<2x10000x128xf32, #tpu.memory_space<hbm>> -> memref<1x128x128xf32, #tpu.memory_space<hbm>>
      %dma_start3A_85 = tpu.memref_squeeze %dma_start3A_84 : memref<1x128x128xf32, #tpu.memory_space<hbm>> -> memref<128x128xf32, #tpu.memory_space<hbm>>
      tpu.enqueue_dma source(%arg12 : memref<128x128xf32, #tpu.memory_space<vmem>>) target(%dma_start3A_85 : memref<128x128xf32, #tpu.memory_space<hbm>>) target_semaphore(%run_scoped3A : memref<!tpu.dma_semaphore, #tpu.memory_space<semaphore_mem>>)
      %dma_wait3A_86 = arith.constant 0 : i32
      %dma_wait3A_87 = tpu.memref_slice %arg5[%arg0, %add3A_75, %dma_wait3A_86] : memref<2x10000x128xf32, #tpu.memory_space<hbm>> -> memref<1x128x128xf32, #tpu.memory_space<hbm>>
      %dma_wait3A_88 = tpu.memref_squeeze %dma_wait3A_87 : memref<1x128x128xf32, #tpu.memory_space<hbm>> -> memref<128x128xf32, #tpu.memory_space<hbm>>
      %dma_wait3A_89 = arith.constant 0 : i32
      %dma_wait3A_90 = tpu.memref_slice %arg5[%arg0, %add3A_75, %dma_wait3A_89] : memref<2x10000x128xf32, #tpu.memory_space<hbm>> -> memref<1x128x128xf32, #tpu.memory_space<hbm>>
      %dma_wait3A_91 = tpu.memref_squeeze %dma_wait3A_90 : memref<1x128x128xf32, #tpu.memory_space<hbm>> -> memref<128x128xf32, #tpu.memory_space<hbm>>
      tpu.wait_dma2 semaphore(%run_scoped3A : memref<!tpu.dma_semaphore, #tpu.memory_space<semaphore_mem>>) src(%arg12 : memref<128x128xf32, #tpu.memory_space<vmem>>) dst(%dma_wait3A_91 : memref<128x128xf32, #tpu.memory_space<hbm>>)
      tpu.yield
    }) : () -> ()
    %mul3A_76 = arith.constant 624 : i32
    %mul3A_77 = arith.muli %arg1, %mul3A_76 : i32
    %add3A_78 = arith.constant 512 : i32
    %add3A_79 = arith.addi %mul3A_77, %add3A_78 : i32
    "tpu.region"() ({
      %run_scoped3A = tpu.sem_alloc : memref<!tpu.dma_semaphore, #tpu.memory_space<semaphore_mem>>
      %dma_start3A_80 = arith.constant 0 : i32
      %dma_start3A_81 = tpu.memref_slice %arg15[%add3A_79, %dma_start3A_80] : memref<10112x128xf32, #tpu.memory_space<vmem_shared>> -> memref<128x128xf32, #tpu.memory_space<vmem_shared>>
      %dma_start3A_82 = arith.constant 0 : i32
      %dma_start3A_83 = tpu.memref_slice %arg15[%add3A_79, %dma_start3A_82] : memref<10112x128xf32, #tpu.memory_space<vmem_shared>> -> memref<128x128xf32, #tpu.memory_space<vmem_shared>>
      tpu.enqueue_dma source(%dma_start3A_83 : memref<128x128xf32, #tpu.memory_space<vmem_shared>>) target(%arg12 : memref<128x128xf32, #tpu.memory_space<vmem>>) target_semaphore(%run_scoped3A : memref<!tpu.dma_semaphore, #tpu.memory_space<semaphore_mem>>)
      %dma_wait3A_84 = arith.constant 0 : i32
      %dma_wait3A_85 = tpu.memref_slice %arg15[%add3A_79, %dma_wait3A_84] : memref<10112x128xf32, #tpu.memory_space<vmem_shared>> -> memref<128x128xf32, #tpu.memory_space<vmem_shared>>
      %dma_wait3A_86 = arith.constant 0 : i32
      %dma_wait3A_87 = tpu.memref_slice %arg15[%add3A_79, %dma_wait3A_86] : memref<10112x128xf32, #tpu.memory_space<vmem_shared>> -> memref<128x128xf32, #tpu.memory_space<vmem_shared>>
      tpu.wait_dma2 semaphore(%run_scoped3A : memref<!tpu.dma_semaphore, #tpu.memory_space<semaphore_mem>>) src(%dma_wait3A_87 : memref<128x128xf32, #tpu.memory_space<vmem_shared>>) dst(%arg12 : memref<128x128xf32, #tpu.memory_space<vmem>>)
      tpu.yield
    }) : () -> ()
    "tpu.region"() ({
      %run_scoped3A = tpu.sem_alloc : memref<!tpu.dma_semaphore, #tpu.memory_space<semaphore_mem>>
      %dma_start3A_80 = arith.constant 0 : i32
      %dma_start3A_81 = tpu.memref_slice %arg5[%arg0, %add3A_79, %dma_start3A_80] : memref<2x10000x128xf32, #tpu.memory_space<hbm>> -> memref<1x128x128xf32, #tpu.memory_space<hbm>>
      %dma_start3A_82 = tpu.memref_squeeze %dma_start3A_81 : memref<1x128x128xf32, #tpu.memory_space<hbm>> -> memref<128x128xf32, #tpu.memory_space<hbm>>
      %dma_start3A_83 = arith.constant 0 : i32
      %dma_start3A_84 = tpu.memref_slice %arg5[%arg0, %add3A_79, %dma_start3A_83] : memref<2x10000x128xf32, #tpu.memory_space<hbm>> -> memref<1x128x128xf32, #tpu.memory_space<hbm>>
      %dma_start3A_85 = tpu.memref_squeeze %dma_start3A_84 : memref<1x128x128xf32, #tpu.memory_space<hbm>> -> memref<128x128xf32, #tpu.memory_space<hbm>>
      tpu.enqueue_dma source(%arg12 : memref<128x128xf32, #tpu.memory_space<vmem>>) target(%dma_start3A_85 : memref<128x128xf32, #tpu.memory_space<hbm>>) target_semaphore(%run_scoped3A : memref<!tpu.dma_semaphore, #tpu.memory_space<semaphore_mem>>)
      %dma_wait3A_86 = arith.constant 0 : i32
      %dma_wait3A_87 = tpu.memref_slice %arg5[%arg0, %add3A_79, %dma_wait3A_86] : memref<2x10000x128xf32, #tpu.memory_space<hbm>> -> memref<1x128x128xf32, #tpu.memory_space<hbm>>
      %dma_wait3A_88 = tpu.memref_squeeze %dma_wait3A_87 : memref<1x128x128xf32, #tpu.memory_space<hbm>> -> memref<128x128xf32, #tpu.memory_space<hbm>>
      %dma_wait3A_89 = arith.constant 0 : i32
      %dma_wait3A_90 = tpu.memref_slice %arg5[%arg0, %add3A_79, %dma_wait3A_89] : memref<2x10000x128xf32, #tpu.memory_space<hbm>> -> memref<1x128x128xf32, #tpu.memory_space<hbm>>
      %dma_wait3A_91 = tpu.memref_squeeze %dma_wait3A_90 : memref<1x128x128xf32, #tpu.memory_space<hbm>> -> memref<128x128xf32, #tpu.memory_space<hbm>>
      tpu.wait_dma2 semaphore(%run_scoped3A : memref<!tpu.dma_semaphore, #tpu.memory_space<semaphore_mem>>) src(%arg12 : memref<128x128xf32, #tpu.memory_space<vmem>>) dst(%dma_wait3A_91 : memref<128x128xf32, #tpu.memory_space<hbm>>)
      tpu.yield
    }) : () -> ()
    return
  }
}

#map = affine_map<(d0, d1) -> (0, 0)>
#map1 = affine_map<(d0, d1) -> (0)>
#map2 = affine_map<(d0, d1) -> (0, 0, 0)>
module attributes {stable_mosaic.version = 14 : i64} {
  func.func @_sc_msg(%arg0: i32, %arg1: i32, %arg2: memref<10000x128xf32, #tpu.memory_space<hbm>>, %arg3: memref<656384xi32, #tpu.memory_space<hbm>>, %arg4: memref<656384xi32, #tpu.memory_space<hbm>>, %arg5: memref<2x10000x128xf32, #tpu.memory_space<hbm>>, %arg6: memref<128xi32, #tpu.memory_space<vmem>>, %arg7: memref<128xi32, #tpu.memory_space<vmem>>, %arg8: memref<128xi32, #tpu.memory_space<vmem>>, %arg9: memref<128xi32, #tpu.memory_space<vmem>>, %arg10: memref<128xi32, #tpu.memory_space<vmem>>, %arg11: memref<128xi32, #tpu.memory_space<vmem>>, %arg12: memref<128x128xf32, #tpu.memory_space<vmem>>, %arg13: memref<128x128xf32, #tpu.memory_space<vmem>>, %arg14: memref<128x128xf32, #tpu.memory_space<vmem>>, %arg15: memref<10112x128xf32, #tpu.memory_space<vmem_shared>>, %arg16: memref<!tpu.dma_semaphore, #tpu.memory_space<semaphore_mem>>, %arg17: memref<!tpu.dma_semaphore, #tpu.memory_space<semaphore_mem>>, %arg18: memref<!tpu.dma_semaphore, #tpu.memory_space<semaphore_mem>>) attributes {dimension_semantics = [#tpu.dimension_semantics<core_parallel>, #tpu.dimension_semantics<subcore_parallel>], iteration_bounds = array<i64: 2, 16>, scalar_prefetch = 0 : i64, scratch_operands = 13 : i64, tpu.core_type = #tpu.core_type<sc_vector_subcore>, window_params = [{transform_indices = #map}, {transform_indices = #map1}, {transform_indices = #map1}, {transform_indices = #map2}]} {
    %mul3A = arith.constant 2 : i32
    %mul3A_0 = arith.muli %arg1, %mul3A : i32
    %add3A = arith.addi %mul3A_0, %arg0 : i32
    %mul3A_1 = arith.constant 20480 : i32
    %mul3A_2 = arith.muli %add3A, %mul3A_1 : i32
    %broadcast_in_dim3A = arith.constant 0.000000e+00 : f32
    %broadcast_in_dim3A_3 = vector.broadcast %broadcast_in_dim3A : f32 to vector<16xf32>
    %scan3A = arith.constant 0 : i32
    %scan3A_4 = arith.constant 0 : i32
    %scan3A_5 = arith.constant 128 : i32
    %scan3A_6 = arith.addi %scan3A_4, %scan3A_5 : i32
    %scan3A_7 = arith.constant 1 : i32
    %scan3A_8 = scf.for %scan3A_80 = %scan3A_4 to %scan3A_6 step %scan3A_7 iter_args(%scan3A_81 = %scan3A) -> (i32)  : i32 {
      %swap3A = arith.index_cast %scan3A_80 : i32 to index
      %swap3A_82 = arith.constant 0 : index
      %swap3A_83 = tpu.vector_load %arg12[%swap3A, %swap3A_82] {strides = array<i32>} : memref<128x128xf32, #tpu.memory_space<vmem>>, vector<1x16xf32>,
      %swap3A_84 = vector.shape_cast %swap3A_83 : vector<1x16xf32> to vector<16xf32>
      %swap3A_85 = vector.shape_cast %broadcast_in_dim3A_3 : vector<16xf32> to vector<1x16xf32>
      tpu.vector_store %arg12[%swap3A, %swap3A_82], %swap3A_85 {strides = array<i32>} : memref<128x128xf32, #tpu.memory_space<vmem>>, vector<1x16xf32>,
      %swap3A_86 = arith.index_cast %scan3A_80 : i32 to index
      %swap3A_87 = arith.constant 16 : index
      %swap3A_88 = tpu.vector_load %arg12[%swap3A_86, %swap3A_87] {strides = array<i32>} : memref<128x128xf32, #tpu.memory_space<vmem>>, vector<1x16xf32>,
      %swap3A_89 = vector.shape_cast %swap3A_88 : vector<1x16xf32> to vector<16xf32>
      %swap3A_90 = vector.shape_cast %broadcast_in_dim3A_3 : vector<16xf32> to vector<1x16xf32>
      tpu.vector_store %arg12[%swap3A_86, %swap3A_87], %swap3A_90 {strides = array<i32>} : memref<128x128xf32, #tpu.memory_space<vmem>>, vector<1x16xf32>,
      %swap3A_91 = arith.index_cast %scan3A_80 : i32 to index
      %swap3A_92 = arith.constant 32 : index
      %swap3A_93 = tpu.vector_load %arg12[%swap3A_91, %swap3A_92] {strides = array<i32>} : memref<128x128xf32, #tpu.memory_space<vmem>>, vector<1x16xf32>,
      %swap3A_94 = vector.shape_cast %swap3A_93 : vector<1x16xf32> to vector<16xf32>
      %swap3A_95 = vector.shape_cast %broadcast_in_dim3A_3 : vector<16xf32> to vector<1x16xf32>
      tpu.vector_store %arg12[%swap3A_91, %swap3A_92], %swap3A_95 {strides = array<i32>} : memref<128x128xf32, #tpu.memory_space<vmem>>, vector<1x16xf32>,
      %swap3A_96 = arith.index_cast %scan3A_80 : i32 to index
      %swap3A_97 = arith.constant 48 : index
      %swap3A_98 = tpu.vector_load %arg12[%swap3A_96, %swap3A_97] {strides = array<i32>} : memref<128x128xf32, #tpu.memory_space<vmem>>, vector<1x16xf32>,
      %swap3A_99 = vector.shape_cast %swap3A_98 : vector<1x16xf32> to vector<16xf32>
      %swap3A_100 = vector.shape_cast %broadcast_in_dim3A_3 : vector<16xf32> to vector<1x16xf32>
      tpu.vector_store %arg12[%swap3A_96, %swap3A_97], %swap3A_100 {strides = array<i32>} : memref<128x128xf32, #tpu.memory_space<vmem>>, vector<1x16xf32>,
      %swap3A_101 = arith.index_cast %scan3A_80 : i32 to index
      %swap3A_102 = arith.constant 64 : index
      %swap3A_103 = tpu.vector_load %arg12[%swap3A_101, %swap3A_102] {strides = array<i32>} : memref<128x128xf32, #tpu.memory_space<vmem>>, vector<1x16xf32>,
      %swap3A_104 = vector.shape_cast %swap3A_103 : vector<1x16xf32> to vector<16xf32>
      %swap3A_105 = vector.shape_cast %broadcast_in_dim3A_3 : vector<16xf32> to vector<1x16xf32>
      tpu.vector_store %arg12[%swap3A_101, %swap3A_102], %swap3A_105 {strides = array<i32>} : memref<128x128xf32, #tpu.memory_space<vmem>>, vector<1x16xf32>,
      %swap3A_106 = arith.index_cast %scan3A_80 : i32 to index
      %swap3A_107 = arith.constant 80 : index
      %swap3A_108 = tpu.vector_load %arg12[%swap3A_106, %swap3A_107] {strides = array<i32>} : memref<128x128xf32, #tpu.memory_space<vmem>>, vector<1x16xf32>,
      %swap3A_109 = vector.shape_cast %swap3A_108 : vector<1x16xf32> to vector<16xf32>
      %swap3A_110 = vector.shape_cast %broadcast_in_dim3A_3 : vector<16xf32> to vector<1x16xf32>
      tpu.vector_store %arg12[%swap3A_106, %swap3A_107], %swap3A_110 {strides = array<i32>} : memref<128x128xf32, #tpu.memory_space<vmem>>, vector<1x16xf32>,
      %swap3A_111 = arith.index_cast %scan3A_80 : i32 to index
      %swap3A_112 = arith.constant 96 : index
      %swap3A_113 = tpu.vector_load %arg12[%swap3A_111, %swap3A_112] {strides = array<i32>} : memref<128x128xf32, #tpu.memory_space<vmem>>, vector<1x16xf32>,
      %swap3A_114 = vector.shape_cast %swap3A_113 : vector<1x16xf32> to vector<16xf32>
      %swap3A_115 = vector.shape_cast %broadcast_in_dim3A_3 : vector<16xf32> to vector<1x16xf32>
      tpu.vector_store %arg12[%swap3A_111, %swap3A_112], %swap3A_115 {strides = array<i32>} : memref<128x128xf32, #tpu.memory_space<vmem>>, vector<1x16xf32>,
      %swap3A_116 = arith.index_cast %scan3A_80 : i32 to index
      %swap3A_117 = arith.constant 112 : index
      %swap3A_118 = tpu.vector_load %arg12[%swap3A_116, %swap3A_117] {strides = array<i32>} : memref<128x128xf32, #tpu.memory_space<vmem>>, vector<1x16xf32>,
      %swap3A_119 = vector.shape_cast %swap3A_118 : vector<1x16xf32> to vector<16xf32>
      %swap3A_120 = vector.shape_cast %broadcast_in_dim3A_3 : vector<16xf32> to vector<1x16xf32>
      tpu.vector_store %arg12[%swap3A_116, %swap3A_117], %swap3A_120 {strides = array<i32>} : memref<128x128xf32, #tpu.memory_space<vmem>>, vector<1x16xf32>,
      %scan3A_121 = arith.constant 0 : i32
      scf.yield %scan3A_121 : i32
    }
    %scan3A_9 = arith.constant 128 : i32
    %mul3A_10 = arith.constant 632 : i32
    %mul3A_11 = arith.muli %arg1, %mul3A_10 : i32
    %add3A_12 = arith.constant 0 : i32
    %add3A_13 = arith.addi %mul3A_11, %add3A_12 : i32
    "tpu.region"() ({
      %run_scoped3A = tpu.sem_alloc : memref<!tpu.dma_semaphore, #tpu.memory_space<semaphore_mem>>
      %dma_start3A_80 = arith.constant 0 : i32
      %dma_start3A_81 = tpu.memref_slice %arg15[%add3A_13, %dma_start3A_80] : memref<10112x128xf32, #tpu.memory_space<vmem_shared>> -> memref<128x128xf32, #tpu.memory_space<vmem_shared>>
      %dma_start3A_82 = arith.constant 0 : i32
      %dma_start3A_83 = tpu.memref_slice %arg15[%add3A_13, %dma_start3A_82] : memref<10112x128xf32, #tpu.memory_space<vmem_shared>> -> memref<128x128xf32, #tpu.memory_space<vmem_shared>>
      tpu.enqueue_dma source(%arg12 : memref<128x128xf32, #tpu.memory_space<vmem>>) target(%dma_start3A_83 : memref<128x128xf32, #tpu.memory_space<vmem_shared>>) target_semaphore(%run_scoped3A : memref<!tpu.dma_semaphore, #tpu.memory_space<semaphore_mem>>)
      %dma_wait3A_84 = arith.constant 0 : i32
      %dma_wait3A_85 = tpu.memref_slice %arg15[%add3A_13, %dma_wait3A_84] : memref<10112x128xf32, #tpu.memory_space<vmem_shared>> -> memref<128x128xf32, #tpu.memory_space<vmem_shared>>
      %dma_wait3A_86 = arith.constant 0 : i32
      %dma_wait3A_87 = tpu.memref_slice %arg15[%add3A_13, %dma_wait3A_86] : memref<10112x128xf32, #tpu.memory_space<vmem_shared>> -> memref<128x128xf32, #tpu.memory_space<vmem_shared>>
      tpu.wait_dma2 semaphore(%run_scoped3A : memref<!tpu.dma_semaphore, #tpu.memory_space<semaphore_mem>>) src(%arg12 : memref<128x128xf32, #tpu.memory_space<vmem>>) dst(%dma_wait3A_87 : memref<128x128xf32, #tpu.memory_space<vmem_shared>>)
      tpu.yield
    }) : () -> ()
    %mul3A_14 = arith.constant 632 : i32
    %mul3A_15 = arith.muli %arg1, %mul3A_14 : i32
    %add3A_16 = arith.constant 128 : i32
    %add3A_17 = arith.addi %mul3A_15, %add3A_16 : i32
    "tpu.region"() ({
      %run_scoped3A = tpu.sem_alloc : memref<!tpu.dma_semaphore, #tpu.memory_space<semaphore_mem>>
      %dma_start3A_80 = arith.constant 0 : i32
      %dma_start3A_81 = tpu.memref_slice %arg15[%add3A_17, %dma_start3A_80] : memref<10112x128xf32, #tpu.memory_space<vmem_shared>> -> memref<128x128xf32, #tpu.memory_space<vmem_shared>>
      %dma_start3A_82 = arith.constant 0 : i32
      %dma_start3A_83 = tpu.memref_slice %arg15[%add3A_17, %dma_start3A_82] : memref<10112x128xf32, #tpu.memory_space<vmem_shared>> -> memref<128x128xf32, #tpu.memory_space<vmem_shared>>
      tpu.enqueue_dma source(%arg12 : memref<128x128xf32, #tpu.memory_space<vmem>>) target(%dma_start3A_83 : memref<128x128xf32, #tpu.memory_space<vmem_shared>>) target_semaphore(%run_scoped3A : memref<!tpu.dma_semaphore, #tpu.memory_space<semaphore_mem>>)
      %dma_wait3A_84 = arith.constant 0 : i32
      %dma_wait3A_85 = tpu.memref_slice %arg15[%add3A_17, %dma_wait3A_84] : memref<10112x128xf32, #tpu.memory_space<vmem_shared>> -> memref<128x128xf32, #tpu.memory_space<vmem_shared>>
      %dma_wait3A_86 = arith.constant 0 : i32
      %dma_wait3A_87 = tpu.memref_slice %arg15[%add3A_17, %dma_wait3A_86] : memref<10112x128xf32, #tpu.memory_space<vmem_shared>> -> memref<128x128xf32, #tpu.memory_space<vmem_shared>>
      tpu.wait_dma2 semaphore(%run_scoped3A : memref<!tpu.dma_semaphore, #tpu.memory_space<semaphore_mem>>) src(%arg12 : memref<128x128xf32, #tpu.memory_space<vmem>>) dst(%dma_wait3A_87 : memref<128x128xf32, #tpu.memory_space<vmem_shared>>)
      tpu.yield
    }) : () -> ()
    %mul3A_18 = arith.constant 632 : i32
    %mul3A_19 = arith.muli %arg1, %mul3A_18 : i32
    %add3A_20 = arith.constant 256 : i32
    %add3A_21 = arith.addi %mul3A_19, %add3A_20 : i32
    "tpu.region"() ({
      %run_scoped3A = tpu.sem_alloc : memref<!tpu.dma_semaphore, #tpu.memory_space<semaphore_mem>>
      %dma_start3A_80 = arith.constant 0 : i32
      %dma_start3A_81 = tpu.memref_slice %arg15[%add3A_21, %dma_start3A_80] : memref<10112x128xf32, #tpu.memory_space<vmem_shared>> -> memref<128x128xf32, #tpu.memory_space<vmem_shared>>
      %dma_start3A_82 = arith.constant 0 : i32
      %dma_start3A_83 = tpu.memref_slice %arg15[%add3A_21, %dma_start3A_82] : memref<10112x128xf32, #tpu.memory_space<vmem_shared>> -> memref<128x128xf32, #tpu.memory_space<vmem_shared>>
      tpu.enqueue_dma source(%arg12 : memref<128x128xf32, #tpu.memory_space<vmem>>) target(%dma_start3A_83 : memref<128x128xf32, #tpu.memory_space<vmem_shared>>) target_semaphore(%run_scoped3A : memref<!tpu.dma_semaphore, #tpu.memory_space<semaphore_mem>>)
      %dma_wait3A_84 = arith.constant 0 : i32
      %dma_wait3A_85 = tpu.memref_slice %arg15[%add3A_21, %dma_wait3A_84] : memref<10112x128xf32, #tpu.memory_space<vmem_shared>> -> memref<128x128xf32, #tpu.memory_space<vmem_shared>>
      %dma_wait3A_86 = arith.constant 0 : i32
      %dma_wait3A_87 = tpu.memref_slice %arg15[%add3A_21, %dma_wait3A_86] : memref<10112x128xf32, #tpu.memory_space<vmem_shared>> -> memref<128x128xf32, #tpu.memory_space<vmem_shared>>
      tpu.wait_dma2 semaphore(%run_scoped3A : memref<!tpu.dma_semaphore, #tpu.memory_space<semaphore_mem>>) src(%arg12 : memref<128x128xf32, #tpu.memory_space<vmem>>) dst(%dma_wait3A_87 : memref<128x128xf32, #tpu.memory_space<vmem_shared>>)
      tpu.yield
    }) : () -> ()
    %mul3A_22 = arith.constant 632 : i32
    %mul3A_23 = arith.muli %arg1, %mul3A_22 : i32
    %add3A_24 = arith.constant 384 : i32
    %add3A_25 = arith.addi %mul3A_23, %add3A_24 : i32
    "tpu.region"() ({
      %run_scoped3A = tpu.sem_alloc : memref<!tpu.dma_semaphore, #tpu.memory_space<semaphore_mem>>
      %dma_start3A_80 = arith.constant 0 : i32
      %dma_start3A_81 = tpu.memref_slice %arg15[%add3A_25, %dma_start3A_80] : memref<10112x128xf32, #tpu.memory_space<vmem_shared>> -> memref<128x128xf32, #tpu.memory_space<vmem_shared>>
      %dma_start3A_82 = arith.constant 0 : i32
      %dma_start3A_83 = tpu.memref_slice %arg15[%add3A_25, %dma_start3A_82] : memref<10112x128xf32, #tpu.memory_space<vmem_shared>> -> memref<128x128xf32, #tpu.memory_space<vmem_shared>>
      tpu.enqueue_dma source(%arg12 : memref<128x128xf32, #tpu.memory_space<vmem>>) target(%dma_start3A_83 : memref<128x128xf32, #tpu.memory_space<vmem_shared>>) target_semaphore(%run_scoped3A : memref<!tpu.dma_semaphore, #tpu.memory_space<semaphore_mem>>)
      %dma_wait3A_84 = arith.constant 0 : i32
      %dma_wait3A_85 = tpu.memref_slice %arg15[%add3A_25, %dma_wait3A_84] : memref<10112x128xf32, #tpu.memory_space<vmem_shared>> -> memref<128x128xf32, #tpu.memory_space<vmem_shared>>
      %dma_wait3A_86 = arith.constant 0 : i32
      %dma_wait3A_87 = tpu.memref_slice %arg15[%add3A_25, %dma_wait3A_86] : memref<10112x128xf32, #tpu.memory_space<vmem_shared>> -> memref<128x128xf32, #tpu.memory_space<vmem_shared>>
      tpu.wait_dma2 semaphore(%run_scoped3A : memref<!tpu.dma_semaphore, #tpu.memory_space<semaphore_mem>>) src(%arg12 : memref<128x128xf32, #tpu.memory_space<vmem>>) dst(%dma_wait3A_87 : memref<128x128xf32, #tpu.memory_space<vmem_shared>>)
      tpu.yield
    }) : () -> ()
    %mul3A_26 = arith.constant 632 : i32
    %mul3A_27 = arith.muli %arg1, %mul3A_26 : i32
    %add3A_28 = arith.constant 512 : i32
    %add3A_29 = arith.addi %mul3A_27, %add3A_28 : i32
    "tpu.region"() ({
      %run_scoped3A = tpu.sem_alloc : memref<!tpu.dma_semaphore, #tpu.memory_space<semaphore_mem>>
      %dma_start3A_80 = arith.constant 0 : i32
      %dma_start3A_81 = arith.constant 0 : i32
      %dma_start3A_82 = tpu.memref_slice %arg12[%dma_start3A_80, %dma_start3A_81] : memref<128x128xf32, #tpu.memory_space<vmem>> -> memref<120x128xf32, #tpu.memory_space<vmem>>
      %dma_start3A_83 = arith.constant 0 : i32
      %dma_start3A_84 = tpu.memref_slice %arg15[%add3A_29, %dma_start3A_83] : memref<10112x128xf32, #tpu.memory_space<vmem_shared>> -> memref<120x128xf32, #tpu.memory_space<vmem_shared>>
      %dma_start3A_85 = arith.constant 0 : i32
      %dma_start3A_86 = tpu.memref_slice %arg15[%add3A_29, %dma_start3A_85] : memref<10112x128xf32, #tpu.memory_space<vmem_shared>> -> memref<120x128xf32, #tpu.memory_space<vmem_shared>>
      %dma_start3A_87 = arith.constant 0 : i32
      %dma_start3A_88 = arith.constant 0 : i32
      %dma_start3A_89 = tpu.memref_slice %arg12[%dma_start3A_87, %dma_start3A_88] : memref<128x128xf32, #tpu.memory_space<vmem>> -> memref<120x128xf32, #tpu.memory_space<vmem>>
      tpu.enqueue_dma source(%dma_start3A_89 : memref<120x128xf32, #tpu.memory_space<vmem>>) target(%dma_start3A_86 : memref<120x128xf32, #tpu.memory_space<vmem_shared>>) target_semaphore(%run_scoped3A : memref<!tpu.dma_semaphore, #tpu.memory_space<semaphore_mem>>)
      %dma_wait3A_90 = arith.constant 0 : i32
      %dma_wait3A_91 = arith.constant 0 : i32
      %dma_wait3A_92 = tpu.memref_slice %arg12[%dma_wait3A_90, %dma_wait3A_91] : memref<128x128xf32, #tpu.memory_space<vmem>> -> memref<120x128xf32, #tpu.memory_space<vmem>>
      %dma_wait3A_93 = arith.constant 0 : i32
      %dma_wait3A_94 = tpu.memref_slice %arg15[%add3A_29, %dma_wait3A_93] : memref<10112x128xf32, #tpu.memory_space<vmem_shared>> -> memref<120x128xf32, #tpu.memory_space<vmem_shared>>
      %dma_wait3A_95 = arith.constant 0 : i32
      %dma_wait3A_96 = tpu.memref_slice %arg15[%add3A_29, %dma_wait3A_95] : memref<10112x128xf32, #tpu.memory_space<vmem_shared>> -> memref<120x128xf32, #tpu.memory_space<vmem_shared>>
      %dma_wait3A_97 = arith.constant 0 : i32
      %dma_wait3A_98 = arith.constant 0 : i32
      %dma_wait3A_99 = tpu.memref_slice %arg12[%dma_wait3A_97, %dma_wait3A_98] : memref<128x128xf32, #tpu.memory_space<vmem>> -> memref<120x128xf32, #tpu.memory_space<vmem>>
      tpu.wait_dma2 semaphore(%run_scoped3A : memref<!tpu.dma_semaphore, #tpu.memory_space<semaphore_mem>>) src(%dma_wait3A_99 : memref<120x128xf32, #tpu.memory_space<vmem>>) dst(%dma_wait3A_96 : memref<120x128xf32, #tpu.memory_space<vmem_shared>>)
      tpu.yield
    }) : () -> ()
    %barrier3A = arith.constant 0 : index
    tpu.barrier barrier_id(%barrier3A)
    %add3A_30 = arith.constant 0 : i32
    %add3A_31 = arith.addi %mul3A_2, %add3A_30 : i32
    "tpu.region"() ({
      %run_scoped3A = tpu.sem_alloc : memref<!tpu.dma_semaphore, #tpu.memory_space<semaphore_mem>>
      %dma_start3A_80 = tpu.memref_slice %arg3[%add3A_31] : memref<656384xi32, #tpu.memory_space<hbm>> -> memref<128xi32, #tpu.memory_space<hbm>>
      %dma_start3A_81 = tpu.memref_slice %arg3[%add3A_31] : memref<656384xi32, #tpu.memory_space<hbm>> -> memref<128xi32, #tpu.memory_space<hbm>>
      tpu.enqueue_dma source(%dma_start3A_81 : memref<128xi32, #tpu.memory_space<hbm>>) target(%arg6 : memref<128xi32, #tpu.memory_space<vmem>>) target_semaphore(%run_scoped3A : memref<!tpu.dma_semaphore, #tpu.memory_space<semaphore_mem>>)
      %dma_wait3A_82 = tpu.memref_slice %arg3[%add3A_31] : memref<656384xi32, #tpu.memory_space<hbm>> -> memref<128xi32, #tpu.memory_space<hbm>>
      %dma_wait3A_83 = tpu.memref_slice %arg3[%add3A_31] : memref<656384xi32, #tpu.memory_space<hbm>> -> memref<128xi32, #tpu.memory_space<hbm>>
      tpu.wait_dma2 semaphore(%run_scoped3A : memref<!tpu.dma_semaphore, #tpu.memory_space<semaphore_mem>>) src(%dma_wait3A_83 : memref<128xi32, #tpu.memory_space<hbm>>) dst(%arg6 : memref<128xi32, #tpu.memory_space<vmem>>)
      tpu.yield
    }) : () -> ()
    "tpu.region"() ({
      %run_scoped3A = tpu.sem_alloc : memref<!tpu.dma_semaphore, #tpu.memory_space<semaphore_mem>>
      %dma_start3A_80 = tpu.memref_slice %arg4[%add3A_31] : memref<656384xi32, #tpu.memory_space<hbm>> -> memref<128xi32, #tpu.memory_space<hbm>>
      %dma_start3A_81 = tpu.memref_slice %arg4[%add3A_31] : memref<656384xi32, #tpu.memory_space<hbm>> -> memref<128xi32, #tpu.memory_space<hbm>>
      tpu.enqueue_dma source(%dma_start3A_81 : memref<128xi32, #tpu.memory_space<hbm>>) target(%arg7 : memref<128xi32, #tpu.memory_space<vmem>>) target_semaphore(%run_scoped3A : memref<!tpu.dma_semaphore, #tpu.memory_space<semaphore_mem>>)
      %dma_wait3A_82 = tpu.memref_slice %arg4[%add3A_31] : memref<656384xi32, #tpu.memory_space<hbm>> -> memref<128xi32, #tpu.memory_space<hbm>>
      %dma_wait3A_83 = tpu.memref_slice %arg4[%add3A_31] : memref<656384xi32, #tpu.memory_space<hbm>> -> memref<128xi32, #tpu.memory_space<hbm>>
      tpu.wait_dma2 semaphore(%run_scoped3A : memref<!tpu.dma_semaphore, #tpu.memory_space<semaphore_mem>>) src(%dma_wait3A_83 : memref<128xi32, #tpu.memory_space<hbm>>) dst(%arg7 : memref<128xi32, #tpu.memory_space<vmem>>)
      tpu.yield
    }) : () -> ()
    %dma_start3A = arith.constant 0 : i32
    %dma_start3A_32 = arith.constant 0 : i32
    %dma_start3A_33 = tpu.memref_slice %arg2[%dma_start3A, %dma_start3A_32] : memref<10000x128xf32, #tpu.memory_space<hbm>> -> memref<10000x128xf32, #tpu.memory_space<hbm>>
    tpu.enqueue_indirect_dma source(%dma_start3A_33 : memref<10000x128xf32, #tpu.memory_space<hbm>>) target(%arg12 : memref<128x128xf32, #tpu.memory_space<vmem>>) offsets(%arg6 : memref<128xi32, #tpu.memory_space<vmem>>) semaphore(%arg16 : memref<!tpu.dma_semaphore, #tpu.memory_space<semaphore_mem>>)
    %add3A_34 = arith.constant 128 : i32
    %add3A_35 = arith.addi %mul3A_2, %add3A_34 : i32
    "tpu.region"() ({
      %run_scoped3A = tpu.sem_alloc : memref<!tpu.dma_semaphore, #tpu.memory_space<semaphore_mem>>
      %dma_start3A_80 = tpu.memref_slice %arg3[%add3A_35] : memref<656384xi32, #tpu.memory_space<hbm>> -> memref<128xi32, #tpu.memory_space<hbm>>
      %dma_start3A_81 = tpu.memref_slice %arg3[%add3A_35] : memref<656384xi32, #tpu.memory_space<hbm>> -> memref<128xi32, #tpu.memory_space<hbm>>
      tpu.enqueue_dma source(%dma_start3A_81 : memref<128xi32, #tpu.memory_space<hbm>>) target(%arg8 : memref<128xi32, #tpu.memory_space<vmem>>) target_semaphore(%run_scoped3A : memref<!tpu.dma_semaphore, #tpu.memory_space<semaphore_mem>>)
      %dma_wait3A_82 = tpu.memref_slice %arg3[%add3A_35] : memref<656384xi32, #tpu.memory_space<hbm>> -> memref<128xi32, #tpu.memory_space<hbm>>
      %dma_wait3A_83 = tpu.memref_slice %arg3[%add3A_35] : memref<656384xi32, #tpu.memory_space<hbm>> -> memref<128xi32, #tpu.memory_space<hbm>>
      tpu.wait_dma2 semaphore(%run_scoped3A : memref<!tpu.dma_semaphore, #tpu.memory_space<semaphore_mem>>) src(%dma_wait3A_83 : memref<128xi32, #tpu.memory_space<hbm>>) dst(%arg8 : memref<128xi32, #tpu.memory_space<vmem>>)
      tpu.yield
    }) : () -> ()
    "tpu.region"() ({
      %run_scoped3A = tpu.sem_alloc : memref<!tpu.dma_semaphore, #tpu.memory_space<semaphore_mem>>
      %dma_start3A_80 = tpu.memref_slice %arg4[%add3A_35] : memref<656384xi32, #tpu.memory_space<hbm>> -> memref<128xi32, #tpu.memory_space<hbm>>
      %dma_start3A_81 = tpu.memref_slice %arg4[%add3A_35] : memref<656384xi32, #tpu.memory_space<hbm>> -> memref<128xi32, #tpu.memory_space<hbm>>
      tpu.enqueue_dma source(%dma_start3A_81 : memref<128xi32, #tpu.memory_space<hbm>>) target(%arg9 : memref<128xi32, #tpu.memory_space<vmem>>) target_semaphore(%run_scoped3A : memref<!tpu.dma_semaphore, #tpu.memory_space<semaphore_mem>>)
      %dma_wait3A_82 = tpu.memref_slice %arg4[%add3A_35] : memref<656384xi32, #tpu.memory_space<hbm>> -> memref<128xi32, #tpu.memory_space<hbm>>
      %dma_wait3A_83 = tpu.memref_slice %arg4[%add3A_35] : memref<656384xi32, #tpu.memory_space<hbm>> -> memref<128xi32, #tpu.memory_space<hbm>>
      tpu.wait_dma2 semaphore(%run_scoped3A : memref<!tpu.dma_semaphore, #tpu.memory_space<semaphore_mem>>) src(%dma_wait3A_83 : memref<128xi32, #tpu.memory_space<hbm>>) dst(%arg9 : memref<128xi32, #tpu.memory_space<vmem>>)
      tpu.yield
    }) : () -> ()
    %dma_start3A_36 = arith.constant 0 : i32
    %dma_start3A_37 = arith.constant 0 : i32
    %dma_start3A_38 = tpu.memref_slice %arg2[%dma_start3A_36, %dma_start3A_37] : memref<10000x128xf32, #tpu.memory_space<hbm>> -> memref<10000x128xf32, #tpu.memory_space<hbm>>
    tpu.enqueue_indirect_dma source(%dma_start3A_38 : memref<10000x128xf32, #tpu.memory_space<hbm>>) target(%arg13 : memref<128x128xf32, #tpu.memory_space<vmem>>) offsets(%arg8 : memref<128xi32, #tpu.memory_space<vmem>>) semaphore(%arg17 : memref<!tpu.dma_semaphore, #tpu.memory_space<semaphore_mem>>)
    %add3A_39 = arith.constant 256 : i32
    %add3A_40 = arith.addi %mul3A_2, %add3A_39 : i32
    "tpu.region"() ({
      %run_scoped3A = tpu.sem_alloc : memref<!tpu.dma_semaphore, #tpu.memory_space<semaphore_mem>>
      %dma_start3A_80 = tpu.memref_slice %arg3[%add3A_40] : memref<656384xi32, #tpu.memory_space<hbm>> -> memref<128xi32, #tpu.memory_space<hbm>>
      %dma_start3A_81 = tpu.memref_slice %arg3[%add3A_40] : memref<656384xi32, #tpu.memory_space<hbm>> -> memref<128xi32, #tpu.memory_space<hbm>>
      tpu.enqueue_dma source(%dma_start3A_81 : memref<128xi32, #tpu.memory_space<hbm>>) target(%arg10 : memref<128xi32, #tpu.memory_space<vmem>>) target_semaphore(%run_scoped3A : memref<!tpu.dma_semaphore, #tpu.memory_space<semaphore_mem>>)
      %dma_wait3A_82 = tpu.memref_slice %arg3[%add3A_40] : memref<656384xi32, #tpu.memory_space<hbm>> -> memref<128xi32, #tpu.memory_space<hbm>>
      %dma_wait3A_83 = tpu.memref_slice %arg3[%add3A_40] : memref<656384xi32, #tpu.memory_space<hbm>> -> memref<128xi32, #tpu.memory_space<hbm>>
      tpu.wait_dma2 semaphore(%run_scoped3A : memref<!tpu.dma_semaphore, #tpu.memory_space<semaphore_mem>>) src(%dma_wait3A_83 : memref<128xi32, #tpu.memory_space<hbm>>) dst(%arg10 : memref<128xi32, #tpu.memory_space<vmem>>)
      tpu.yield
    }) : () -> ()
    "tpu.region"() ({
      %run_scoped3A = tpu.sem_alloc : memref<!tpu.dma_semaphore, #tpu.memory_space<semaphore_mem>>
      %dma_start3A_80 = tpu.memref_slice %arg4[%add3A_40] : memref<656384xi32, #tpu.memory_space<hbm>> -> memref<128xi32, #tpu.memory_space<hbm>>
      %dma_start3A_81 = tpu.memref_slice %arg4[%add3A_40] : memref<656384xi32, #tpu.memory_space<hbm>> -> memref<128xi32, #tpu.memory_space<hbm>>
      tpu.enqueue_dma source(%dma_start3A_81 : memref<128xi32, #tpu.memory_space<hbm>>) target(%arg11 : memref<128xi32, #tpu.memory_space<vmem>>) target_semaphore(%run_scoped3A : memref<!tpu.dma_semaphore, #tpu.memory_space<semaphore_mem>>)
      %dma_wait3A_82 = tpu.memref_slice %arg4[%add3A_40] : memref<656384xi32, #tpu.memory_space<hbm>> -> memref<128xi32, #tpu.memory_space<hbm>>
      %dma_wait3A_83 = tpu.memref_slice %arg4[%add3A_40] : memref<656384xi32, #tpu.memory_space<hbm>> -> memref<128xi32, #tpu.memory_space<hbm>>
      tpu.wait_dma2 semaphore(%run_scoped3A : memref<!tpu.dma_semaphore, #tpu.memory_space<semaphore_mem>>) src(%dma_wait3A_83 : memref<128xi32, #tpu.memory_space<hbm>>) dst(%arg11 : memref<128xi32, #tpu.memory_space<vmem>>)
      tpu.yield
    }) : () -> ()
    %dma_start3A_41 = arith.constant 0 : i32
    %dma_start3A_42 = arith.constant 0 : i32
    %dma_start3A_43 = tpu.memref_slice %arg2[%dma_start3A_41, %dma_start3A_42] : memref<10000x128xf32, #tpu.memory_space<hbm>> -> memref<10000x128xf32, #tpu.memory_space<hbm>>
    tpu.enqueue_indirect_dma source(%dma_start3A_43 : memref<10000x128xf32, #tpu.memory_space<hbm>>) target(%arg14 : memref<128x128xf32, #tpu.memory_space<vmem>>) offsets(%arg10 : memref<128xi32, #tpu.memory_space<vmem>>) semaphore(%arg18 : memref<!tpu.dma_semaphore, #tpu.memory_space<semaphore_mem>>)
    %scan3A_44 = arith.constant 0 : i32
    %scan3A_45 = arith.constant 0 : i32
    %scan3A_46 = arith.constant 53 : i32
    %scan3A_47 = arith.addi %scan3A_45, %scan3A_46 : i32
    %scan3A_48 = arith.constant 1 : i32
    %scan3A_49 = scf.for %scan3A_80 = %scan3A_45 to %scan3A_47 step %scan3A_48 iter_args(%scan3A_81 = %scan3A_44) -> (i32)  : i32 {
      %mul3A_82 = arith.constant 3 : i32
      %mul3A_83 = arith.muli %scan3A_80, %mul3A_82 : i32
      %add3A_84 = arith.constant 0 : i32
      %add3A_85 = arith.addi %mul3A_83, %add3A_84 : i32
      %dma_wait3A_86 = arith.constant 0 : i32
      %dma_wait3A_87 = arith.constant 0 : i32
      %dma_wait3A_88 = tpu.memref_slice %arg2[%dma_wait3A_86, %dma_wait3A_87] : memref<10000x128xf32, #tpu.memory_space<hbm>> -> memref<10000x128xf32, #tpu.memory_space<hbm>>
      tpu.wait_indirect_dma semaphore(%arg16 : memref<!tpu.dma_semaphore, #tpu.memory_space<semaphore_mem>>) src(%dma_wait3A_88 : memref<10000x128xf32, #tpu.memory_space<hbm>>) dst(%arg12 : memref<128x128xf32, #tpu.memory_space<vmem>>)
      "tpu.region"() ({
        %run_scoped3A = tpu.sem_alloc : memref<!tpu.dma_semaphore, #tpu.memory_space<semaphore_mem>>
        %dma_start3A_124 = arith.constant 0 : i32
        %dma_start3A_125 = arith.constant 0 : i32
        %dma_start3A_126 = tpu.memref_slice %arg15[%dma_start3A_124, %dma_start3A_125] : memref<10112x128xf32, #tpu.memory_space<vmem_shared>> -> memref<10112x128xf32, #tpu.memory_space<vmem_shared>>
        tpu.enqueue_indirect_dma source(%arg12 : memref<128x128xf32, #tpu.memory_space<vmem>>) target(%dma_start3A_126 : memref<10112x128xf32, #tpu.memory_space<vmem_shared>>) offsets(%arg7 : memref<128xi32, #tpu.memory_space<vmem>>) semaphore(%run_scoped3A : memref<!tpu.dma_semaphore, #tpu.memory_space<semaphore_mem>>) {add = true}
        %dma_wait3A_127 = arith.constant 0 : i32
        %dma_wait3A_128 = arith.constant 0 : i32
        %dma_wait3A_129 = tpu.memref_slice %arg15[%dma_wait3A_127, %dma_wait3A_128] : memref<10112x128xf32, #tpu.memory_space<vmem_shared>> -> memref<10112x128xf32, #tpu.memory_space<vmem_shared>>
        tpu.wait_indirect_dma semaphore(%run_scoped3A : memref<!tpu.dma_semaphore, #tpu.memory_space<semaphore_mem>>) src(%arg12 : memref<128x128xf32, #tpu.memory_space<vmem>>) dst(%dma_wait3A_129 : memref<10112x128xf32, #tpu.memory_space<vmem_shared>>)
        tpu.yield
      }) : () -> ()
      %add3A_89 = arith.constant 3 : i32
      %add3A_90 = arith.addi %add3A_85, %add3A_89 : i32
      %mul3A_91 = arith.constant 128 : i32
      %mul3A_92 = arith.muli %add3A_90, %mul3A_91 : i32
      %add3A_93 = arith.addi %mul3A_2, %mul3A_92 : i32
      "tpu.region"() ({
        %run_scoped3A = tpu.sem_alloc : memref<!tpu.dma_semaphore, #tpu.memory_space<semaphore_mem>>
        %dma_start3A_124 = tpu.memref_slice %arg3[%add3A_93] : memref<656384xi32, #tpu.memory_space<hbm>> -> memref<128xi32, #tpu.memory_space<hbm>>
        %dma_start3A_125 = tpu.memref_slice %arg3[%add3A_93] : memref<656384xi32, #tpu.memory_space<hbm>> -> memref<128xi32, #tpu.memory_space<hbm>>
        tpu.enqueue_dma source(%dma_start3A_125 : memref<128xi32, #tpu.memory_space<hbm>>) target(%arg6 : memref<128xi32, #tpu.memory_space<vmem>>) target_semaphore(%run_scoped3A : memref<!tpu.dma_semaphore, #tpu.memory_space<semaphore_mem>>)
        %dma_wait3A_126 = tpu.memref_slice %arg3[%add3A_93] : memref<656384xi32, #tpu.memory_space<hbm>> -> memref<128xi32, #tpu.memory_space<hbm>>
        %dma_wait3A_127 = tpu.memref_slice %arg3[%add3A_93] : memref<656384xi32, #tpu.memory_space<hbm>> -> memref<128xi32, #tpu.memory_space<hbm>>
        tpu.wait_dma2 semaphore(%run_scoped3A : memref<!tpu.dma_semaphore, #tpu.memory_space<semaphore_mem>>) src(%dma_wait3A_127 : memref<128xi32, #tpu.memory_space<hbm>>) dst(%arg6 : memref<128xi32, #tpu.memory_space<vmem>>)
        tpu.yield
      }) : () -> ()
      "tpu.region"() ({
        %run_scoped3A = tpu.sem_alloc : memref<!tpu.dma_semaphore, #tpu.memory_space<semaphore_mem>>
        %dma_start3A_124 = tpu.memref_slice %arg4[%add3A_93] : memref<656384xi32, #tpu.memory_space<hbm>> -> memref<128xi32, #tpu.memory_space<hbm>>
        %dma_start3A_125 = tpu.memref_slice %arg4[%add3A_93] : memref<656384xi32, #tpu.memory_space<hbm>> -> memref<128xi32, #tpu.memory_space<hbm>>
        tpu.enqueue_dma source(%dma_start3A_125 : memref<128xi32, #tpu.memory_space<hbm>>) target(%arg7 : memref<128xi32, #tpu.memory_space<vmem>>) target_semaphore(%run_scoped3A : memref<!tpu.dma_semaphore, #tpu.memory_space<semaphore_mem>>)
        %dma_wait3A_126 = tpu.memref_slice %arg4[%add3A_93] : memref<656384xi32, #tpu.memory_space<hbm>> -> memref<128xi32, #tpu.memory_space<hbm>>
        %dma_wait3A_127 = tpu.memref_slice %arg4[%add3A_93] : memref<656384xi32, #tpu.memory_space<hbm>> -> memref<128xi32, #tpu.memory_space<hbm>>
        tpu.wait_dma2 semaphore(%run_scoped3A : memref<!tpu.dma_semaphore, #tpu.memory_space<semaphore_mem>>) src(%dma_wait3A_127 : memref<128xi32, #tpu.memory_space<hbm>>) dst(%arg7 : memref<128xi32, #tpu.memory_space<vmem>>)
        tpu.yield
      }) : () -> ()
      %dma_start3A_94 = arith.constant 0 : i32
      %dma_start3A_95 = arith.constant 0 : i32
      %dma_start3A_96 = tpu.memref_slice %arg2[%dma_start3A_94, %dma_start3A_95] : memref<10000x128xf32, #tpu.memory_space<hbm>> -> memref<10000x128xf32, #tpu.memory_space<hbm>>
      tpu.enqueue_indirect_dma source(%dma_start3A_96 : memref<10000x128xf32, #tpu.memory_space<hbm>>) target(%arg12 : memref<128x128xf32, #tpu.memory_space<vmem>>) offsets(%arg6 : memref<128xi32, #tpu.memory_space<vmem>>) semaphore(%arg16 : memref<!tpu.dma_semaphore, #tpu.memory_space<semaphore_mem>>)
      %add3A_97 = arith.constant 1 : i32
      %add3A_98 = arith.addi %mul3A_83, %add3A_97 : i32
      %dma_wait3A_99 = arith.constant 0 : i32
      %dma_wait3A_100 = arith.constant 0 : i32
      %dma_wait3A_101 = tpu.memref_slice %arg2[%dma_wait3A_99, %dma_wait3A_100] : memref<10000x128xf32, #tpu.memory_space<hbm>> -> memref<10000x128xf32, #tpu.memory_space<hbm>>
      tpu.wait_indirect_dma semaphore(%arg17 : memref<!tpu.dma_semaphore, #tpu.memory_space<semaphore_mem>>) src(%dma_wait3A_101 : memref<10000x128xf32, #tpu.memory_space<hbm>>) dst(%arg13 : memref<128x128xf32, #tpu.memory_space<vmem>>)
      "tpu.region"() ({
        %run_scoped3A = tpu.sem_alloc : memref<!tpu.dma_semaphore, #tpu.memory_space<semaphore_mem>>
        %dma_start3A_124 = arith.constant 0 : i32
        %dma_start3A_125 = arith.constant 0 : i32
        %dma_start3A_126 = tpu.memref_slice %arg15[%dma_start3A_124, %dma_start3A_125] : memref<10112x128xf32, #tpu.memory_space<vmem_shared>> -> memref<10112x128xf32, #tpu.memory_space<vmem_shared>>
        tpu.enqueue_indirect_dma source(%arg13 : memref<128x128xf32, #tpu.memory_space<vmem>>) target(%dma_start3A_126 : memref<10112x128xf32, #tpu.memory_space<vmem_shared>>) offsets(%arg9 : memref<128xi32, #tpu.memory_space<vmem>>) semaphore(%run_scoped3A : memref<!tpu.dma_semaphore, #tpu.memory_space<semaphore_mem>>) {add = true}
        %dma_wait3A_127 = arith.constant 0 : i32
        %dma_wait3A_128 = arith.constant 0 : i32
        %dma_wait3A_129 = tpu.memref_slice %arg15[%dma_wait3A_127, %dma_wait3A_128] : memref<10112x128xf32, #tpu.memory_space<vmem_shared>> -> memref<10112x128xf32, #tpu.memory_space<vmem_shared>>
        tpu.wait_indirect_dma semaphore(%run_scoped3A : memref<!tpu.dma_semaphore, #tpu.memory_space<semaphore_mem>>) src(%arg13 : memref<128x128xf32, #tpu.memory_space<vmem>>) dst(%dma_wait3A_129 : memref<10112x128xf32, #tpu.memory_space<vmem_shared>>)
        tpu.yield
      }) : () -> ()
      %add3A_102 = arith.constant 3 : i32
      %add3A_103 = arith.addi %add3A_98, %add3A_102 : i32
      %mul3A_104 = arith.constant 128 : i32
      %mul3A_105 = arith.muli %add3A_103, %mul3A_104 : i32
      %add3A_106 = arith.addi %mul3A_2, %mul3A_105 : i32
      "tpu.region"() ({
        %run_scoped3A = tpu.sem_alloc : memref<!tpu.dma_semaphore, #tpu.memory_space<semaphore_mem>>
        %dma_start3A_124 = tpu.memref_slice %arg3[%add3A_106] : memref<656384xi32, #tpu.memory_space<hbm>> -> memref<128xi32, #tpu.memory_space<hbm>>
        %dma_start3A_125 = tpu.memref_slice %arg3[%add3A_106] : memref<656384xi32, #tpu.memory_space<hbm>> -> memref<128xi32, #tpu.memory_space<hbm>>
        tpu.enqueue_dma source(%dma_start3A_125 : memref<128xi32, #tpu.memory_space<hbm>>) target(%arg8 : memref<128xi32, #tpu.memory_space<vmem>>) target_semaphore(%run_scoped3A : memref<!tpu.dma_semaphore, #tpu.memory_space<semaphore_mem>>)
        %dma_wait3A_126 = tpu.memref_slice %arg3[%add3A_106] : memref<656384xi32, #tpu.memory_space<hbm>> -> memref<128xi32, #tpu.memory_space<hbm>>
        %dma_wait3A_127 = tpu.memref_slice %arg3[%add3A_106] : memref<656384xi32, #tpu.memory_space<hbm>> -> memref<128xi32, #tpu.memory_space<hbm>>
        tpu.wait_dma2 semaphore(%run_scoped3A : memref<!tpu.dma_semaphore, #tpu.memory_space<semaphore_mem>>) src(%dma_wait3A_127 : memref<128xi32, #tpu.memory_space<hbm>>) dst(%arg8 : memref<128xi32, #tpu.memory_space<vmem>>)
        tpu.yield
      }) : () -> ()
      "tpu.region"() ({
        %run_scoped3A = tpu.sem_alloc : memref<!tpu.dma_semaphore, #tpu.memory_space<semaphore_mem>>
        %dma_start3A_124 = tpu.memref_slice %arg4[%add3A_106] : memref<656384xi32, #tpu.memory_space<hbm>> -> memref<128xi32, #tpu.memory_space<hbm>>
        %dma_start3A_125 = tpu.memref_slice %arg4[%add3A_106] : memref<656384xi32, #tpu.memory_space<hbm>> -> memref<128xi32, #tpu.memory_space<hbm>>
        tpu.enqueue_dma source(%dma_start3A_125 : memref<128xi32, #tpu.memory_space<hbm>>) target(%arg9 : memref<128xi32, #tpu.memory_space<vmem>>) target_semaphore(%run_scoped3A : memref<!tpu.dma_semaphore, #tpu.memory_space<semaphore_mem>>)
        %dma_wait3A_126 = tpu.memref_slice %arg4[%add3A_106] : memref<656384xi32, #tpu.memory_space<hbm>> -> memref<128xi32, #tpu.memory_space<hbm>>
        %dma_wait3A_127 = tpu.memref_slice %arg4[%add3A_106] : memref<656384xi32, #tpu.memory_space<hbm>> -> memref<128xi32, #tpu.memory_space<hbm>>
        tpu.wait_dma2 semaphore(%run_scoped3A : memref<!tpu.dma_semaphore, #tpu.memory_space<semaphore_mem>>) src(%dma_wait3A_127 : memref<128xi32, #tpu.memory_space<hbm>>) dst(%arg9 : memref<128xi32, #tpu.memory_space<vmem>>)
        tpu.yield
      }) : () -> ()
      %dma_start3A_107 = arith.constant 0 : i32
      %dma_start3A_108 = arith.constant 0 : i32
      %dma_start3A_109 = tpu.memref_slice %arg2[%dma_start3A_107, %dma_start3A_108] : memref<10000x128xf32, #tpu.memory_space<hbm>> -> memref<10000x128xf32, #tpu.memory_space<hbm>>
      tpu.enqueue_indirect_dma source(%dma_start3A_109 : memref<10000x128xf32, #tpu.memory_space<hbm>>) target(%arg13 : memref<128x128xf32, #tpu.memory_space<vmem>>) offsets(%arg8 : memref<128xi32, #tpu.memory_space<vmem>>) semaphore(%arg17 : memref<!tpu.dma_semaphore, #tpu.memory_space<semaphore_mem>>)
      %add3A_110 = arith.constant 2 : i32
      %add3A_111 = arith.addi %mul3A_83, %add3A_110 : i32
      %dma_wait3A_112 = arith.constant 0 : i32
      %dma_wait3A_113 = arith.constant 0 : i32
      %dma_wait3A_114 = tpu.memref_slice %arg2[%dma_wait3A_112, %dma_wait3A_113] : memref<10000x128xf32, #tpu.memory_space<hbm>> -> memref<10000x128xf32, #tpu.memory_space<hbm>>
      tpu.wait_indirect_dma semaphore(%arg18 : memref<!tpu.dma_semaphore, #tpu.memory_space<semaphore_mem>>) src(%dma_wait3A_114 : memref<10000x128xf32, #tpu.memory_space<hbm>>) dst(%arg14 : memref<128x128xf32, #tpu.memory_space<vmem>>)
      "tpu.region"() ({
        %run_scoped3A = tpu.sem_alloc : memref<!tpu.dma_semaphore, #tpu.memory_space<semaphore_mem>>
        %dma_start3A_124 = arith.constant 0 : i32
        %dma_start3A_125 = arith.constant 0 : i32
        %dma_start3A_126 = tpu.memref_slice %arg15[%dma_start3A_124, %dma_start3A_125] : memref<10112x128xf32, #tpu.memory_space<vmem_shared>> -> memref<10112x128xf32, #tpu.memory_space<vmem_shared>>
        tpu.enqueue_indirect_dma source(%arg14 : memref<128x128xf32, #tpu.memory_space<vmem>>) target(%dma_start3A_126 : memref<10112x128xf32, #tpu.memory_space<vmem_shared>>) offsets(%arg11 : memref<128xi32, #tpu.memory_space<vmem>>) semaphore(%run_scoped3A : memref<!tpu.dma_semaphore, #tpu.memory_space<semaphore_mem>>) {add = true}
        %dma_wait3A_127 = arith.constant 0 : i32
        %dma_wait3A_128 = arith.constant 0 : i32
        %dma_wait3A_129 = tpu.memref_slice %arg15[%dma_wait3A_127, %dma_wait3A_128] : memref<10112x128xf32, #tpu.memory_space<vmem_shared>> -> memref<10112x128xf32, #tpu.memory_space<vmem_shared>>
        tpu.wait_indirect_dma semaphore(%run_scoped3A : memref<!tpu.dma_semaphore, #tpu.memory_space<semaphore_mem>>) src(%arg14 : memref<128x128xf32, #tpu.memory_space<vmem>>) dst(%dma_wait3A_129 : memref<10112x128xf32, #tpu.memory_space<vmem_shared>>)
        tpu.yield
      }) : () -> ()
      %add3A_115 = arith.constant 3 : i32
      %add3A_116 = arith.addi %add3A_111, %add3A_115 : i32
      %mul3A_117 = arith.constant 128 : i32
      %mul3A_118 = arith.muli %add3A_116, %mul3A_117 : i32
      %add3A_119 = arith.addi %mul3A_2, %mul3A_118 : i32
      "tpu.region"() ({
        %run_scoped3A = tpu.sem_alloc : memref<!tpu.dma_semaphore, #tpu.memory_space<semaphore_mem>>
        %dma_start3A_124 = tpu.memref_slice %arg3[%add3A_119] : memref<656384xi32, #tpu.memory_space<hbm>> -> memref<128xi32, #tpu.memory_space<hbm>>
        %dma_start3A_125 = tpu.memref_slice %arg3[%add3A_119] : memref<656384xi32, #tpu.memory_space<hbm>> -> memref<128xi32, #tpu.memory_space<hbm>>
        tpu.enqueue_dma source(%dma_start3A_125 : memref<128xi32, #tpu.memory_space<hbm>>) target(%arg10 : memref<128xi32, #tpu.memory_space<vmem>>) target_semaphore(%run_scoped3A : memref<!tpu.dma_semaphore, #tpu.memory_space<semaphore_mem>>)
        %dma_wait3A_126 = tpu.memref_slice %arg3[%add3A_119] : memref<656384xi32, #tpu.memory_space<hbm>> -> memref<128xi32, #tpu.memory_space<hbm>>
        %dma_wait3A_127 = tpu.memref_slice %arg3[%add3A_119] : memref<656384xi32, #tpu.memory_space<hbm>> -> memref<128xi32, #tpu.memory_space<hbm>>
        tpu.wait_dma2 semaphore(%run_scoped3A : memref<!tpu.dma_semaphore, #tpu.memory_space<semaphore_mem>>) src(%dma_wait3A_127 : memref<128xi32, #tpu.memory_space<hbm>>) dst(%arg10 : memref<128xi32, #tpu.memory_space<vmem>>)
        tpu.yield
      }) : () -> ()
      "tpu.region"() ({
        %run_scoped3A = tpu.sem_alloc : memref<!tpu.dma_semaphore, #tpu.memory_space<semaphore_mem>>
        %dma_start3A_124 = tpu.memref_slice %arg4[%add3A_119] : memref<656384xi32, #tpu.memory_space<hbm>> -> memref<128xi32, #tpu.memory_space<hbm>>
        %dma_start3A_125 = tpu.memref_slice %arg4[%add3A_119] : memref<656384xi32, #tpu.memory_space<hbm>> -> memref<128xi32, #tpu.memory_space<hbm>>
        tpu.enqueue_dma source(%dma_start3A_125 : memref<128xi32, #tpu.memory_space<hbm>>) target(%arg11 : memref<128xi32, #tpu.memory_space<vmem>>) target_semaphore(%run_scoped3A : memref<!tpu.dma_semaphore, #tpu.memory_space<semaphore_mem>>)
        %dma_wait3A_126 = tpu.memref_slice %arg4[%add3A_119] : memref<656384xi32, #tpu.memory_space<hbm>> -> memref<128xi32, #tpu.memory_space<hbm>>
        %dma_wait3A_127 = tpu.memref_slice %arg4[%add3A_119] : memref<656384xi32, #tpu.memory_space<hbm>> -> memref<128xi32, #tpu.memory_space<hbm>>
        tpu.wait_dma2 semaphore(%run_scoped3A : memref<!tpu.dma_semaphore, #tpu.memory_space<semaphore_mem>>) src(%dma_wait3A_127 : memref<128xi32, #tpu.memory_space<hbm>>) dst(%arg11 : memref<128xi32, #tpu.memory_space<vmem>>)
        tpu.yield
      }) : () -> ()
      %dma_start3A_120 = arith.constant 0 : i32
      %dma_start3A_121 = arith.constant 0 : i32
      %dma_start3A_122 = tpu.memref_slice %arg2[%dma_start3A_120, %dma_start3A_121] : memref<10000x128xf32, #tpu.memory_space<hbm>> -> memref<10000x128xf32, #tpu.memory_space<hbm>>
      tpu.enqueue_indirect_dma source(%dma_start3A_122 : memref<10000x128xf32, #tpu.memory_space<hbm>>) target(%arg14 : memref<128x128xf32, #tpu.memory_space<vmem>>) offsets(%arg10 : memref<128xi32, #tpu.memory_space<vmem>>) semaphore(%arg18 : memref<!tpu.dma_semaphore, #tpu.memory_space<semaphore_mem>>)
      %scan3A_123 = arith.constant 0 : i32
      scf.yield %scan3A_123 : i32
    }
    %scan3A_50 = arith.constant 53 : i32
    %dma_wait3A = arith.constant 0 : i32
    %dma_wait3A_51 = arith.constant 0 : i32
    %dma_wait3A_52 = tpu.memref_slice %arg2[%dma_wait3A, %dma_wait3A_51] : memref<10000x128xf32, #tpu.memory_space<hbm>> -> memref<10000x128xf32, #tpu.memory_space<hbm>>
    tpu.wait_indirect_dma semaphore(%arg16 : memref<!tpu.dma_semaphore, #tpu.memory_space<semaphore_mem>>) src(%dma_wait3A_52 : memref<10000x128xf32, #tpu.memory_space<hbm>>) dst(%arg12 : memref<128x128xf32, #tpu.memory_space<vmem>>)
    "tpu.region"() ({
      %run_scoped3A = tpu.sem_alloc : memref<!tpu.dma_semaphore, #tpu.memory_space<semaphore_mem>>
      %dma_start3A_80 = arith.constant 0 : i32
      %dma_start3A_81 = arith.constant 0 : i32
      %dma_start3A_82 = tpu.memref_slice %arg15[%dma_start3A_80, %dma_start3A_81] : memref<10112x128xf32, #tpu.memory_space<vmem_shared>> -> memref<10112x128xf32, #tpu.memory_space<vmem_shared>>
      tpu.enqueue_indirect_dma source(%arg12 : memref<128x128xf32, #tpu.memory_space<vmem>>) target(%dma_start3A_82 : memref<10112x128xf32, #tpu.memory_space<vmem_shared>>) offsets(%arg7 : memref<128xi32, #tpu.memory_space<vmem>>) semaphore(%run_scoped3A : memref<!tpu.dma_semaphore, #tpu.memory_space<semaphore_mem>>) {add = true}
      %dma_wait3A_83 = arith.constant 0 : i32
      %dma_wait3A_84 = arith.constant 0 : i32
      %dma_wait3A_85 = tpu.memref_slice %arg15[%dma_wait3A_83, %dma_wait3A_84] : memref<10112x128xf32, #tpu.memory_space<vmem_shared>> -> memref<10112x128xf32, #tpu.memory_space<vmem_shared>>
      tpu.wait_indirect_dma semaphore(%run_scoped3A : memref<!tpu.dma_semaphore, #tpu.memory_space<semaphore_mem>>) src(%arg12 : memref<128x128xf32, #tpu.memory_space<vmem>>) dst(%dma_wait3A_85 : memref<10112x128xf32, #tpu.memory_space<vmem_shared>>)
      tpu.yield
    }) : () -> ()
    %dma_wait3A_53 = arith.constant 0 : i32
    %dma_wait3A_54 = arith.constant 0 : i32
    %dma_wait3A_55 = tpu.memref_slice %arg2[%dma_wait3A_53, %dma_wait3A_54] : memref<10000x128xf32, #tpu.memory_space<hbm>> -> memref<10000x128xf32, #tpu.memory_space<hbm>>
    tpu.wait_indirect_dma semaphore(%arg17 : memref<!tpu.dma_semaphore, #tpu.memory_space<semaphore_mem>>) src(%dma_wait3A_55 : memref<10000x128xf32, #tpu.memory_space<hbm>>) dst(%arg13 : memref<128x128xf32, #tpu.memory_space<vmem>>)
    %dma_wait3A_56 = arith.constant 0 : i32
    %dma_wait3A_57 = arith.constant 0 : i32
    %dma_wait3A_58 = tpu.memref_slice %arg2[%dma_wait3A_56, %dma_wait3A_57] : memref<10000x128xf32, #tpu.memory_space<hbm>> -> memref<10000x128xf32, #tpu.memory_space<hbm>>
    tpu.wait_indirect_dma semaphore(%arg18 : memref<!tpu.dma_semaphore, #tpu.memory_space<semaphore_mem>>) src(%dma_wait3A_58 : memref<10000x128xf32, #tpu.memory_space<hbm>>) dst(%arg14 : memref<128x128xf32, #tpu.memory_space<vmem>>)
    %barrier3A_59 = arith.constant 0 : index
    tpu.barrier barrier_id(%barrier3A_59)
    %mul3A_60 = arith.constant 624 : i32
    %mul3A_61 = arith.muli %arg1, %mul3A_60 : i32
    %add3A_62 = arith.constant 0 : i32
    %add3A_63 = arith.addi %mul3A_61, %add3A_62 : i32
    "tpu.region"() ({
      %run_scoped3A = tpu.sem_alloc : memref<!tpu.dma_semaphore, #tpu.memory_space<semaphore_mem>>
      %dma_start3A_80 = arith.constant 0 : i32
      %dma_start3A_81 = tpu.memref_slice %arg15[%add3A_63, %dma_start3A_80] : memref<10112x128xf32, #tpu.memory_space<vmem_shared>> -> memref<128x128xf32, #tpu.memory_space<vmem_shared>>
      %dma_start3A_82 = arith.constant 0 : i32
      %dma_start3A_83 = tpu.memref_slice %arg15[%add3A_63, %dma_start3A_82] : memref<10112x128xf32, #tpu.memory_space<vmem_shared>> -> memref<128x128xf32, #tpu.memory_space<vmem_shared>>
      tpu.enqueue_dma source(%dma_start3A_83 : memref<128x128xf32, #tpu.memory_space<vmem_shared>>) target(%arg12 : memref<128x128xf32, #tpu.memory_space<vmem>>) target_semaphore(%run_scoped3A : memref<!tpu.dma_semaphore, #tpu.memory_space<semaphore_mem>>)
      %dma_wait3A_84 = arith.constant 0 : i32
      %dma_wait3A_85 = tpu.memref_slice %arg15[%add3A_63, %dma_wait3A_84] : memref<10112x128xf32, #tpu.memory_space<vmem_shared>> -> memref<128x128xf32, #tpu.memory_space<vmem_shared>>
      %dma_wait3A_86 = arith.constant 0 : i32
      %dma_wait3A_87 = tpu.memref_slice %arg15[%add3A_63, %dma_wait3A_86] : memref<10112x128xf32, #tpu.memory_space<vmem_shared>> -> memref<128x128xf32, #tpu.memory_space<vmem_shared>>
      tpu.wait_dma2 semaphore(%run_scoped3A : memref<!tpu.dma_semaphore, #tpu.memory_space<semaphore_mem>>) src(%dma_wait3A_87 : memref<128x128xf32, #tpu.memory_space<vmem_shared>>) dst(%arg12 : memref<128x128xf32, #tpu.memory_space<vmem>>)
      tpu.yield
    }) : () -> ()
    "tpu.region"() ({
      %run_scoped3A = tpu.sem_alloc : memref<!tpu.dma_semaphore, #tpu.memory_space<semaphore_mem>>
      %dma_start3A_80 = arith.constant 0 : i32
      %dma_start3A_81 = tpu.memref_slice %arg5[%arg0, %add3A_63, %dma_start3A_80] : memref<2x10000x128xf32, #tpu.memory_space<hbm>> -> memref<1x128x128xf32, #tpu.memory_space<hbm>>
      %dma_start3A_82 = tpu.memref_squeeze %dma_start3A_81 : memref<1x128x128xf32, #tpu.memory_space<hbm>> -> memref<128x128xf32, #tpu.memory_space<hbm>>
      %dma_start3A_83 = arith.constant 0 : i32
      %dma_start3A_84 = tpu.memref_slice %arg5[%arg0, %add3A_63, %dma_start3A_83] : memref<2x10000x128xf32, #tpu.memory_space<hbm>> -> memref<1x128x128xf32, #tpu.memory_space<hbm>>
      %dma_start3A_85 = tpu.memref_squeeze %dma_start3A_84 : memref<1x128x128xf32, #tpu.memory_space<hbm>> -> memref<128x128xf32, #tpu.memory_space<hbm>>
      tpu.enqueue_dma source(%arg12 : memref<128x128xf32, #tpu.memory_space<vmem>>) target(%dma_start3A_85 : memref<128x128xf32, #tpu.memory_space<hbm>>) target_semaphore(%run_scoped3A : memref<!tpu.dma_semaphore, #tpu.memory_space<semaphore_mem>>)
      %dma_wait3A_86 = arith.constant 0 : i32
      %dma_wait3A_87 = tpu.memref_slice %arg5[%arg0, %add3A_63, %dma_wait3A_86] : memref<2x10000x128xf32, #tpu.memory_space<hbm>> -> memref<1x128x128xf32, #tpu.memory_space<hbm>>
      %dma_wait3A_88 = tpu.memref_squeeze %dma_wait3A_87 : memref<1x128x128xf32, #tpu.memory_space<hbm>> -> memref<128x128xf32, #tpu.memory_space<hbm>>
      %dma_wait3A_89 = arith.constant 0 : i32
      %dma_wait3A_90 = tpu.memref_slice %arg5[%arg0, %add3A_63, %dma_wait3A_89] : memref<2x10000x128xf32, #tpu.memory_space<hbm>> -> memref<1x128x128xf32, #tpu.memory_space<hbm>>
      %dma_wait3A_91 = tpu.memref_squeeze %dma_wait3A_90 : memref<1x128x128xf32, #tpu.memory_space<hbm>> -> memref<128x128xf32, #tpu.memory_space<hbm>>
      tpu.wait_dma2 semaphore(%run_scoped3A : memref<!tpu.dma_semaphore, #tpu.memory_space<semaphore_mem>>) src(%arg12 : memref<128x128xf32, #tpu.memory_space<vmem>>) dst(%dma_wait3A_91 : memref<128x128xf32, #tpu.memory_space<hbm>>)
      tpu.yield
    }) : () -> ()
    %mul3A_64 = arith.constant 624 : i32
    %mul3A_65 = arith.muli %arg1, %mul3A_64 : i32
    %add3A_66 = arith.constant 128 : i32
    %add3A_67 = arith.addi %mul3A_65, %add3A_66 : i32
    "tpu.region"() ({
      %run_scoped3A = tpu.sem_alloc : memref<!tpu.dma_semaphore, #tpu.memory_space<semaphore_mem>>
      %dma_start3A_80 = arith.constant 0 : i32
      %dma_start3A_81 = tpu.memref_slice %arg15[%add3A_67, %dma_start3A_80] : memref<10112x128xf32, #tpu.memory_space<vmem_shared>> -> memref<128x128xf32, #tpu.memory_space<vmem_shared>>
      %dma_start3A_82 = arith.constant 0 : i32
      %dma_start3A_83 = tpu.memref_slice %arg15[%add3A_67, %dma_start3A_82] : memref<10112x128xf32, #tpu.memory_space<vmem_shared>> -> memref<128x128xf32, #tpu.memory_space<vmem_shared>>
      tpu.enqueue_dma source(%dma_start3A_83 : memref<128x128xf32, #tpu.memory_space<vmem_shared>>) target(%arg12 : memref<128x128xf32, #tpu.memory_space<vmem>>) target_semaphore(%run_scoped3A : memref<!tpu.dma_semaphore, #tpu.memory_space<semaphore_mem>>)
      %dma_wait3A_84 = arith.constant 0 : i32
      %dma_wait3A_85 = tpu.memref_slice %arg15[%add3A_67, %dma_wait3A_84] : memref<10112x128xf32, #tpu.memory_space<vmem_shared>> -> memref<128x128xf32, #tpu.memory_space<vmem_shared>>
      %dma_wait3A_86 = arith.constant 0 : i32
      %dma_wait3A_87 = tpu.memref_slice %arg15[%add3A_67, %dma_wait3A_86] : memref<10112x128xf32, #tpu.memory_space<vmem_shared>> -> memref<128x128xf32, #tpu.memory_space<vmem_shared>>
      tpu.wait_dma2 semaphore(%run_scoped3A : memref<!tpu.dma_semaphore, #tpu.memory_space<semaphore_mem>>) src(%dma_wait3A_87 : memref<128x128xf32, #tpu.memory_space<vmem_shared>>) dst(%arg12 : memref<128x128xf32, #tpu.memory_space<vmem>>)
      tpu.yield
    }) : () -> ()
    "tpu.region"() ({
      %run_scoped3A = tpu.sem_alloc : memref<!tpu.dma_semaphore, #tpu.memory_space<semaphore_mem>>
      %dma_start3A_80 = arith.constant 0 : i32
      %dma_start3A_81 = tpu.memref_slice %arg5[%arg0, %add3A_67, %dma_start3A_80] : memref<2x10000x128xf32, #tpu.memory_space<hbm>> -> memref<1x128x128xf32, #tpu.memory_space<hbm>>
      %dma_start3A_82 = tpu.memref_squeeze %dma_start3A_81 : memref<1x128x128xf32, #tpu.memory_space<hbm>> -> memref<128x128xf32, #tpu.memory_space<hbm>>
      %dma_start3A_83 = arith.constant 0 : i32
      %dma_start3A_84 = tpu.memref_slice %arg5[%arg0, %add3A_67, %dma_start3A_83] : memref<2x10000x128xf32, #tpu.memory_space<hbm>> -> memref<1x128x128xf32, #tpu.memory_space<hbm>>
      %dma_start3A_85 = tpu.memref_squeeze %dma_start3A_84 : memref<1x128x128xf32, #tpu.memory_space<hbm>> -> memref<128x128xf32, #tpu.memory_space<hbm>>
      tpu.enqueue_dma source(%arg12 : memref<128x128xf32, #tpu.memory_space<vmem>>) target(%dma_start3A_85 : memref<128x128xf32, #tpu.memory_space<hbm>>) target_semaphore(%run_scoped3A : memref<!tpu.dma_semaphore, #tpu.memory_space<semaphore_mem>>)
      %dma_wait3A_86 = arith.constant 0 : i32
      %dma_wait3A_87 = tpu.memref_slice %arg5[%arg0, %add3A_67, %dma_wait3A_86] : memref<2x10000x128xf32, #tpu.memory_space<hbm>> -> memref<1x128x128xf32, #tpu.memory_space<hbm>>
      %dma_wait3A_88 = tpu.memref_squeeze %dma_wait3A_87 : memref<1x128x128xf32, #tpu.memory_space<hbm>> -> memref<128x128xf32, #tpu.memory_space<hbm>>
      %dma_wait3A_89 = arith.constant 0 : i32
      %dma_wait3A_90 = tpu.memref_slice %arg5[%arg0, %add3A_67, %dma_wait3A_89] : memref<2x10000x128xf32, #tpu.memory_space<hbm>> -> memref<1x128x128xf32, #tpu.memory_space<hbm>>
      %dma_wait3A_91 = tpu.memref_squeeze %dma_wait3A_90 : memref<1x128x128xf32, #tpu.memory_space<hbm>> -> memref<128x128xf32, #tpu.memory_space<hbm>>
      tpu.wait_dma2 semaphore(%run_scoped3A : memref<!tpu.dma_semaphore, #tpu.memory_space<semaphore_mem>>) src(%arg12 : memref<128x128xf32, #tpu.memory_space<vmem>>) dst(%dma_wait3A_91 : memref<128x128xf32, #tpu.memory_space<hbm>>)
      tpu.yield
    }) : () -> ()
    %mul3A_68 = arith.constant 624 : i32
    %mul3A_69 = arith.muli %arg1, %mul3A_68 : i32
    %add3A_70 = arith.constant 256 : i32
    %add3A_71 = arith.addi %mul3A_69, %add3A_70 : i32
    "tpu.region"() ({
      %run_scoped3A = tpu.sem_alloc : memref<!tpu.dma_semaphore, #tpu.memory_space<semaphore_mem>>
      %dma_start3A_80 = arith.constant 0 : i32
      %dma_start3A_81 = tpu.memref_slice %arg15[%add3A_71, %dma_start3A_80] : memref<10112x128xf32, #tpu.memory_space<vmem_shared>> -> memref<128x128xf32, #tpu.memory_space<vmem_shared>>
      %dma_start3A_82 = arith.constant 0 : i32
      %dma_start3A_83 = tpu.memref_slice %arg15[%add3A_71, %dma_start3A_82] : memref<10112x128xf32, #tpu.memory_space<vmem_shared>> -> memref<128x128xf32, #tpu.memory_space<vmem_shared>>
      tpu.enqueue_dma source(%dma_start3A_83 : memref<128x128xf32, #tpu.memory_space<vmem_shared>>) target(%arg12 : memref<128x128xf32, #tpu.memory_space<vmem>>) target_semaphore(%run_scoped3A : memref<!tpu.dma_semaphore, #tpu.memory_space<semaphore_mem>>)
      %dma_wait3A_84 = arith.constant 0 : i32
      %dma_wait3A_85 = tpu.memref_slice %arg15[%add3A_71, %dma_wait3A_84] : memref<10112x128xf32, #tpu.memory_space<vmem_shared>> -> memref<128x128xf32, #tpu.memory_space<vmem_shared>>
      %dma_wait3A_86 = arith.constant 0 : i32
      %dma_wait3A_87 = tpu.memref_slice %arg15[%add3A_71, %dma_wait3A_86] : memref<10112x128xf32, #tpu.memory_space<vmem_shared>> -> memref<128x128xf32, #tpu.memory_space<vmem_shared>>
      tpu.wait_dma2 semaphore(%run_scoped3A : memref<!tpu.dma_semaphore, #tpu.memory_space<semaphore_mem>>) src(%dma_wait3A_87 : memref<128x128xf32, #tpu.memory_space<vmem_shared>>) dst(%arg12 : memref<128x128xf32, #tpu.memory_space<vmem>>)
      tpu.yield
    }) : () -> ()
    "tpu.region"() ({
      %run_scoped3A = tpu.sem_alloc : memref<!tpu.dma_semaphore, #tpu.memory_space<semaphore_mem>>
      %dma_start3A_80 = arith.constant 0 : i32
      %dma_start3A_81 = tpu.memref_slice %arg5[%arg0, %add3A_71, %dma_start3A_80] : memref<2x10000x128xf32, #tpu.memory_space<hbm>> -> memref<1x128x128xf32, #tpu.memory_space<hbm>>
      %dma_start3A_82 = tpu.memref_squeeze %dma_start3A_81 : memref<1x128x128xf32, #tpu.memory_space<hbm>> -> memref<128x128xf32, #tpu.memory_space<hbm>>
      %dma_start3A_83 = arith.constant 0 : i32
      %dma_start3A_84 = tpu.memref_slice %arg5[%arg0, %add3A_71, %dma_start3A_83] : memref<2x10000x128xf32, #tpu.memory_space<hbm>> -> memref<1x128x128xf32, #tpu.memory_space<hbm>>
      %dma_start3A_85 = tpu.memref_squeeze %dma_start3A_84 : memref<1x128x128xf32, #tpu.memory_space<hbm>> -> memref<128x128xf32, #tpu.memory_space<hbm>>
      tpu.enqueue_dma source(%arg12 : memref<128x128xf32, #tpu.memory_space<vmem>>) target(%dma_start3A_85 : memref<128x128xf32, #tpu.memory_space<hbm>>) target_semaphore(%run_scoped3A : memref<!tpu.dma_semaphore, #tpu.memory_space<semaphore_mem>>)
      %dma_wait3A_86 = arith.constant 0 : i32
      %dma_wait3A_87 = tpu.memref_slice %arg5[%arg0, %add3A_71, %dma_wait3A_86] : memref<2x10000x128xf32, #tpu.memory_space<hbm>> -> memref<1x128x128xf32, #tpu.memory_space<hbm>>
      %dma_wait3A_88 = tpu.memref_squeeze %dma_wait3A_87 : memref<1x128x128xf32, #tpu.memory_space<hbm>> -> memref<128x128xf32, #tpu.memory_space<hbm>>
      %dma_wait3A_89 = arith.constant 0 : i32
      %dma_wait3A_90 = tpu.memref_slice %arg5[%arg0, %add3A_71, %dma_wait3A_89] : memref<2x10000x128xf32, #tpu.memory_space<hbm>> -> memref<1x128x128xf32, #tpu.memory_space<hbm>>
      %dma_wait3A_91 = tpu.memref_squeeze %dma_wait3A_90 : memref<1x128x128xf32, #tpu.memory_space<hbm>> -> memref<128x128xf32, #tpu.memory_space<hbm>>
      tpu.wait_dma2 semaphore(%run_scoped3A : memref<!tpu.dma_semaphore, #tpu.memory_space<semaphore_mem>>) src(%arg12 : memref<128x128xf32, #tpu.memory_space<vmem>>) dst(%dma_wait3A_91 : memref<128x128xf32, #tpu.memory_space<hbm>>)
      tpu.yield
    }) : () -> ()
    %mul3A_72 = arith.constant 624 : i32
    %mul3A_73 = arith.muli %arg1, %mul3A_72 : i32
    %add3A_74 = arith.constant 384 : i32
    %add3A_75 = arith.addi %mul3A_73, %add3A_74 : i32
    "tpu.region"() ({
      %run_scoped3A = tpu.sem_alloc : memref<!tpu.dma_semaphore, #tpu.memory_space<semaphore_mem>>
      %dma_start3A_80 = arith.constant 0 : i32
      %dma_start3A_81 = tpu.memref_slice %arg15[%add3A_75, %dma_start3A_80] : memref<10112x128xf32, #tpu.memory_space<vmem_shared>> -> memref<128x128xf32, #tpu.memory_space<vmem_shared>>
      %dma_start3A_82 = arith.constant 0 : i32
      %dma_start3A_83 = tpu.memref_slice %arg15[%add3A_75, %dma_start3A_82] : memref<10112x128xf32, #tpu.memory_space<vmem_shared>> -> memref<128x128xf32, #tpu.memory_space<vmem_shared>>
      tpu.enqueue_dma source(%dma_start3A_83 : memref<128x128xf32, #tpu.memory_space<vmem_shared>>) target(%arg12 : memref<128x128xf32, #tpu.memory_space<vmem>>) target_semaphore(%run_scoped3A : memref<!tpu.dma_semaphore, #tpu.memory_space<semaphore_mem>>)
      %dma_wait3A_84 = arith.constant 0 : i32
      %dma_wait3A_85 = tpu.memref_slice %arg15[%add3A_75, %dma_wait3A_84] : memref<10112x128xf32, #tpu.memory_space<vmem_shared>> -> memref<128x128xf32, #tpu.memory_space<vmem_shared>>
      %dma_wait3A_86 = arith.constant 0 : i32
      %dma_wait3A_87 = tpu.memref_slice %arg15[%add3A_75, %dma_wait3A_86] : memref<10112x128xf32, #tpu.memory_space<vmem_shared>> -> memref<128x128xf32, #tpu.memory_space<vmem_shared>>
      tpu.wait_dma2 semaphore(%run_scoped3A : memref<!tpu.dma_semaphore, #tpu.memory_space<semaphore_mem>>) src(%dma_wait3A_87 : memref<128x128xf32, #tpu.memory_space<vmem_shared>>) dst(%arg12 : memref<128x128xf32, #tpu.memory_space<vmem>>)
      tpu.yield
    }) : () -> ()
    "tpu.region"() ({
      %run_scoped3A = tpu.sem_alloc : memref<!tpu.dma_semaphore, #tpu.memory_space<semaphore_mem>>
      %dma_start3A_80 = arith.constant 0 : i32
      %dma_start3A_81 = tpu.memref_slice %arg5[%arg0, %add3A_75, %dma_start3A_80] : memref<2x10000x128xf32, #tpu.memory_space<hbm>> -> memref<1x128x128xf32, #tpu.memory_space<hbm>>
      %dma_start3A_82 = tpu.memref_squeeze %dma_start3A_81 : memref<1x128x128xf32, #tpu.memory_space<hbm>> -> memref<128x128xf32, #tpu.memory_space<hbm>>
      %dma_start3A_83 = arith.constant 0 : i32
      %dma_start3A_84 = tpu.memref_slice %arg5[%arg0, %add3A_75, %dma_start3A_83] : memref<2x10000x128xf32, #tpu.memory_space<hbm>> -> memref<1x128x128xf32, #tpu.memory_space<hbm>>
      %dma_start3A_85 = tpu.memref_squeeze %dma_start3A_84 : memref<1x128x128xf32, #tpu.memory_space<hbm>> -> memref<128x128xf32, #tpu.memory_space<hbm>>
      tpu.enqueue_dma source(%arg12 : memref<128x128xf32, #tpu.memory_space<vmem>>) target(%dma_start3A_85 : memref<128x128xf32, #tpu.memory_space<hbm>>) target_semaphore(%run_scoped3A : memref<!tpu.dma_semaphore, #tpu.memory_space<semaphore_mem>>)
      %dma_wait3A_86 = arith.constant 0 : i32
      %dma_wait3A_87 = tpu.memref_slice %arg5[%arg0, %add3A_75, %dma_wait3A_86] : memref<2x10000x128xf32, #tpu.memory_space<hbm>> -> memref<1x128x128xf32, #tpu.memory_space<hbm>>
      %dma_wait3A_88 = tpu.memref_squeeze %dma_wait3A_87 : memref<1x128x128xf32, #tpu.memory_space<hbm>> -> memref<128x128xf32, #tpu.memory_space<hbm>>
      %dma_wait3A_89 = arith.constant 0 : i32
      %dma_wait3A_90 = tpu.memref_slice %arg5[%arg0, %add3A_75, %dma_wait3A_89] : memref<2x10000x128xf32, #tpu.memory_space<hbm>> -> memref<1x128x128xf32, #tpu.memory_space<hbm>>
      %dma_wait3A_91 = tpu.memref_squeeze %dma_wait3A_90 : memref<1x128x128xf32, #tpu.memory_space<hbm>> -> memref<128x128xf32, #tpu.memory_space<hbm>>
      tpu.wait_dma2 semaphore(%run_scoped3A : memref<!tpu.dma_semaphore, #tpu.memory_space<semaphore_mem>>) src(%arg12 : memref<128x128xf32, #tpu.memory_space<vmem>>) dst(%dma_wait3A_91 : memref<128x128xf32, #tpu.memory_space<hbm>>)
      tpu.yield
    }) : () -> ()
    %mul3A_76 = arith.constant 624 : i32
    %mul3A_77 = arith.muli %arg1, %mul3A_76 : i32
    %add3A_78 = arith.constant 512 : i32
    %add3A_79 = arith.addi %mul3A_77, %add3A_78 : i32
    "tpu.region"() ({
      %run_scoped3A = tpu.sem_alloc : memref<!tpu.dma_semaphore, #tpu.memory_space<semaphore_mem>>
      %dma_start3A_80 = arith.constant 0 : i32
      %dma_start3A_81 = tpu.memref_slice %arg15[%add3A_79, %dma_start3A_80] : memref<10112x128xf32, #tpu.memory_space<vmem_shared>> -> memref<128x128xf32, #tpu.memory_space<vmem_shared>>
      %dma_start3A_82 = arith.constant 0 : i32
      %dma_start3A_83 = tpu.memref_slice %arg15[%add3A_79, %dma_start3A_82] : memref<10112x128xf32, #tpu.memory_space<vmem_shared>> -> memref<128x128xf32, #tpu.memory_space<vmem_shared>>
      tpu.enqueue_dma source(%dma_start3A_83 : memref<128x128xf32, #tpu.memory_space<vmem_shared>>) target(%arg12 : memref<128x128xf32, #tpu.memory_space<vmem>>) target_semaphore(%run_scoped3A : memref<!tpu.dma_semaphore, #tpu.memory_space<semaphore_mem>>)
      %dma_wait3A_84 = arith.constant 0 : i32
      %dma_wait3A_85 = tpu.memref_slice %arg15[%add3A_79, %dma_wait3A_84] : memref<10112x128xf32, #tpu.memory_space<vmem_shared>> -> memref<128x128xf32, #tpu.memory_space<vmem_shared>>
      %dma_wait3A_86 = arith.constant 0 : i32
      %dma_wait3A_87 = tpu.memref_slice %arg15[%add3A_79, %dma_wait3A_86] : memref<10112x128xf32, #tpu.memory_space<vmem_shared>> -> memref<128x128xf32, #tpu.memory_space<vmem_shared>>
      tpu.wait_dma2 semaphore(%run_scoped3A : memref<!tpu.dma_semaphore, #tpu.memory_space<semaphore_mem>>) src(%dma_wait3A_87 : memref<128x128xf32, #tpu.memory_space<vmem_shared>>) dst(%arg12 : memref<128x128xf32, #tpu.memory_space<vmem>>)
      tpu.yield
    }) : () -> ()
    "tpu.region"() ({
      %run_scoped3A = tpu.sem_alloc : memref<!tpu.dma_semaphore, #tpu.memory_space<semaphore_mem>>
      %dma_start3A_80 = arith.constant 0 : i32
      %dma_start3A_81 = tpu.memref_slice %arg5[%arg0, %add3A_79, %dma_start3A_80] : memref<2x10000x128xf32, #tpu.memory_space<hbm>> -> memref<1x128x128xf32, #tpu.memory_space<hbm>>
      %dma_start3A_82 = tpu.memref_squeeze %dma_start3A_81 : memref<1x128x128xf32, #tpu.memory_space<hbm>> -> memref<128x128xf32, #tpu.memory_space<hbm>>
      %dma_start3A_83 = arith.constant 0 : i32
      %dma_start3A_84 = tpu.memref_slice %arg5[%arg0, %add3A_79, %dma_start3A_83] : memref<2x10000x128xf32, #tpu.memory_space<hbm>> -> memref<1x128x128xf32, #tpu.memory_space<hbm>>
      %dma_start3A_85 = tpu.memref_squeeze %dma_start3A_84 : memref<1x128x128xf32, #tpu.memory_space<hbm>> -> memref<128x128xf32, #tpu.memory_space<hbm>>
      tpu.enqueue_dma source(%arg12 : memref<128x128xf32, #tpu.memory_space<vmem>>) target(%dma_start3A_85 : memref<128x128xf32, #tpu.memory_space<hbm>>) target_semaphore(%run_scoped3A : memref<!tpu.dma_semaphore, #tpu.memory_space<semaphore_mem>>)
      %dma_wait3A_86 = arith.constant 0 : i32
      %dma_wait3A_87 = tpu.memref_slice %arg5[%arg0, %add3A_79, %dma_wait3A_86] : memref<2x10000x128xf32, #tpu.memory_space<hbm>> -> memref<1x128x128xf32, #tpu.memory_space<hbm>>
      %dma_wait3A_88 = tpu.memref_squeeze %dma_wait3A_87 : memref<1x128x128xf32, #tpu.memory_space<hbm>> -> memref<128x128xf32, #tpu.memory_space<hbm>>
      %dma_wait3A_89 = arith.constant 0 : i32
      %dma_wait3A_90 = tpu.memref_slice %arg5[%arg0, %add3A_79, %dma_wait3A_89] : memref<2x10000x128xf32, #tpu.memory_space<hbm>> -> memref<1x128x128xf32, #tpu.memory_space<hbm>>
      %dma_wait3A_91 = tpu.memref_squeeze %dma_wait3A_90 : memref<1x128x128xf32, #tpu.memory_space<hbm>> -> memref<128x128xf32, #tpu.memory_space<hbm>>
      tpu.wait_dma2 semaphore(%run_scoped3A : memref<!tpu.dma_semaphore, #tpu.memory_space<semaphore_mem>>) src(%arg12 : memref<128x128xf32, #tpu.memory_space<vmem>>) dst(%dma_wait3A_91 : memref<128x128xf32, #tpu.memory_space<hbm>>)
      tpu.yield
    }) : () -> ()
    return
  }
}

#map = affine_map<(d0, d1) -> (0)>
#map1 = affine_map<(d0, d1) -> (0, 0, 0)>
module attributes {stable_mosaic.version = 14 : i64} {
  func.func @_sc_cnt(%arg0: i32, %arg1: i32, %arg2: memref<656384xi32, #tpu.memory_space<hbm>>, %arg3: memref<2x10000x128xf32, #tpu.memory_space<hbm>>, %arg4: memref<128xi32, #tpu.memory_space<vmem>>, %arg5: memref<128xi32, #tpu.memory_space<vmem>>, %arg6: memref<128x128xf32, #tpu.memory_space<vmem>>, %arg7: memref<10112x128xf32, #tpu.memory_space<vmem_shared>>, %arg8: memref<!tpu.dma_semaphore, #tpu.memory_space<semaphore_mem>>, %arg9: memref<!tpu.dma_semaphore, #tpu.memory_space<semaphore_mem>>) attributes {dimension_semantics = [#tpu.dimension_semantics<core_parallel>, #tpu.dimension_semantics<subcore_parallel>], iteration_bounds = array<i64: 2, 16>, scalar_prefetch = 0 : i64, scratch_operands = 6 : i64, tpu.core_type = #tpu.core_type<sc_vector_subcore>, window_params = [{transform_indices = #map}, {transform_indices = #map1}]} {
    %mul3A = arith.constant 2 : i32
    %mul3A_0 = arith.muli %arg1, %mul3A : i32
    %add3A = arith.addi %mul3A_0, %arg0 : i32
    %mul3A_1 = arith.constant 160 : i32
    %mul3A_2 = arith.muli %add3A, %mul3A_1 : i32
    %broadcast_in_dim3A = arith.constant 0.000000e+00 : f32
    %broadcast_in_dim3A_3 = vector.broadcast %broadcast_in_dim3A : f32 to vector<16xf32>
    %scan3A = arith.constant 0 : i32
    %scan3A_4 = arith.constant 0 : i32
    %scan3A_5 = arith.constant 128 : i32
    %scan3A_6 = arith.addi %scan3A_4, %scan3A_5 : i32
    %scan3A_7 = arith.constant 1 : i32
    %scan3A_8 = scf.for %scan3A_85 = %scan3A_4 to %scan3A_6 step %scan3A_7 iter_args(%scan3A_86 = %scan3A) -> (i32)  : i32 {
      %swap3A = arith.index_cast %scan3A_85 : i32 to index
      %swap3A_87 = arith.constant 0 : index
      %swap3A_88 = tpu.vector_load %arg6[%swap3A, %swap3A_87] {strides = array<i32>} : memref<128x128xf32, #tpu.memory_space<vmem>>, vector<1x16xf32>,
      %swap3A_89 = vector.shape_cast %swap3A_88 : vector<1x16xf32> to vector<16xf32>
      %swap3A_90 = vector.shape_cast %broadcast_in_dim3A_3 : vector<16xf32> to vector<1x16xf32>
      tpu.vector_store %arg6[%swap3A, %swap3A_87], %swap3A_90 {strides = array<i32>} : memref<128x128xf32, #tpu.memory_space<vmem>>, vector<1x16xf32>,
      %swap3A_91 = arith.index_cast %scan3A_85 : i32 to index
      %swap3A_92 = arith.constant 16 : index
      %swap3A_93 = tpu.vector_load %arg6[%swap3A_91, %swap3A_92] {strides = array<i32>} : memref<128x128xf32, #tpu.memory_space<vmem>>, vector<1x16xf32>,
      %swap3A_94 = vector.shape_cast %swap3A_93 : vector<1x16xf32> to vector<16xf32>
      %swap3A_95 = vector.shape_cast %broadcast_in_dim3A_3 : vector<16xf32> to vector<1x16xf32>
      tpu.vector_store %arg6[%swap3A_91, %swap3A_92], %swap3A_95 {strides = array<i32>} : memref<128x128xf32, #tpu.memory_space<vmem>>, vector<1x16xf32>,
      %swap3A_96 = arith.index_cast %scan3A_85 : i32 to index
      %swap3A_97 = arith.constant 32 : index
      %swap3A_98 = tpu.vector_load %arg6[%swap3A_96, %swap3A_97] {strides = array<i32>} : memref<128x128xf32, #tpu.memory_space<vmem>>, vector<1x16xf32>,
      %swap3A_99 = vector.shape_cast %swap3A_98 : vector<1x16xf32> to vector<16xf32>
      %swap3A_100 = vector.shape_cast %broadcast_in_dim3A_3 : vector<16xf32> to vector<1x16xf32>
      tpu.vector_store %arg6[%swap3A_96, %swap3A_97], %swap3A_100 {strides = array<i32>} : memref<128x128xf32, #tpu.memory_space<vmem>>, vector<1x16xf32>,
      %swap3A_101 = arith.index_cast %scan3A_85 : i32 to index
      %swap3A_102 = arith.constant 48 : index
      %swap3A_103 = tpu.vector_load %arg6[%swap3A_101, %swap3A_102] {strides = array<i32>} : memref<128x128xf32, #tpu.memory_space<vmem>>, vector<1x16xf32>,
      %swap3A_104 = vector.shape_cast %swap3A_103 : vector<1x16xf32> to vector<16xf32>
      %swap3A_105 = vector.shape_cast %broadcast_in_dim3A_3 : vector<16xf32> to vector<1x16xf32>
      tpu.vector_store %arg6[%swap3A_101, %swap3A_102], %swap3A_105 {strides = array<i32>} : memref<128x128xf32, #tpu.memory_space<vmem>>, vector<1x16xf32>,
      %swap3A_106 = arith.index_cast %scan3A_85 : i32 to index
      %swap3A_107 = arith.constant 64 : index
      %swap3A_108 = tpu.vector_load %arg6[%swap3A_106, %swap3A_107] {strides = array<i32>} : memref<128x128xf32, #tpu.memory_space<vmem>>, vector<1x16xf32>,
      %swap3A_109 = vector.shape_cast %swap3A_108 : vector<1x16xf32> to vector<16xf32>
      %swap3A_110 = vector.shape_cast %broadcast_in_dim3A_3 : vector<16xf32> to vector<1x16xf32>
      tpu.vector_store %arg6[%swap3A_106, %swap3A_107], %swap3A_110 {strides = array<i32>} : memref<128x128xf32, #tpu.memory_space<vmem>>, vector<1x16xf32>,
      %swap3A_111 = arith.index_cast %scan3A_85 : i32 to index
      %swap3A_112 = arith.constant 80 : index
      %swap3A_113 = tpu.vector_load %arg6[%swap3A_111, %swap3A_112] {strides = array<i32>} : memref<128x128xf32, #tpu.memory_space<vmem>>, vector<1x16xf32>,
      %swap3A_114 = vector.shape_cast %swap3A_113 : vector<1x16xf32> to vector<16xf32>
      %swap3A_115 = vector.shape_cast %broadcast_in_dim3A_3 : vector<16xf32> to vector<1x16xf32>
      tpu.vector_store %arg6[%swap3A_111, %swap3A_112], %swap3A_115 {strides = array<i32>} : memref<128x128xf32, #tpu.memory_space<vmem>>, vector<1x16xf32>,
      %swap3A_116 = arith.index_cast %scan3A_85 : i32 to index
      %swap3A_117 = arith.constant 96 : index
      %swap3A_118 = tpu.vector_load %arg6[%swap3A_116, %swap3A_117] {strides = array<i32>} : memref<128x128xf32, #tpu.memory_space<vmem>>, vector<1x16xf32>,
      %swap3A_119 = vector.shape_cast %swap3A_118 : vector<1x16xf32> to vector<16xf32>
      %swap3A_120 = vector.shape_cast %broadcast_in_dim3A_3 : vector<16xf32> to vector<1x16xf32>
      tpu.vector_store %arg6[%swap3A_116, %swap3A_117], %swap3A_120 {strides = array<i32>} : memref<128x128xf32, #tpu.memory_space<vmem>>, vector<1x16xf32>,
      %swap3A_121 = arith.index_cast %scan3A_85 : i32 to index
      %swap3A_122 = arith.constant 112 : index
      %swap3A_123 = tpu.vector_load %arg6[%swap3A_121, %swap3A_122] {strides = array<i32>} : memref<128x128xf32, #tpu.memory_space<vmem>>, vector<1x16xf32>,
      %swap3A_124 = vector.shape_cast %swap3A_123 : vector<1x16xf32> to vector<16xf32>
      %swap3A_125 = vector.shape_cast %broadcast_in_dim3A_3 : vector<16xf32> to vector<1x16xf32>
      tpu.vector_store %arg6[%swap3A_121, %swap3A_122], %swap3A_125 {strides = array<i32>} : memref<128x128xf32, #tpu.memory_space<vmem>>, vector<1x16xf32>,
      %scan3A_126 = arith.constant 0 : i32
      scf.yield %scan3A_126 : i32
    }
    %scan3A_9 = arith.constant 128 : i32
    %mul3A_10 = arith.constant 632 : i32
    %mul3A_11 = arith.muli %arg1, %mul3A_10 : i32
    %add3A_12 = arith.constant 0 : i32
    %add3A_13 = arith.addi %mul3A_11, %add3A_12 : i32
    "tpu.region"() ({
      %run_scoped3A = tpu.sem_alloc : memref<!tpu.dma_semaphore, #tpu.memory_space<semaphore_mem>>
      %dma_start3A_85 = arith.constant 0 : i32
      %dma_start3A_86 = tpu.memref_slice %arg7[%add3A_13, %dma_start3A_85] : memref<10112x128xf32, #tpu.memory_space<vmem_shared>> -> memref<128x128xf32, #tpu.memory_space<vmem_shared>>
      %dma_start3A_87 = arith.constant 0 : i32
      %dma_start3A_88 = tpu.memref_slice %arg7[%add3A_13, %dma_start3A_87] : memref<10112x128xf32, #tpu.memory_space<vmem_shared>> -> memref<128x128xf32, #tpu.memory_space<vmem_shared>>
      tpu.enqueue_dma source(%arg6 : memref<128x128xf32, #tpu.memory_space<vmem>>) target(%dma_start3A_88 : memref<128x128xf32, #tpu.memory_space<vmem_shared>>) target_semaphore(%run_scoped3A : memref<!tpu.dma_semaphore, #tpu.memory_space<semaphore_mem>>)
      %dma_wait3A_89 = arith.constant 0 : i32
      %dma_wait3A_90 = tpu.memref_slice %arg7[%add3A_13, %dma_wait3A_89] : memref<10112x128xf32, #tpu.memory_space<vmem_shared>> -> memref<128x128xf32, #tpu.memory_space<vmem_shared>>
      %dma_wait3A_91 = arith.constant 0 : i32
      %dma_wait3A_92 = tpu.memref_slice %arg7[%add3A_13, %dma_wait3A_91] : memref<10112x128xf32, #tpu.memory_space<vmem_shared>> -> memref<128x128xf32, #tpu.memory_space<vmem_shared>>
      tpu.wait_dma2 semaphore(%run_scoped3A : memref<!tpu.dma_semaphore, #tpu.memory_space<semaphore_mem>>) src(%arg6 : memref<128x128xf32, #tpu.memory_space<vmem>>) dst(%dma_wait3A_92 : memref<128x128xf32, #tpu.memory_space<vmem_shared>>)
      tpu.yield
    }) : () -> ()
    %mul3A_14 = arith.constant 632 : i32
    %mul3A_15 = arith.muli %arg1, %mul3A_14 : i32
    %add3A_16 = arith.constant 128 : i32
    %add3A_17 = arith.addi %mul3A_15, %add3A_16 : i32
    "tpu.region"() ({
      %run_scoped3A = tpu.sem_alloc : memref<!tpu.dma_semaphore, #tpu.memory_space<semaphore_mem>>
      %dma_start3A_85 = arith.constant 0 : i32
      %dma_start3A_86 = tpu.memref_slice %arg7[%add3A_17, %dma_start3A_85] : memref<10112x128xf32, #tpu.memory_space<vmem_shared>> -> memref<128x128xf32, #tpu.memory_space<vmem_shared>>
      %dma_start3A_87 = arith.constant 0 : i32
      %dma_start3A_88 = tpu.memref_slice %arg7[%add3A_17, %dma_start3A_87] : memref<10112x128xf32, #tpu.memory_space<vmem_shared>> -> memref<128x128xf32, #tpu.memory_space<vmem_shared>>
      tpu.enqueue_dma source(%arg6 : memref<128x128xf32, #tpu.memory_space<vmem>>) target(%dma_start3A_88 : memref<128x128xf32, #tpu.memory_space<vmem_shared>>) target_semaphore(%run_scoped3A : memref<!tpu.dma_semaphore, #tpu.memory_space<semaphore_mem>>)
      %dma_wait3A_89 = arith.constant 0 : i32
      %dma_wait3A_90 = tpu.memref_slice %arg7[%add3A_17, %dma_wait3A_89] : memref<10112x128xf32, #tpu.memory_space<vmem_shared>> -> memref<128x128xf32, #tpu.memory_space<vmem_shared>>
      %dma_wait3A_91 = arith.constant 0 : i32
      %dma_wait3A_92 = tpu.memref_slice %arg7[%add3A_17, %dma_wait3A_91] : memref<10112x128xf32, #tpu.memory_space<vmem_shared>> -> memref<128x128xf32, #tpu.memory_space<vmem_shared>>
      tpu.wait_dma2 semaphore(%run_scoped3A : memref<!tpu.dma_semaphore, #tpu.memory_space<semaphore_mem>>) src(%arg6 : memref<128x128xf32, #tpu.memory_space<vmem>>) dst(%dma_wait3A_92 : memref<128x128xf32, #tpu.memory_space<vmem_shared>>)
      tpu.yield
    }) : () -> ()
    %mul3A_18 = arith.constant 632 : i32
    %mul3A_19 = arith.muli %arg1, %mul3A_18 : i32
    %add3A_20 = arith.constant 256 : i32
    %add3A_21 = arith.addi %mul3A_19, %add3A_20 : i32
    "tpu.region"() ({
      %run_scoped3A = tpu.sem_alloc : memref<!tpu.dma_semaphore, #tpu.memory_space<semaphore_mem>>
      %dma_start3A_85 = arith.constant 0 : i32
      %dma_start3A_86 = tpu.memref_slice %arg7[%add3A_21, %dma_start3A_85] : memref<10112x128xf32, #tpu.memory_space<vmem_shared>> -> memref<128x128xf32, #tpu.memory_space<vmem_shared>>
      %dma_start3A_87 = arith.constant 0 : i32
      %dma_start3A_88 = tpu.memref_slice %arg7[%add3A_21, %dma_start3A_87] : memref<10112x128xf32, #tpu.memory_space<vmem_shared>> -> memref<128x128xf32, #tpu.memory_space<vmem_shared>>
      tpu.enqueue_dma source(%arg6 : memref<128x128xf32, #tpu.memory_space<vmem>>) target(%dma_start3A_88 : memref<128x128xf32, #tpu.memory_space<vmem_shared>>) target_semaphore(%run_scoped3A : memref<!tpu.dma_semaphore, #tpu.memory_space<semaphore_mem>>)
      %dma_wait3A_89 = arith.constant 0 : i32
      %dma_wait3A_90 = tpu.memref_slice %arg7[%add3A_21, %dma_wait3A_89] : memref<10112x128xf32, #tpu.memory_space<vmem_shared>> -> memref<128x128xf32, #tpu.memory_space<vmem_shared>>
      %dma_wait3A_91 = arith.constant 0 : i32
      %dma_wait3A_92 = tpu.memref_slice %arg7[%add3A_21, %dma_wait3A_91] : memref<10112x128xf32, #tpu.memory_space<vmem_shared>> -> memref<128x128xf32, #tpu.memory_space<vmem_shared>>
      tpu.wait_dma2 semaphore(%run_scoped3A : memref<!tpu.dma_semaphore, #tpu.memory_space<semaphore_mem>>) src(%arg6 : memref<128x128xf32, #tpu.memory_space<vmem>>) dst(%dma_wait3A_92 : memref<128x128xf32, #tpu.memory_space<vmem_shared>>)
      tpu.yield
    }) : () -> ()
    %mul3A_22 = arith.constant 632 : i32
    %mul3A_23 = arith.muli %arg1, %mul3A_22 : i32
    %add3A_24 = arith.constant 384 : i32
    %add3A_25 = arith.addi %mul3A_23, %add3A_24 : i32
    "tpu.region"() ({
      %run_scoped3A = tpu.sem_alloc : memref<!tpu.dma_semaphore, #tpu.memory_space<semaphore_mem>>
      %dma_start3A_85 = arith.constant 0 : i32
      %dma_start3A_86 = tpu.memref_slice %arg7[%add3A_25, %dma_start3A_85] : memref<10112x128xf32, #tpu.memory_space<vmem_shared>> -> memref<128x128xf32, #tpu.memory_space<vmem_shared>>
      %dma_start3A_87 = arith.constant 0 : i32
      %dma_start3A_88 = tpu.memref_slice %arg7[%add3A_25, %dma_start3A_87] : memref<10112x128xf32, #tpu.memory_space<vmem_shared>> -> memref<128x128xf32, #tpu.memory_space<vmem_shared>>
      tpu.enqueue_dma source(%arg6 : memref<128x128xf32, #tpu.memory_space<vmem>>) target(%dma_start3A_88 : memref<128x128xf32, #tpu.memory_space<vmem_shared>>) target_semaphore(%run_scoped3A : memref<!tpu.dma_semaphore, #tpu.memory_space<semaphore_mem>>)
      %dma_wait3A_89 = arith.constant 0 : i32
      %dma_wait3A_90 = tpu.memref_slice %arg7[%add3A_25, %dma_wait3A_89] : memref<10112x128xf32, #tpu.memory_space<vmem_shared>> -> memref<128x128xf32, #tpu.memory_space<vmem_shared>>
      %dma_wait3A_91 = arith.constant 0 : i32
      %dma_wait3A_92 = tpu.memref_slice %arg7[%add3A_25, %dma_wait3A_91] : memref<10112x128xf32, #tpu.memory_space<vmem_shared>> -> memref<128x128xf32, #tpu.memory_space<vmem_shared>>
      tpu.wait_dma2 semaphore(%run_scoped3A : memref<!tpu.dma_semaphore, #tpu.memory_space<semaphore_mem>>) src(%arg6 : memref<128x128xf32, #tpu.memory_space<vmem>>) dst(%dma_wait3A_92 : memref<128x128xf32, #tpu.memory_space<vmem_shared>>)
      tpu.yield
    }) : () -> ()
    %mul3A_26 = arith.constant 632 : i32
    %mul3A_27 = arith.muli %arg1, %mul3A_26 : i32
    %add3A_28 = arith.constant 512 : i32
    %add3A_29 = arith.addi %mul3A_27, %add3A_28 : i32
    "tpu.region"() ({
      %run_scoped3A = tpu.sem_alloc : memref<!tpu.dma_semaphore, #tpu.memory_space<semaphore_mem>>
      %dma_start3A_85 = arith.constant 0 : i32
      %dma_start3A_86 = arith.constant 0 : i32
      %dma_start3A_87 = tpu.memref_slice %arg6[%dma_start3A_85, %dma_start3A_86] : memref<128x128xf32, #tpu.memory_space<vmem>> -> memref<120x128xf32, #tpu.memory_space<vmem>>
      %dma_start3A_88 = arith.constant 0 : i32
      %dma_start3A_89 = tpu.memref_slice %arg7[%add3A_29, %dma_start3A_88] : memref<10112x128xf32, #tpu.memory_space<vmem_shared>> -> memref<120x128xf32, #tpu.memory_space<vmem_shared>>
      %dma_start3A_90 = arith.constant 0 : i32
      %dma_start3A_91 = tpu.memref_slice %arg7[%add3A_29, %dma_start3A_90] : memref<10112x128xf32, #tpu.memory_space<vmem_shared>> -> memref<120x128xf32, #tpu.memory_space<vmem_shared>>
      %dma_start3A_92 = arith.constant 0 : i32
      %dma_start3A_93 = arith.constant 0 : i32
      %dma_start3A_94 = tpu.memref_slice %arg6[%dma_start3A_92, %dma_start3A_93] : memref<128x128xf32, #tpu.memory_space<vmem>> -> memref<120x128xf32, #tpu.memory_space<vmem>>
      tpu.enqueue_dma source(%dma_start3A_94 : memref<120x128xf32, #tpu.memory_space<vmem>>) target(%dma_start3A_91 : memref<120x128xf32, #tpu.memory_space<vmem_shared>>) target_semaphore(%run_scoped3A : memref<!tpu.dma_semaphore, #tpu.memory_space<semaphore_mem>>)
      %dma_wait3A_95 = arith.constant 0 : i32
      %dma_wait3A_96 = arith.constant 0 : i32
      %dma_wait3A_97 = tpu.memref_slice %arg6[%dma_wait3A_95, %dma_wait3A_96] : memref<128x128xf32, #tpu.memory_space<vmem>> -> memref<120x128xf32, #tpu.memory_space<vmem>>
      %dma_wait3A_98 = arith.constant 0 : i32
      %dma_wait3A_99 = tpu.memref_slice %arg7[%add3A_29, %dma_wait3A_98] : memref<10112x128xf32, #tpu.memory_space<vmem_shared>> -> memref<120x128xf32, #tpu.memory_space<vmem_shared>>
      %dma_wait3A_100 = arith.constant 0 : i32
      %dma_wait3A_101 = tpu.memref_slice %arg7[%add3A_29, %dma_wait3A_100] : memref<10112x128xf32, #tpu.memory_space<vmem_shared>> -> memref<120x128xf32, #tpu.memory_space<vmem_shared>>
      %dma_wait3A_102 = arith.constant 0 : i32
      %dma_wait3A_103 = arith.constant 0 : i32
      %dma_wait3A_104 = tpu.memref_slice %arg6[%dma_wait3A_102, %dma_wait3A_103] : memref<128x128xf32, #tpu.memory_space<vmem>> -> memref<120x128xf32, #tpu.memory_space<vmem>>
      tpu.wait_dma2 semaphore(%run_scoped3A : memref<!tpu.dma_semaphore, #tpu.memory_space<semaphore_mem>>) src(%dma_wait3A_104 : memref<120x128xf32, #tpu.memory_space<vmem>>) dst(%dma_wait3A_101 : memref<120x128xf32, #tpu.memory_space<vmem_shared>>)
      tpu.yield
    }) : () -> ()
    %barrier3A = arith.constant 0 : index
    tpu.barrier barrier_id(%barrier3A)
    %broadcast_in_dim3A_30 = arith.constant 1.000000e+00 : f32
    %broadcast_in_dim3A_31 = vector.broadcast %broadcast_in_dim3A_30 : f32 to vector<16xf32>
    %scan3A_32 = arith.constant 0 : i32
    %scan3A_33 = arith.constant 0 : i32
    %scan3A_34 = arith.constant 128 : i32
    %scan3A_35 = arith.addi %scan3A_33, %scan3A_34 : i32
    %scan3A_36 = arith.constant 1 : i32
    %scan3A_37 = scf.for %scan3A_85 = %scan3A_33 to %scan3A_35 step %scan3A_36 iter_args(%scan3A_86 = %scan3A_32) -> (i32)  : i32 {
      %swap3A = arith.index_cast %scan3A_85 : i32 to index
      %swap3A_87 = arith.constant 0 : index
      %swap3A_88 = tpu.vector_load %arg6[%swap3A, %swap3A_87] {strides = array<i32>} : memref<128x128xf32, #tpu.memory_space<vmem>>, vector<1x16xf32>,
      %swap3A_89 = vector.shape_cast %swap3A_88 : vector<1x16xf32> to vector<16xf32>
      %swap3A_90 = vector.shape_cast %broadcast_in_dim3A_31 : vector<16xf32> to vector<1x16xf32>
      tpu.vector_store %arg6[%swap3A, %swap3A_87], %swap3A_90 {strides = array<i32>} : memref<128x128xf32, #tpu.memory_space<vmem>>, vector<1x16xf32>,
      %swap3A_91 = arith.index_cast %scan3A_85 : i32 to index
      %swap3A_92 = arith.constant 16 : index
      %swap3A_93 = tpu.vector_load %arg6[%swap3A_91, %swap3A_92] {strides = array<i32>} : memref<128x128xf32, #tpu.memory_space<vmem>>, vector<1x16xf32>,
      %swap3A_94 = vector.shape_cast %swap3A_93 : vector<1x16xf32> to vector<16xf32>
      %swap3A_95 = vector.shape_cast %broadcast_in_dim3A_31 : vector<16xf32> to vector<1x16xf32>
      tpu.vector_store %arg6[%swap3A_91, %swap3A_92], %swap3A_95 {strides = array<i32>} : memref<128x128xf32, #tpu.memory_space<vmem>>, vector<1x16xf32>,
      %swap3A_96 = arith.index_cast %scan3A_85 : i32 to index
      %swap3A_97 = arith.constant 32 : index
      %swap3A_98 = tpu.vector_load %arg6[%swap3A_96, %swap3A_97] {strides = array<i32>} : memref<128x128xf32, #tpu.memory_space<vmem>>, vector<1x16xf32>,
      %swap3A_99 = vector.shape_cast %swap3A_98 : vector<1x16xf32> to vector<16xf32>
      %swap3A_100 = vector.shape_cast %broadcast_in_dim3A_31 : vector<16xf32> to vector<1x16xf32>
      tpu.vector_store %arg6[%swap3A_96, %swap3A_97], %swap3A_100 {strides = array<i32>} : memref<128x128xf32, #tpu.memory_space<vmem>>, vector<1x16xf32>,
      %swap3A_101 = arith.index_cast %scan3A_85 : i32 to index
      %swap3A_102 = arith.constant 48 : index
      %swap3A_103 = tpu.vector_load %arg6[%swap3A_101, %swap3A_102] {strides = array<i32>} : memref<128x128xf32, #tpu.memory_space<vmem>>, vector<1x16xf32>,
      %swap3A_104 = vector.shape_cast %swap3A_103 : vector<1x16xf32> to vector<16xf32>
      %swap3A_105 = vector.shape_cast %broadcast_in_dim3A_31 : vector<16xf32> to vector<1x16xf32>
      tpu.vector_store %arg6[%swap3A_101, %swap3A_102], %swap3A_105 {strides = array<i32>} : memref<128x128xf32, #tpu.memory_space<vmem>>, vector<1x16xf32>,
      %swap3A_106 = arith.index_cast %scan3A_85 : i32 to index
      %swap3A_107 = arith.constant 64 : index
      %swap3A_108 = tpu.vector_load %arg6[%swap3A_106, %swap3A_107] {strides = array<i32>} : memref<128x128xf32, #tpu.memory_space<vmem>>, vector<1x16xf32>,
      %swap3A_109 = vector.shape_cast %swap3A_108 : vector<1x16xf32> to vector<16xf32>
      %swap3A_110 = vector.shape_cast %broadcast_in_dim3A_31 : vector<16xf32> to vector<1x16xf32>
      tpu.vector_store %arg6[%swap3A_106, %swap3A_107], %swap3A_110 {strides = array<i32>} : memref<128x128xf32, #tpu.memory_space<vmem>>, vector<1x16xf32>,
      %swap3A_111 = arith.index_cast %scan3A_85 : i32 to index
      %swap3A_112 = arith.constant 80 : index
      %swap3A_113 = tpu.vector_load %arg6[%swap3A_111, %swap3A_112] {strides = array<i32>} : memref<128x128xf32, #tpu.memory_space<vmem>>, vector<1x16xf32>,
      %swap3A_114 = vector.shape_cast %swap3A_113 : vector<1x16xf32> to vector<16xf32>
      %swap3A_115 = vector.shape_cast %broadcast_in_dim3A_31 : vector<16xf32> to vector<1x16xf32>
      tpu.vector_store %arg6[%swap3A_111, %swap3A_112], %swap3A_115 {strides = array<i32>} : memref<128x128xf32, #tpu.memory_space<vmem>>, vector<1x16xf32>,
      %swap3A_116 = arith.index_cast %scan3A_85 : i32 to index
      %swap3A_117 = arith.constant 96 : index
      %swap3A_118 = tpu.vector_load %arg6[%swap3A_116, %swap3A_117] {strides = array<i32>} : memref<128x128xf32, #tpu.memory_space<vmem>>, vector<1x16xf32>,
      %swap3A_119 = vector.shape_cast %swap3A_118 : vector<1x16xf32> to vector<16xf32>
      %swap3A_120 = vector.shape_cast %broadcast_in_dim3A_31 : vector<16xf32> to vector<1x16xf32>
      tpu.vector_store %arg6[%swap3A_116, %swap3A_117], %swap3A_120 {strides = array<i32>} : memref<128x128xf32, #tpu.memory_space<vmem>>, vector<1x16xf32>,
      %swap3A_121 = arith.index_cast %scan3A_85 : i32 to index
      %swap3A_122 = arith.constant 112 : index
      %swap3A_123 = tpu.vector_load %arg6[%swap3A_121, %swap3A_122] {strides = array<i32>} : memref<128x128xf32, #tpu.memory_space<vmem>>, vector<1x16xf32>,
      %swap3A_124 = vector.shape_cast %swap3A_123 : vector<1x16xf32> to vector<16xf32>
      %swap3A_125 = vector.shape_cast %broadcast_in_dim3A_31 : vector<16xf32> to vector<1x16xf32>
      tpu.vector_store %arg6[%swap3A_121, %swap3A_122], %swap3A_125 {strides = array<i32>} : memref<128x128xf32, #tpu.memory_space<vmem>>, vector<1x16xf32>,
      %scan3A_126 = arith.constant 0 : i32
      scf.yield %scan3A_126 : i32
    }
    %scan3A_38 = arith.constant 128 : i32
    %add3A_39 = arith.constant 0 : i32
    %add3A_40 = arith.addi %mul3A_2, %add3A_39 : i32
    %mul3A_41 = arith.constant 128 : i32
    %mul3A_42 = arith.muli %add3A_40, %mul3A_41 : i32
    %dma_start3A = tpu.memref_slice %arg2[%mul3A_42] : memref<656384xi32, #tpu.memory_space<hbm>> -> memref<128xi32, #tpu.memory_space<hbm>>
    %dma_start3A_43 = tpu.memref_slice %arg2[%mul3A_42] : memref<656384xi32, #tpu.memory_space<hbm>> -> memref<128xi32, #tpu.memory_space<hbm>>
    tpu.enqueue_dma source(%dma_start3A_43 : memref<128xi32, #tpu.memory_space<hbm>>) target(%arg4 : memref<128xi32, #tpu.memory_space<vmem>>) target_semaphore(%arg8 : memref<!tpu.dma_semaphore, #tpu.memory_space<semaphore_mem>>)
    %add3A_44 = arith.constant 1 : i32
    %add3A_45 = arith.addi %mul3A_2, %add3A_44 : i32
    %mul3A_46 = arith.constant 128 : i32
    %mul3A_47 = arith.muli %add3A_45, %mul3A_46 : i32
    %dma_start3A_48 = tpu.memref_slice %arg2[%mul3A_47] : memref<656384xi32, #tpu.memory_space<hbm>> -> memref<128xi32, #tpu.memory_space<hbm>>
    %dma_start3A_49 = tpu.memref_slice %arg2[%mul3A_47] : memref<656384xi32, #tpu.memory_space<hbm>> -> memref<128xi32, #tpu.memory_space<hbm>>
    tpu.enqueue_dma source(%dma_start3A_49 : memref<128xi32, #tpu.memory_space<hbm>>) target(%arg5 : memref<128xi32, #tpu.memory_space<vmem>>) target_semaphore(%arg9 : memref<!tpu.dma_semaphore, #tpu.memory_space<semaphore_mem>>)
    %scan3A_50 = arith.constant 0 : i32
    %scan3A_51 = arith.constant 0 : i32
    %scan3A_52 = arith.constant 80 : i32
    %scan3A_53 = arith.addi %scan3A_51, %scan3A_52 : i32
    %scan3A_54 = arith.constant 1 : i32
    %scan3A_55 = scf.for %scan3A_85 = %scan3A_51 to %scan3A_53 step %scan3A_54 iter_args(%scan3A_86 = %scan3A_50) -> (i32)  : i32 {
      %mul3A_87 = arith.constant 2 : i32
      %mul3A_88 = arith.muli %scan3A_85, %mul3A_87 : i32
      %mul3A_89 = arith.constant 128 : i32
      %mul3A_90 = arith.muli %mul3A_2, %mul3A_89 : i32
      %dma_wait3A_91 = tpu.memref_slice %arg2[%mul3A_90] : memref<656384xi32, #tpu.memory_space<hbm>> -> memref<128xi32, #tpu.memory_space<hbm>>
      %dma_wait3A_92 = tpu.memref_slice %arg2[%mul3A_90] : memref<656384xi32, #tpu.memory_space<hbm>> -> memref<128xi32, #tpu.memory_space<hbm>>
      tpu.wait_dma2 semaphore(%arg8 : memref<!tpu.dma_semaphore, #tpu.memory_space<semaphore_mem>>) src(%dma_wait3A_92 : memref<128xi32, #tpu.memory_space<hbm>>) dst(%arg4 : memref<128xi32, #tpu.memory_space<vmem>>)
      "tpu.region"() ({
        %run_scoped3A = tpu.sem_alloc : memref<!tpu.dma_semaphore, #tpu.memory_space<semaphore_mem>>
        %dma_start3A_116 = arith.constant 0 : i32
        %dma_start3A_117 = arith.constant 0 : i32
        %dma_start3A_118 = tpu.memref_slice %arg7[%dma_start3A_116, %dma_start3A_117] : memref<10112x128xf32, #tpu.memory_space<vmem_shared>> -> memref<10112x128xf32, #tpu.memory_space<vmem_shared>>
        tpu.enqueue_indirect_dma source(%arg6 : memref<128x128xf32, #tpu.memory_space<vmem>>) target(%dma_start3A_118 : memref<10112x128xf32, #tpu.memory_space<vmem_shared>>) offsets(%arg4 : memref<128xi32, #tpu.memory_space<vmem>>) semaphore(%run_scoped3A : memref<!tpu.dma_semaphore, #tpu.memory_space<semaphore_mem>>) {add = true}
        %dma_wait3A_119 = arith.constant 0 : i32
        %dma_wait3A_120 = arith.constant 0 : i32
        %dma_wait3A_121 = tpu.memref_slice %arg7[%dma_wait3A_119, %dma_wait3A_120] : memref<10112x128xf32, #tpu.memory_space<vmem_shared>> -> memref<10112x128xf32, #tpu.memory_space<vmem_shared>>
        tpu.wait_indirect_dma semaphore(%run_scoped3A : memref<!tpu.dma_semaphore, #tpu.memory_space<semaphore_mem>>) src(%arg6 : memref<128x128xf32, #tpu.memory_space<vmem>>) dst(%dma_wait3A_121 : memref<10112x128xf32, #tpu.memory_space<vmem_shared>>)
        tpu.yield
      }) : () -> ()
      %add3A_93 = arith.constant 0 : i32
      %add3A_94 = arith.addi %mul3A_88, %add3A_93 : i32
      %add3A_95 = arith.constant 2 : i32
      %add3A_96 = arith.addi %add3A_94, %add3A_95 : i32
      %add3A_97 = arith.addi %mul3A_2, %add3A_96 : i32
      %mul3A_98 = arith.constant 128 : i32
      %mul3A_99 = arith.muli %add3A_97, %mul3A_98 : i32
      %dma_start3A_100 = tpu.memref_slice %arg2[%mul3A_99] : memref<656384xi32, #tpu.memory_space<hbm>> -> memref<128xi32, #tpu.memory_space<hbm>>
      %dma_start3A_101 = tpu.memref_slice %arg2[%mul3A_99] : memref<656384xi32, #tpu.memory_space<hbm>> -> memref<128xi32, #tpu.memory_space<hbm>>
      tpu.enqueue_dma source(%dma_start3A_101 : memref<128xi32, #tpu.memory_space<hbm>>) target(%arg4 : memref<128xi32, #tpu.memory_space<vmem>>) target_semaphore(%arg8 : memref<!tpu.dma_semaphore, #tpu.memory_space<semaphore_mem>>)
      %mul3A_102 = arith.constant 128 : i32
      %mul3A_103 = arith.muli %mul3A_2, %mul3A_102 : i32
      %dma_wait3A_104 = tpu.memref_slice %arg2[%mul3A_103] : memref<656384xi32, #tpu.memory_space<hbm>> -> memref<128xi32, #tpu.memory_space<hbm>>
      %dma_wait3A_105 = tpu.memref_slice %arg2[%mul3A_103] : memref<656384xi32, #tpu.memory_space<hbm>> -> memref<128xi32, #tpu.memory_space<hbm>>
      tpu.wait_dma2 semaphore(%arg9 : memref<!tpu.dma_semaphore, #tpu.memory_space<semaphore_mem>>) src(%dma_wait3A_105 : memref<128xi32, #tpu.memory_space<hbm>>) dst(%arg5 : memref<128xi32, #tpu.memory_space<vmem>>)
      "tpu.region"() ({
        %run_scoped3A = tpu.sem_alloc : memref<!tpu.dma_semaphore, #tpu.memory_space<semaphore_mem>>
        %dma_start3A_116 = arith.constant 0 : i32
        %dma_start3A_117 = arith.constant 0 : i32
        %dma_start3A_118 = tpu.memref_slice %arg7[%dma_start3A_116, %dma_start3A_117] : memref<10112x128xf32, #tpu.memory_space<vmem_shared>> -> memref<10112x128xf32, #tpu.memory_space<vmem_shared>>
        tpu.enqueue_indirect_dma source(%arg6 : memref<128x128xf32, #tpu.memory_space<vmem>>) target(%dma_start3A_118 : memref<10112x128xf32, #tpu.memory_space<vmem_shared>>) offsets(%arg5 : memref<128xi32, #tpu.memory_space<vmem>>) semaphore(%run_scoped3A : memref<!tpu.dma_semaphore, #tpu.memory_space<semaphore_mem>>) {add = true}
        %dma_wait3A_119 = arith.constant 0 : i32
        %dma_wait3A_120 = arith.constant 0 : i32
        %dma_wait3A_121 = tpu.memref_slice %arg7[%dma_wait3A_119, %dma_wait3A_120] : memref<10112x128xf32, #tpu.memory_space<vmem_shared>> -> memref<10112x128xf32, #tpu.memory_space<vmem_shared>>
        tpu.wait_indirect_dma semaphore(%run_scoped3A : memref<!tpu.dma_semaphore, #tpu.memory_space<semaphore_mem>>) src(%arg6 : memref<128x128xf32, #tpu.memory_space<vmem>>) dst(%dma_wait3A_121 : memref<10112x128xf32, #tpu.memory_space<vmem_shared>>)
        tpu.yield
      }) : () -> ()
      %add3A_106 = arith.constant 1 : i32
      %add3A_107 = arith.addi %mul3A_88, %add3A_106 : i32
      %add3A_108 = arith.constant 2 : i32
      %add3A_109 = arith.addi %add3A_107, %add3A_108 : i32
      %add3A_110 = arith.addi %mul3A_2, %add3A_109 : i32
      %mul3A_111 = arith.constant 128 : i32
      %mul3A_112 = arith.muli %add3A_110, %mul3A_111 : i32
      %dma_start3A_113 = tpu.memref_slice %arg2[%mul3A_112] : memref<656384xi32, #tpu.memory_space<hbm>> -> memref<128xi32, #tpu.memory_space<hbm>>
      %dma_start3A_114 = tpu.memref_slice %arg2[%mul3A_112] : memref<656384xi32, #tpu.memory_space<hbm>> -> memref<128xi32, #tpu.memory_space<hbm>>
      tpu.enqueue_dma source(%dma_start3A_114 : memref<128xi32, #tpu.memory_space<hbm>>) target(%arg5 : memref<128xi32, #tpu.memory_space<vmem>>) target_semaphore(%arg9 : memref<!tpu.dma_semaphore, #tpu.memory_space<semaphore_mem>>)
      %scan3A_115 = arith.constant 0 : i32
      scf.yield %scan3A_115 : i32
    }
    %scan3A_56 = arith.constant 80 : i32
    %mul3A_57 = arith.constant 128 : i32
    %mul3A_58 = arith.muli %mul3A_2, %mul3A_57 : i32
    %dma_wait3A = tpu.memref_slice %arg2[%mul3A_58] : memref<656384xi32, #tpu.memory_space<hbm>> -> memref<128xi32, #tpu.memory_space<hbm>>
    %dma_wait3A_59 = tpu.memref_slice %arg2[%mul3A_58] : memref<656384xi32, #tpu.memory_space<hbm>> -> memref<128xi32, #tpu.memory_space<hbm>>
    tpu.wait_dma2 semaphore(%arg8 : memref<!tpu.dma_semaphore, #tpu.memory_space<semaphore_mem>>) src(%dma_wait3A_59 : memref<128xi32, #tpu.memory_space<hbm>>) dst(%arg4 : memref<128xi32, #tpu.memory_space<vmem>>)
    %mul3A_60 = arith.constant 128 : i32
    %mul3A_61 = arith.muli %mul3A_2, %mul3A_60 : i32
    %dma_wait3A_62 = tpu.memref_slice %arg2[%mul3A_61] : memref<656384xi32, #tpu.memory_space<hbm>> -> memref<128xi32, #tpu.memory_space<hbm>>
    %dma_wait3A_63 = tpu.memref_slice %arg2[%mul3A_61] : memref<656384xi32, #tpu.memory_space<hbm>> -> memref<128xi32, #tpu.memory_space<hbm>>
    tpu.wait_dma2 semaphore(%arg9 : memref<!tpu.dma_semaphore, #tpu.memory_space<semaphore_mem>>) src(%dma_wait3A_63 : memref<128xi32, #tpu.memory_space<hbm>>) dst(%arg5 : memref<128xi32, #tpu.memory_space<vmem>>)
    %barrier3A_64 = arith.constant 0 : index
    tpu.barrier barrier_id(%barrier3A_64)
    %mul3A_65 = arith.constant 624 : i32
    %mul3A_66 = arith.muli %arg1, %mul3A_65 : i32
    %add3A_67 = arith.constant 0 : i32
    %add3A_68 = arith.addi %mul3A_66, %add3A_67 : i32
    "tpu.region"() ({
      %run_scoped3A = tpu.sem_alloc : memref<!tpu.dma_semaphore, #tpu.memory_space<semaphore_mem>>
      %dma_start3A_85 = arith.constant 0 : i32
      %dma_start3A_86 = tpu.memref_slice %arg7[%add3A_68, %dma_start3A_85] : memref<10112x128xf32, #tpu.memory_space<vmem_shared>> -> memref<128x128xf32, #tpu.memory_space<vmem_shared>>
      %dma_start3A_87 = arith.constant 0 : i32
      %dma_start3A_88 = tpu.memref_slice %arg7[%add3A_68, %dma_start3A_87] : memref<10112x128xf32, #tpu.memory_space<vmem_shared>> -> memref<128x128xf32, #tpu.memory_space<vmem_shared>>
      tpu.enqueue_dma source(%dma_start3A_88 : memref<128x128xf32, #tpu.memory_space<vmem_shared>>) target(%arg6 : memref<128x128xf32, #tpu.memory_space<vmem>>) target_semaphore(%run_scoped3A : memref<!tpu.dma_semaphore, #tpu.memory_space<semaphore_mem>>)
      %dma_wait3A_89 = arith.constant 0 : i32
      %dma_wait3A_90 = tpu.memref_slice %arg7[%add3A_68, %dma_wait3A_89] : memref<10112x128xf32, #tpu.memory_space<vmem_shared>> -> memref<128x128xf32, #tpu.memory_space<vmem_shared>>
      %dma_wait3A_91 = arith.constant 0 : i32
      %dma_wait3A_92 = tpu.memref_slice %arg7[%add3A_68, %dma_wait3A_91] : memref<10112x128xf32, #tpu.memory_space<vmem_shared>> -> memref<128x128xf32, #tpu.memory_space<vmem_shared>>
      tpu.wait_dma2 semaphore(%run_scoped3A : memref<!tpu.dma_semaphore, #tpu.memory_space<semaphore_mem>>) src(%dma_wait3A_92 : memref<128x128xf32, #tpu.memory_space<vmem_shared>>) dst(%arg6 : memref<128x128xf32, #tpu.memory_space<vmem>>)
      tpu.yield
    }) : () -> ()
    "tpu.region"() ({
      %run_scoped3A = tpu.sem_alloc : memref<!tpu.dma_semaphore, #tpu.memory_space<semaphore_mem>>
      %dma_start3A_85 = arith.constant 0 : i32
      %dma_start3A_86 = tpu.memref_slice %arg3[%arg0, %add3A_68, %dma_start3A_85] : memref<2x10000x128xf32, #tpu.memory_space<hbm>> -> memref<1x128x128xf32, #tpu.memory_space<hbm>>
      %dma_start3A_87 = tpu.memref_squeeze %dma_start3A_86 : memref<1x128x128xf32, #tpu.memory_space<hbm>> -> memref<128x128xf32, #tpu.memory_space<hbm>>
      %dma_start3A_88 = arith.constant 0 : i32
      %dma_start3A_89 = tpu.memref_slice %arg3[%arg0, %add3A_68, %dma_start3A_88] : memref<2x10000x128xf32, #tpu.memory_space<hbm>> -> memref<1x128x128xf32, #tpu.memory_space<hbm>>
      %dma_start3A_90 = tpu.memref_squeeze %dma_start3A_89 : memref<1x128x128xf32, #tpu.memory_space<hbm>> -> memref<128x128xf32, #tpu.memory_space<hbm>>
      tpu.enqueue_dma source(%arg6 : memref<128x128xf32, #tpu.memory_space<vmem>>) target(%dma_start3A_90 : memref<128x128xf32, #tpu.memory_space<hbm>>) target_semaphore(%run_scoped3A : memref<!tpu.dma_semaphore, #tpu.memory_space<semaphore_mem>>)
      %dma_wait3A_91 = arith.constant 0 : i32
      %dma_wait3A_92 = tpu.memref_slice %arg3[%arg0, %add3A_68, %dma_wait3A_91] : memref<2x10000x128xf32, #tpu.memory_space<hbm>> -> memref<1x128x128xf32, #tpu.memory_space<hbm>>
      %dma_wait3A_93 = tpu.memref_squeeze %dma_wait3A_92 : memref<1x128x128xf32, #tpu.memory_space<hbm>> -> memref<128x128xf32, #tpu.memory_space<hbm>>
      %dma_wait3A_94 = arith.constant 0 : i32
      %dma_wait3A_95 = tpu.memref_slice %arg3[%arg0, %add3A_68, %dma_wait3A_94] : memref<2x10000x128xf32, #tpu.memory_space<hbm>> -> memref<1x128x128xf32, #tpu.memory_space<hbm>>
      %dma_wait3A_96 = tpu.memref_squeeze %dma_wait3A_95 : memref<1x128x128xf32, #tpu.memory_space<hbm>> -> memref<128x128xf32, #tpu.memory_space<hbm>>
      tpu.wait_dma2 semaphore(%run_scoped3A : memref<!tpu.dma_semaphore, #tpu.memory_space<semaphore_mem>>) src(%arg6 : memref<128x128xf32, #tpu.memory_space<vmem>>) dst(%dma_wait3A_96 : memref<128x128xf32, #tpu.memory_space<hbm>>)
      tpu.yield
    }) : () -> ()
    %mul3A_69 = arith.constant 624 : i32
    %mul3A_70 = arith.muli %arg1, %mul3A_69 : i32
    %add3A_71 = arith.constant 128 : i32
    %add3A_72 = arith.addi %mul3A_70, %add3A_71 : i32
    "tpu.region"() ({
      %run_scoped3A = tpu.sem_alloc : memref<!tpu.dma_semaphore, #tpu.memory_space<semaphore_mem>>
      %dma_start3A_85 = arith.constant 0 : i32
      %dma_start3A_86 = tpu.memref_slice %arg7[%add3A_72, %dma_start3A_85] : memref<10112x128xf32, #tpu.memory_space<vmem_shared>> -> memref<128x128xf32, #tpu.memory_space<vmem_shared>>
      %dma_start3A_87 = arith.constant 0 : i32
      %dma_start3A_88 = tpu.memref_slice %arg7[%add3A_72, %dma_start3A_87] : memref<10112x128xf32, #tpu.memory_space<vmem_shared>> -> memref<128x128xf32, #tpu.memory_space<vmem_shared>>
      tpu.enqueue_dma source(%dma_start3A_88 : memref<128x128xf32, #tpu.memory_space<vmem_shared>>) target(%arg6 : memref<128x128xf32, #tpu.memory_space<vmem>>) target_semaphore(%run_scoped3A : memref<!tpu.dma_semaphore, #tpu.memory_space<semaphore_mem>>)
      %dma_wait3A_89 = arith.constant 0 : i32
      %dma_wait3A_90 = tpu.memref_slice %arg7[%add3A_72, %dma_wait3A_89] : memref<10112x128xf32, #tpu.memory_space<vmem_shared>> -> memref<128x128xf32, #tpu.memory_space<vmem_shared>>
      %dma_wait3A_91 = arith.constant 0 : i32
      %dma_wait3A_92 = tpu.memref_slice %arg7[%add3A_72, %dma_wait3A_91] : memref<10112x128xf32, #tpu.memory_space<vmem_shared>> -> memref<128x128xf32, #tpu.memory_space<vmem_shared>>
      tpu.wait_dma2 semaphore(%run_scoped3A : memref<!tpu.dma_semaphore, #tpu.memory_space<semaphore_mem>>) src(%dma_wait3A_92 : memref<128x128xf32, #tpu.memory_space<vmem_shared>>) dst(%arg6 : memref<128x128xf32, #tpu.memory_space<vmem>>)
      tpu.yield
    }) : () -> ()
    "tpu.region"() ({
      %run_scoped3A = tpu.sem_alloc : memref<!tpu.dma_semaphore, #tpu.memory_space<semaphore_mem>>
      %dma_start3A_85 = arith.constant 0 : i32
      %dma_start3A_86 = tpu.memref_slice %arg3[%arg0, %add3A_72, %dma_start3A_85] : memref<2x10000x128xf32, #tpu.memory_space<hbm>> -> memref<1x128x128xf32, #tpu.memory_space<hbm>>
      %dma_start3A_87 = tpu.memref_squeeze %dma_start3A_86 : memref<1x128x128xf32, #tpu.memory_space<hbm>> -> memref<128x128xf32, #tpu.memory_space<hbm>>
      %dma_start3A_88 = arith.constant 0 : i32
      %dma_start3A_89 = tpu.memref_slice %arg3[%arg0, %add3A_72, %dma_start3A_88] : memref<2x10000x128xf32, #tpu.memory_space<hbm>> -> memref<1x128x128xf32, #tpu.memory_space<hbm>>
      %dma_start3A_90 = tpu.memref_squeeze %dma_start3A_89 : memref<1x128x128xf32, #tpu.memory_space<hbm>> -> memref<128x128xf32, #tpu.memory_space<hbm>>
      tpu.enqueue_dma source(%arg6 : memref<128x128xf32, #tpu.memory_space<vmem>>) target(%dma_start3A_90 : memref<128x128xf32, #tpu.memory_space<hbm>>) target_semaphore(%run_scoped3A : memref<!tpu.dma_semaphore, #tpu.memory_space<semaphore_mem>>)
      %dma_wait3A_91 = arith.constant 0 : i32
      %dma_wait3A_92 = tpu.memref_slice %arg3[%arg0, %add3A_72, %dma_wait3A_91] : memref<2x10000x128xf32, #tpu.memory_space<hbm>> -> memref<1x128x128xf32, #tpu.memory_space<hbm>>
      %dma_wait3A_93 = tpu.memref_squeeze %dma_wait3A_92 : memref<1x128x128xf32, #tpu.memory_space<hbm>> -> memref<128x128xf32, #tpu.memory_space<hbm>>
      %dma_wait3A_94 = arith.constant 0 : i32
      %dma_wait3A_95 = tpu.memref_slice %arg3[%arg0, %add3A_72, %dma_wait3A_94] : memref<2x10000x128xf32, #tpu.memory_space<hbm>> -> memref<1x128x128xf32, #tpu.memory_space<hbm>>
      %dma_wait3A_96 = tpu.memref_squeeze %dma_wait3A_95 : memref<1x128x128xf32, #tpu.memory_space<hbm>> -> memref<128x128xf32, #tpu.memory_space<hbm>>
      tpu.wait_dma2 semaphore(%run_scoped3A : memref<!tpu.dma_semaphore, #tpu.memory_space<semaphore_mem>>) src(%arg6 : memref<128x128xf32, #tpu.memory_space<vmem>>) dst(%dma_wait3A_96 : memref<128x128xf32, #tpu.memory_space<hbm>>)
      tpu.yield
    }) : () -> ()
    %mul3A_73 = arith.constant 624 : i32
    %mul3A_74 = arith.muli %arg1, %mul3A_73 : i32
    %add3A_75 = arith.constant 256 : i32
    %add3A_76 = arith.addi %mul3A_74, %add3A_75 : i32
    "tpu.region"() ({
      %run_scoped3A = tpu.sem_alloc : memref<!tpu.dma_semaphore, #tpu.memory_space<semaphore_mem>>
      %dma_start3A_85 = arith.constant 0 : i32
      %dma_start3A_86 = tpu.memref_slice %arg7[%add3A_76, %dma_start3A_85] : memref<10112x128xf32, #tpu.memory_space<vmem_shared>> -> memref<128x128xf32, #tpu.memory_space<vmem_shared>>
      %dma_start3A_87 = arith.constant 0 : i32
      %dma_start3A_88 = tpu.memref_slice %arg7[%add3A_76, %dma_start3A_87] : memref<10112x128xf32, #tpu.memory_space<vmem_shared>> -> memref<128x128xf32, #tpu.memory_space<vmem_shared>>
      tpu.enqueue_dma source(%dma_start3A_88 : memref<128x128xf32, #tpu.memory_space<vmem_shared>>) target(%arg6 : memref<128x128xf32, #tpu.memory_space<vmem>>) target_semaphore(%run_scoped3A : memref<!tpu.dma_semaphore, #tpu.memory_space<semaphore_mem>>)
      %dma_wait3A_89 = arith.constant 0 : i32
      %dma_wait3A_90 = tpu.memref_slice %arg7[%add3A_76, %dma_wait3A_89] : memref<10112x128xf32, #tpu.memory_space<vmem_shared>> -> memref<128x128xf32, #tpu.memory_space<vmem_shared>>
      %dma_wait3A_91 = arith.constant 0 : i32
      %dma_wait3A_92 = tpu.memref_slice %arg7[%add3A_76, %dma_wait3A_91] : memref<10112x128xf32, #tpu.memory_space<vmem_shared>> -> memref<128x128xf32, #tpu.memory_space<vmem_shared>>
      tpu.wait_dma2 semaphore(%run_scoped3A : memref<!tpu.dma_semaphore, #tpu.memory_space<semaphore_mem>>) src(%dma_wait3A_92 : memref<128x128xf32, #tpu.memory_space<vmem_shared>>) dst(%arg6 : memref<128x128xf32, #tpu.memory_space<vmem>>)
      tpu.yield
    }) : () -> ()
    "tpu.region"() ({
      %run_scoped3A = tpu.sem_alloc : memref<!tpu.dma_semaphore, #tpu.memory_space<semaphore_mem>>
      %dma_start3A_85 = arith.constant 0 : i32
      %dma_start3A_86 = tpu.memref_slice %arg3[%arg0, %add3A_76, %dma_start3A_85] : memref<2x10000x128xf32, #tpu.memory_space<hbm>> -> memref<1x128x128xf32, #tpu.memory_space<hbm>>
      %dma_start3A_87 = tpu.memref_squeeze %dma_start3A_86 : memref<1x128x128xf32, #tpu.memory_space<hbm>> -> memref<128x128xf32, #tpu.memory_space<hbm>>
      %dma_start3A_88 = arith.constant 0 : i32
      %dma_start3A_89 = tpu.memref_slice %arg3[%arg0, %add3A_76, %dma_start3A_88] : memref<2x10000x128xf32, #tpu.memory_space<hbm>> -> memref<1x128x128xf32, #tpu.memory_space<hbm>>
      %dma_start3A_90 = tpu.memref_squeeze %dma_start3A_89 : memref<1x128x128xf32, #tpu.memory_space<hbm>> -> memref<128x128xf32, #tpu.memory_space<hbm>>
      tpu.enqueue_dma source(%arg6 : memref<128x128xf32, #tpu.memory_space<vmem>>) target(%dma_start3A_90 : memref<128x128xf32, #tpu.memory_space<hbm>>) target_semaphore(%run_scoped3A : memref<!tpu.dma_semaphore, #tpu.memory_space<semaphore_mem>>)
      %dma_wait3A_91 = arith.constant 0 : i32
      %dma_wait3A_92 = tpu.memref_slice %arg3[%arg0, %add3A_76, %dma_wait3A_91] : memref<2x10000x128xf32, #tpu.memory_space<hbm>> -> memref<1x128x128xf32, #tpu.memory_space<hbm>>
      %dma_wait3A_93 = tpu.memref_squeeze %dma_wait3A_92 : memref<1x128x128xf32, #tpu.memory_space<hbm>> -> memref<128x128xf32, #tpu.memory_space<hbm>>
      %dma_wait3A_94 = arith.constant 0 : i32
      %dma_wait3A_95 = tpu.memref_slice %arg3[%arg0, %add3A_76, %dma_wait3A_94] : memref<2x10000x128xf32, #tpu.memory_space<hbm>> -> memref<1x128x128xf32, #tpu.memory_space<hbm>>
      %dma_wait3A_96 = tpu.memref_squeeze %dma_wait3A_95 : memref<1x128x128xf32, #tpu.memory_space<hbm>> -> memref<128x128xf32, #tpu.memory_space<hbm>>
      tpu.wait_dma2 semaphore(%run_scoped3A : memref<!tpu.dma_semaphore, #tpu.memory_space<semaphore_mem>>) src(%arg6 : memref<128x128xf32, #tpu.memory_space<vmem>>) dst(%dma_wait3A_96 : memref<128x128xf32, #tpu.memory_space<hbm>>)
      tpu.yield
    }) : () -> ()
    %mul3A_77 = arith.constant 624 : i32
    %mul3A_78 = arith.muli %arg1, %mul3A_77 : i32
    %add3A_79 = arith.constant 384 : i32
    %add3A_80 = arith.addi %mul3A_78, %add3A_79 : i32
    "tpu.region"() ({
      %run_scoped3A = tpu.sem_alloc : memref<!tpu.dma_semaphore, #tpu.memory_space<semaphore_mem>>
      %dma_start3A_85 = arith.constant 0 : i32
      %dma_start3A_86 = tpu.memref_slice %arg7[%add3A_80, %dma_start3A_85] : memref<10112x128xf32, #tpu.memory_space<vmem_shared>> -> memref<128x128xf32, #tpu.memory_space<vmem_shared>>
      %dma_start3A_87 = arith.constant 0 : i32
      %dma_start3A_88 = tpu.memref_slice %arg7[%add3A_80, %dma_start3A_87] : memref<10112x128xf32, #tpu.memory_space<vmem_shared>> -> memref<128x128xf32, #tpu.memory_space<vmem_shared>>
      tpu.enqueue_dma source(%dma_start3A_88 : memref<128x128xf32, #tpu.memory_space<vmem_shared>>) target(%arg6 : memref<128x128xf32, #tpu.memory_space<vmem>>) target_semaphore(%run_scoped3A : memref<!tpu.dma_semaphore, #tpu.memory_space<semaphore_mem>>)
      %dma_wait3A_89 = arith.constant 0 : i32
      %dma_wait3A_90 = tpu.memref_slice %arg7[%add3A_80, %dma_wait3A_89] : memref<10112x128xf32, #tpu.memory_space<vmem_shared>> -> memref<128x128xf32, #tpu.memory_space<vmem_shared>>
      %dma_wait3A_91 = arith.constant 0 : i32
      %dma_wait3A_92 = tpu.memref_slice %arg7[%add3A_80, %dma_wait3A_91] : memref<10112x128xf32, #tpu.memory_space<vmem_shared>> -> memref<128x128xf32, #tpu.memory_space<vmem_shared>>
      tpu.wait_dma2 semaphore(%run_scoped3A : memref<!tpu.dma_semaphore, #tpu.memory_space<semaphore_mem>>) src(%dma_wait3A_92 : memref<128x128xf32, #tpu.memory_space<vmem_shared>>) dst(%arg6 : memref<128x128xf32, #tpu.memory_space<vmem>>)
      tpu.yield
    }) : () -> ()
    "tpu.region"() ({
      %run_scoped3A = tpu.sem_alloc : memref<!tpu.dma_semaphore, #tpu.memory_space<semaphore_mem>>
      %dma_start3A_85 = arith.constant 0 : i32
      %dma_start3A_86 = tpu.memref_slice %arg3[%arg0, %add3A_80, %dma_start3A_85] : memref<2x10000x128xf32, #tpu.memory_space<hbm>> -> memref<1x128x128xf32, #tpu.memory_space<hbm>>
      %dma_start3A_87 = tpu.memref_squeeze %dma_start3A_86 : memref<1x128x128xf32, #tpu.memory_space<hbm>> -> memref<128x128xf32, #tpu.memory_space<hbm>>
      %dma_start3A_88 = arith.constant 0 : i32
      %dma_start3A_89 = tpu.memref_slice %arg3[%arg0, %add3A_80, %dma_start3A_88] : memref<2x10000x128xf32, #tpu.memory_space<hbm>> -> memref<1x128x128xf32, #tpu.memory_space<hbm>>
      %dma_start3A_90 = tpu.memref_squeeze %dma_start3A_89 : memref<1x128x128xf32, #tpu.memory_space<hbm>> -> memref<128x128xf32, #tpu.memory_space<hbm>>
      tpu.enqueue_dma source(%arg6 : memref<128x128xf32, #tpu.memory_space<vmem>>) target(%dma_start3A_90 : memref<128x128xf32, #tpu.memory_space<hbm>>) target_semaphore(%run_scoped3A : memref<!tpu.dma_semaphore, #tpu.memory_space<semaphore_mem>>)
      %dma_wait3A_91 = arith.constant 0 : i32
      %dma_wait3A_92 = tpu.memref_slice %arg3[%arg0, %add3A_80, %dma_wait3A_91] : memref<2x10000x128xf32, #tpu.memory_space<hbm>> -> memref<1x128x128xf32, #tpu.memory_space<hbm>>
      %dma_wait3A_93 = tpu.memref_squeeze %dma_wait3A_92 : memref<1x128x128xf32, #tpu.memory_space<hbm>> -> memref<128x128xf32, #tpu.memory_space<hbm>>
      %dma_wait3A_94 = arith.constant 0 : i32
      %dma_wait3A_95 = tpu.memref_slice %arg3[%arg0, %add3A_80, %dma_wait3A_94] : memref<2x10000x128xf32, #tpu.memory_space<hbm>> -> memref<1x128x128xf32, #tpu.memory_space<hbm>>
      %dma_wait3A_96 = tpu.memref_squeeze %dma_wait3A_95 : memref<1x128x128xf32, #tpu.memory_space<hbm>> -> memref<128x128xf32, #tpu.memory_space<hbm>>
      tpu.wait_dma2 semaphore(%run_scoped3A : memref<!tpu.dma_semaphore, #tpu.memory_space<semaphore_mem>>) src(%arg6 : memref<128x128xf32, #tpu.memory_space<vmem>>) dst(%dma_wait3A_96 : memref<128x128xf32, #tpu.memory_space<hbm>>)
      tpu.yield
    }) : () -> ()
    %mul3A_81 = arith.constant 624 : i32
    %mul3A_82 = arith.muli %arg1, %mul3A_81 : i32
    %add3A_83 = arith.constant 512 : i32
    %add3A_84 = arith.addi %mul3A_82, %add3A_83 : i32
    "tpu.region"() ({
      %run_scoped3A = tpu.sem_alloc : memref<!tpu.dma_semaphore, #tpu.memory_space<semaphore_mem>>
      %dma_start3A_85 = arith.constant 0 : i32
      %dma_start3A_86 = tpu.memref_slice %arg7[%add3A_84, %dma_start3A_85] : memref<10112x128xf32, #tpu.memory_space<vmem_shared>> -> memref<128x128xf32, #tpu.memory_space<vmem_shared>>
      %dma_start3A_87 = arith.constant 0 : i32
      %dma_start3A_88 = tpu.memref_slice %arg7[%add3A_84, %dma_start3A_87] : memref<10112x128xf32, #tpu.memory_space<vmem_shared>> -> memref<128x128xf32, #tpu.memory_space<vmem_shared>>
      tpu.enqueue_dma source(%dma_start3A_88 : memref<128x128xf32, #tpu.memory_space<vmem_shared>>) target(%arg6 : memref<128x128xf32, #tpu.memory_space<vmem>>) target_semaphore(%run_scoped3A : memref<!tpu.dma_semaphore, #tpu.memory_space<semaphore_mem>>)
      %dma_wait3A_89 = arith.constant 0 : i32
      %dma_wait3A_90 = tpu.memref_slice %arg7[%add3A_84, %dma_wait3A_89] : memref<10112x128xf32, #tpu.memory_space<vmem_shared>> -> memref<128x128xf32, #tpu.memory_space<vmem_shared>>
      %dma_wait3A_91 = arith.constant 0 : i32
      %dma_wait3A_92 = tpu.memref_slice %arg7[%add3A_84, %dma_wait3A_91] : memref<10112x128xf32, #tpu.memory_space<vmem_shared>> -> memref<128x128xf32, #tpu.memory_space<vmem_shared>>
      tpu.wait_dma2 semaphore(%run_scoped3A : memref<!tpu.dma_semaphore, #tpu.memory_space<semaphore_mem>>) src(%dma_wait3A_92 : memref<128x128xf32, #tpu.memory_space<vmem_shared>>) dst(%arg6 : memref<128x128xf32, #tpu.memory_space<vmem>>)
      tpu.yield
    }) : () -> ()
    "tpu.region"() ({
      %run_scoped3A = tpu.sem_alloc : memref<!tpu.dma_semaphore, #tpu.memory_space<semaphore_mem>>
      %dma_start3A_85 = arith.constant 0 : i32
      %dma_start3A_86 = tpu.memref_slice %arg3[%arg0, %add3A_84, %dma_start3A_85] : memref<2x10000x128xf32, #tpu.memory_space<hbm>> -> memref<1x128x128xf32, #tpu.memory_space<hbm>>
      %dma_start3A_87 = tpu.memref_squeeze %dma_start3A_86 : memref<1x128x128xf32, #tpu.memory_space<hbm>> -> memref<128x128xf32, #tpu.memory_space<hbm>>
      %dma_start3A_88 = arith.constant 0 : i32
      %dma_start3A_89 = tpu.memref_slice %arg3[%arg0, %add3A_84, %dma_start3A_88] : memref<2x10000x128xf32, #tpu.memory_space<hbm>> -> memref<1x128x128xf32, #tpu.memory_space<hbm>>
      %dma_start3A_90 = tpu.memref_squeeze %dma_start3A_89 : memref<1x128x128xf32, #tpu.memory_space<hbm>> -> memref<128x128xf32, #tpu.memory_space<hbm>>
      tpu.enqueue_dma source(%arg6 : memref<128x128xf32, #tpu.memory_space<vmem>>) target(%dma_start3A_90 : memref<128x128xf32, #tpu.memory_space<hbm>>) target_semaphore(%run_scoped3A : memref<!tpu.dma_semaphore, #tpu.memory_space<semaphore_mem>>)
      %dma_wait3A_91 = arith.constant 0 : i32
      %dma_wait3A_92 = tpu.memref_slice %arg3[%arg0, %add3A_84, %dma_wait3A_91] : memref<2x10000x128xf32, #tpu.memory_space<hbm>> -> memref<1x128x128xf32, #tpu.memory_space<hbm>>
      %dma_wait3A_93 = tpu.memref_squeeze %dma_wait3A_92 : memref<1x128x128xf32, #tpu.memory_space<hbm>> -> memref<128x128xf32, #tpu.memory_space<hbm>>
      %dma_wait3A_94 = arith.constant 0 : i32
      %dma_wait3A_95 = tpu.memref_slice %arg3[%arg0, %add3A_84, %dma_wait3A_94] : memref<2x10000x128xf32, #tpu.memory_space<hbm>> -> memref<1x128x128xf32, #tpu.memory_space<hbm>>
      %dma_wait3A_96 = tpu.memref_squeeze %dma_wait3A_95 : memref<1x128x128xf32, #tpu.memory_space<hbm>> -> memref<128x128xf32, #tpu.memory_space<hbm>>
      tpu.wait_dma2 semaphore(%run_scoped3A : memref<!tpu.dma_semaphore, #tpu.memory_space<semaphore_mem>>) src(%arg6 : memref<128x128xf32, #tpu.memory_space<vmem>>) dst(%dma_wait3A_96 : memref<128x128xf32, #tpu.memory_space<hbm>>)
      tpu.yield
    }) : () -> ()
    return
  }
}

#map = affine_map<(d0, d1) -> (0, 0)>
#map1 = affine_map<(d0, d1) -> (0)>
#map2 = affine_map<(d0, d1) -> (0, 0, 0)>
module attributes {stable_mosaic.version = 14 : i64} {
  func.func @_sc_msg(%arg0: i32, %arg1: i32, %arg2: memref<10000x128xf32, #tpu.memory_space<hbm>>, %arg3: memref<656384xi32, #tpu.memory_space<hbm>>, %arg4: memref<656384xi32, #tpu.memory_space<hbm>>, %arg5: memref<2x10000x128xf32, #tpu.memory_space<hbm>>, %arg6: memref<128xi32, #tpu.memory_space<vmem>>, %arg7: memref<128xi32, #tpu.memory_space<vmem>>, %arg8: memref<128xi32, #tpu.memory_space<vmem>>, %arg9: memref<128xi32, #tpu.memory_space<vmem>>, %arg10: memref<128xi32, #tpu.memory_space<vmem>>, %arg11: memref<128xi32, #tpu.memory_space<vmem>>, %arg12: memref<128x128xf32, #tpu.memory_space<vmem>>, %arg13: memref<128x128xf32, #tpu.memory_space<vmem>>, %arg14: memref<128x128xf32, #tpu.memory_space<vmem>>, %arg15: memref<10112x128xf32, #tpu.memory_space<vmem_shared>>, %arg16: memref<!tpu.dma_semaphore, #tpu.memory_space<semaphore_mem>>, %arg17: memref<!tpu.dma_semaphore, #tpu.memory_space<semaphore_mem>>, %arg18: memref<!tpu.dma_semaphore, #tpu.memory_space<semaphore_mem>>) attributes {dimension_semantics = [#tpu.dimension_semantics<core_parallel>, #tpu.dimension_semantics<subcore_parallel>], iteration_bounds = array<i64: 2, 16>, scalar_prefetch = 0 : i64, scratch_operands = 13 : i64, tpu.core_type = #tpu.core_type<sc_vector_subcore>, window_params = [{transform_indices = #map}, {transform_indices = #map1}, {transform_indices = #map1}, {transform_indices = #map2}]} {
    %mul3A = arith.constant 2 : i32
    %mul3A_0 = arith.muli %arg1, %mul3A : i32
    %add3A = arith.addi %mul3A_0, %arg0 : i32
    %mul3A_1 = arith.constant 20480 : i32
    %mul3A_2 = arith.muli %add3A, %mul3A_1 : i32
    %broadcast_in_dim3A = arith.constant 0.000000e+00 : f32
    %broadcast_in_dim3A_3 = vector.broadcast %broadcast_in_dim3A : f32 to vector<16xf32>
    %scan3A = arith.constant 0 : i32
    %scan3A_4 = arith.constant 0 : i32
    %scan3A_5 = arith.constant 128 : i32
    %scan3A_6 = arith.addi %scan3A_4, %scan3A_5 : i32
    %scan3A_7 = arith.constant 1 : i32
    %scan3A_8 = scf.for %scan3A_80 = %scan3A_4 to %scan3A_6 step %scan3A_7 iter_args(%scan3A_81 = %scan3A) -> (i32)  : i32 {
      %swap3A = arith.index_cast %scan3A_80 : i32 to index
      %swap3A_82 = arith.constant 0 : index
      %swap3A_83 = tpu.vector_load %arg12[%swap3A, %swap3A_82] {strides = array<i32>} : memref<128x128xf32, #tpu.memory_space<vmem>>, vector<1x16xf32>,
      %swap3A_84 = vector.shape_cast %swap3A_83 : vector<1x16xf32> to vector<16xf32>
      %swap3A_85 = vector.shape_cast %broadcast_in_dim3A_3 : vector<16xf32> to vector<1x16xf32>
      tpu.vector_store %arg12[%swap3A, %swap3A_82], %swap3A_85 {strides = array<i32>} : memref<128x128xf32, #tpu.memory_space<vmem>>, vector<1x16xf32>,
      %swap3A_86 = arith.index_cast %scan3A_80 : i32 to index
      %swap3A_87 = arith.constant 16 : index
      %swap3A_88 = tpu.vector_load %arg12[%swap3A_86, %swap3A_87] {strides = array<i32>} : memref<128x128xf32, #tpu.memory_space<vmem>>, vector<1x16xf32>,
      %swap3A_89 = vector.shape_cast %swap3A_88 : vector<1x16xf32> to vector<16xf32>
      %swap3A_90 = vector.shape_cast %broadcast_in_dim3A_3 : vector<16xf32> to vector<1x16xf32>
      tpu.vector_store %arg12[%swap3A_86, %swap3A_87], %swap3A_90 {strides = array<i32>} : memref<128x128xf32, #tpu.memory_space<vmem>>, vector<1x16xf32>,
      %swap3A_91 = arith.index_cast %scan3A_80 : i32 to index
      %swap3A_92 = arith.constant 32 : index
      %swap3A_93 = tpu.vector_load %arg12[%swap3A_91, %swap3A_92] {strides = array<i32>} : memref<128x128xf32, #tpu.memory_space<vmem>>, vector<1x16xf32>,
      %swap3A_94 = vector.shape_cast %swap3A_93 : vector<1x16xf32> to vector<16xf32>
      %swap3A_95 = vector.shape_cast %broadcast_in_dim3A_3 : vector<16xf32> to vector<1x16xf32>
      tpu.vector_store %arg12[%swap3A_91, %swap3A_92], %swap3A_95 {strides = array<i32>} : memref<128x128xf32, #tpu.memory_space<vmem>>, vector<1x16xf32>,
      %swap3A_96 = arith.index_cast %scan3A_80 : i32 to index
      %swap3A_97 = arith.constant 48 : index
      %swap3A_98 = tpu.vector_load %arg12[%swap3A_96, %swap3A_97] {strides = array<i32>} : memref<128x128xf32, #tpu.memory_space<vmem>>, vector<1x16xf32>,
      %swap3A_99 = vector.shape_cast %swap3A_98 : vector<1x16xf32> to vector<16xf32>
      %swap3A_100 = vector.shape_cast %broadcast_in_dim3A_3 : vector<16xf32> to vector<1x16xf32>
      tpu.vector_store %arg12[%swap3A_96, %swap3A_97], %swap3A_100 {strides = array<i32>} : memref<128x128xf32, #tpu.memory_space<vmem>>, vector<1x16xf32>,
      %swap3A_101 = arith.index_cast %scan3A_80 : i32 to index
      %swap3A_102 = arith.constant 64 : index
      %swap3A_103 = tpu.vector_load %arg12[%swap3A_101, %swap3A_102] {strides = array<i32>} : memref<128x128xf32, #tpu.memory_space<vmem>>, vector<1x16xf32>,
      %swap3A_104 = vector.shape_cast %swap3A_103 : vector<1x16xf32> to vector<16xf32>
      %swap3A_105 = vector.shape_cast %broadcast_in_dim3A_3 : vector<16xf32> to vector<1x16xf32>
      tpu.vector_store %arg12[%swap3A_101, %swap3A_102], %swap3A_105 {strides = array<i32>} : memref<128x128xf32, #tpu.memory_space<vmem>>, vector<1x16xf32>,
      %swap3A_106 = arith.index_cast %scan3A_80 : i32 to index
      %swap3A_107 = arith.constant 80 : index
      %swap3A_108 = tpu.vector_load %arg12[%swap3A_106, %swap3A_107] {strides = array<i32>} : memref<128x128xf32, #tpu.memory_space<vmem>>, vector<1x16xf32>,
      %swap3A_109 = vector.shape_cast %swap3A_108 : vector<1x16xf32> to vector<16xf32>
      %swap3A_110 = vector.shape_cast %broadcast_in_dim3A_3 : vector<16xf32> to vector<1x16xf32>
      tpu.vector_store %arg12[%swap3A_106, %swap3A_107], %swap3A_110 {strides = array<i32>} : memref<128x128xf32, #tpu.memory_space<vmem>>, vector<1x16xf32>,
      %swap3A_111 = arith.index_cast %scan3A_80 : i32 to index
      %swap3A_112 = arith.constant 96 : index
      %swap3A_113 = tpu.vector_load %arg12[%swap3A_111, %swap3A_112] {strides = array<i32>} : memref<128x128xf32, #tpu.memory_space<vmem>>, vector<1x16xf32>,
      %swap3A_114 = vector.shape_cast %swap3A_113 : vector<1x16xf32> to vector<16xf32>
      %swap3A_115 = vector.shape_cast %broadcast_in_dim3A_3 : vector<16xf32> to vector<1x16xf32>
      tpu.vector_store %arg12[%swap3A_111, %swap3A_112], %swap3A_115 {strides = array<i32>} : memref<128x128xf32, #tpu.memory_space<vmem>>, vector<1x16xf32>,
      %swap3A_116 = arith.index_cast %scan3A_80 : i32 to index
      %swap3A_117 = arith.constant 112 : index
      %swap3A_118 = tpu.vector_load %arg12[%swap3A_116, %swap3A_117] {strides = array<i32>} : memref<128x128xf32, #tpu.memory_space<vmem>>, vector<1x16xf32>,
      %swap3A_119 = vector.shape_cast %swap3A_118 : vector<1x16xf32> to vector<16xf32>
      %swap3A_120 = vector.shape_cast %broadcast_in_dim3A_3 : vector<16xf32> to vector<1x16xf32>
      tpu.vector_store %arg12[%swap3A_116, %swap3A_117], %swap3A_120 {strides = array<i32>} : memref<128x128xf32, #tpu.memory_space<vmem>>, vector<1x16xf32>,
      %scan3A_121 = arith.constant 0 : i32
      scf.yield %scan3A_121 : i32
    }
    %scan3A_9 = arith.constant 128 : i32
    %mul3A_10 = arith.constant 632 : i32
    %mul3A_11 = arith.muli %arg1, %mul3A_10 : i32
    %add3A_12 = arith.constant 0 : i32
    %add3A_13 = arith.addi %mul3A_11, %add3A_12 : i32
    "tpu.region"() ({
      %run_scoped3A = tpu.sem_alloc : memref<!tpu.dma_semaphore, #tpu.memory_space<semaphore_mem>>
      %dma_start3A_80 = arith.constant 0 : i32
      %dma_start3A_81 = tpu.memref_slice %arg15[%add3A_13, %dma_start3A_80] : memref<10112x128xf32, #tpu.memory_space<vmem_shared>> -> memref<128x128xf32, #tpu.memory_space<vmem_shared>>
      %dma_start3A_82 = arith.constant 0 : i32
      %dma_start3A_83 = tpu.memref_slice %arg15[%add3A_13, %dma_start3A_82] : memref<10112x128xf32, #tpu.memory_space<vmem_shared>> -> memref<128x128xf32, #tpu.memory_space<vmem_shared>>
      tpu.enqueue_dma source(%arg12 : memref<128x128xf32, #tpu.memory_space<vmem>>) target(%dma_start3A_83 : memref<128x128xf32, #tpu.memory_space<vmem_shared>>) target_semaphore(%run_scoped3A : memref<!tpu.dma_semaphore, #tpu.memory_space<semaphore_mem>>)
      %dma_wait3A_84 = arith.constant 0 : i32
      %dma_wait3A_85 = tpu.memref_slice %arg15[%add3A_13, %dma_wait3A_84] : memref<10112x128xf32, #tpu.memory_space<vmem_shared>> -> memref<128x128xf32, #tpu.memory_space<vmem_shared>>
      %dma_wait3A_86 = arith.constant 0 : i32
      %dma_wait3A_87 = tpu.memref_slice %arg15[%add3A_13, %dma_wait3A_86] : memref<10112x128xf32, #tpu.memory_space<vmem_shared>> -> memref<128x128xf32, #tpu.memory_space<vmem_shared>>
      tpu.wait_dma2 semaphore(%run_scoped3A : memref<!tpu.dma_semaphore, #tpu.memory_space<semaphore_mem>>) src(%arg12 : memref<128x128xf32, #tpu.memory_space<vmem>>) dst(%dma_wait3A_87 : memref<128x128xf32, #tpu.memory_space<vmem_shared>>)
      tpu.yield
    }) : () -> ()
    %mul3A_14 = arith.constant 632 : i32
    %mul3A_15 = arith.muli %arg1, %mul3A_14 : i32
    %add3A_16 = arith.constant 128 : i32
    %add3A_17 = arith.addi %mul3A_15, %add3A_16 : i32
    "tpu.region"() ({
      %run_scoped3A = tpu.sem_alloc : memref<!tpu.dma_semaphore, #tpu.memory_space<semaphore_mem>>
      %dma_start3A_80 = arith.constant 0 : i32
      %dma_start3A_81 = tpu.memref_slice %arg15[%add3A_17, %dma_start3A_80] : memref<10112x128xf32, #tpu.memory_space<vmem_shared>> -> memref<128x128xf32, #tpu.memory_space<vmem_shared>>
      %dma_start3A_82 = arith.constant 0 : i32
      %dma_start3A_83 = tpu.memref_slice %arg15[%add3A_17, %dma_start3A_82] : memref<10112x128xf32, #tpu.memory_space<vmem_shared>> -> memref<128x128xf32, #tpu.memory_space<vmem_shared>>
      tpu.enqueue_dma source(%arg12 : memref<128x128xf32, #tpu.memory_space<vmem>>) target(%dma_start3A_83 : memref<128x128xf32, #tpu.memory_space<vmem_shared>>) target_semaphore(%run_scoped3A : memref<!tpu.dma_semaphore, #tpu.memory_space<semaphore_mem>>)
      %dma_wait3A_84 = arith.constant 0 : i32
      %dma_wait3A_85 = tpu.memref_slice %arg15[%add3A_17, %dma_wait3A_84] : memref<10112x128xf32, #tpu.memory_space<vmem_shared>> -> memref<128x128xf32, #tpu.memory_space<vmem_shared>>
      %dma_wait3A_86 = arith.constant 0 : i32
      %dma_wait3A_87 = tpu.memref_slice %arg15[%add3A_17, %dma_wait3A_86] : memref<10112x128xf32, #tpu.memory_space<vmem_shared>> -> memref<128x128xf32, #tpu.memory_space<vmem_shared>>
      tpu.wait_dma2 semaphore(%run_scoped3A : memref<!tpu.dma_semaphore, #tpu.memory_space<semaphore_mem>>) src(%arg12 : memref<128x128xf32, #tpu.memory_space<vmem>>) dst(%dma_wait3A_87 : memref<128x128xf32, #tpu.memory_space<vmem_shared>>)
      tpu.yield
    }) : () -> ()
    %mul3A_18 = arith.constant 632 : i32
    %mul3A_19 = arith.muli %arg1, %mul3A_18 : i32
    %add3A_20 = arith.constant 256 : i32
    %add3A_21 = arith.addi %mul3A_19, %add3A_20 : i32
    "tpu.region"() ({
      %run_scoped3A = tpu.sem_alloc : memref<!tpu.dma_semaphore, #tpu.memory_space<semaphore_mem>>
      %dma_start3A_80 = arith.constant 0 : i32
      %dma_start3A_81 = tpu.memref_slice %arg15[%add3A_21, %dma_start3A_80] : memref<10112x128xf32, #tpu.memory_space<vmem_shared>> -> memref<128x128xf32, #tpu.memory_space<vmem_shared>>
      %dma_start3A_82 = arith.constant 0 : i32
      %dma_start3A_83 = tpu.memref_slice %arg15[%add3A_21, %dma_start3A_82] : memref<10112x128xf32, #tpu.memory_space<vmem_shared>> -> memref<128x128xf32, #tpu.memory_space<vmem_shared>>
      tpu.enqueue_dma source(%arg12 : memref<128x128xf32, #tpu.memory_space<vmem>>) target(%dma_start3A_83 : memref<128x128xf32, #tpu.memory_space<vmem_shared>>) target_semaphore(%run_scoped3A : memref<!tpu.dma_semaphore, #tpu.memory_space<semaphore_mem>>)
      %dma_wait3A_84 = arith.constant 0 : i32
      %dma_wait3A_85 = tpu.memref_slice %arg15[%add3A_21, %dma_wait3A_84] : memref<10112x128xf32, #tpu.memory_space<vmem_shared>> -> memref<128x128xf32, #tpu.memory_space<vmem_shared>>
      %dma_wait3A_86 = arith.constant 0 : i32
      %dma_wait3A_87 = tpu.memref_slice %arg15[%add3A_21, %dma_wait3A_86] : memref<10112x128xf32, #tpu.memory_space<vmem_shared>> -> memref<128x128xf32, #tpu.memory_space<vmem_shared>>
      tpu.wait_dma2 semaphore(%run_scoped3A : memref<!tpu.dma_semaphore, #tpu.memory_space<semaphore_mem>>) src(%arg12 : memref<128x128xf32, #tpu.memory_space<vmem>>) dst(%dma_wait3A_87 : memref<128x128xf32, #tpu.memory_space<vmem_shared>>)
      tpu.yield
    }) : () -> ()
    %mul3A_22 = arith.constant 632 : i32
    %mul3A_23 = arith.muli %arg1, %mul3A_22 : i32
    %add3A_24 = arith.constant 384 : i32
    %add3A_25 = arith.addi %mul3A_23, %add3A_24 : i32
    "tpu.region"() ({
      %run_scoped3A = tpu.sem_alloc : memref<!tpu.dma_semaphore, #tpu.memory_space<semaphore_mem>>
      %dma_start3A_80 = arith.constant 0 : i32
      %dma_start3A_81 = tpu.memref_slice %arg15[%add3A_25, %dma_start3A_80] : memref<10112x128xf32, #tpu.memory_space<vmem_shared>> -> memref<128x128xf32, #tpu.memory_space<vmem_shared>>
      %dma_start3A_82 = arith.constant 0 : i32
      %dma_start3A_83 = tpu.memref_slice %arg15[%add3A_25, %dma_start3A_82] : memref<10112x128xf32, #tpu.memory_space<vmem_shared>> -> memref<128x128xf32, #tpu.memory_space<vmem_shared>>
      tpu.enqueue_dma source(%arg12 : memref<128x128xf32, #tpu.memory_space<vmem>>) target(%dma_start3A_83 : memref<128x128xf32, #tpu.memory_space<vmem_shared>>) target_semaphore(%run_scoped3A : memref<!tpu.dma_semaphore, #tpu.memory_space<semaphore_mem>>)
      %dma_wait3A_84 = arith.constant 0 : i32
      %dma_wait3A_85 = tpu.memref_slice %arg15[%add3A_25, %dma_wait3A_84] : memref<10112x128xf32, #tpu.memory_space<vmem_shared>> -> memref<128x128xf32, #tpu.memory_space<vmem_shared>>
      %dma_wait3A_86 = arith.constant 0 : i32
      %dma_wait3A_87 = tpu.memref_slice %arg15[%add3A_25, %dma_wait3A_86] : memref<10112x128xf32, #tpu.memory_space<vmem_shared>> -> memref<128x128xf32, #tpu.memory_space<vmem_shared>>
      tpu.wait_dma2 semaphore(%run_scoped3A : memref<!tpu.dma_semaphore, #tpu.memory_space<semaphore_mem>>) src(%arg12 : memref<128x128xf32, #tpu.memory_space<vmem>>) dst(%dma_wait3A_87 : memref<128x128xf32, #tpu.memory_space<vmem_shared>>)
      tpu.yield
    }) : () -> ()
    %mul3A_26 = arith.constant 632 : i32
    %mul3A_27 = arith.muli %arg1, %mul3A_26 : i32
    %add3A_28 = arith.constant 512 : i32
    %add3A_29 = arith.addi %mul3A_27, %add3A_28 : i32
    "tpu.region"() ({
      %run_scoped3A = tpu.sem_alloc : memref<!tpu.dma_semaphore, #tpu.memory_space<semaphore_mem>>
      %dma_start3A_80 = arith.constant 0 : i32
      %dma_start3A_81 = arith.constant 0 : i32
      %dma_start3A_82 = tpu.memref_slice %arg12[%dma_start3A_80, %dma_start3A_81] : memref<128x128xf32, #tpu.memory_space<vmem>> -> memref<120x128xf32, #tpu.memory_space<vmem>>
      %dma_start3A_83 = arith.constant 0 : i32
      %dma_start3A_84 = tpu.memref_slice %arg15[%add3A_29, %dma_start3A_83] : memref<10112x128xf32, #tpu.memory_space<vmem_shared>> -> memref<120x128xf32, #tpu.memory_space<vmem_shared>>
      %dma_start3A_85 = arith.constant 0 : i32
      %dma_start3A_86 = tpu.memref_slice %arg15[%add3A_29, %dma_start3A_85] : memref<10112x128xf32, #tpu.memory_space<vmem_shared>> -> memref<120x128xf32, #tpu.memory_space<vmem_shared>>
      %dma_start3A_87 = arith.constant 0 : i32
      %dma_start3A_88 = arith.constant 0 : i32
      %dma_start3A_89 = tpu.memref_slice %arg12[%dma_start3A_87, %dma_start3A_88] : memref<128x128xf32, #tpu.memory_space<vmem>> -> memref<120x128xf32, #tpu.memory_space<vmem>>
      tpu.enqueue_dma source(%dma_start3A_89 : memref<120x128xf32, #tpu.memory_space<vmem>>) target(%dma_start3A_86 : memref<120x128xf32, #tpu.memory_space<vmem_shared>>) target_semaphore(%run_scoped3A : memref<!tpu.dma_semaphore, #tpu.memory_space<semaphore_mem>>)
      %dma_wait3A_90 = arith.constant 0 : i32
      %dma_wait3A_91 = arith.constant 0 : i32
      %dma_wait3A_92 = tpu.memref_slice %arg12[%dma_wait3A_90, %dma_wait3A_91] : memref<128x128xf32, #tpu.memory_space<vmem>> -> memref<120x128xf32, #tpu.memory_space<vmem>>
      %dma_wait3A_93 = arith.constant 0 : i32
      %dma_wait3A_94 = tpu.memref_slice %arg15[%add3A_29, %dma_wait3A_93] : memref<10112x128xf32, #tpu.memory_space<vmem_shared>> -> memref<120x128xf32, #tpu.memory_space<vmem_shared>>
      %dma_wait3A_95 = arith.constant 0 : i32
      %dma_wait3A_96 = tpu.memref_slice %arg15[%add3A_29, %dma_wait3A_95] : memref<10112x128xf32, #tpu.memory_space<vmem_shared>> -> memref<120x128xf32, #tpu.memory_space<vmem_shared>>
      %dma_wait3A_97 = arith.constant 0 : i32
      %dma_wait3A_98 = arith.constant 0 : i32
      %dma_wait3A_99 = tpu.memref_slice %arg12[%dma_wait3A_97, %dma_wait3A_98] : memref<128x128xf32, #tpu.memory_space<vmem>> -> memref<120x128xf32, #tpu.memory_space<vmem>>
      tpu.wait_dma2 semaphore(%run_scoped3A : memref<!tpu.dma_semaphore, #tpu.memory_space<semaphore_mem>>) src(%dma_wait3A_99 : memref<120x128xf32, #tpu.memory_space<vmem>>) dst(%dma_wait3A_96 : memref<120x128xf32, #tpu.memory_space<vmem_shared>>)
      tpu.yield
    }) : () -> ()
    %barrier3A = arith.constant 0 : index
    tpu.barrier barrier_id(%barrier3A)
    %add3A_30 = arith.constant 0 : i32
    %add3A_31 = arith.addi %mul3A_2, %add3A_30 : i32
    "tpu.region"() ({
      %run_scoped3A = tpu.sem_alloc : memref<!tpu.dma_semaphore, #tpu.memory_space<semaphore_mem>>
      %dma_start3A_80 = tpu.memref_slice %arg3[%add3A_31] : memref<656384xi32, #tpu.memory_space<hbm>> -> memref<128xi32, #tpu.memory_space<hbm>>
      %dma_start3A_81 = tpu.memref_slice %arg3[%add3A_31] : memref<656384xi32, #tpu.memory_space<hbm>> -> memref<128xi32, #tpu.memory_space<hbm>>
      tpu.enqueue_dma source(%dma_start3A_81 : memref<128xi32, #tpu.memory_space<hbm>>) target(%arg6 : memref<128xi32, #tpu.memory_space<vmem>>) target_semaphore(%run_scoped3A : memref<!tpu.dma_semaphore, #tpu.memory_space<semaphore_mem>>)
      %dma_wait3A_82 = tpu.memref_slice %arg3[%add3A_31] : memref<656384xi32, #tpu.memory_space<hbm>> -> memref<128xi32, #tpu.memory_space<hbm>>
      %dma_wait3A_83 = tpu.memref_slice %arg3[%add3A_31] : memref<656384xi32, #tpu.memory_space<hbm>> -> memref<128xi32, #tpu.memory_space<hbm>>
      tpu.wait_dma2 semaphore(%run_scoped3A : memref<!tpu.dma_semaphore, #tpu.memory_space<semaphore_mem>>) src(%dma_wait3A_83 : memref<128xi32, #tpu.memory_space<hbm>>) dst(%arg6 : memref<128xi32, #tpu.memory_space<vmem>>)
      tpu.yield
    }) : () -> ()
    "tpu.region"() ({
      %run_scoped3A = tpu.sem_alloc : memref<!tpu.dma_semaphore, #tpu.memory_space<semaphore_mem>>
      %dma_start3A_80 = tpu.memref_slice %arg4[%add3A_31] : memref<656384xi32, #tpu.memory_space<hbm>> -> memref<128xi32, #tpu.memory_space<hbm>>
      %dma_start3A_81 = tpu.memref_slice %arg4[%add3A_31] : memref<656384xi32, #tpu.memory_space<hbm>> -> memref<128xi32, #tpu.memory_space<hbm>>
      tpu.enqueue_dma source(%dma_start3A_81 : memref<128xi32, #tpu.memory_space<hbm>>) target(%arg7 : memref<128xi32, #tpu.memory_space<vmem>>) target_semaphore(%run_scoped3A : memref<!tpu.dma_semaphore, #tpu.memory_space<semaphore_mem>>)
      %dma_wait3A_82 = tpu.memref_slice %arg4[%add3A_31] : memref<656384xi32, #tpu.memory_space<hbm>> -> memref<128xi32, #tpu.memory_space<hbm>>
      %dma_wait3A_83 = tpu.memref_slice %arg4[%add3A_31] : memref<656384xi32, #tpu.memory_space<hbm>> -> memref<128xi32, #tpu.memory_space<hbm>>
      tpu.wait_dma2 semaphore(%run_scoped3A : memref<!tpu.dma_semaphore, #tpu.memory_space<semaphore_mem>>) src(%dma_wait3A_83 : memref<128xi32, #tpu.memory_space<hbm>>) dst(%arg7 : memref<128xi32, #tpu.memory_space<vmem>>)
      tpu.yield
    }) : () -> ()
    %dma_start3A = arith.constant 0 : i32
    %dma_start3A_32 = arith.constant 0 : i32
    %dma_start3A_33 = tpu.memref_slice %arg2[%dma_start3A, %dma_start3A_32] : memref<10000x128xf32, #tpu.memory_space<hbm>> -> memref<10000x128xf32, #tpu.memory_space<hbm>>
    tpu.enqueue_indirect_dma source(%dma_start3A_33 : memref<10000x128xf32, #tpu.memory_space<hbm>>) target(%arg12 : memref<128x128xf32, #tpu.memory_space<vmem>>) offsets(%arg6 : memref<128xi32, #tpu.memory_space<vmem>>) semaphore(%arg16 : memref<!tpu.dma_semaphore, #tpu.memory_space<semaphore_mem>>)
    %add3A_34 = arith.constant 128 : i32
    %add3A_35 = arith.addi %mul3A_2, %add3A_34 : i32
    "tpu.region"() ({
      %run_scoped3A = tpu.sem_alloc : memref<!tpu.dma_semaphore, #tpu.memory_space<semaphore_mem>>
      %dma_start3A_80 = tpu.memref_slice %arg3[%add3A_35] : memref<656384xi32, #tpu.memory_space<hbm>> -> memref<128xi32, #tpu.memory_space<hbm>>
      %dma_start3A_81 = tpu.memref_slice %arg3[%add3A_35] : memref<656384xi32, #tpu.memory_space<hbm>> -> memref<128xi32, #tpu.memory_space<hbm>>
      tpu.enqueue_dma source(%dma_start3A_81 : memref<128xi32, #tpu.memory_space<hbm>>) target(%arg8 : memref<128xi32, #tpu.memory_space<vmem>>) target_semaphore(%run_scoped3A : memref<!tpu.dma_semaphore, #tpu.memory_space<semaphore_mem>>)
      %dma_wait3A_82 = tpu.memref_slice %arg3[%add3A_35] : memref<656384xi32, #tpu.memory_space<hbm>> -> memref<128xi32, #tpu.memory_space<hbm>>
      %dma_wait3A_83 = tpu.memref_slice %arg3[%add3A_35] : memref<656384xi32, #tpu.memory_space<hbm>> -> memref<128xi32, #tpu.memory_space<hbm>>
      tpu.wait_dma2 semaphore(%run_scoped3A : memref<!tpu.dma_semaphore, #tpu.memory_space<semaphore_mem>>) src(%dma_wait3A_83 : memref<128xi32, #tpu.memory_space<hbm>>) dst(%arg8 : memref<128xi32, #tpu.memory_space<vmem>>)
      tpu.yield
    }) : () -> ()
    "tpu.region"() ({
      %run_scoped3A = tpu.sem_alloc : memref<!tpu.dma_semaphore, #tpu.memory_space<semaphore_mem>>
      %dma_start3A_80 = tpu.memref_slice %arg4[%add3A_35] : memref<656384xi32, #tpu.memory_space<hbm>> -> memref<128xi32, #tpu.memory_space<hbm>>
      %dma_start3A_81 = tpu.memref_slice %arg4[%add3A_35] : memref<656384xi32, #tpu.memory_space<hbm>> -> memref<128xi32, #tpu.memory_space<hbm>>
      tpu.enqueue_dma source(%dma_start3A_81 : memref<128xi32, #tpu.memory_space<hbm>>) target(%arg9 : memref<128xi32, #tpu.memory_space<vmem>>) target_semaphore(%run_scoped3A : memref<!tpu.dma_semaphore, #tpu.memory_space<semaphore_mem>>)
      %dma_wait3A_82 = tpu.memref_slice %arg4[%add3A_35] : memref<656384xi32, #tpu.memory_space<hbm>> -> memref<128xi32, #tpu.memory_space<hbm>>
      %dma_wait3A_83 = tpu.memref_slice %arg4[%add3A_35] : memref<656384xi32, #tpu.memory_space<hbm>> -> memref<128xi32, #tpu.memory_space<hbm>>
      tpu.wait_dma2 semaphore(%run_scoped3A : memref<!tpu.dma_semaphore, #tpu.memory_space<semaphore_mem>>) src(%dma_wait3A_83 : memref<128xi32, #tpu.memory_space<hbm>>) dst(%arg9 : memref<128xi32, #tpu.memory_space<vmem>>)
      tpu.yield
    }) : () -> ()
    %dma_start3A_36 = arith.constant 0 : i32
    %dma_start3A_37 = arith.constant 0 : i32
    %dma_start3A_38 = tpu.memref_slice %arg2[%dma_start3A_36, %dma_start3A_37] : memref<10000x128xf32, #tpu.memory_space<hbm>> -> memref<10000x128xf32, #tpu.memory_space<hbm>>
    tpu.enqueue_indirect_dma source(%dma_start3A_38 : memref<10000x128xf32, #tpu.memory_space<hbm>>) target(%arg13 : memref<128x128xf32, #tpu.memory_space<vmem>>) offsets(%arg8 : memref<128xi32, #tpu.memory_space<vmem>>) semaphore(%arg17 : memref<!tpu.dma_semaphore, #tpu.memory_space<semaphore_mem>>)
    %add3A_39 = arith.constant 256 : i32
    %add3A_40 = arith.addi %mul3A_2, %add3A_39 : i32
    "tpu.region"() ({
      %run_scoped3A = tpu.sem_alloc : memref<!tpu.dma_semaphore, #tpu.memory_space<semaphore_mem>>
      %dma_start3A_80 = tpu.memref_slice %arg3[%add3A_40] : memref<656384xi32, #tpu.memory_space<hbm>> -> memref<128xi32, #tpu.memory_space<hbm>>
      %dma_start3A_81 = tpu.memref_slice %arg3[%add3A_40] : memref<656384xi32, #tpu.memory_space<hbm>> -> memref<128xi32, #tpu.memory_space<hbm>>
      tpu.enqueue_dma source(%dma_start3A_81 : memref<128xi32, #tpu.memory_space<hbm>>) target(%arg10 : memref<128xi32, #tpu.memory_space<vmem>>) target_semaphore(%run_scoped3A : memref<!tpu.dma_semaphore, #tpu.memory_space<semaphore_mem>>)
      %dma_wait3A_82 = tpu.memref_slice %arg3[%add3A_40] : memref<656384xi32, #tpu.memory_space<hbm>> -> memref<128xi32, #tpu.memory_space<hbm>>
      %dma_wait3A_83 = tpu.memref_slice %arg3[%add3A_40] : memref<656384xi32, #tpu.memory_space<hbm>> -> memref<128xi32, #tpu.memory_space<hbm>>
      tpu.wait_dma2 semaphore(%run_scoped3A : memref<!tpu.dma_semaphore, #tpu.memory_space<semaphore_mem>>) src(%dma_wait3A_83 : memref<128xi32, #tpu.memory_space<hbm>>) dst(%arg10 : memref<128xi32, #tpu.memory_space<vmem>>)
      tpu.yield
    }) : () -> ()
    "tpu.region"() ({
      %run_scoped3A = tpu.sem_alloc : memref<!tpu.dma_semaphore, #tpu.memory_space<semaphore_mem>>
      %dma_start3A_80 = tpu.memref_slice %arg4[%add3A_40] : memref<656384xi32, #tpu.memory_space<hbm>> -> memref<128xi32, #tpu.memory_space<hbm>>
      %dma_start3A_81 = tpu.memref_slice %arg4[%add3A_40] : memref<656384xi32, #tpu.memory_space<hbm>> -> memref<128xi32, #tpu.memory_space<hbm>>
      tpu.enqueue_dma source(%dma_start3A_81 : memref<128xi32, #tpu.memory_space<hbm>>) target(%arg11 : memref<128xi32, #tpu.memory_space<vmem>>) target_semaphore(%run_scoped3A : memref<!tpu.dma_semaphore, #tpu.memory_space<semaphore_mem>>)
      %dma_wait3A_82 = tpu.memref_slice %arg4[%add3A_40] : memref<656384xi32, #tpu.memory_space<hbm>> -> memref<128xi32, #tpu.memory_space<hbm>>
      %dma_wait3A_83 = tpu.memref_slice %arg4[%add3A_40] : memref<656384xi32, #tpu.memory_space<hbm>> -> memref<128xi32, #tpu.memory_space<hbm>>
      tpu.wait_dma2 semaphore(%run_scoped3A : memref<!tpu.dma_semaphore, #tpu.memory_space<semaphore_mem>>) src(%dma_wait3A_83 : memref<128xi32, #tpu.memory_space<hbm>>) dst(%arg11 : memref<128xi32, #tpu.memory_space<vmem>>)
      tpu.yield
    }) : () -> ()
    %dma_start3A_41 = arith.constant 0 : i32
    %dma_start3A_42 = arith.constant 0 : i32
    %dma_start3A_43 = tpu.memref_slice %arg2[%dma_start3A_41, %dma_start3A_42] : memref<10000x128xf32, #tpu.memory_space<hbm>> -> memref<10000x128xf32, #tpu.memory_space<hbm>>
    tpu.enqueue_indirect_dma source(%dma_start3A_43 : memref<10000x128xf32, #tpu.memory_space<hbm>>) target(%arg14 : memref<128x128xf32, #tpu.memory_space<vmem>>) offsets(%arg10 : memref<128xi32, #tpu.memory_space<vmem>>) semaphore(%arg18 : memref<!tpu.dma_semaphore, #tpu.memory_space<semaphore_mem>>)
    %scan3A_44 = arith.constant 0 : i32
    %scan3A_45 = arith.constant 0 : i32
    %scan3A_46 = arith.constant 53 : i32
    %scan3A_47 = arith.addi %scan3A_45, %scan3A_46 : i32
    %scan3A_48 = arith.constant 1 : i32
    %scan3A_49 = scf.for %scan3A_80 = %scan3A_45 to %scan3A_47 step %scan3A_48 iter_args(%scan3A_81 = %scan3A_44) -> (i32)  : i32 {
      %mul3A_82 = arith.constant 3 : i32
      %mul3A_83 = arith.muli %scan3A_80, %mul3A_82 : i32
      %add3A_84 = arith.constant 0 : i32
      %add3A_85 = arith.addi %mul3A_83, %add3A_84 : i32
      %dma_wait3A_86 = arith.constant 0 : i32
      %dma_wait3A_87 = arith.constant 0 : i32
      %dma_wait3A_88 = tpu.memref_slice %arg2[%dma_wait3A_86, %dma_wait3A_87] : memref<10000x128xf32, #tpu.memory_space<hbm>> -> memref<10000x128xf32, #tpu.memory_space<hbm>>
      tpu.wait_indirect_dma semaphore(%arg16 : memref<!tpu.dma_semaphore, #tpu.memory_space<semaphore_mem>>) src(%dma_wait3A_88 : memref<10000x128xf32, #tpu.memory_space<hbm>>) dst(%arg12 : memref<128x128xf32, #tpu.memory_space<vmem>>)
      "tpu.region"() ({
        %run_scoped3A = tpu.sem_alloc : memref<!tpu.dma_semaphore, #tpu.memory_space<semaphore_mem>>
        %dma_start3A_124 = arith.constant 0 : i32
        %dma_start3A_125 = arith.constant 0 : i32
        %dma_start3A_126 = tpu.memref_slice %arg15[%dma_start3A_124, %dma_start3A_125] : memref<10112x128xf32, #tpu.memory_space<vmem_shared>> -> memref<10112x128xf32, #tpu.memory_space<vmem_shared>>
        tpu.enqueue_indirect_dma source(%arg12 : memref<128x128xf32, #tpu.memory_space<vmem>>) target(%dma_start3A_126 : memref<10112x128xf32, #tpu.memory_space<vmem_shared>>) offsets(%arg7 : memref<128xi32, #tpu.memory_space<vmem>>) semaphore(%run_scoped3A : memref<!tpu.dma_semaphore, #tpu.memory_space<semaphore_mem>>) {add = true}
        %dma_wait3A_127 = arith.constant 0 : i32
        %dma_wait3A_128 = arith.constant 0 : i32
        %dma_wait3A_129 = tpu.memref_slice %arg15[%dma_wait3A_127, %dma_wait3A_128] : memref<10112x128xf32, #tpu.memory_space<vmem_shared>> -> memref<10112x128xf32, #tpu.memory_space<vmem_shared>>
        tpu.wait_indirect_dma semaphore(%run_scoped3A : memref<!tpu.dma_semaphore, #tpu.memory_space<semaphore_mem>>) src(%arg12 : memref<128x128xf32, #tpu.memory_space<vmem>>) dst(%dma_wait3A_129 : memref<10112x128xf32, #tpu.memory_space<vmem_shared>>)
        tpu.yield
      }) : () -> ()
      %add3A_89 = arith.constant 3 : i32
      %add3A_90 = arith.addi %add3A_85, %add3A_89 : i32
      %mul3A_91 = arith.constant 128 : i32
      %mul3A_92 = arith.muli %add3A_90, %mul3A_91 : i32
      %add3A_93 = arith.addi %mul3A_2, %mul3A_92 : i32
      "tpu.region"() ({
        %run_scoped3A = tpu.sem_alloc : memref<!tpu.dma_semaphore, #tpu.memory_space<semaphore_mem>>
        %dma_start3A_124 = tpu.memref_slice %arg3[%add3A_93] : memref<656384xi32, #tpu.memory_space<hbm>> -> memref<128xi32, #tpu.memory_space<hbm>>
        %dma_start3A_125 = tpu.memref_slice %arg3[%add3A_93] : memref<656384xi32, #tpu.memory_space<hbm>> -> memref<128xi32, #tpu.memory_space<hbm>>
        tpu.enqueue_dma source(%dma_start3A_125 : memref<128xi32, #tpu.memory_space<hbm>>) target(%arg6 : memref<128xi32, #tpu.memory_space<vmem>>) target_semaphore(%run_scoped3A : memref<!tpu.dma_semaphore, #tpu.memory_space<semaphore_mem>>)
        %dma_wait3A_126 = tpu.memref_slice %arg3[%add3A_93] : memref<656384xi32, #tpu.memory_space<hbm>> -> memref<128xi32, #tpu.memory_space<hbm>>
        %dma_wait3A_127 = tpu.memref_slice %arg3[%add3A_93] : memref<656384xi32, #tpu.memory_space<hbm>> -> memref<128xi32, #tpu.memory_space<hbm>>
        tpu.wait_dma2 semaphore(%run_scoped3A : memref<!tpu.dma_semaphore, #tpu.memory_space<semaphore_mem>>) src(%dma_wait3A_127 : memref<128xi32, #tpu.memory_space<hbm>>) dst(%arg6 : memref<128xi32, #tpu.memory_space<vmem>>)
        tpu.yield
      }) : () -> ()
      "tpu.region"() ({
        %run_scoped3A = tpu.sem_alloc : memref<!tpu.dma_semaphore, #tpu.memory_space<semaphore_mem>>
        %dma_start3A_124 = tpu.memref_slice %arg4[%add3A_93] : memref<656384xi32, #tpu.memory_space<hbm>> -> memref<128xi32, #tpu.memory_space<hbm>>
        %dma_start3A_125 = tpu.memref_slice %arg4[%add3A_93] : memref<656384xi32, #tpu.memory_space<hbm>> -> memref<128xi32, #tpu.memory_space<hbm>>
        tpu.enqueue_dma source(%dma_start3A_125 : memref<128xi32, #tpu.memory_space<hbm>>) target(%arg7 : memref<128xi32, #tpu.memory_space<vmem>>) target_semaphore(%run_scoped3A : memref<!tpu.dma_semaphore, #tpu.memory_space<semaphore_mem>>)
        %dma_wait3A_126 = tpu.memref_slice %arg4[%add3A_93] : memref<656384xi32, #tpu.memory_space<hbm>> -> memref<128xi32, #tpu.memory_space<hbm>>
        %dma_wait3A_127 = tpu.memref_slice %arg4[%add3A_93] : memref<656384xi32, #tpu.memory_space<hbm>> -> memref<128xi32, #tpu.memory_space<hbm>>
        tpu.wait_dma2 semaphore(%run_scoped3A : memref<!tpu.dma_semaphore, #tpu.memory_space<semaphore_mem>>) src(%dma_wait3A_127 : memref<128xi32, #tpu.memory_space<hbm>>) dst(%arg7 : memref<128xi32, #tpu.memory_space<vmem>>)
        tpu.yield
      }) : () -> ()
      %dma_start3A_94 = arith.constant 0 : i32
      %dma_start3A_95 = arith.constant 0 : i32
      %dma_start3A_96 = tpu.memref_slice %arg2[%dma_start3A_94, %dma_start3A_95] : memref<10000x128xf32, #tpu.memory_space<hbm>> -> memref<10000x128xf32, #tpu.memory_space<hbm>>
      tpu.enqueue_indirect_dma source(%dma_start3A_96 : memref<10000x128xf32, #tpu.memory_space<hbm>>) target(%arg12 : memref<128x128xf32, #tpu.memory_space<vmem>>) offsets(%arg6 : memref<128xi32, #tpu.memory_space<vmem>>) semaphore(%arg16 : memref<!tpu.dma_semaphore, #tpu.memory_space<semaphore_mem>>)
      %add3A_97 = arith.constant 1 : i32
      %add3A_98 = arith.addi %mul3A_83, %add3A_97 : i32
      %dma_wait3A_99 = arith.constant 0 : i32
      %dma_wait3A_100 = arith.constant 0 : i32
      %dma_wait3A_101 = tpu.memref_slice %arg2[%dma_wait3A_99, %dma_wait3A_100] : memref<10000x128xf32, #tpu.memory_space<hbm>> -> memref<10000x128xf32, #tpu.memory_space<hbm>>
      tpu.wait_indirect_dma semaphore(%arg17 : memref<!tpu.dma_semaphore, #tpu.memory_space<semaphore_mem>>) src(%dma_wait3A_101 : memref<10000x128xf32, #tpu.memory_space<hbm>>) dst(%arg13 : memref<128x128xf32, #tpu.memory_space<vmem>>)
      "tpu.region"() ({
        %run_scoped3A = tpu.sem_alloc : memref<!tpu.dma_semaphore, #tpu.memory_space<semaphore_mem>>
        %dma_start3A_124 = arith.constant 0 : i32
        %dma_start3A_125 = arith.constant 0 : i32
        %dma_start3A_126 = tpu.memref_slice %arg15[%dma_start3A_124, %dma_start3A_125] : memref<10112x128xf32, #tpu.memory_space<vmem_shared>> -> memref<10112x128xf32, #tpu.memory_space<vmem_shared>>
        tpu.enqueue_indirect_dma source(%arg13 : memref<128x128xf32, #tpu.memory_space<vmem>>) target(%dma_start3A_126 : memref<10112x128xf32, #tpu.memory_space<vmem_shared>>) offsets(%arg9 : memref<128xi32, #tpu.memory_space<vmem>>) semaphore(%run_scoped3A : memref<!tpu.dma_semaphore, #tpu.memory_space<semaphore_mem>>) {add = true}
        %dma_wait3A_127 = arith.constant 0 : i32
        %dma_wait3A_128 = arith.constant 0 : i32
        %dma_wait3A_129 = tpu.memref_slice %arg15[%dma_wait3A_127, %dma_wait3A_128] : memref<10112x128xf32, #tpu.memory_space<vmem_shared>> -> memref<10112x128xf32, #tpu.memory_space<vmem_shared>>
        tpu.wait_indirect_dma semaphore(%run_scoped3A : memref<!tpu.dma_semaphore, #tpu.memory_space<semaphore_mem>>) src(%arg13 : memref<128x128xf32, #tpu.memory_space<vmem>>) dst(%dma_wait3A_129 : memref<10112x128xf32, #tpu.memory_space<vmem_shared>>)
        tpu.yield
      }) : () -> ()
      %add3A_102 = arith.constant 3 : i32
      %add3A_103 = arith.addi %add3A_98, %add3A_102 : i32
      %mul3A_104 = arith.constant 128 : i32
      %mul3A_105 = arith.muli %add3A_103, %mul3A_104 : i32
      %add3A_106 = arith.addi %mul3A_2, %mul3A_105 : i32
      "tpu.region"() ({
        %run_scoped3A = tpu.sem_alloc : memref<!tpu.dma_semaphore, #tpu.memory_space<semaphore_mem>>
        %dma_start3A_124 = tpu.memref_slice %arg3[%add3A_106] : memref<656384xi32, #tpu.memory_space<hbm>> -> memref<128xi32, #tpu.memory_space<hbm>>
        %dma_start3A_125 = tpu.memref_slice %arg3[%add3A_106] : memref<656384xi32, #tpu.memory_space<hbm>> -> memref<128xi32, #tpu.memory_space<hbm>>
        tpu.enqueue_dma source(%dma_start3A_125 : memref<128xi32, #tpu.memory_space<hbm>>) target(%arg8 : memref<128xi32, #tpu.memory_space<vmem>>) target_semaphore(%run_scoped3A : memref<!tpu.dma_semaphore, #tpu.memory_space<semaphore_mem>>)
        %dma_wait3A_126 = tpu.memref_slice %arg3[%add3A_106] : memref<656384xi32, #tpu.memory_space<hbm>> -> memref<128xi32, #tpu.memory_space<hbm>>
        %dma_wait3A_127 = tpu.memref_slice %arg3[%add3A_106] : memref<656384xi32, #tpu.memory_space<hbm>> -> memref<128xi32, #tpu.memory_space<hbm>>
        tpu.wait_dma2 semaphore(%run_scoped3A : memref<!tpu.dma_semaphore, #tpu.memory_space<semaphore_mem>>) src(%dma_wait3A_127 : memref<128xi32, #tpu.memory_space<hbm>>) dst(%arg8 : memref<128xi32, #tpu.memory_space<vmem>>)
        tpu.yield
      }) : () -> ()
      "tpu.region"() ({
        %run_scoped3A = tpu.sem_alloc : memref<!tpu.dma_semaphore, #tpu.memory_space<semaphore_mem>>
        %dma_start3A_124 = tpu.memref_slice %arg4[%add3A_106] : memref<656384xi32, #tpu.memory_space<hbm>> -> memref<128xi32, #tpu.memory_space<hbm>>
        %dma_start3A_125 = tpu.memref_slice %arg4[%add3A_106] : memref<656384xi32, #tpu.memory_space<hbm>> -> memref<128xi32, #tpu.memory_space<hbm>>
        tpu.enqueue_dma source(%dma_start3A_125 : memref<128xi32, #tpu.memory_space<hbm>>) target(%arg9 : memref<128xi32, #tpu.memory_space<vmem>>) target_semaphore(%run_scoped3A : memref<!tpu.dma_semaphore, #tpu.memory_space<semaphore_mem>>)
        %dma_wait3A_126 = tpu.memref_slice %arg4[%add3A_106] : memref<656384xi32, #tpu.memory_space<hbm>> -> memref<128xi32, #tpu.memory_space<hbm>>
        %dma_wait3A_127 = tpu.memref_slice %arg4[%add3A_106] : memref<656384xi32, #tpu.memory_space<hbm>> -> memref<128xi32, #tpu.memory_space<hbm>>
        tpu.wait_dma2 semaphore(%run_scoped3A : memref<!tpu.dma_semaphore, #tpu.memory_space<semaphore_mem>>) src(%dma_wait3A_127 : memref<128xi32, #tpu.memory_space<hbm>>) dst(%arg9 : memref<128xi32, #tpu.memory_space<vmem>>)
        tpu.yield
      }) : () -> ()
      %dma_start3A_107 = arith.constant 0 : i32
      %dma_start3A_108 = arith.constant 0 : i32
      %dma_start3A_109 = tpu.memref_slice %arg2[%dma_start3A_107, %dma_start3A_108] : memref<10000x128xf32, #tpu.memory_space<hbm>> -> memref<10000x128xf32, #tpu.memory_space<hbm>>
      tpu.enqueue_indirect_dma source(%dma_start3A_109 : memref<10000x128xf32, #tpu.memory_space<hbm>>) target(%arg13 : memref<128x128xf32, #tpu.memory_space<vmem>>) offsets(%arg8 : memref<128xi32, #tpu.memory_space<vmem>>) semaphore(%arg17 : memref<!tpu.dma_semaphore, #tpu.memory_space<semaphore_mem>>)
      %add3A_110 = arith.constant 2 : i32
      %add3A_111 = arith.addi %mul3A_83, %add3A_110 : i32
      %dma_wait3A_112 = arith.constant 0 : i32
      %dma_wait3A_113 = arith.constant 0 : i32
      %dma_wait3A_114 = tpu.memref_slice %arg2[%dma_wait3A_112, %dma_wait3A_113] : memref<10000x128xf32, #tpu.memory_space<hbm>> -> memref<10000x128xf32, #tpu.memory_space<hbm>>
      tpu.wait_indirect_dma semaphore(%arg18 : memref<!tpu.dma_semaphore, #tpu.memory_space<semaphore_mem>>) src(%dma_wait3A_114 : memref<10000x128xf32, #tpu.memory_space<hbm>>) dst(%arg14 : memref<128x128xf32, #tpu.memory_space<vmem>>)
      "tpu.region"() ({
        %run_scoped3A = tpu.sem_alloc : memref<!tpu.dma_semaphore, #tpu.memory_space<semaphore_mem>>
        %dma_start3A_124 = arith.constant 0 : i32
        %dma_start3A_125 = arith.constant 0 : i32
        %dma_start3A_126 = tpu.memref_slice %arg15[%dma_start3A_124, %dma_start3A_125] : memref<10112x128xf32, #tpu.memory_space<vmem_shared>> -> memref<10112x128xf32, #tpu.memory_space<vmem_shared>>
        tpu.enqueue_indirect_dma source(%arg14 : memref<128x128xf32, #tpu.memory_space<vmem>>) target(%dma_start3A_126 : memref<10112x128xf32, #tpu.memory_space<vmem_shared>>) offsets(%arg11 : memref<128xi32, #tpu.memory_space<vmem>>) semaphore(%run_scoped3A : memref<!tpu.dma_semaphore, #tpu.memory_space<semaphore_mem>>) {add = true}
        %dma_wait3A_127 = arith.constant 0 : i32
        %dma_wait3A_128 = arith.constant 0 : i32
        %dma_wait3A_129 = tpu.memref_slice %arg15[%dma_wait3A_127, %dma_wait3A_128] : memref<10112x128xf32, #tpu.memory_space<vmem_shared>> -> memref<10112x128xf32, #tpu.memory_space<vmem_shared>>
        tpu.wait_indirect_dma semaphore(%run_scoped3A : memref<!tpu.dma_semaphore, #tpu.memory_space<semaphore_mem>>) src(%arg14 : memref<128x128xf32, #tpu.memory_space<vmem>>) dst(%dma_wait3A_129 : memref<10112x128xf32, #tpu.memory_space<vmem_shared>>)
        tpu.yield
      }) : () -> ()
      %add3A_115 = arith.constant 3 : i32
      %add3A_116 = arith.addi %add3A_111, %add3A_115 : i32
      %mul3A_117 = arith.constant 128 : i32
      %mul3A_118 = arith.muli %add3A_116, %mul3A_117 : i32
      %add3A_119 = arith.addi %mul3A_2, %mul3A_118 : i32
      "tpu.region"() ({
        %run_scoped3A = tpu.sem_alloc : memref<!tpu.dma_semaphore, #tpu.memory_space<semaphore_mem>>
        %dma_start3A_124 = tpu.memref_slice %arg3[%add3A_119] : memref<656384xi32, #tpu.memory_space<hbm>> -> memref<128xi32, #tpu.memory_space<hbm>>
        %dma_start3A_125 = tpu.memref_slice %arg3[%add3A_119] : memref<656384xi32, #tpu.memory_space<hbm>> -> memref<128xi32, #tpu.memory_space<hbm>>
        tpu.enqueue_dma source(%dma_start3A_125 : memref<128xi32, #tpu.memory_space<hbm>>) target(%arg10 : memref<128xi32, #tpu.memory_space<vmem>>) target_semaphore(%run_scoped3A : memref<!tpu.dma_semaphore, #tpu.memory_space<semaphore_mem>>)
        %dma_wait3A_126 = tpu.memref_slice %arg3[%add3A_119] : memref<656384xi32, #tpu.memory_space<hbm>> -> memref<128xi32, #tpu.memory_space<hbm>>
        %dma_wait3A_127 = tpu.memref_slice %arg3[%add3A_119] : memref<656384xi32, #tpu.memory_space<hbm>> -> memref<128xi32, #tpu.memory_space<hbm>>
        tpu.wait_dma2 semaphore(%run_scoped3A : memref<!tpu.dma_semaphore, #tpu.memory_space<semaphore_mem>>) src(%dma_wait3A_127 : memref<128xi32, #tpu.memory_space<hbm>>) dst(%arg10 : memref<128xi32, #tpu.memory_space<vmem>>)
        tpu.yield
      }) : () -> ()
      "tpu.region"() ({
        %run_scoped3A = tpu.sem_alloc : memref<!tpu.dma_semaphore, #tpu.memory_space<semaphore_mem>>
        %dma_start3A_124 = tpu.memref_slice %arg4[%add3A_119] : memref<656384xi32, #tpu.memory_space<hbm>> -> memref<128xi32, #tpu.memory_space<hbm>>
        %dma_start3A_125 = tpu.memref_slice %arg4[%add3A_119] : memref<656384xi32, #tpu.memory_space<hbm>> -> memref<128xi32, #tpu.memory_space<hbm>>
        tpu.enqueue_dma source(%dma_start3A_125 : memref<128xi32, #tpu.memory_space<hbm>>) target(%arg11 : memref<128xi32, #tpu.memory_space<vmem>>) target_semaphore(%run_scoped3A : memref<!tpu.dma_semaphore, #tpu.memory_space<semaphore_mem>>)
        %dma_wait3A_126 = tpu.memref_slice %arg4[%add3A_119] : memref<656384xi32, #tpu.memory_space<hbm>> -> memref<128xi32, #tpu.memory_space<hbm>>
        %dma_wait3A_127 = tpu.memref_slice %arg4[%add3A_119] : memref<656384xi32, #tpu.memory_space<hbm>> -> memref<128xi32, #tpu.memory_space<hbm>>
        tpu.wait_dma2 semaphore(%run_scoped3A : memref<!tpu.dma_semaphore, #tpu.memory_space<semaphore_mem>>) src(%dma_wait3A_127 : memref<128xi32, #tpu.memory_space<hbm>>) dst(%arg11 : memref<128xi32, #tpu.memory_space<vmem>>)
        tpu.yield
      }) : () -> ()
      %dma_start3A_120 = arith.constant 0 : i32
      %dma_start3A_121 = arith.constant 0 : i32
      %dma_start3A_122 = tpu.memref_slice %arg2[%dma_start3A_120, %dma_start3A_121] : memref<10000x128xf32, #tpu.memory_space<hbm>> -> memref<10000x128xf32, #tpu.memory_space<hbm>>
      tpu.enqueue_indirect_dma source(%dma_start3A_122 : memref<10000x128xf32, #tpu.memory_space<hbm>>) target(%arg14 : memref<128x128xf32, #tpu.memory_space<vmem>>) offsets(%arg10 : memref<128xi32, #tpu.memory_space<vmem>>) semaphore(%arg18 : memref<!tpu.dma_semaphore, #tpu.memory_space<semaphore_mem>>)
      %scan3A_123 = arith.constant 0 : i32
      scf.yield %scan3A_123 : i32
    }
    %scan3A_50 = arith.constant 53 : i32
    %dma_wait3A = arith.constant 0 : i32
    %dma_wait3A_51 = arith.constant 0 : i32
    %dma_wait3A_52 = tpu.memref_slice %arg2[%dma_wait3A, %dma_wait3A_51] : memref<10000x128xf32, #tpu.memory_space<hbm>> -> memref<10000x128xf32, #tpu.memory_space<hbm>>
    tpu.wait_indirect_dma semaphore(%arg16 : memref<!tpu.dma_semaphore, #tpu.memory_space<semaphore_mem>>) src(%dma_wait3A_52 : memref<10000x128xf32, #tpu.memory_space<hbm>>) dst(%arg12 : memref<128x128xf32, #tpu.memory_space<vmem>>)
    "tpu.region"() ({
      %run_scoped3A = tpu.sem_alloc : memref<!tpu.dma_semaphore, #tpu.memory_space<semaphore_mem>>
      %dma_start3A_80 = arith.constant 0 : i32
      %dma_start3A_81 = arith.constant 0 : i32
      %dma_start3A_82 = tpu.memref_slice %arg15[%dma_start3A_80, %dma_start3A_81] : memref<10112x128xf32, #tpu.memory_space<vmem_shared>> -> memref<10112x128xf32, #tpu.memory_space<vmem_shared>>
      tpu.enqueue_indirect_dma source(%arg12 : memref<128x128xf32, #tpu.memory_space<vmem>>) target(%dma_start3A_82 : memref<10112x128xf32, #tpu.memory_space<vmem_shared>>) offsets(%arg7 : memref<128xi32, #tpu.memory_space<vmem>>) semaphore(%run_scoped3A : memref<!tpu.dma_semaphore, #tpu.memory_space<semaphore_mem>>) {add = true}
      %dma_wait3A_83 = arith.constant 0 : i32
      %dma_wait3A_84 = arith.constant 0 : i32
      %dma_wait3A_85 = tpu.memref_slice %arg15[%dma_wait3A_83, %dma_wait3A_84] : memref<10112x128xf32, #tpu.memory_space<vmem_shared>> -> memref<10112x128xf32, #tpu.memory_space<vmem_shared>>
      tpu.wait_indirect_dma semaphore(%run_scoped3A : memref<!tpu.dma_semaphore, #tpu.memory_space<semaphore_mem>>) src(%arg12 : memref<128x128xf32, #tpu.memory_space<vmem>>) dst(%dma_wait3A_85 : memref<10112x128xf32, #tpu.memory_space<vmem_shared>>)
      tpu.yield
    }) : () -> ()
    %dma_wait3A_53 = arith.constant 0 : i32
    %dma_wait3A_54 = arith.constant 0 : i32
    %dma_wait3A_55 = tpu.memref_slice %arg2[%dma_wait3A_53, %dma_wait3A_54] : memref<10000x128xf32, #tpu.memory_space<hbm>> -> memref<10000x128xf32, #tpu.memory_space<hbm>>
    tpu.wait_indirect_dma semaphore(%arg17 : memref<!tpu.dma_semaphore, #tpu.memory_space<semaphore_mem>>) src(%dma_wait3A_55 : memref<10000x128xf32, #tpu.memory_space<hbm>>) dst(%arg13 : memref<128x128xf32, #tpu.memory_space<vmem>>)
    %dma_wait3A_56 = arith.constant 0 : i32
    %dma_wait3A_57 = arith.constant 0 : i32
    %dma_wait3A_58 = tpu.memref_slice %arg2[%dma_wait3A_56, %dma_wait3A_57] : memref<10000x128xf32, #tpu.memory_space<hbm>> -> memref<10000x128xf32, #tpu.memory_space<hbm>>
    tpu.wait_indirect_dma semaphore(%arg18 : memref<!tpu.dma_semaphore, #tpu.memory_space<semaphore_mem>>) src(%dma_wait3A_58 : memref<10000x128xf32, #tpu.memory_space<hbm>>) dst(%arg14 : memref<128x128xf32, #tpu.memory_space<vmem>>)
    %barrier3A_59 = arith.constant 0 : index
    tpu.barrier barrier_id(%barrier3A_59)
    %mul3A_60 = arith.constant 624 : i32
    %mul3A_61 = arith.muli %arg1, %mul3A_60 : i32
    %add3A_62 = arith.constant 0 : i32
    %add3A_63 = arith.addi %mul3A_61, %add3A_62 : i32
    "tpu.region"() ({
      %run_scoped3A = tpu.sem_alloc : memref<!tpu.dma_semaphore, #tpu.memory_space<semaphore_mem>>
      %dma_start3A_80 = arith.constant 0 : i32
      %dma_start3A_81 = tpu.memref_slice %arg15[%add3A_63, %dma_start3A_80] : memref<10112x128xf32, #tpu.memory_space<vmem_shared>> -> memref<128x128xf32, #tpu.memory_space<vmem_shared>>
      %dma_start3A_82 = arith.constant 0 : i32
      %dma_start3A_83 = tpu.memref_slice %arg15[%add3A_63, %dma_start3A_82] : memref<10112x128xf32, #tpu.memory_space<vmem_shared>> -> memref<128x128xf32, #tpu.memory_space<vmem_shared>>
      tpu.enqueue_dma source(%dma_start3A_83 : memref<128x128xf32, #tpu.memory_space<vmem_shared>>) target(%arg12 : memref<128x128xf32, #tpu.memory_space<vmem>>) target_semaphore(%run_scoped3A : memref<!tpu.dma_semaphore, #tpu.memory_space<semaphore_mem>>)
      %dma_wait3A_84 = arith.constant 0 : i32
      %dma_wait3A_85 = tpu.memref_slice %arg15[%add3A_63, %dma_wait3A_84] : memref<10112x128xf32, #tpu.memory_space<vmem_shared>> -> memref<128x128xf32, #tpu.memory_space<vmem_shared>>
      %dma_wait3A_86 = arith.constant 0 : i32
      %dma_wait3A_87 = tpu.memref_slice %arg15[%add3A_63, %dma_wait3A_86] : memref<10112x128xf32, #tpu.memory_space<vmem_shared>> -> memref<128x128xf32, #tpu.memory_space<vmem_shared>>
      tpu.wait_dma2 semaphore(%run_scoped3A : memref<!tpu.dma_semaphore, #tpu.memory_space<semaphore_mem>>) src(%dma_wait3A_87 : memref<128x128xf32, #tpu.memory_space<vmem_shared>>) dst(%arg12 : memref<128x128xf32, #tpu.memory_space<vmem>>)
      tpu.yield
    }) : () -> ()
    "tpu.region"() ({
      %run_scoped3A = tpu.sem_alloc : memref<!tpu.dma_semaphore, #tpu.memory_space<semaphore_mem>>
      %dma_start3A_80 = arith.constant 0 : i32
      %dma_start3A_81 = tpu.memref_slice %arg5[%arg0, %add3A_63, %dma_start3A_80] : memref<2x10000x128xf32, #tpu.memory_space<hbm>> -> memref<1x128x128xf32, #tpu.memory_space<hbm>>
      %dma_start3A_82 = tpu.memref_squeeze %dma_start3A_81 : memref<1x128x128xf32, #tpu.memory_space<hbm>> -> memref<128x128xf32, #tpu.memory_space<hbm>>
      %dma_start3A_83 = arith.constant 0 : i32
      %dma_start3A_84 = tpu.memref_slice %arg5[%arg0, %add3A_63, %dma_start3A_83] : memref<2x10000x128xf32, #tpu.memory_space<hbm>> -> memref<1x128x128xf32, #tpu.memory_space<hbm>>
      %dma_start3A_85 = tpu.memref_squeeze %dma_start3A_84 : memref<1x128x128xf32, #tpu.memory_space<hbm>> -> memref<128x128xf32, #tpu.memory_space<hbm>>
      tpu.enqueue_dma source(%arg12 : memref<128x128xf32, #tpu.memory_space<vmem>>) target(%dma_start3A_85 : memref<128x128xf32, #tpu.memory_space<hbm>>) target_semaphore(%run_scoped3A : memref<!tpu.dma_semaphore, #tpu.memory_space<semaphore_mem>>)
      %dma_wait3A_86 = arith.constant 0 : i32
      %dma_wait3A_87 = tpu.memref_slice %arg5[%arg0, %add3A_63, %dma_wait3A_86] : memref<2x10000x128xf32, #tpu.memory_space<hbm>> -> memref<1x128x128xf32, #tpu.memory_space<hbm>>
      %dma_wait3A_88 = tpu.memref_squeeze %dma_wait3A_87 : memref<1x128x128xf32, #tpu.memory_space<hbm>> -> memref<128x128xf32, #tpu.memory_space<hbm>>
      %dma_wait3A_89 = arith.constant 0 : i32
      %dma_wait3A_90 = tpu.memref_slice %arg5[%arg0, %add3A_63, %dma_wait3A_89] : memref<2x10000x128xf32, #tpu.memory_space<hbm>> -> memref<1x128x128xf32, #tpu.memory_space<hbm>>
      %dma_wait3A_91 = tpu.memref_squeeze %dma_wait3A_90 : memref<1x128x128xf32, #tpu.memory_space<hbm>> -> memref<128x128xf32, #tpu.memory_space<hbm>>
      tpu.wait_dma2 semaphore(%run_scoped3A : memref<!tpu.dma_semaphore, #tpu.memory_space<semaphore_mem>>) src(%arg12 : memref<128x128xf32, #tpu.memory_space<vmem>>) dst(%dma_wait3A_91 : memref<128x128xf32, #tpu.memory_space<hbm>>)
      tpu.yield
    }) : () -> ()
    %mul3A_64 = arith.constant 624 : i32
    %mul3A_65 = arith.muli %arg1, %mul3A_64 : i32
    %add3A_66 = arith.constant 128 : i32
    %add3A_67 = arith.addi %mul3A_65, %add3A_66 : i32
    "tpu.region"() ({
      %run_scoped3A = tpu.sem_alloc : memref<!tpu.dma_semaphore, #tpu.memory_space<semaphore_mem>>
      %dma_start3A_80 = arith.constant 0 : i32
      %dma_start3A_81 = tpu.memref_slice %arg15[%add3A_67, %dma_start3A_80] : memref<10112x128xf32, #tpu.memory_space<vmem_shared>> -> memref<128x128xf32, #tpu.memory_space<vmem_shared>>
      %dma_start3A_82 = arith.constant 0 : i32
      %dma_start3A_83 = tpu.memref_slice %arg15[%add3A_67, %dma_start3A_82] : memref<10112x128xf32, #tpu.memory_space<vmem_shared>> -> memref<128x128xf32, #tpu.memory_space<vmem_shared>>
      tpu.enqueue_dma source(%dma_start3A_83 : memref<128x128xf32, #tpu.memory_space<vmem_shared>>) target(%arg12 : memref<128x128xf32, #tpu.memory_space<vmem>>) target_semaphore(%run_scoped3A : memref<!tpu.dma_semaphore, #tpu.memory_space<semaphore_mem>>)
      %dma_wait3A_84 = arith.constant 0 : i32
      %dma_wait3A_85 = tpu.memref_slice %arg15[%add3A_67, %dma_wait3A_84] : memref<10112x128xf32, #tpu.memory_space<vmem_shared>> -> memref<128x128xf32, #tpu.memory_space<vmem_shared>>
      %dma_wait3A_86 = arith.constant 0 : i32
      %dma_wait3A_87 = tpu.memref_slice %arg15[%add3A_67, %dma_wait3A_86] : memref<10112x128xf32, #tpu.memory_space<vmem_shared>> -> memref<128x128xf32, #tpu.memory_space<vmem_shared>>
      tpu.wait_dma2 semaphore(%run_scoped3A : memref<!tpu.dma_semaphore, #tpu.memory_space<semaphore_mem>>) src(%dma_wait3A_87 : memref<128x128xf32, #tpu.memory_space<vmem_shared>>) dst(%arg12 : memref<128x128xf32, #tpu.memory_space<vmem>>)
      tpu.yield
    }) : () -> ()
    "tpu.region"() ({
      %run_scoped3A = tpu.sem_alloc : memref<!tpu.dma_semaphore, #tpu.memory_space<semaphore_mem>>
      %dma_start3A_80 = arith.constant 0 : i32
      %dma_start3A_81 = tpu.memref_slice %arg5[%arg0, %add3A_67, %dma_start3A_80] : memref<2x10000x128xf32, #tpu.memory_space<hbm>> -> memref<1x128x128xf32, #tpu.memory_space<hbm>>
      %dma_start3A_82 = tpu.memref_squeeze %dma_start3A_81 : memref<1x128x128xf32, #tpu.memory_space<hbm>> -> memref<128x128xf32, #tpu.memory_space<hbm>>
      %dma_start3A_83 = arith.constant 0 : i32
      %dma_start3A_84 = tpu.memref_slice %arg5[%arg0, %add3A_67, %dma_start3A_83] : memref<2x10000x128xf32, #tpu.memory_space<hbm>> -> memref<1x128x128xf32, #tpu.memory_space<hbm>>
      %dma_start3A_85 = tpu.memref_squeeze %dma_start3A_84 : memref<1x128x128xf32, #tpu.memory_space<hbm>> -> memref<128x128xf32, #tpu.memory_space<hbm>>
      tpu.enqueue_dma source(%arg12 : memref<128x128xf32, #tpu.memory_space<vmem>>) target(%dma_start3A_85 : memref<128x128xf32, #tpu.memory_space<hbm>>) target_semaphore(%run_scoped3A : memref<!tpu.dma_semaphore, #tpu.memory_space<semaphore_mem>>)
      %dma_wait3A_86 = arith.constant 0 : i32
      %dma_wait3A_87 = tpu.memref_slice %arg5[%arg0, %add3A_67, %dma_wait3A_86] : memref<2x10000x128xf32, #tpu.memory_space<hbm>> -> memref<1x128x128xf32, #tpu.memory_space<hbm>>
      %dma_wait3A_88 = tpu.memref_squeeze %dma_wait3A_87 : memref<1x128x128xf32, #tpu.memory_space<hbm>> -> memref<128x128xf32, #tpu.memory_space<hbm>>
      %dma_wait3A_89 = arith.constant 0 : i32
      %dma_wait3A_90 = tpu.memref_slice %arg5[%arg0, %add3A_67, %dma_wait3A_89] : memref<2x10000x128xf32, #tpu.memory_space<hbm>> -> memref<1x128x128xf32, #tpu.memory_space<hbm>>
      %dma_wait3A_91 = tpu.memref_squeeze %dma_wait3A_90 : memref<1x128x128xf32, #tpu.memory_space<hbm>> -> memref<128x128xf32, #tpu.memory_space<hbm>>
      tpu.wait_dma2 semaphore(%run_scoped3A : memref<!tpu.dma_semaphore, #tpu.memory_space<semaphore_mem>>) src(%arg12 : memref<128x128xf32, #tpu.memory_space<vmem>>) dst(%dma_wait3A_91 : memref<128x128xf32, #tpu.memory_space<hbm>>)
      tpu.yield
    }) : () -> ()
    %mul3A_68 = arith.constant 624 : i32
    %mul3A_69 = arith.muli %arg1, %mul3A_68 : i32
    %add3A_70 = arith.constant 256 : i32
    %add3A_71 = arith.addi %mul3A_69, %add3A_70 : i32
    "tpu.region"() ({
      %run_scoped3A = tpu.sem_alloc : memref<!tpu.dma_semaphore, #tpu.memory_space<semaphore_mem>>
      %dma_start3A_80 = arith.constant 0 : i32
      %dma_start3A_81 = tpu.memref_slice %arg15[%add3A_71, %dma_start3A_80] : memref<10112x128xf32, #tpu.memory_space<vmem_shared>> -> memref<128x128xf32, #tpu.memory_space<vmem_shared>>
      %dma_start3A_82 = arith.constant 0 : i32
      %dma_start3A_83 = tpu.memref_slice %arg15[%add3A_71, %dma_start3A_82] : memref<10112x128xf32, #tpu.memory_space<vmem_shared>> -> memref<128x128xf32, #tpu.memory_space<vmem_shared>>
      tpu.enqueue_dma source(%dma_start3A_83 : memref<128x128xf32, #tpu.memory_space<vmem_shared>>) target(%arg12 : memref<128x128xf32, #tpu.memory_space<vmem>>) target_semaphore(%run_scoped3A : memref<!tpu.dma_semaphore, #tpu.memory_space<semaphore_mem>>)
      %dma_wait3A_84 = arith.constant 0 : i32
      %dma_wait3A_85 = tpu.memref_slice %arg15[%add3A_71, %dma_wait3A_84] : memref<10112x128xf32, #tpu.memory_space<vmem_shared>> -> memref<128x128xf32, #tpu.memory_space<vmem_shared>>
      %dma_wait3A_86 = arith.constant 0 : i32
      %dma_wait3A_87 = tpu.memref_slice %arg15[%add3A_71, %dma_wait3A_86] : memref<10112x128xf32, #tpu.memory_space<vmem_shared>> -> memref<128x128xf32, #tpu.memory_space<vmem_shared>>
      tpu.wait_dma2 semaphore(%run_scoped3A : memref<!tpu.dma_semaphore, #tpu.memory_space<semaphore_mem>>) src(%dma_wait3A_87 : memref<128x128xf32, #tpu.memory_space<vmem_shared>>) dst(%arg12 : memref<128x128xf32, #tpu.memory_space<vmem>>)
      tpu.yield
    }) : () -> ()
    "tpu.region"() ({
      %run_scoped3A = tpu.sem_alloc : memref<!tpu.dma_semaphore, #tpu.memory_space<semaphore_mem>>
      %dma_start3A_80 = arith.constant 0 : i32
      %dma_start3A_81 = tpu.memref_slice %arg5[%arg0, %add3A_71, %dma_start3A_80] : memref<2x10000x128xf32, #tpu.memory_space<hbm>> -> memref<1x128x128xf32, #tpu.memory_space<hbm>>
      %dma_start3A_82 = tpu.memref_squeeze %dma_start3A_81 : memref<1x128x128xf32, #tpu.memory_space<hbm>> -> memref<128x128xf32, #tpu.memory_space<hbm>>
      %dma_start3A_83 = arith.constant 0 : i32
      %dma_start3A_84 = tpu.memref_slice %arg5[%arg0, %add3A_71, %dma_start3A_83] : memref<2x10000x128xf32, #tpu.memory_space<hbm>> -> memref<1x128x128xf32, #tpu.memory_space<hbm>>
      %dma_start3A_85 = tpu.memref_squeeze %dma_start3A_84 : memref<1x128x128xf32, #tpu.memory_space<hbm>> -> memref<128x128xf32, #tpu.memory_space<hbm>>
      tpu.enqueue_dma source(%arg12 : memref<128x128xf32, #tpu.memory_space<vmem>>) target(%dma_start3A_85 : memref<128x128xf32, #tpu.memory_space<hbm>>) target_semaphore(%run_scoped3A : memref<!tpu.dma_semaphore, #tpu.memory_space<semaphore_mem>>)
      %dma_wait3A_86 = arith.constant 0 : i32
      %dma_wait3A_87 = tpu.memref_slice %arg5[%arg0, %add3A_71, %dma_wait3A_86] : memref<2x10000x128xf32, #tpu.memory_space<hbm>> -> memref<1x128x128xf32, #tpu.memory_space<hbm>>
      %dma_wait3A_88 = tpu.memref_squeeze %dma_wait3A_87 : memref<1x128x128xf32, #tpu.memory_space<hbm>> -> memref<128x128xf32, #tpu.memory_space<hbm>>
      %dma_wait3A_89 = arith.constant 0 : i32
      %dma_wait3A_90 = tpu.memref_slice %arg5[%arg0, %add3A_71, %dma_wait3A_89] : memref<2x10000x128xf32, #tpu.memory_space<hbm>> -> memref<1x128x128xf32, #tpu.memory_space<hbm>>
      %dma_wait3A_91 = tpu.memref_squeeze %dma_wait3A_90 : memref<1x128x128xf32, #tpu.memory_space<hbm>> -> memref<128x128xf32, #tpu.memory_space<hbm>>
      tpu.wait_dma2 semaphore(%run_scoped3A : memref<!tpu.dma_semaphore, #tpu.memory_space<semaphore_mem>>) src(%arg12 : memref<128x128xf32, #tpu.memory_space<vmem>>) dst(%dma_wait3A_91 : memref<128x128xf32, #tpu.memory_space<hbm>>)
      tpu.yield
    }) : () -> ()
    %mul3A_72 = arith.constant 624 : i32
    %mul3A_73 = arith.muli %arg1, %mul3A_72 : i32
    %add3A_74 = arith.constant 384 : i32
    %add3A_75 = arith.addi %mul3A_73, %add3A_74 : i32
    "tpu.region"() ({
      %run_scoped3A = tpu.sem_alloc : memref<!tpu.dma_semaphore, #tpu.memory_space<semaphore_mem>>
      %dma_start3A_80 = arith.constant 0 : i32
      %dma_start3A_81 = tpu.memref_slice %arg15[%add3A_75, %dma_start3A_80] : memref<10112x128xf32, #tpu.memory_space<vmem_shared>> -> memref<128x128xf32, #tpu.memory_space<vmem_shared>>
      %dma_start3A_82 = arith.constant 0 : i32
      %dma_start3A_83 = tpu.memref_slice %arg15[%add3A_75, %dma_start3A_82] : memref<10112x128xf32, #tpu.memory_space<vmem_shared>> -> memref<128x128xf32, #tpu.memory_space<vmem_shared>>
      tpu.enqueue_dma source(%dma_start3A_83 : memref<128x128xf32, #tpu.memory_space<vmem_shared>>) target(%arg12 : memref<128x128xf32, #tpu.memory_space<vmem>>) target_semaphore(%run_scoped3A : memref<!tpu.dma_semaphore, #tpu.memory_space<semaphore_mem>>)
      %dma_wait3A_84 = arith.constant 0 : i32
      %dma_wait3A_85 = tpu.memref_slice %arg15[%add3A_75, %dma_wait3A_84] : memref<10112x128xf32, #tpu.memory_space<vmem_shared>> -> memref<128x128xf32, #tpu.memory_space<vmem_shared>>
      %dma_wait3A_86 = arith.constant 0 : i32
      %dma_wait3A_87 = tpu.memref_slice %arg15[%add3A_75, %dma_wait3A_86] : memref<10112x128xf32, #tpu.memory_space<vmem_shared>> -> memref<128x128xf32, #tpu.memory_space<vmem_shared>>
      tpu.wait_dma2 semaphore(%run_scoped3A : memref<!tpu.dma_semaphore, #tpu.memory_space<semaphore_mem>>) src(%dma_wait3A_87 : memref<128x128xf32, #tpu.memory_space<vmem_shared>>) dst(%arg12 : memref<128x128xf32, #tpu.memory_space<vmem>>)
      tpu.yield
    }) : () -> ()
    "tpu.region"() ({
      %run_scoped3A = tpu.sem_alloc : memref<!tpu.dma_semaphore, #tpu.memory_space<semaphore_mem>>
      %dma_start3A_80 = arith.constant 0 : i32
      %dma_start3A_81 = tpu.memref_slice %arg5[%arg0, %add3A_75, %dma_start3A_80] : memref<2x10000x128xf32, #tpu.memory_space<hbm>> -> memref<1x128x128xf32, #tpu.memory_space<hbm>>
      %dma_start3A_82 = tpu.memref_squeeze %dma_start3A_81 : memref<1x128x128xf32, #tpu.memory_space<hbm>> -> memref<128x128xf32, #tpu.memory_space<hbm>>
      %dma_start3A_83 = arith.constant 0 : i32
      %dma_start3A_84 = tpu.memref_slice %arg5[%arg0, %add3A_75, %dma_start3A_83] : memref<2x10000x128xf32, #tpu.memory_space<hbm>> -> memref<1x128x128xf32, #tpu.memory_space<hbm>>
      %dma_start3A_85 = tpu.memref_squeeze %dma_start3A_84 : memref<1x128x128xf32, #tpu.memory_space<hbm>> -> memref<128x128xf32, #tpu.memory_space<hbm>>
      tpu.enqueue_dma source(%arg12 : memref<128x128xf32, #tpu.memory_space<vmem>>) target(%dma_start3A_85 : memref<128x128xf32, #tpu.memory_space<hbm>>) target_semaphore(%run_scoped3A : memref<!tpu.dma_semaphore, #tpu.memory_space<semaphore_mem>>)
      %dma_wait3A_86 = arith.constant 0 : i32
      %dma_wait3A_87 = tpu.memref_slice %arg5[%arg0, %add3A_75, %dma_wait3A_86] : memref<2x10000x128xf32, #tpu.memory_space<hbm>> -> memref<1x128x128xf32, #tpu.memory_space<hbm>>
      %dma_wait3A_88 = tpu.memref_squeeze %dma_wait3A_87 : memref<1x128x128xf32, #tpu.memory_space<hbm>> -> memref<128x128xf32, #tpu.memory_space<hbm>>
      %dma_wait3A_89 = arith.constant 0 : i32
      %dma_wait3A_90 = tpu.memref_slice %arg5[%arg0, %add3A_75, %dma_wait3A_89] : memref<2x10000x128xf32, #tpu.memory_space<hbm>> -> memref<1x128x128xf32, #tpu.memory_space<hbm>>
      %dma_wait3A_91 = tpu.memref_squeeze %dma_wait3A_90 : memref<1x128x128xf32, #tpu.memory_space<hbm>> -> memref<128x128xf32, #tpu.memory_space<hbm>>
      tpu.wait_dma2 semaphore(%run_scoped3A : memref<!tpu.dma_semaphore, #tpu.memory_space<semaphore_mem>>) src(%arg12 : memref<128x128xf32, #tpu.memory_space<vmem>>) dst(%dma_wait3A_91 : memref<128x128xf32, #tpu.memory_space<hbm>>)
      tpu.yield
    }) : () -> ()
    %mul3A_76 = arith.constant 624 : i32
    %mul3A_77 = arith.muli %arg1, %mul3A_76 : i32
    %add3A_78 = arith.constant 512 : i32
    %add3A_79 = arith.addi %mul3A_77, %add3A_78 : i32
    "tpu.region"() ({
      %run_scoped3A = tpu.sem_alloc : memref<!tpu.dma_semaphore, #tpu.memory_space<semaphore_mem>>
      %dma_start3A_80 = arith.constant 0 : i32
      %dma_start3A_81 = tpu.memref_slice %arg15[%add3A_79, %dma_start3A_80] : memref<10112x128xf32, #tpu.memory_space<vmem_shared>> -> memref<128x128xf32, #tpu.memory_space<vmem_shared>>
      %dma_start3A_82 = arith.constant 0 : i32
      %dma_start3A_83 = tpu.memref_slice %arg15[%add3A_79, %dma_start3A_82] : memref<10112x128xf32, #tpu.memory_space<vmem_shared>> -> memref<128x128xf32, #tpu.memory_space<vmem_shared>>
      tpu.enqueue_dma source(%dma_start3A_83 : memref<128x128xf32, #tpu.memory_space<vmem_shared>>) target(%arg12 : memref<128x128xf32, #tpu.memory_space<vmem>>) target_semaphore(%run_scoped3A : memref<!tpu.dma_semaphore, #tpu.memory_space<semaphore_mem>>)
      %dma_wait3A_84 = arith.constant 0 : i32
      %dma_wait3A_85 = tpu.memref_slice %arg15[%add3A_79, %dma_wait3A_84] : memref<10112x128xf32, #tpu.memory_space<vmem_shared>> -> memref<128x128xf32, #tpu.memory_space<vmem_shared>>
      %dma_wait3A_86 = arith.constant 0 : i32
      %dma_wait3A_87 = tpu.memref_slice %arg15[%add3A_79, %dma_wait3A_86] : memref<10112x128xf32, #tpu.memory_space<vmem_shared>> -> memref<128x128xf32, #tpu.memory_space<vmem_shared>>
      tpu.wait_dma2 semaphore(%run_scoped3A : memref<!tpu.dma_semaphore, #tpu.memory_space<semaphore_mem>>) src(%dma_wait3A_87 : memref<128x128xf32, #tpu.memory_space<vmem_shared>>) dst(%arg12 : memref<128x128xf32, #tpu.memory_space<vmem>>)
      tpu.yield
    }) : () -> ()
    "tpu.region"() ({
      %run_scoped3A = tpu.sem_alloc : memref<!tpu.dma_semaphore, #tpu.memory_space<semaphore_mem>>
      %dma_start3A_80 = arith.constant 0 : i32
      %dma_start3A_81 = tpu.memref_slice %arg5[%arg0, %add3A_79, %dma_start3A_80] : memref<2x10000x128xf32, #tpu.memory_space<hbm>> -> memref<1x128x128xf32, #tpu.memory_space<hbm>>
      %dma_start3A_82 = tpu.memref_squeeze %dma_start3A_81 : memref<1x128x128xf32, #tpu.memory_space<hbm>> -> memref<128x128xf32, #tpu.memory_space<hbm>>
      %dma_start3A_83 = arith.constant 0 : i32
      %dma_start3A_84 = tpu.memref_slice %arg5[%arg0, %add3A_79, %dma_start3A_83] : memref<2x10000x128xf32, #tpu.memory_space<hbm>> -> memref<1x128x128xf32, #tpu.memory_space<hbm>>
      %dma_start3A_85 = tpu.memref_squeeze %dma_start3A_84 : memref<1x128x128xf32, #tpu.memory_space<hbm>> -> memref<128x128xf32, #tpu.memory_space<hbm>>
      tpu.enqueue_dma source(%arg12 : memref<128x128xf32, #tpu.memory_space<vmem>>) target(%dma_start3A_85 : memref<128x128xf32, #tpu.memory_space<hbm>>) target_semaphore(%run_scoped3A : memref<!tpu.dma_semaphore, #tpu.memory_space<semaphore_mem>>)
      %dma_wait3A_86 = arith.constant 0 : i32
      %dma_wait3A_87 = tpu.memref_slice %arg5[%arg0, %add3A_79, %dma_wait3A_86] : memref<2x10000x128xf32, #tpu.memory_space<hbm>> -> memref<1x128x128xf32, #tpu.memory_space<hbm>>
      %dma_wait3A_88 = tpu.memref_squeeze %dma_wait3A_87 : memref<1x128x128xf32, #tpu.memory_space<hbm>> -> memref<128x128xf32, #tpu.memory_space<hbm>>
      %dma_wait3A_89 = arith.constant 0 : i32
      %dma_wait3A_90 = tpu.memref_slice %arg5[%arg0, %add3A_79, %dma_wait3A_89] : memref<2x10000x128xf32, #tpu.memory_space<hbm>> -> memref<1x128x128xf32, #tpu.memory_space<hbm>>
      %dma_wait3A_91 = tpu.memref_squeeze %dma_wait3A_90 : memref<1x128x128xf32, #tpu.memory_space<hbm>> -> memref<128x128xf32, #tpu.memory_space<hbm>>
      tpu.wait_dma2 semaphore(%run_scoped3A : memref<!tpu.dma_semaphore, #tpu.memory_space<semaphore_mem>>) src(%arg12 : memref<128x128xf32, #tpu.memory_space<vmem>>) dst(%dma_wait3A_91 : memref<128x128xf32, #tpu.memory_space<hbm>>)
      tpu.yield
    }) : () -> ()
    return
  }
}

module attributes {stable_mosaic.version = 14 : i64} {
  func.func @_tc_in_body(%arg0: memref<10000x128xf32, #tpu.memory_space<vmem>>, %arg1: memref<128x128xf32, #tpu.memory_space<vmem>>, %arg2: memref<1x128xf32, #tpu.memory_space<vmem>>, %arg3: memref<128x128xf32, #tpu.memory_space<vmem>>, %arg4: memref<1x128xf32, #tpu.memory_space<vmem>>, %arg5: memref<128x128xf32, #tpu.memory_space<vmem>>, %arg6: memref<2x10000x128xf32, #tpu.memory_space<vmem>>, %arg7: memref<1x1xf32, #tpu.memory_space<vmem>>, %arg8: memref<10000x128xf32, #tpu.memory_space<vmem>>, %arg9: memref<10000x128xf32, #tpu.memory_space<vmem>>, %arg10: memref<10000x1xf32, #tpu.memory_space<vmem>>) attributes {dimension_semantics = [], scalar_prefetch = 0 : i64, scratch_operands = 0 : i64, tpu.core_type = #tpu.core_type<tc>} {
    %get3A = arith.constant 0 : index
    %get3A_0 = arith.constant 0 : index
    %get3A_1 = vector.load %arg0[%get3A, %get3A_0] : memref<10000x128xf32, #tpu.memory_space<vmem>>, vector<10000x128xf32>
    %get3A_2 = arith.constant 0 : index
    %get3A_3 = arith.constant 0 : index
    %get3A_4 = vector.load %arg1[%get3A_2, %get3A_3] : memref<128x128xf32, #tpu.memory_space<vmem>>, vector<128x128xf32>
    %dot_general3A = arith.constant dense<0.000000e+00> : vector<10000x128xf32>
    %dot_general3A_5 = tpu.matmul %get3A_1, %get3A_4, %dot_general3A {dimension_numbers = #tpu.dot_dimension_numbers<[1], [0], [0], [1], [0, 0, 1, 1], [], []>, transpose_lhs_hint = false} : vector<10000x128xf32>, vector<128x128xf32>, vector<10000x128xf32> -> vector<10000x128xf32>
    %get3A_6 = arith.constant 0 : index
    %get3A_7 = arith.constant 0 : index
    %get3A_8 = vector.load %arg2[%get3A_6, %get3A_7] : memref<1x128xf32, #tpu.memory_space<vmem>>, vector<1x128xf32>
    %add3A = vector.broadcast %get3A_8 : vector<1x128xf32> to vector<10000x128xf32>
    %add3A_9 = arith.addf %dot_general3A_5, %add3A : vector<10000x128xf32>
    %max3A = arith.constant 0.000000e+00 : f32
    %max3A_10 = vector.broadcast %max3A : f32 to vector<10000x128xf32>
    %max3A_11 = arith.maximumf %add3A_9, %max3A_10 : vector<10000x128xf32>
    %get3A_12 = arith.constant 0 : index
    %get3A_13 = arith.constant 0 : index
    %get3A_14 = vector.load %arg3[%get3A_12, %get3A_13] : memref<128x128xf32, #tpu.memory_space<vmem>>, vector<128x128xf32>
    %dot_general3A_15 = arith.constant dense<0.000000e+00> : vector<10000x128xf32>
    %dot_general3A_16 = tpu.matmul %max3A_11, %get3A_14, %dot_general3A_15 {dimension_numbers = #tpu.dot_dimension_numbers<[1], [0], [0], [1], [0, 0, 1, 1], [], []>, transpose_lhs_hint = false} : vector<10000x128xf32>, vector<128x128xf32>, vector<10000x128xf32> -> vector<10000x128xf32>
    %get3A_17 = arith.constant 0 : index
    %get3A_18 = arith.constant 0 : index
    %get3A_19 = vector.load %arg4[%get3A_17, %get3A_18] : memref<1x128xf32, #tpu.memory_space<vmem>>, vector<1x128xf32>
    %add3A_20 = vector.broadcast %get3A_19 : vector<1x128xf32> to vector<10000x128xf32>
    %add3A_21 = arith.addf %dot_general3A_16, %add3A_20 : vector<10000x128xf32>
    %get3A_22 = arith.constant 0 : index
    %get3A_23 = arith.constant 0 : index
    %get3A_24 = arith.constant 0 : index
    %get3A_25 = vector.load %arg6[%get3A_22, %get3A_23, %get3A_24] : memref<2x10000x128xf32, #tpu.memory_space<vmem>>, vector<1x10000x128xf32>
    %get3A_26 = vector.shape_cast %get3A_25 : vector<1x10000x128xf32> to vector<10000x128xf32>
    %get3A_27 = arith.constant 1 : index
    %get3A_28 = arith.constant 0 : index
    %get3A_29 = arith.constant 0 : index
    %get3A_30 = vector.load %arg6[%get3A_27, %get3A_28, %get3A_29] : memref<2x10000x128xf32, #tpu.memory_space<vmem>>, vector<1x10000x128xf32>
    %get3A_31 = vector.shape_cast %get3A_30 : vector<1x10000x128xf32> to vector<10000x128xf32>
    %add3A_32 = arith.addf %get3A_26, %get3A_31 : vector<10000x128xf32>
    %slice3A = vector.extract_strided_slice %add3A_32 {offsets = [0, 0], sizes = [10000, 1], strides = [1, 1]} : vector<10000x128xf32> to vector<10000x1xf32>
    %get3A_33 = arith.constant 0 : index
    %get3A_34 = arith.constant 0 : index
    %get3A_35 = vector.load %arg7[%get3A_33, %get3A_34] : memref<1x1xf32, #tpu.memory_space<vmem>>, vector<1x1xf32>
    %get3A_36 = vector.extract %get3A_35[0, 0] : f32 from vector<1x1xf32>
    %mul3A = vector.broadcast %get3A_36 : f32 to vector<10000x1xf32>
    %mul3A_37 = arith.mulf %mul3A, %slice3A : vector<10000x1xf32>
    %add3A_38 = arith.constant 2.000000e+00 : f32
    %add3A_39 = vector.broadcast %add3A_38 : f32 to vector<10000x1xf32>
    %add3A_40 = arith.addf %mul3A_37, %add3A_39 : vector<10000x1xf32>
    %rsqrt3A = math.rsqrt %add3A_40 : vector<10000x1xf32>
    %swap3A = arith.constant 0 : index
    %swap3A_41 = arith.constant 0 : index
    %swap3A_42 = vector.load %arg8[%swap3A, %swap3A_41] : memref<10000x128xf32, #tpu.memory_space<vmem>>, vector<10000x128xf32>
    tpu.vector_store %arg8[%swap3A, %swap3A_41], %add3A_21 {strides = array<i32>} : memref<10000x128xf32, #tpu.memory_space<vmem>>, vector<10000x128xf32>,
    %swap3A_43 = arith.constant 0 : index
    %swap3A_44 = arith.constant 0 : index
    %swap3A_45 = vector.load %arg10[%swap3A_43, %swap3A_44] : memref<10000x1xf32, #tpu.memory_space<vmem>>, vector<10000x1xf32>
    tpu.vector_store %arg10[%swap3A_43, %swap3A_44], %rsqrt3A {strides = array<i32>} : memref<10000x1xf32, #tpu.memory_space<vmem>>, vector<10000x1xf32>,
    %get3A_46 = arith.constant 0 : index
    %get3A_47 = arith.constant 0 : index
    %get3A_48 = vector.load %arg5[%get3A_46, %get3A_47] : memref<128x128xf32, #tpu.memory_space<vmem>>, vector<128x128xf32>
    %dot_general3A_49 = arith.constant dense<0.000000e+00> : vector<10000x128xf32>
    %dot_general3A_50 = tpu.matmul %add3A_21, %get3A_48, %dot_general3A_49 {dimension_numbers = #tpu.dot_dimension_numbers<[1], [0], [0], [1], [0, 0, 1, 1], [], []>, transpose_lhs_hint = false} : vector<10000x128xf32>, vector<128x128xf32>, vector<10000x128xf32> -> vector<10000x128xf32>
    %mul3A_51 = vector.broadcast %rsqrt3A : vector<10000x1xf32> to vector<10000x128xf32>
    %mul3A_52 = arith.mulf %mul3A_51, %dot_general3A_50 : vector<10000x128xf32>
    %swap3A_53 = arith.constant 0 : index
    %swap3A_54 = arith.constant 0 : index
    %swap3A_55 = vector.load %arg9[%swap3A_53, %swap3A_54] : memref<10000x128xf32, #tpu.memory_space<vmem>>, vector<10000x128xf32>
    tpu.vector_store %arg9[%swap3A_53, %swap3A_54], %mul3A_52 {strides = array<i32>} : memref<10000x128xf32, #tpu.memory_space<vmem>>, vector<10000x128xf32>,
    return
  }
}

module attributes {stable_mosaic.version = 14 : i64} {
  func.func @_tc_post_body(%arg0: memref<2x10000x128xf32, #tpu.memory_space<vmem>>, %arg1: memref<10000x128xf32, #tpu.memory_space<vmem>>, %arg2: memref<10000x128xf32, #tpu.memory_space<vmem>>, %arg3: memref<10000x1xf32, #tpu.memory_space<vmem>>, %arg4: memref<1x1xf32, #tpu.memory_space<vmem>>, %arg5: memref<1x128xf32, #tpu.memory_space<vmem>>, %arg6: memref<1x128xf32, #tpu.memory_space<vmem>>, %arg7: memref<1x128xf32, #tpu.memory_space<vmem>>, %arg8: memref<1x128xf32, #tpu.memory_space<vmem>>, %arg9: memref<128x128xf32, #tpu.memory_space<vmem>>, %arg10: memref<1x128xf32, #tpu.memory_space<vmem>>, %arg11: memref<128x128xf32, #tpu.memory_space<vmem>>, %arg12: memref<10000x128xf32, #tpu.memory_space<vmem>>, %arg13: memref<10000x128xf32, #tpu.memory_space<vmem>>) attributes {dimension_semantics = [], scalar_prefetch = 0 : i64, scratch_operands = 0 : i64, tpu.core_type = #tpu.core_type<tc>} {
    %get3A = arith.constant 0 : index
    %get3A_0 = arith.constant 0 : index
    %get3A_1 = vector.load %arg3[%get3A, %get3A_0] : memref<10000x1xf32, #tpu.memory_space<vmem>>, vector<10000x1xf32>
    %get3A_2 = arith.constant 0 : index
    %get3A_3 = arith.constant 0 : index
    %get3A_4 = vector.load %arg4[%get3A_2, %get3A_3] : memref<1x1xf32, #tpu.memory_space<vmem>>, vector<1x1xf32>
    %get3A_5 = vector.extract %get3A_4[0, 0] : f32 from vector<1x1xf32>
    %get3A_6 = arith.constant 0 : index
    %get3A_7 = arith.constant 0 : index
    %get3A_8 = arith.constant 0 : index
    %get3A_9 = vector.load %arg0[%get3A_6, %get3A_7, %get3A_8] : memref<2x10000x128xf32, #tpu.memory_space<vmem>>, vector<1x10000x128xf32>
    %get3A_10 = vector.shape_cast %get3A_9 : vector<1x10000x128xf32> to vector<10000x128xf32>
    %get3A_11 = arith.constant 1 : index
    %get3A_12 = arith.constant 0 : index
    %get3A_13 = arith.constant 0 : index
    %get3A_14 = vector.load %arg0[%get3A_11, %get3A_12, %get3A_13] : memref<2x10000x128xf32, #tpu.memory_space<vmem>>, vector<1x10000x128xf32>
    %get3A_15 = vector.shape_cast %get3A_14 : vector<1x10000x128xf32> to vector<10000x128xf32>
    %add3A = arith.addf %get3A_10, %get3A_15 : vector<10000x128xf32>
    %mul3A = vector.broadcast %get3A_5 : f32 to vector<10000x128xf32>
    %mul3A_16 = arith.mulf %mul3A, %add3A : vector<10000x128xf32>
    %get3A_17 = arith.constant 0 : index
    %get3A_18 = arith.constant 0 : index
    %get3A_19 = vector.load %arg1[%get3A_17, %get3A_18] : memref<10000x128xf32, #tpu.memory_space<vmem>>, vector<10000x128xf32>
    %mul3A_20 = arith.constant 2.000000e+00 : f32
    %mul3A_21 = vector.broadcast %mul3A_20 : f32 to vector<10000x128xf32>
    %mul3A_22 = arith.mulf %mul3A_21, %get3A_19 : vector<10000x128xf32>
    %add3A_23 = arith.addf %mul3A_16, %mul3A_22 : vector<10000x128xf32>
    %mul3A_24 = vector.broadcast %get3A_1 : vector<10000x1xf32> to vector<10000x128xf32>
    %mul3A_25 = arith.mulf %mul3A_24, %add3A_23 : vector<10000x128xf32>
    %get3A_26 = arith.constant 0 : index
    %get3A_27 = arith.constant 0 : index
    %get3A_28 = vector.load %arg5[%get3A_26, %get3A_27] : memref<1x128xf32, #tpu.memory_space<vmem>>, vector<1x128xf32>
    %add3A_29 = vector.broadcast %get3A_28 : vector<1x128xf32> to vector<10000x128xf32>
    %add3A_30 = arith.addf %mul3A_25, %add3A_29 : vector<10000x128xf32>
    %reduce_sum3A = arith.constant dense<0.000000e+00> : vector<128xf32>
    %reduce_sum3A_31 = vector.multi_reduction <add>, %add3A_30, %reduce_sum3A [0] : vector<10000x128xf32> to vector<128xf32>
    %broadcast_in_dim3A = vector.shape_cast %reduce_sum3A_31 : vector<128xf32> to vector<1x128xf32>
    %div3A = arith.constant 1.000000e+04 : f32
    %div3A_32 = vector.broadcast %div3A : f32 to vector<1x128xf32>
    %div3A_33 = arith.divf %broadcast_in_dim3A, %div3A_32 : vector<1x128xf32>
    %get3A_34 = arith.constant 0 : index
    %get3A_35 = arith.constant 0 : index
    %get3A_36 = vector.load %arg6[%get3A_34, %get3A_35] : memref<1x128xf32, #tpu.memory_space<vmem>>, vector<1x128xf32>
    %mul3A_37 = arith.mulf %get3A_36, %div3A_33 : vector<1x128xf32>
    %sub3A = vector.broadcast %mul3A_37 : vector<1x128xf32> to vector<10000x128xf32>
    %sub3A_38 = arith.subf %add3A_30, %sub3A : vector<10000x128xf32>
    %mul3A_39 = arith.mulf %sub3A_38, %sub3A_38 : vector<10000x128xf32>
    %reduce_sum3A_40 = arith.constant dense<0.000000e+00> : vector<128xf32>
    %reduce_sum3A_41 = vector.multi_reduction <add>, %mul3A_39, %reduce_sum3A_40 [0] : vector<10000x128xf32> to vector<128xf32>
    %broadcast_in_dim3A_42 = vector.shape_cast %reduce_sum3A_41 : vector<128xf32> to vector<1x128xf32>
    %div3A_43 = arith.constant 1.000000e+04 : f32
    %div3A_44 = vector.broadcast %div3A_43 : f32 to vector<1x128xf32>
    %div3A_45 = arith.divf %broadcast_in_dim3A_42, %div3A_44 : vector<1x128xf32>
    %get3A_46 = arith.constant 0 : index
    %get3A_47 = arith.constant 0 : index
    %get3A_48 = vector.load %arg7[%get3A_46, %get3A_47] : memref<1x128xf32, #tpu.memory_space<vmem>>, vector<1x128xf32>
    %mul3A_49 = vector.broadcast %get3A_48 : vector<1x128xf32> to vector<10000x128xf32>
    %mul3A_50 = arith.mulf %mul3A_49, %sub3A_38 : vector<10000x128xf32>
    %add3A_51 = arith.constant 9.99999974E-6 : f32
    %add3A_52 = vector.broadcast %add3A_51 : f32 to vector<1x128xf32>
    %add3A_53 = arith.addf %div3A_45, %add3A_52 : vector<1x128xf32>
    %rsqrt3A = math.rsqrt %add3A_53 : vector<1x128xf32>
    %mul3A_54 = vector.broadcast %rsqrt3A : vector<1x128xf32> to vector<10000x128xf32>
    %mul3A_55 = arith.mulf %mul3A_50, %mul3A_54 : vector<10000x128xf32>
    %get3A_56 = arith.constant 0 : index
    %get3A_57 = arith.constant 0 : index
    %get3A_58 = vector.load %arg8[%get3A_56, %get3A_57] : memref<1x128xf32, #tpu.memory_space<vmem>>, vector<1x128xf32>
    %add3A_59 = vector.broadcast %get3A_58 : vector<1x128xf32> to vector<10000x128xf32>
    %add3A_60 = arith.addf %mul3A_55, %add3A_59 : vector<10000x128xf32>
    %gt3A = arith.constant 0.000000e+00 : f32
    %gt3A_61 = vector.broadcast %gt3A : f32 to vector<10000x128xf32>
    %gt3A_62 = arith.cmpf ogt, %add3A_60, %gt3A_61 : vector<10000x128xf32>
    %exp3A = math.exp %add3A_60 : vector<10000x128xf32>
    %sub3A_63 = arith.constant 1.000000e+00 : f32
    %sub3A_64 = vector.broadcast %sub3A_63 : f32 to vector<10000x128xf32>
    %sub3A_65 = arith.subf %exp3A, %sub3A_64 : vector<10000x128xf32>
    %select_n3A = arith.select %gt3A_62, %add3A_60, %sub3A_65 : vector<10000x128xi1>, vector<10000x128xf32>
    %get3A_66 = arith.constant 0 : index
    %get3A_67 = arith.constant 0 : index
    %get3A_68 = vector.load %arg2[%get3A_66, %get3A_67] : memref<10000x128xf32, #tpu.memory_space<vmem>>, vector<10000x128xf32>
    %get3A_69 = arith.constant 0 : index
    %get3A_70 = arith.constant 0 : index
    %get3A_71 = vector.load %arg9[%get3A_69, %get3A_70] : memref<128x128xf32, #tpu.memory_space<vmem>>, vector<128x128xf32>
    %dot_general3A = arith.constant dense<0.000000e+00> : vector<10000x128xf32>
    %dot_general3A_72 = tpu.matmul %get3A_68, %get3A_71, %dot_general3A {dimension_numbers = #tpu.dot_dimension_numbers<[1], [0], [0], [1], [0, 0, 1, 1], [], []>, transpose_lhs_hint = false} : vector<10000x128xf32>, vector<128x128xf32>, vector<10000x128xf32> -> vector<10000x128xf32>
    %add3A_73 = arith.addf %select_n3A, %dot_general3A_72 : vector<10000x128xf32>
    %get3A_74 = arith.constant 0 : index
    %get3A_75 = arith.constant 0 : index
    %get3A_76 = vector.load %arg10[%get3A_74, %get3A_75] : memref<1x128xf32, #tpu.memory_space<vmem>>, vector<1x128xf32>
    %add3A_77 = vector.broadcast %get3A_76 : vector<1x128xf32> to vector<10000x128xf32>
    %add3A_78 = arith.addf %add3A_73, %add3A_77 : vector<10000x128xf32>
    %swap3A = arith.constant 0 : index
    %swap3A_79 = arith.constant 0 : index
    %swap3A_80 = vector.load %arg12[%swap3A, %swap3A_79] : memref<10000x128xf32, #tpu.memory_space<vmem>>, vector<10000x128xf32>
    tpu.vector_store %arg12[%swap3A, %swap3A_79], %add3A_78 {strides = array<i32>} : memref<10000x128xf32, #tpu.memory_space<vmem>>, vector<10000x128xf32>,
    %get3A_81 = arith.constant 0 : index
    %get3A_82 = arith.constant 0 : index
    %get3A_83 = vector.load %arg11[%get3A_81, %get3A_82] : memref<128x128xf32, #tpu.memory_space<vmem>>, vector<128x128xf32>
    %dot_general3A_84 = arith.constant dense<0.000000e+00> : vector<10000x128xf32>
    %dot_general3A_85 = tpu.matmul %add3A_78, %get3A_83, %dot_general3A_84 {dimension_numbers = #tpu.dot_dimension_numbers<[1], [0], [0], [1], [0, 0, 1, 1], [], []>, transpose_lhs_hint = false} : vector<10000x128xf32>, vector<128x128xf32>, vector<10000x128xf32> -> vector<10000x128xf32>
    %mul3A_86 = vector.broadcast %get3A_1 : vector<10000x1xf32> to vector<10000x128xf32>
    %mul3A_87 = arith.mulf %mul3A_86, %dot_general3A_85 : vector<10000x128xf32>
    %swap3A_88 = arith.constant 0 : index
    %swap3A_89 = arith.constant 0 : index
    %swap3A_90 = vector.load %arg13[%swap3A_88, %swap3A_89] : memref<10000x128xf32, #tpu.memory_space<vmem>>, vector<10000x128xf32>
    tpu.vector_store %arg13[%swap3A_88, %swap3A_89], %mul3A_87 {strides = array<i32>} : memref<10000x128xf32, #tpu.memory_space<vmem>>, vector<10000x128xf32>,
    return
  }
}

module attributes {stable_mosaic.version = 14 : i64} {
  func.func @_tc_post_body(%arg0: memref<2x10000x128xf32, #tpu.memory_space<vmem>>, %arg1: memref<10000x128xf32, #tpu.memory_space<vmem>>, %arg2: memref<10000x128xf32, #tpu.memory_space<vmem>>, %arg3: memref<10000x1xf32, #tpu.memory_space<vmem>>, %arg4: memref<1x1xf32, #tpu.memory_space<vmem>>, %arg5: memref<1x128xf32, #tpu.memory_space<vmem>>, %arg6: memref<1x128xf32, #tpu.memory_space<vmem>>, %arg7: memref<1x128xf32, #tpu.memory_space<vmem>>, %arg8: memref<1x128xf32, #tpu.memory_space<vmem>>, %arg9: memref<128x128xf32, #tpu.memory_space<vmem>>, %arg10: memref<10000x128xf32, #tpu.memory_space<vmem>>, %arg11: memref<10000x128xf32, #tpu.memory_space<vmem>>) attributes {dimension_semantics = [], scalar_prefetch = 0 : i64, scratch_operands = 0 : i64, tpu.core_type = #tpu.core_type<tc>} {
    %get3A = arith.constant 0 : index
    %get3A_0 = arith.constant 0 : index
    %get3A_1 = vector.load %arg3[%get3A, %get3A_0] : memref<10000x1xf32, #tpu.memory_space<vmem>>, vector<10000x1xf32>
    %get3A_2 = arith.constant 0 : index
    %get3A_3 = arith.constant 0 : index
    %get3A_4 = vector.load %arg4[%get3A_2, %get3A_3] : memref<1x1xf32, #tpu.memory_space<vmem>>, vector<1x1xf32>
    %get3A_5 = vector.extract %get3A_4[0, 0] : f32 from vector<1x1xf32>
    %get3A_6 = arith.constant 0 : index
    %get3A_7 = arith.constant 0 : index
    %get3A_8 = arith.constant 0 : index
    %get3A_9 = vector.load %arg0[%get3A_6, %get3A_7, %get3A_8] : memref<2x10000x128xf32, #tpu.memory_space<vmem>>, vector<1x10000x128xf32>
    %get3A_10 = vector.shape_cast %get3A_9 : vector<1x10000x128xf32> to vector<10000x128xf32>
    %get3A_11 = arith.constant 1 : index
    %get3A_12 = arith.constant 0 : index
    %get3A_13 = arith.constant 0 : index
    %get3A_14 = vector.load %arg0[%get3A_11, %get3A_12, %get3A_13] : memref<2x10000x128xf32, #tpu.memory_space<vmem>>, vector<1x10000x128xf32>
    %get3A_15 = vector.shape_cast %get3A_14 : vector<1x10000x128xf32> to vector<10000x128xf32>
    %add3A = arith.addf %get3A_10, %get3A_15 : vector<10000x128xf32>
    %mul3A = vector.broadcast %get3A_5 : f32 to vector<10000x128xf32>
    %mul3A_16 = arith.mulf %mul3A, %add3A : vector<10000x128xf32>
    %get3A_17 = arith.constant 0 : index
    %get3A_18 = arith.constant 0 : index
    %get3A_19 = vector.load %arg1[%get3A_17, %get3A_18] : memref<10000x128xf32, #tpu.memory_space<vmem>>, vector<10000x128xf32>
    %mul3A_20 = arith.constant 2.000000e+00 : f32
    %mul3A_21 = vector.broadcast %mul3A_20 : f32 to vector<10000x128xf32>
    %mul3A_22 = arith.mulf %mul3A_21, %get3A_19 : vector<10000x128xf32>
    %add3A_23 = arith.addf %mul3A_16, %mul3A_22 : vector<10000x128xf32>
    %mul3A_24 = vector.broadcast %get3A_1 : vector<10000x1xf32> to vector<10000x128xf32>
    %mul3A_25 = arith.mulf %mul3A_24, %add3A_23 : vector<10000x128xf32>
    %get3A_26 = arith.constant 0 : index
    %get3A_27 = arith.constant 0 : index
    %get3A_28 = vector.load %arg5[%get3A_26, %get3A_27] : memref<1x128xf32, #tpu.memory_space<vmem>>, vector<1x128xf32>
    %add3A_29 = vector.broadcast %get3A_28 : vector<1x128xf32> to vector<10000x128xf32>
    %add3A_30 = arith.addf %mul3A_25, %add3A_29 : vector<10000x128xf32>
    %reduce_sum3A = arith.constant dense<0.000000e+00> : vector<128xf32>
    %reduce_sum3A_31 = vector.multi_reduction <add>, %add3A_30, %reduce_sum3A [0] : vector<10000x128xf32> to vector<128xf32>
    %broadcast_in_dim3A = vector.shape_cast %reduce_sum3A_31 : vector<128xf32> to vector<1x128xf32>
    %div3A = arith.constant 1.000000e+04 : f32
    %div3A_32 = vector.broadcast %div3A : f32 to vector<1x128xf32>
    %div3A_33 = arith.divf %broadcast_in_dim3A, %div3A_32 : vector<1x128xf32>
    %get3A_34 = arith.constant 0 : index
    %get3A_35 = arith.constant 0 : index
    %get3A_36 = vector.load %arg6[%get3A_34, %get3A_35] : memref<1x128xf32, #tpu.memory_space<vmem>>, vector<1x128xf32>
    %mul3A_37 = arith.mulf %get3A_36, %div3A_33 : vector<1x128xf32>
    %sub3A = vector.broadcast %mul3A_37 : vector<1x128xf32> to vector<10000x128xf32>
    %sub3A_38 = arith.subf %add3A_30, %sub3A : vector<10000x128xf32>
    %mul3A_39 = arith.mulf %sub3A_38, %sub3A_38 : vector<10000x128xf32>
    %reduce_sum3A_40 = arith.constant dense<0.000000e+00> : vector<128xf32>
    %reduce_sum3A_41 = vector.multi_reduction <add>, %mul3A_39, %reduce_sum3A_40 [0] : vector<10000x128xf32> to vector<128xf32>
    %broadcast_in_dim3A_42 = vector.shape_cast %reduce_sum3A_41 : vector<128xf32> to vector<1x128xf32>
    %div3A_43 = arith.constant 1.000000e+04 : f32
    %div3A_44 = vector.broadcast %div3A_43 : f32 to vector<1x128xf32>
    %div3A_45 = arith.divf %broadcast_in_dim3A_42, %div3A_44 : vector<1x128xf32>
    %get3A_46 = arith.constant 0 : index
    %get3A_47 = arith.constant 0 : index
    %get3A_48 = vector.load %arg7[%get3A_46, %get3A_47] : memref<1x128xf32, #tpu.memory_space<vmem>>, vector<1x128xf32>
    %mul3A_49 = vector.broadcast %get3A_48 : vector<1x128xf32> to vector<10000x128xf32>
    %mul3A_50 = arith.mulf %mul3A_49, %sub3A_38 : vector<10000x128xf32>
    %add3A_51 = arith.constant 9.99999974E-6 : f32
    %add3A_52 = vector.broadcast %add3A_51 : f32 to vector<1x128xf32>
    %add3A_53 = arith.addf %div3A_45, %add3A_52 : vector<1x128xf32>
    %rsqrt3A = math.rsqrt %add3A_53 : vector<1x128xf32>
    %mul3A_54 = vector.broadcast %rsqrt3A : vector<1x128xf32> to vector<10000x128xf32>
    %mul3A_55 = arith.mulf %mul3A_50, %mul3A_54 : vector<10000x128xf32>
    %get3A_56 = arith.constant 0 : index
    %get3A_57 = arith.constant 0 : index
    %get3A_58 = vector.load %arg8[%get3A_56, %get3A_57] : memref<1x128xf32, #tpu.memory_space<vmem>>, vector<1x128xf32>
    %add3A_59 = vector.broadcast %get3A_58 : vector<1x128xf32> to vector<10000x128xf32>
    %add3A_60 = arith.addf %mul3A_55, %add3A_59 : vector<10000x128xf32>
    %gt3A = arith.constant 0.000000e+00 : f32
    %gt3A_61 = vector.broadcast %gt3A : f32 to vector<10000x128xf32>
    %gt3A_62 = arith.cmpf ogt, %add3A_60, %gt3A_61 : vector<10000x128xf32>
    %exp3A = math.exp %add3A_60 : vector<10000x128xf32>
    %sub3A_63 = arith.constant 1.000000e+00 : f32
    %sub3A_64 = vector.broadcast %sub3A_63 : f32 to vector<10000x128xf32>
    %sub3A_65 = arith.subf %exp3A, %sub3A_64 : vector<10000x128xf32>
    %select_n3A = arith.select %gt3A_62, %add3A_60, %sub3A_65 : vector<10000x128xi1>, vector<10000x128xf32>
    %swap3A = arith.constant 0 : index
    %swap3A_66 = arith.constant 0 : index
    %swap3A_67 = vector.load %arg10[%swap3A, %swap3A_66] : memref<10000x128xf32, #tpu.memory_space<vmem>>, vector<10000x128xf32>
    tpu.vector_store %arg10[%swap3A, %swap3A_66], %select_n3A {strides = array<i32>} : memref<10000x128xf32, #tpu.memory_space<vmem>>, vector<10000x128xf32>,
    %get3A_68 = arith.constant 0 : index
    %get3A_69 = arith.constant 0 : index
    %get3A_70 = vector.load %arg9[%get3A_68, %get3A_69] : memref<128x128xf32, #tpu.memory_space<vmem>>, vector<128x128xf32>
    %dot_general3A = arith.constant dense<0.000000e+00> : vector<10000x128xf32>
    %dot_general3A_71 = tpu.matmul %select_n3A, %get3A_70, %dot_general3A {dimension_numbers = #tpu.dot_dimension_numbers<[1], [0], [0], [1], [0, 0, 1, 1], [], []>, transpose_lhs_hint = false} : vector<10000x128xf32>, vector<128x128xf32>, vector<10000x128xf32> -> vector<10000x128xf32>
    %mul3A_72 = vector.broadcast %get3A_1 : vector<10000x1xf32> to vector<10000x128xf32>
    %mul3A_73 = arith.mulf %mul3A_72, %dot_general3A_71 : vector<10000x128xf32>
    %swap3A_74 = arith.constant 0 : index
    %swap3A_75 = arith.constant 0 : index
    %swap3A_76 = vector.load %arg11[%swap3A_74, %swap3A_75] : memref<10000x128xf32, #tpu.memory_space<vmem>>, vector<10000x128xf32>
    tpu.vector_store %arg11[%swap3A_74, %swap3A_75], %mul3A_73 {strides = array<i32>} : memref<10000x128xf32, #tpu.memory_space<vmem>>, vector<10000x128xf32>,
    return
  }
}

module attributes {stable_mosaic.version = 14 : i64} {
  func.func @_tc_post_body(%arg0: memref<2x10000x128xf32, #tpu.memory_space<vmem>>, %arg1: memref<10000x128xf32, #tpu.memory_space<vmem>>, %arg2: memref<10000x128xf32, #tpu.memory_space<vmem>>, %arg3: memref<10000x1xf32, #tpu.memory_space<vmem>>, %arg4: memref<1x1xf32, #tpu.memory_space<vmem>>, %arg5: memref<1x128xf32, #tpu.memory_space<vmem>>, %arg6: memref<1x128xf32, #tpu.memory_space<vmem>>, %arg7: memref<1x128xf32, #tpu.memory_space<vmem>>, %arg8: memref<1x128xf32, #tpu.memory_space<vmem>>, %arg9: memref<128x128xf32, #tpu.memory_space<vmem>>, %arg10: memref<1x128xf32, #tpu.memory_space<vmem>>, %arg11: memref<128x128xf32, #tpu.memory_space<vmem>>, %arg12: memref<1x128xf32, #tpu.memory_space<vmem>>, %arg13: memref<128x64xf32, #tpu.memory_space<vmem>>, %arg14: memref<1x64xf32, #tpu.memory_space<vmem>>, %arg15: memref<64x1xf32, #tpu.memory_space<vmem>>, %arg16: memref<1x1xf32, #tpu.memory_space<vmem>>, %arg17: memref<10000x1xf32, #tpu.memory_space<vmem>>) attributes {dimension_semantics = [], scalar_prefetch = 0 : i64, scratch_operands = 0 : i64, tpu.core_type = #tpu.core_type<tc>} {
    %get3A = arith.constant 0 : index
    %get3A_0 = arith.constant 0 : index
    %get3A_1 = vector.load %arg3[%get3A, %get3A_0] : memref<10000x1xf32, #tpu.memory_space<vmem>>, vector<10000x1xf32>
    %get3A_2 = arith.constant 0 : index
    %get3A_3 = arith.constant 0 : index
    %get3A_4 = vector.load %arg4[%get3A_2, %get3A_3] : memref<1x1xf32, #tpu.memory_space<vmem>>, vector<1x1xf32>
    %get3A_5 = vector.extract %get3A_4[0, 0] : f32 from vector<1x1xf32>
    %get3A_6 = arith.constant 0 : index
    %get3A_7 = arith.constant 0 : index
    %get3A_8 = arith.constant 0 : index
    %get3A_9 = vector.load %arg0[%get3A_6, %get3A_7, %get3A_8] : memref<2x10000x128xf32, #tpu.memory_space<vmem>>, vector<1x10000x128xf32>
    %get3A_10 = vector.shape_cast %get3A_9 : vector<1x10000x128xf32> to vector<10000x128xf32>
    %get3A_11 = arith.constant 1 : index
    %get3A_12 = arith.constant 0 : index
    %get3A_13 = arith.constant 0 : index
    %get3A_14 = vector.load %arg0[%get3A_11, %get3A_12, %get3A_13] : memref<2x10000x128xf32, #tpu.memory_space<vmem>>, vector<1x10000x128xf32>
    %get3A_15 = vector.shape_cast %get3A_14 : vector<1x10000x128xf32> to vector<10000x128xf32>
    %add3A = arith.addf %get3A_10, %get3A_15 : vector<10000x128xf32>
    %mul3A = vector.broadcast %get3A_5 : f32 to vector<10000x128xf32>
    %mul3A_16 = arith.mulf %mul3A, %add3A : vector<10000x128xf32>
    %get3A_17 = arith.constant 0 : index
    %get3A_18 = arith.constant 0 : index
    %get3A_19 = vector.load %arg1[%get3A_17, %get3A_18] : memref<10000x128xf32, #tpu.memory_space<vmem>>, vector<10000x128xf32>
    %mul3A_20 = arith.constant 2.000000e+00 : f32
    %mul3A_21 = vector.broadcast %mul3A_20 : f32 to vector<10000x128xf32>
    %mul3A_22 = arith.mulf %mul3A_21, %get3A_19 : vector<10000x128xf32>
    %add3A_23 = arith.addf %mul3A_16, %mul3A_22 : vector<10000x128xf32>
    %mul3A_24 = vector.broadcast %get3A_1 : vector<10000x1xf32> to vector<10000x128xf32>
    %mul3A_25 = arith.mulf %mul3A_24, %add3A_23 : vector<10000x128xf32>
    %get3A_26 = arith.constant 0 : index
    %get3A_27 = arith.constant 0 : index
    %get3A_28 = vector.load %arg5[%get3A_26, %get3A_27] : memref<1x128xf32, #tpu.memory_space<vmem>>, vector<1x128xf32>
    %add3A_29 = vector.broadcast %get3A_28 : vector<1x128xf32> to vector<10000x128xf32>
    %add3A_30 = arith.addf %mul3A_25, %add3A_29 : vector<10000x128xf32>
    %reduce_sum3A = arith.constant dense<0.000000e+00> : vector<128xf32>
    %reduce_sum3A_31 = vector.multi_reduction <add>, %add3A_30, %reduce_sum3A [0] : vector<10000x128xf32> to vector<128xf32>
    %broadcast_in_dim3A = vector.shape_cast %reduce_sum3A_31 : vector<128xf32> to vector<1x128xf32>
    %div3A = arith.constant 1.000000e+04 : f32
    %div3A_32 = vector.broadcast %div3A : f32 to vector<1x128xf32>
    %div3A_33 = arith.divf %broadcast_in_dim3A, %div3A_32 : vector<1x128xf32>
    %get3A_34 = arith.constant 0 : index
    %get3A_35 = arith.constant 0 : index
    %get3A_36 = vector.load %arg6[%get3A_34, %get3A_35] : memref<1x128xf32, #tpu.memory_space<vmem>>, vector<1x128xf32>
    %mul3A_37 = arith.mulf %get3A_36, %div3A_33 : vector<1x128xf32>
    %sub3A = vector.broadcast %mul3A_37 : vector<1x128xf32> to vector<10000x128xf32>
    %sub3A_38 = arith.subf %add3A_30, %sub3A : vector<10000x128xf32>
    %mul3A_39 = arith.mulf %sub3A_38, %sub3A_38 : vector<10000x128xf32>
    %reduce_sum3A_40 = arith.constant dense<0.000000e+00> : vector<128xf32>
    %reduce_sum3A_41 = vector.multi_reduction <add>, %mul3A_39, %reduce_sum3A_40 [0] : vector<10000x128xf32> to vector<128xf32>
    %broadcast_in_dim3A_42 = vector.shape_cast %reduce_sum3A_41 : vector<128xf32> to vector<1x128xf32>
    %div3A_43 = arith.constant 1.000000e+04 : f32
    %div3A_44 = vector.broadcast %div3A_43 : f32 to vector<1x128xf32>
    %div3A_45 = arith.divf %broadcast_in_dim3A_42, %div3A_44 : vector<1x128xf32>
    %get3A_46 = arith.constant 0 : index
    %get3A_47 = arith.constant 0 : index
    %get3A_48 = vector.load %arg7[%get3A_46, %get3A_47] : memref<1x128xf32, #tpu.memory_space<vmem>>, vector<1x128xf32>
    %mul3A_49 = vector.broadcast %get3A_48 : vector<1x128xf32> to vector<10000x128xf32>
    %mul3A_50 = arith.mulf %mul3A_49, %sub3A_38 : vector<10000x128xf32>
    %add3A_51 = arith.constant 9.99999974E-6 : f32
    %add3A_52 = vector.broadcast %add3A_51 : f32 to vector<1x128xf32>
    %add3A_53 = arith.addf %div3A_45, %add3A_52 : vector<1x128xf32>
    %rsqrt3A = math.rsqrt %add3A_53 : vector<1x128xf32>
    %mul3A_54 = vector.broadcast %rsqrt3A : vector<1x128xf32> to vector<10000x128xf32>
    %mul3A_55 = arith.mulf %mul3A_50, %mul3A_54 : vector<10000x128xf32>
    %get3A_56 = arith.constant 0 : index
    %get3A_57 = arith.constant 0 : index
    %get3A_58 = vector.load %arg8[%get3A_56, %get3A_57] : memref<1x128xf32, #tpu.memory_space<vmem>>, vector<1x128xf32>
    %add3A_59 = vector.broadcast %get3A_58 : vector<1x128xf32> to vector<10000x128xf32>
    %add3A_60 = arith.addf %mul3A_55, %add3A_59 : vector<10000x128xf32>
    %gt3A = arith.constant 0.000000e+00 : f32
    %gt3A_61 = vector.broadcast %gt3A : f32 to vector<10000x128xf32>
    %gt3A_62 = arith.cmpf ogt, %add3A_60, %gt3A_61 : vector<10000x128xf32>
    %exp3A = math.exp %add3A_60 : vector<10000x128xf32>
    %sub3A_63 = arith.constant 1.000000e+00 : f32
    %sub3A_64 = vector.broadcast %sub3A_63 : f32 to vector<10000x128xf32>
    %sub3A_65 = arith.subf %exp3A, %sub3A_64 : vector<10000x128xf32>
    %select_n3A = arith.select %gt3A_62, %add3A_60, %sub3A_65 : vector<10000x128xi1>, vector<10000x128xf32>
    %get3A_66 = arith.constant 0 : index
    %get3A_67 = arith.constant 0 : index
    %get3A_68 = vector.load %arg2[%get3A_66, %get3A_67] : memref<10000x128xf32, #tpu.memory_space<vmem>>, vector<10000x128xf32>
    %get3A_69 = arith.constant 0 : index
    %get3A_70 = arith.constant 0 : index
    %get3A_71 = vector.load %arg9[%get3A_69, %get3A_70] : memref<128x128xf32, #tpu.memory_space<vmem>>, vector<128x128xf32>
    %dot_general3A = arith.constant dense<0.000000e+00> : vector<10000x128xf32>
    %dot_general3A_72 = tpu.matmul %get3A_68, %get3A_71, %dot_general3A {dimension_numbers = #tpu.dot_dimension_numbers<[1], [0], [0], [1], [0, 0, 1, 1], [], []>, transpose_lhs_hint = false} : vector<10000x128xf32>, vector<128x128xf32>, vector<10000x128xf32> -> vector<10000x128xf32>
    %add3A_73 = arith.addf %select_n3A, %dot_general3A_72 : vector<10000x128xf32>
    %get3A_74 = arith.constant 0 : index
    %get3A_75 = arith.constant 0 : index
    %get3A_76 = vector.load %arg10[%get3A_74, %get3A_75] : memref<1x128xf32, #tpu.memory_space<vmem>>, vector<1x128xf32>
    %add3A_77 = vector.broadcast %get3A_76 : vector<1x128xf32> to vector<10000x128xf32>
    %add3A_78 = arith.addf %add3A_73, %add3A_77 : vector<10000x128xf32>
    %get3A_79 = arith.constant 0 : index
    %get3A_80 = arith.constant 0 : index
    %get3A_81 = vector.load %arg11[%get3A_79, %get3A_80] : memref<128x128xf32, #tpu.memory_space<vmem>>, vector<128x128xf32>
    %dot_general3A_82 = arith.constant dense<0.000000e+00> : vector<10000x128xf32>
    %dot_general3A_83 = tpu.matmul %add3A_78, %get3A_81, %dot_general3A_82 {dimension_numbers = #tpu.dot_dimension_numbers<[1], [0], [0], [1], [0, 0, 1, 1], [], []>, transpose_lhs_hint = false} : vector<10000x128xf32>, vector<128x128xf32>, vector<10000x128xf32> -> vector<10000x128xf32>
    %get3A_84 = arith.constant 0 : index
    %get3A_85 = arith.constant 0 : index
    %get3A_86 = vector.load %arg12[%get3A_84, %get3A_85] : memref<1x128xf32, #tpu.memory_space<vmem>>, vector<1x128xf32>
    %add3A_87 = vector.broadcast %get3A_86 : vector<1x128xf32> to vector<10000x128xf32>
    %add3A_88 = arith.addf %dot_general3A_83, %add3A_87 : vector<10000x128xf32>
    %max3A = arith.constant 0.000000e+00 : f32
    %max3A_89 = vector.broadcast %max3A : f32 to vector<10000x128xf32>
    %max3A_90 = arith.maximumf %add3A_88, %max3A_89 : vector<10000x128xf32>
    %get3A_91 = arith.constant 0 : index
    %get3A_92 = arith.constant 0 : index
    %get3A_93 = vector.load %arg13[%get3A_91, %get3A_92] : memref<128x64xf32, #tpu.memory_space<vmem>>, vector<128x64xf32>
    %dot_general3A_94 = arith.constant dense<0.000000e+00> : vector<10000x64xf32>
    %dot_general3A_95 = tpu.matmul %max3A_90, %get3A_93, %dot_general3A_94 {dimension_numbers = #tpu.dot_dimension_numbers<[1], [0], [0], [1], [0, 0, 1, 1], [], []>, transpose_lhs_hint = false} : vector<10000x128xf32>, vector<128x64xf32>, vector<10000x64xf32> -> vector<10000x64xf32>
    %get3A_96 = arith.constant 0 : index
    %get3A_97 = arith.constant 0 : index
    %get3A_98 = vector.load %arg14[%get3A_96, %get3A_97] : memref<1x64xf32, #tpu.memory_space<vmem>>, vector<1x64xf32>
    %add3A_99 = vector.broadcast %get3A_98 : vector<1x64xf32> to vector<10000x64xf32>
    %add3A_100 = arith.addf %dot_general3A_95, %add3A_99 : vector<10000x64xf32>
    %max3A_101 = arith.constant 0.000000e+00 : f32
    %max3A_102 = vector.broadcast %max3A_101 : f32 to vector<10000x64xf32>
    %max3A_103 = arith.maximumf %add3A_100, %max3A_102 : vector<10000x64xf32>
    %get3A_104 = arith.constant 0 : index
    %get3A_105 = arith.constant 0 : index
    %get3A_106 = vector.load %arg15[%get3A_104, %get3A_105] : memref<64x1xf32, #tpu.memory_space<vmem>>, vector<64x1xf32>
    %dot_general3A_107 = arith.constant dense<0.000000e+00> : vector<10000x1xf32>
    %dot_general3A_108 = tpu.matmul %max3A_103, %get3A_106, %dot_general3A_107 {dimension_numbers = #tpu.dot_dimension_numbers<[1], [0], [0], [1], [0, 0, 1, 1], [], []>, transpose_lhs_hint = false} : vector<10000x64xf32>, vector<64x1xf32>, vector<10000x1xf32> -> vector<10000x1xf32>
    %get3A_109 = arith.constant 0 : index
    %get3A_110 = arith.constant 0 : index
    %get3A_111 = vector.load %arg16[%get3A_109, %get3A_110] : memref<1x1xf32, #tpu.memory_space<vmem>>, vector<1x1xf32>
    %add3A_112 = vector.broadcast %get3A_111 : vector<1x1xf32> to vector<10000x1xf32>
    %add3A_113 = arith.addf %dot_general3A_108, %add3A_112 : vector<10000x1xf32>
    %neg3A = arith.constant 0.000000e+00 : f32
    %neg3A_114 = vector.broadcast %neg3A : f32 to vector<10000x1xf32>
    %neg3A_115 = arith.subf %neg3A_114, %add3A_113 : vector<10000x1xf32>
    %exp3A_116 = math.exp %neg3A_115 : vector<10000x1xf32>
    %add3A_117 = arith.constant 1.000000e+00 : f32
    %add3A_118 = vector.broadcast %add3A_117 : f32 to vector<10000x1xf32>
    %add3A_119 = arith.addf %add3A_118, %exp3A_116 : vector<10000x1xf32>
    %div3A_120 = arith.constant 1.000000e+00 : f32
    %div3A_121 = vector.broadcast %div3A_120 : f32 to vector<10000x1xf32>
    %div3A_122 = arith.divf %div3A_121, %add3A_119 : vector<10000x1xf32>
    %swap3A = arith.constant 0 : index
    %swap3A_123 = arith.constant 0 : index
    %swap3A_124 = vector.load %arg17[%swap3A, %swap3A_123] : memref<10000x1xf32, #tpu.memory_space<vmem>>, vector<10000x1xf32>
    tpu.vector_store %arg17[%swap3A, %swap3A_123], %div3A_122 {strides = array<i32>} : memref<10000x1xf32, #tpu.memory_space<vmem>>, vector<10000x1xf32>,
    return
  }
}

</mosaic_0001>

<sc_bundles>
// kernel: kernel.10.cloned.1.call-start
scs
__scs_entry_jumppad:
0x0: {  	(pc) =	sbr.rel $0x88, $3  }
0x1: {  	(tag) =	ssettag $0x0;
	lr =	simm.s32 $0x1  }
0x2: {  	[smem:$0x3F81] =	sst lr;
	_ =	strace $0xD0000000  }
0x3: {  	_ = 	snop  }
0x4: {  	_ = 	snop  }
0x5: {  	_ = 	snop  }
0x6: {  	_ = 	snop  }
0x7: {  	_ = 	snop  }
__scs_overlays_trampoline_lowered:
0x8: {  	[smem:$0x3F90] =	sst s0  }
0x9: {  	[smem:$0x3F91] =	sst s1  }
0xa: {  	[smem:$0x3F92] =	sst s2  }
0xb: {  	[smem:$0x3F93] =	sst s3  }
0xc: {  	[smem:$0x3F94] =	sst s4  }
0xd: {  	[smem:$0x3F95] =	sst s5  }
0xe: {  	[smem:$0x3F96] =	sst s6  }
0xf: {  	[smem:$0x3F97] =	sst s7  }
0x10: {  	[smem:$0x3F98] =	sst s8  }
0x11: {  	[smem:$0x3F99] =	sst s9;
	s0 =	simm.s32 @!p0 $0x0  }
0x12: {  	s1 =	sld [smem:$0x3F7F];
	s0 =	simm.s32 @p0 $0x1  }
0x13: {  	[smem:$0x3F9A] =	sst s0;
	s0 =	simm.s32 @!p1 $0x0  }
0x14: {  	s2 =	sld [smem:$0x3F7E];
	s0 =	simm.s32 @p1 $0x1  }
0x15: {  	[smem:$0x3F9B] =	sst s0;
	s0 =	simm.s32 @!p2 $0x0  }
0x16: {  	s3 =	sld [smem:$0x3FDB];
	s0 =	simm.s32 @p2 $0x1  }
0x17: {  	s4 =	simm.s32 $0x1BF5;
	[smem:$0x3F9D] =	sst s0  }
0x18: {  	s0 =	sld [smem:$0x3F80];
	_ =	swait.ge [sflag:s4], $0x0  }
0x19: {  	s7 =	sld [smem:$0x3F81]  }
0x1a: {  	s8 =	sadd.s32 $0xFFFFE003, lr  }
0x1b: {  	s9 =	sadd.s32 $0xFFFFFEF7, lr;
	s5 =	simm.s32 $0xFFFFFFFF;
	p2 =	slt.u32 s8, $0xFFFFF086  }
0x1c: {  	p1 =	slt.u32 s9, $0xF7A;
	s5 =	simm.s32 @!p2 $0x0  }
0x1d: {  	s5 =	simm.s32 @p1 $0x1;
	p0 =	seq.s32 s7, s2  }
0x1e: {  	s7 =	smul.u32 @!p0 $0xF7A, s2;
	p2 =	seq.s32 @!p0 s5, $0x0  }
0x1f: {  	s9 =	smul.u32 $0xF7A, s1;
	s8 =	simm.s32 @!p0 $0x1BF5;
	p2 =	por !p2, p0  }
0x20: {  	[sflag:s8] =	ssyncset.s32 @!p0 $0xFFFFF086;
	s6 =	sadd.s32 @!p0 s3, s7;
	s7 =	simm.s32 @!p0 $0x108  }
0x21: {  	s3 =	sadd.s32 s3, s9;
	s6 =	sadd.s32 @!p0 $0x88, s6;
	s7 =	simm.s32 @p2 $0x1082  }
0x22: {  	[simem:s7], [sflag:s8] =	dma.local @!p0 [hbm:s6], $0xF7A  }
0x23: {  	s9 =	sor.u32 $0xD0000000, s2;
	s6 =	simm.s32 $0x108;
	_ =	swait.ge @!p0 [sflag:s8], $0x0  }
0x24: {  	s3 =	sadd.s32 $0x88, s3;
	s6 =	simm.s32 @!p1 $0x1082;
	[sflag:s4] =	ssyncset.s32 $0xFFFFF086  }
0x25: {  	[simem:s6], [sflag:s4] =	dma.local [hbm:s3], $0xF7A  }
0x26: {  	[smem:$0x3F81] =	sst s1;
	(tag) =	ssettag s2;
	_ =	strace s9  }
0x27: {  	s1 =	sld [smem:$0x3F91]  }
0x28: {  	s2 =	sld [smem:$0x3F92]  }
0x29: {  	s4 =	sld [smem:$0x3F94]  }
0x2a: {  	p0 =	seq.s32 s5, $0x0;
	s5 =	sld [smem:$0x3F95]  }
0x2b: {  	s6 =	sld [smem:$0x3F96]  }
0x2c: {  	s7 =	sld [smem:$0x3F97]  }
0x2d: {  	s3 =	simm.s32 $0x108;
	s8 =	sld [smem:$0x3F98]  }
0x2e: {  	s3 =	simm.s32 @!p0 $0x1082;
	s9 =	sld [smem:$0x3F99]  }
0x2f: {  	lr =	sadd.s32 s0, s3;
	s0 =	sld [smem:$0x3F90]  }
0x30: {  	s3 =	sld [smem:$0x3F93]  }
0x31: {  	[smem:$0x3F9C] =	sst s10  }
0x32: {  	s10 =	sld [smem:$0x3F9A];
	_ =	sdelay $0x3  }
0x33: {  	p0 =	seq.s32 s10, $0x1;
	s10 =	sld [smem:$0x3F9C];
	_ =	sdelay $0x3  }
0x34: {  	[smem:$0x3F9C] =	sst s10  }
0x35: {  	s10 =	sld [smem:$0x3F9B];
	_ =	sdelay $0x3  }
0x36: {  	p1 =	seq.s32 s10, $0x1;
	s10 =	sld [smem:$0x3F9C];
	_ =	sdelay $0x3  }
0x37: {  	[smem:$0x3F9C] =	sst s10  }
0x38: {  	s10 =	sld [smem:$0x3F9D]  }
0x39: {  	_ = 	snop;
	(pc) =	sbr.ind lr, $3  }
0x3a: {  	_ = 	snop  }
0x3b: {  	_ = 	snop  }
0x3c: {  	p2 =	seq.s32 s10, $0x1;
	s10 =	sld [smem:$0x3F9C]  }
0x3d: {  	_ =	shalt  }
0x3e: {  	_ =	shalt  }
0x3f: {  	_ =	shalt  }
0x40: {  	_ =	shalt  }
0x41: {  	_ =	shalt  }
0x42: {  	_ =	shalt  }
0x43: {  	_ =	shalt  }
0x44: {  	_ =	shalt  }
0x45: {  	_ =	shalt  }
0x46: {  	_ =	shalt  }
0x47: {  	_ =	shalt  }
0x48: {  	_ =	shalt  }
0x49: {  	_ =	shalt  }
0x4a: {  	_ =	shalt  }
0x4b: {  	_ =	shalt  }
0x4c: {  	_ =	shalt  }
0x4d: {  	_ =	shalt  }
0x4e: {  	_ =	shalt  }
0x4f: {  	_ =	shalt  }
0x50: {  	_ =	shalt  }
0x51: {  	_ =	shalt  }
0x52: {  	_ =	shalt  }
0x53: {  	_ =	shalt  }
0x54: {  	_ =	shalt  }
0x55: {  	_ =	shalt  }
0x56: {  	_ =	shalt  }
0x57: {  	_ =	shalt  }
0x58: {  	_ =	shalt  }
0x59: {  	_ =	shalt  }
0x5a: {  	_ =	shalt  }
0x5b: {  	_ =	shalt  }
0x5c: {  	_ =	shalt  }
0x5d: {  	_ =	shalt  }
0x5e: {  	_ =	shalt  }
0x5f: {  	_ =	shalt  }
0x60: {  	_ =	shalt  }
0x61: {  	_ =	shalt  }
0x62: {  	_ =	shalt  }
0x63: {  	_ =	shalt  }
0x64: {  	_ =	shalt  }
0x65: {  	_ =	shalt  }
0x66: {  	_ =	shalt  }
0x67: {  	_ =	shalt  }
0x68: {  	_ =	shalt  }
0x69: {  	_ =	shalt  }
0x6a: {  	_ =	shalt  }
0x6b: {  	_ =	shalt  }
0x6c: {  	_ =	shalt  }
0x6d: {  	_ =	shalt  }
0x6e: {  	_ =	shalt  }
0x6f: {  	_ =	shalt  }
0x70: {  	_ =	shalt  }
0x71: {  	_ =	shalt  }
0x72: {  	_ =	shalt  }
0x73: {  	_ =	shalt  }
0x74: {  	_ =	shalt  }
0x75: {  	_ =	shalt  }
0x76: {  	_ =	shalt  }
0x77: {  	_ =	shalt  }
0x78: {  	_ =	shalt  }
0x79: {  	_ =	shalt  }
0x7a: {  	_ =	shalt  }
0x7b: {  	_ =	shalt  }
0x7c: {  	_ =	shalt  }
0x7d: {  	_ =	shalt  }
0x7e: {  	_ =	shalt  }
0x7f: {  	_ =	shalt  }
0x80: {  	_ =	shalt  }
0x81: {  	_ =	shalt  }
0x82: {  	_ =	shalt  }
0x83: {  	_ =	shalt  }
0x84: {  	_ =	shalt  }
0x85: {  	_ =	shalt  }
0x86: {  	_ =	shalt  }
0x87: {  	_ =	shalt  }
.Lfunc_end0:
.L_simem_size_0:
called_computation_lowered:
.L_overlay_start_0:
0x88: {  	s2 =	sld [smem:$0x3FD9]  }
0x89: {  	s3 =	sld [smem:$0x3FFE];
	_ =	sdelay $0x1  }
0x8a: {  	s1 =	srdreg.scid  }
0x8b: {  	s0 =	sand.u32 $0x1, s1  }
0x8c: {  	s16 =	sshll.u32 s0, $0xA;
	s2 =	sadd.s32 s3, s2  }
0x8d: {  	s2 =	sadd.s32 s2, s16  }
0x8e: {  	[smem:$0x3FA8] =	sst s2  }
0x8f: {  	_ = 	snop  }
0x90: {  	(tm) =	ssettm $0x1  }
0x91: {  	s17 =	sld [smem:$0x3FFB];
	_ =	sdelay $0x3  }
0x92: {  	_ =	strace s17  }
0x93: {  	s2 =	sld [smem:$0x3FFC];
	_ =	sdelay $0x3  }
0x94: {  	_ =	strace s2  }
0x95: {  	s2 =	sld [smem:$0x3FFD];
	_ =	sdelay $0x3  }
0x96: {  	_ =	strace s2  }
0x97: {  	_ =	strace $0x8FFFFFFF  }
0x98: {  	s18 =	sld [smem:$0x3FDB];
	_ =	sdelay $0x1  }
0x99: {  	s19 =	simm.s32 $_scs_section_size  }
0x9a: {  	s4 =	simm.s32 $_size__tile_overlayer_lowered;
	s5 =	simm.s32 $_tile_overlayer_lowered  }
0x9b: {  	s22 =	simm.s32 $0x1BFF;
	s21 =	sshll.u32 s5, $0x1;
	s2 =	sadd.s32 s19, s18  }
0x9c: {  	s6 =	simm.s32 $0x0;
	s20 =	sshll.u32 s4, $0x1;
	s4 =	sadd.s32 s21, s2  }
0x9d: {  	[timem:s6], [sflag:s22] =	dma.local [hbm:s4], s20  }
0x9e: {  	_ =	swait.ge [sflag:s22], s20  }
0x9f: {  	s3 =	ssub.s32 $0x0, s20;
	[sflag:s22] =	ssyncset.done $0x0  }
0xa0: {  	[sflag:s22] =	ssyncadd.s32 s3;
	_ =	sdelay $0x1  }
0xa1: {  	s23 =	simm.s32 $0x1B8B  }
0xa2: {  	_ =	swait.ge [sflag:s23], $0x1  }
0xa3: {  	[sflag:s23] =	ssyncset.done $0x0  }
0xa4: {  	s25 =	simm.s32 $0x1B8E;
	s24 =	sld [smem:$0x3FFE];
	[sflag:s23] =	ssyncadd.s32 $0xFFFFFFFF  }
0xa5: {  	s26 =	simm.s32 $execute0_lowered;
	[smem:$0x3FD2] =	sst s25  }
0xa6: {  	s4 =	sshll.u32 s26, $0x1;
	_ =	strace $0x80000046;
	[dreg:$0x1] =	wrdreg $0xFFFFFFFF  }
0xa7: {  	s28 =	simm.s32 $_size_execute0_lowered;
	s2 =	sadd.s32 s2, s4;
	[dreg:$0x0] =	wrdreg $0x0  }
0xa8: {  	s4 =	sshll.u32 s28, $0x1;
	[dreg:$0x2] =	wrdreg s2  }
0xa9: {  	[dreg:$0x3] =	wrdreg s4  }
0xaa: {  	[dreg:$0x4] =	wrdreg $0xC0  }
0xab: {  	_ =	task [dreg:s6], $0x5FFFF  }
0xac: {  	[dreg:$0x1] =	wrdreg $0xFFFFFFFF  }
0xad: {  	[dreg:$0x0] =	wrdreg $0x60  }
0xae: {  	[dreg:$0x2] =	wrdreg s24  }
0xaf: {  	[dreg:$0x3] =	wrdreg $0x41000  }
0xb0: {  	[dreg:$0x4] =	wrdreg $0x9  }
0xb1: {  	_ =	task.clear_ibuf [dreg:s6], $0x5FFFF;
	_ =	strace $0x90000046  }
0xb2: {  	s29 =	simm.s32 $0x9;
	_ =	strace $0x80000048  }
0xb3: {  	_ =	swait.ge [sflag:s29], $0x1  }
0xb4: {  	[sflag:s29] =	ssyncadd.s32 $0xFFFFFFFF  }
0xb5: {  	_ =	strace $0x90000048  }
0xb6: {  	_ =	sfence  }
0xb7: {  	s30 =	sld [smem:$0x0];
	_ =	sdelay $0x2  }
0xb8: {  	s31 =	sshll.u32 s1, $0xD;
	s1 =	sshrl.u32 s1, $0x2  }
0xb9: {  	s3 =	sand.u32 $0x4000, s31;
	s1 =	sadd.s32 s1, s30  }
0xba: {  	s0 =	sor.u32 s3, s0;
	s1 =	sshll.u32 s1, $0x11  }
0xbb: {  	s0 =	sor.u32 s1, s0  }
0xbc: {  	s0 =	sadd.s32 $0x8F2B, s0  }
0xbd: {  	[sflag:s0] =	ssyncadd.remote.s32 $0x1  }
0xbe: {  	_ =	sfence.sel $0xFFFF  }
0xbf: {  	[dreg:$0x0] =	wrdreg $0xFFFFFFFF;
	(pc) =	sbr.abs _section_cstart, $3  }
0xc0: {  	[dreg:$0x1] =	wrdreg $0xFFFFFFFF  }
0xc1: {  	_ =	task.clear_ibuf [dreg:s6], $0x2FFFF;
	_ =	strace $0x9FFFFFFF  }
0xc2: {  	(tm) =	ssettm $0x7FFFFFFF  }
0xc3: {  	_ =	shalt  }
tec
execute0_lowered:
.L_overlay_start_1:
0x0: {  	(tag) =	ssettag $0x1  }
0x1: {  	s0 =	rddreg [dreg:$0x0]  }
0x2: {  	s1 =	rddreg [dreg:$0x1];
	s3 =	simm.s32 $0x0;
	s2 =	stileid.u32  }
0x3: {  	s4 =	srdreg.scid;
	s28 =	simm.s32 $0x1;
	s5 =	smul.u32 $0x4F000, s2  }
0x4: {  	s29 =	simm.s32 $0x2;
	s30 =	simm.s32 $0x0;
	s11 =	smul.u32 $0x4E000, s2  }
0x5: {  	[smem:$0x7FF] =	sst s3;
	s17 =	sand.u32 $0x1, s4;
	s19 =	smul.u32 $0x13800, s2  }
0x6: {  	s21 =	sadd.s32 $0x7400, s0;
	s0 =	sadd.s32 $0x43A00, s0;
	s20 =	smul.u32 $0x140, s2  }
0x7: {  	s25 =	sshll.u32 s2, $0x1;
	_ =	strace $0x80000047;
	s18 =	smul.u32 $0x138800, s17  }
0x8: {  	s4 =	sor.u32 s17, s25;
	s6 =	ssub.s32 $0x2, s17;
	s24 =	smul.u32 $0xA0, s17  }
0x9: {  	s5 =	sshrl.u32 s5, $0x2;
	s7 =	smul.u32 $0xA00, s4;
	s8 =	sshrl.u32 s6, $0x1  }
0xa: {  	s11 =	sshrl.u32 s11, $0x2;
	s13 =	sadd.s32 $0x4000, s19;
	s15 =	sadd.s32 $0x8000, s19  }
0xb: {  	s23 =	sadd.s32 $0xC000, s19;
	s4 =	sadd.s32 s5, s1;
	s22 =	ssub.s32 s6, s8  }
0xc: {  	s12 =	sadd.s32 s19, s18;
	s11 =	sadd.s32 s11, s1;
	s14 =	sadd.s32 s18, s13  }
0xd: {  	s13 =	sadd.s32 s13, s1;
	s16 =	sadd.s32 s18, s15;
	s15 =	sadd.s32 s15, s1  }
0xe: {  	s17 =	sadd.s32 s23, s1;
	s23 =	sadd.s32 s18, s23;
	s19 =	sadd.s32 $0x10000, s19  }
0xf: {  	s20 =	sadd.s32 s24, s20;
	s5 =	sadd.s32 $0x4000, s4;
	s6 =	sadd.s32 $0x8000, s4  }
0x10: {  	s7 =	sadd.s32 s21, s7;
	s8 =	sadd.s32 $0xC000, s4;
	s9 =	sadd.s32 $0x10000, s4  }
0x11: {  	s12 =	sshrl.u32 s12, $0x3;
	s14 =	sshrl.u32 s14, $0x3;
	s16 =	sshrl.u32 s16, $0x3  }
0x12: {  	s23 =	sshrl.u32 s23, $0x3;
	s25 =	sadd.s32 s18, s19;
	s24 =	sshll.u32 s20, $0x4  }
0x13: {  	s19 =	sadd.s32 s19, s1;
	s10 =	sadd.s32 $0x10, s7;
	s12 =	sadd.s32 s0, s12  }
0x14: {  	s14 =	sadd.s32 s0, s14;
	s16 =	sadd.s32 s0, s16;
	s18 =	sadd.s32 s0, s23  }
0x15: {  	s26 =	sshrl.u32 s25, $0x3;
	s31 =	sadd.s32 s24, s21;
	s21 =	smax.u32 s22, $0x1  }
0x16: {  	s24 =	simm.s32 $0x100;
	s25 =	simm.s32 $0x3;
	s20 =	sadd.s32 s0, s26  }
0x17: {  	v0 =	vimm.f32 $0.0e+00;
	v1 =	vimm.f32 $1.000000000e+00;
	s22 =	sadd.s32 $0x30, s31;
	s23 =	sadd.s32 $0x20, s31;
	s26 =	simm.s32 $0x80  }
.LBB2_1:
0x18: {  	s31 =	simm.s32 $0x0;
	s0 =	simm.s32 $0x200  }
.LBB2_2:
0x19: {  	p0 =	sne.s32 s0, $0xFE00;
	[tilespmem:s31+$0x170] =	vst v0  }
0x1a: {  	[tilespmem:s31+$0x100] =	vst v0  }
0x1b: {  	[tilespmem:s31+$0x110] =	vst v0  }
.Ltmp0:
0x1c: {  	[tilespmem:s31+$0x120] =	vst v0;
	(pc) =	sbr.rel @p0 .LBB2_2-.Ltmp0, $4  }
0x1d: {  	[tilespmem:s31+$0x130] =	vst v0  }
0x1e: {  	[tilespmem:s31+$0x140] =	vst v0  }
0x1f: {  	[tilespmem:s31+$0x150] =	vst v0  }
0x20: {  	[tilespmem:s31+$0x160] =	vst v0;
	s31 =	sshra.s32 s0, $0x2;
	s0 =	sadd.s32 $0x200, s0  }
0x21: {  	[tilespmem:s31+$0x170] =	vst v0  }
0x22: {  	[tilespmem:s31+$0x100] =	vst v0  }
0x23: {  	[tilespmem:s31+$0x110] =	vst v0  }
0x24: {  	[tilespmem:s31+$0x120] =	vst v0  }
0x25: {  	[tilespmem:s31+$0x130] =	vst v0  }
0x26: {  	[tilespmem:s31+$0x140] =	vst v0  }
0x27: {  	[tilespmem:s31+$0x150] =	vst v0  }
0x28: {  	[tilespmem:s31+$0x160] =	vst v0  }
0x29: {  	[spmem:s4] =	stream.linear.scatter [tilespmem:s24], [sflag:$0x3], $0x4000, $0x38;
	[tilespmem:$0x17D00] =	vst v63  }
0x2a: {  	_ =	swait.ge [sflag:s25], $0x4000  }
0x2b: {  	[sflag:s25] =	ssyncset.done $0x0  }
0x2c: {  	[sflag:s25] =	ssyncadd.s32 $0xFFFFC000  }
0x2d: {  	[spmem:s5] =	stream.linear.scatter [tilespmem:s24], [sflag:$0x3], $0x4000, $0x38;
	[tilespmem:$0x17D00] =	vst v63  }
0x2e: {  	_ =	swait.ge [sflag:s25], $0x4000  }
0x2f: {  	[sflag:s25] =	ssyncset.done $0x0  }
0x30: {  	[sflag:s25] =	ssyncadd.s32 $0xFFFFC000  }
0x31: {  	[spmem:s6] =	stream.linear.scatter [tilespmem:s24], [sflag:$0x3], $0x4000, $0x38;
	[tilespmem:$0x17D00] =	vst v63  }
0x32: {  	_ =	swait.ge [sflag:s25], $0x4000  }
0x33: {  	[sflag:s25] =	ssyncset.done $0x0  }
0x34: {  	[sflag:s25] =	ssyncadd.s32 $0xFFFFC000  }
0x35: {  	[spmem:s8] =	stream.linear.scatter [tilespmem:s24], [sflag:$0x3], $0x4000, $0x38;
	[tilespmem:$0x17D00] =	vst v63  }
0x36: {  	_ =	swait.ge [sflag:s25], $0x4000  }
0x37: {  	[sflag:s25] =	ssyncset.done $0x0  }
0x38: {  	[sflag:s25] =	ssyncadd.s32 $0xFFFFC000  }
0x39: {  	[spmem:s9] =	stream.linear.scatter [tilespmem:s24], [sflag:$0x3], $0x3C00, $0x38;
	[tilespmem:$0x17D00] =	vst v63  }
0x3a: {  	_ =	swait.ge [sflag:s25], $0x3C00  }
0x3b: {  	[sflag:s25] =	ssyncset.done $0x0  }
0x3c: {  	[sflag:s25] =	ssyncadd.s32 $0xFFFFC400  }
0x3d: {  	s31 =	simm.s32 $0x0;
	s0 =	simm.s32 $0x200;
	[bflag:$0x0] =	sbarrier.arrive $0xFFFF  }
.LBB2_4:
0x3e: {  	p0 =	sne.s32 s0, $0xFE00;
	[tilespmem:s31+$0x170] =	vst v1  }
0x3f: {  	[tilespmem:s31+$0x100] =	vst v1  }
0x40: {  	[tilespmem:s31+$0x110] =	vst v1  }
.Ltmp1:
0x41: {  	[tilespmem:s31+$0x120] =	vst v1;
	(pc) =	sbr.rel @p0 .LBB2_4-.Ltmp1, $4  }
0x42: {  	[tilespmem:s31+$0x130] =	vst v1  }
0x43: {  	[tilespmem:s31+$0x140] =	vst v1  }
0x44: {  	[tilespmem:s31+$0x150] =	vst v1  }
0x45: {  	[tilespmem:s31+$0x160] =	vst v1;
	s31 =	sshra.s32 s0, $0x2;
	s0 =	sadd.s32 $0x200, s0  }
0x46: {  	[tilespmem:s31+$0x170] =	vst v1  }
0x47: {  	[tilespmem:s31+$0x100] =	vst v1  }
0x48: {  	[tilespmem:s31+$0x110] =	vst v1  }
0x49: {  	[tilespmem:s31+$0x120] =	vst v1  }
0x4a: {  	[tilespmem:s31+$0x130] =	vst v1  }
0x4b: {  	[tilespmem:s31+$0x140] =	vst v1  }
0x4c: {  	[tilespmem:s31+$0x150] =	vst v1  }
0x4d: {  	[tilespmem:s31+$0x160] =	vst v1;
	s0 =	simm.s32 $0x0  }
0x4e: {  	[tilespmem:s0], [sflag:$0x1] =	stream.linear.gather [hbm4b:s7+s0], $0x80, $0x38;
	[tilespmem:$0x17D00] =	vst v63  }
0x4f: {  	_ = 	snop  }
0x50: {  	[tilespmem:s26], [sflag:$0x2] =	stream.linear.gather [hbm4b:s10+s0], $0x80, $0x38;
	[tilespmem:$0x17D00] =	vst v63  }
0x51: {  	_ =	swait.ge [sflag:s28], $0x80  }
0x52: {  	[sflag:s28] =	ssyncset.done $0x0  }
0x53: {  	[sflag:s28] =	ssyncadd.s32 $0xFFFFFF80  }
0x54: {  	[spmem:s1] =	stream.indirect.scatter.add.f32 [tilespmem:s24], [sflag:$0x3], $0x80, s3, s26, $0xb8;
	[tilespmem:$0x17D00] =	vst v63  }
0x55: {  	_ =	swait.ge [sflag:s25], $0x4000  }
0x56: {  	[sflag:s25] =	ssyncset.done $0x0  }
0x57: {  	s2 =	sadd.s32 $0x0, s23;
	[sflag:s25] =	ssyncadd.s32 $0xFFFFC000  }
0x58: {  	[tilespmem:s3], [sflag:$0x1] =	stream.linear.gather [hbm4b:s2+s3], $0x80, $0x38;
	[tilespmem:$0x17D00] =	vst v63  }
0x59: {  	_ =	swait.ge [sflag:s29], $0x80  }
0x5a: {  	[sflag:s29] =	ssyncset.done $0x0  }
0x5b: {  	[sflag:s29] =	ssyncadd.s32 $0xFFFFFF80  }
0x5c: {  	[spmem:s1] =	stream.indirect.scatter.add.f32 [tilespmem:s24], [sflag:$0x3], $0x80, s26, s26, $0xb8;
	[tilespmem:$0x17D00] =	vst v63  }
0x5d: {  	_ =	swait.ge [sflag:s25], $0x4000  }
0x5e: {  	[sflag:s25] =	ssyncset.done $0x0  }
0x5f: {  	s31 =	simm.s32 $0x20;
	s0 =	sadd.s32 $0x0, s22;
	[sflag:s25] =	ssyncadd.s32 $0xFFFFC000  }
.LBB2_6:
0x60: {  	[tilespmem:s26], [sflag:$0x2] =	stream.linear.gather [hbm4b:s0+s3], $0x80, $0x38;
	[tilespmem:$0x17D00] =	vst v63  }
0x61: {  	s0 =	smov.u32 s31  }
0x62: {  	p0 =	sne.s32 s31, $0x9E0;
	s31 =	sadd.s32 $0x20, s31;
	_ =	swait.ge [sflag:s28], $0x80  }
0x63: {  	[sflag:s28] =	ssyncset.done $0x0  }
0x64: {  	[sflag:s28] =	ssyncadd.s32 $0xFFFFFF80  }
0x65: {  	[spmem:s1] =	stream.indirect.scatter.add.f32 [tilespmem:s24], [sflag:$0x3], $0x80, s3, s26, $0xb8;
	[tilespmem:$0x17D00] =	vst v63  }
0x66: {  	_ =	swait.ge [sflag:s25], $0x4000  }
0x67: {  	[sflag:s25] =	ssyncset.done $0x0  }
0x68: {  	s2 =	sadd.s32 s0, s23;
	[sflag:s25] =	ssyncadd.s32 $0xFFFFC000  }
0x69: {  	[tilespmem:s3], [sflag:$0x1] =	stream.linear.gather [hbm4b:s2+s3], $0x80, $0x38;
	[tilespmem:$0x17D00] =	vst v63  }
0x6a: {  	_ =	swait.ge [sflag:s29], $0x80  }
0x6b: {  	[sflag:s29] =	ssyncset.done $0x0  }
.Ltmp2:
0x6c: {  	[sflag:s29] =	ssyncadd.s32 $0xFFFFFF80;
	(pc) =	sbr.rel @p0 .LBB2_6-.Ltmp2, $4  }
0x6d: {  	[spmem:s1] =	stream.indirect.scatter.add.f32 [tilespmem:s24], [sflag:$0x3], $0x80, s26, s26, $0xb8;
	[tilespmem:$0x17D00] =	vst v63  }
0x6e: {  	_ =	swait.ge [sflag:s25], $0x4000  }
0x6f: {  	[sflag:s25] =	ssyncset.done $0x0  }
0x70: {  	s0 =	sadd.s32 s0, s22;
	[sflag:s25] =	ssyncadd.s32 $0xFFFFC000  }
0x71: {  	[tilespmem:s26], [sflag:$0x2] =	stream.linear.gather [hbm4b:s0+s3], $0x80, $0x38;
	[tilespmem:$0x17D00] =	vst v63  }
0x72: {  	_ =	swait.ge [sflag:s28], $0x80  }
0x73: {  	[sflag:s28] =	ssyncset.done $0x0  }
0x74: {  	[sflag:s28] =	ssyncadd.s32 $0xFFFFFF80  }
0x75: {  	_ =	swait.ge [sflag:s29], $0x80  }
0x76: {  	[sflag:s29] =	ssyncset.done $0x0  }
0x77: {  	[sflag:s29] =	ssyncadd.s32 $0xFFFFFF80  }
0x78: {  	[bflag:$0x0] =	sbarrier.arrive $0xFFFF  }
0x79: {  	[tilespmem:s24], [sflag:$0x3] =	stream.linear.gather [spmem:s11], $0x4000, $0x38;
	[tilespmem:$0x17D00] =	vst v63  }
0x7a: {  	_ =	swait.ge [sflag:s25], $0x4000  }
0x7b: {  	[sflag:s25] =	ssyncset.done $0x0  }
0x7c: {  	[sflag:s25] =	ssyncadd.s32 $0xFFFFC000  }
0x7d: {  	[hbm4b:s12+s3] =	stream.linear.scatter [tilespmem:s24], [sflag:$0x3], $0x4000, $0x38;
	[tilespmem:$0x17D00] =	vst v63  }
0x7e: {  	_ =	swait.ge [sflag:s25], $0x4000  }
0x7f: {  	[sflag:s25] =	ssyncset.done $0x0  }
0x80: {  	[sflag:s25] =	ssyncadd.s32 $0xFFFFC000  }
0x81: {  	[tilespmem:s24], [sflag:$0x3] =	stream.linear.gather [spmem:s13], $0x4000, $0x38;
	[tilespmem:$0x17D00] =	vst v63  }
0x82: {  	_ =	swait.ge [sflag:s25], $0x4000  }
0x83: {  	[sflag:s25] =	ssyncset.done $0x0  }
0x84: {  	[sflag:s25] =	ssyncadd.s32 $0xFFFFC000  }
0x85: {  	[hbm4b:s14+s3] =	stream.linear.scatter [tilespmem:s24], [sflag:$0x3], $0x4000, $0x38;
	[tilespmem:$0x17D00] =	vst v63  }
0x86: {  	_ =	swait.ge [sflag:s25], $0x4000  }
0x87: {  	[sflag:s25] =	ssyncset.done $0x0  }
0x88: {  	[sflag:s25] =	ssyncadd.s32 $0xFFFFC000  }
0x89: {  	[tilespmem:s24], [sflag:$0x3] =	stream.linear.gather [spmem:s15], $0x4000, $0x38;
	[tilespmem:$0x17D00] =	vst v63  }
0x8a: {  	_ =	swait.ge [sflag:s25], $0x4000  }
0x8b: {  	[sflag:s25] =	ssyncset.done $0x0  }
0x8c: {  	[sflag:s25] =	ssyncadd.s32 $0xFFFFC000  }
0x8d: {  	[hbm4b:s16+s3] =	stream.linear.scatter [tilespmem:s24], [sflag:$0x3], $0x4000, $0x38;
	[tilespmem:$0x17D00] =	vst v63  }
0x8e: {  	_ =	swait.ge [sflag:s25], $0x4000  }
0x8f: {  	[sflag:s25] =	ssyncset.done $0x0  }
0x90: {  	[sflag:s25] =	ssyncadd.s32 $0xFFFFC000  }
0x91: {  	[tilespmem:s24], [sflag:$0x3] =	stream.linear.gather [spmem:s17], $0x4000, $0x38;
	[tilespmem:$0x17D00] =	vst v63  }
0x92: {  	_ =	swait.ge [sflag:s25], $0x4000  }
0x93: {  	[sflag:s25] =	ssyncset.done $0x0  }
0x94: {  	[sflag:s25] =	ssyncadd.s32 $0xFFFFC000  }
0x95: {  	[hbm4b:s18+s3] =	stream.linear.scatter [tilespmem:s24], [sflag:$0x3], $0x4000, $0x38;
	[tilespmem:$0x17D00] =	vst v63  }
0x96: {  	_ =	swait.ge [sflag:s25], $0x4000  }
0x97: {  	[sflag:s25] =	ssyncset.done $0x0  }
0x98: {  	[sflag:s25] =	ssyncadd.s32 $0xFFFFC000  }
0x99: {  	[tilespmem:s24], [sflag:$0x3] =	stream.linear.gather [spmem:s19], $0x4000, $0x38;
	[tilespmem:$0x17D00] =	vst v63  }
0x9a: {  	s30 =	sadd.s32 $0x1, s30;
	_ =	swait.ge [sflag:s25], $0x4000  }
0x9b: {  	p0 =	sne.s32 s30, s21;
	[sflag:s25] =	ssyncset.done $0x0  }
.Ltmp3:
0x9c: {  	[sflag:s25] =	ssyncadd.s32 $0xFFFFC000;
	(pc) =	sbr.rel @p0 .LBB2_1-.Ltmp3, $4  }
0x9d: {  	[hbm4b:s20+s3] =	stream.linear.scatter [tilespmem:s24], [sflag:$0x3], $0x4000, $0x38;
	[tilespmem:$0x17D00] =	vst v63  }
0x9e: {  	_ =	swait.ge [sflag:s25], $0x4000  }
0x9f: {  	[sflag:s25] =	ssyncset.done $0x0  }
0xa0: {  	[sflag:s25] =	ssyncadd.s32 $0xFFFFC000  }
0xa1: {  	_ =	sfence.sel $0x180000  }
0xa2: {  	[bflag:$0x0] =	sbarrier.arrive $0xFFFF  }
0xa3: {  	_ =	strace $0x90000047  }
0xa4: {  	s0 =	stileid.u32;
	[bflag:$0x2] =	sbarrier.arrive $0xFFFF  }
0xa5: {  	p0 =	sne.s32 s0, $0x0;
	s0 =	rddreg [dreg:$0x2]  }
0xa6: {  	s0 =	sadd.s32 @!p0 $0x100000, s0  }
0xa7: {  	[sflag:s0] =	ssyncadd.tile.s32 @!p0 $0x1;
	_ =	shalt  }
.Lfunc_end2:
_tile_overlayer_lowered:
.L_overlay_start_2:
0xa8: {  	(tag) =	ssettag $0x2  }
0xa9: {  	s0 =	rddreg [dreg:$0x0];
	s2 =	stileid.u32  }
0xaa: {  	s1 =	rddreg [dreg:$0x1];
	p0 =	sne.s32 s2, $0x0  }
0xab: {  	s3 =	rddreg [dreg:$0x2];
	[bflag:$0x3] =	sbarrier.arrive $0xFFFF;
	s2 =	simm.s32 @!p0 $0x1C03  }
0xac: {  	[timem:s3], [sflag:s2] =	dma.local @!p0 [hbm:s0], s1  }
0xad: {  	s0 =	simm.s32 @!p0 $0x3  }
0xae: {  	_ =	swait.ge @!p0 [sflag:s0], s1  }
0xaf: {  	s1 =	ssub.s32 @!p0 $0x0, s1;
	[sflag:s0] =	ssyncset.done @!p0 $0x0  }
0xb0: {  	[sflag:s0] =	ssyncadd.s32 @!p0 s1  }
0xb1: {  	[bflag:$0x3] =	sbarrier.arrive $0xFFFF  }
0xb2: {  	_ =	shalt  }

// kernel: kernel.13.cloned.1.call-start
scs
__scs_entry_jumppad:
0x0: {  	(pc) =	sbr.rel $0x88, $3  }
0x1: {  	(tag) =	ssettag $0x0;
	lr =	simm.s32 $0x1  }
0x2: {  	[smem:$0x3F81] =	sst lr;
	_ =	strace $0xD0000000  }
0x3: {  	_ = 	snop  }
0x4: {  	_ = 	snop  }
0x5: {  	_ = 	snop  }
0x6: {  	_ = 	snop  }
0x7: {  	_ = 	snop  }
__scs_overlays_trampoline_lowered:
0x8: {  	[smem:$0x3F90] =	sst s0  }
0x9: {  	[smem:$0x3F91] =	sst s1  }
0xa: {  	[smem:$0x3F92] =	sst s2  }
0xb: {  	[smem:$0x3F93] =	sst s3  }
0xc: {  	[smem:$0x3F94] =	sst s4  }
0xd: {  	[smem:$0x3F95] =	sst s5  }
0xe: {  	[smem:$0x3F96] =	sst s6  }
0xf: {  	[smem:$0x3F97] =	sst s7  }
0x10: {  	[smem:$0x3F98] =	sst s8  }
0x11: {  	[smem:$0x3F99] =	sst s9;
	s0 =	simm.s32 @!p0 $0x0  }
0x12: {  	s1 =	sld [smem:$0x3F7F];
	s0 =	simm.s32 @p0 $0x1  }
0x13: {  	[smem:$0x3F9A] =	sst s0;
	s0 =	simm.s32 @!p1 $0x0  }
0x14: {  	s2 =	sld [smem:$0x3F7E];
	s0 =	simm.s32 @p1 $0x1  }
0x15: {  	[smem:$0x3F9B] =	sst s0;
	s0 =	simm.s32 @!p2 $0x0  }
0x16: {  	s3 =	sld [smem:$0x3FDB];
	s0 =	simm.s32 @p2 $0x1  }
0x17: {  	s4 =	simm.s32 $0x1BF5;
	[smem:$0x3F9D] =	sst s0  }
0x18: {  	s0 =	sld [smem:$0x3F80];
	_ =	swait.ge [sflag:s4], $0x0  }
0x19: {  	s7 =	sld [smem:$0x3F81]  }
0x1a: {  	s8 =	sadd.s32 $0xFFFFE003, lr  }
0x1b: {  	s9 =	sadd.s32 $0xFFFFFEF7, lr;
	s5 =	simm.s32 $0xFFFFFFFF;
	p2 =	slt.u32 s8, $0xFFFFF086  }
0x1c: {  	p1 =	slt.u32 s9, $0xF7A;
	s5 =	simm.s32 @!p2 $0x0  }
0x1d: {  	s5 =	simm.s32 @p1 $0x1;
	p0 =	seq.s32 s7, s2  }
0x1e: {  	s7 =	smul.u32 @!p0 $0xF7A, s2;
	p2 =	seq.s32 @!p0 s5, $0x0  }
0x1f: {  	s9 =	smul.u32 $0xF7A, s1;
	s8 =	simm.s32 @!p0 $0x1BF5;
	p2 =	por !p2, p0  }
0x20: {  	[sflag:s8] =	ssyncset.s32 @!p0 $0xFFFFF086;
	s6 =	sadd.s32 @!p0 s3, s7;
	s7 =	simm.s32 @!p0 $0x108  }
0x21: {  	s3 =	sadd.s32 s3, s9;
	s6 =	sadd.s32 @!p0 $0x88, s6;
	s7 =	simm.s32 @p2 $0x1082  }
0x22: {  	[simem:s7], [sflag:s8] =	dma.local @!p0 [hbm:s6], $0xF7A  }
0x23: {  	s9 =	sor.u32 $0xD0000000, s2;
	s6 =	simm.s32 $0x108;
	_ =	swait.ge @!p0 [sflag:s8], $0x0  }
0x24: {  	s3 =	sadd.s32 $0x88, s3;
	s6 =	simm.s32 @!p1 $0x1082;
	[sflag:s4] =	ssyncset.s32 $0xFFFFF086  }
0x25: {  	[simem:s6], [sflag:s4] =	dma.local [hbm:s3], $0xF7A  }
0x26: {  	[smem:$0x3F81] =	sst s1;
	(tag) =	ssettag s2;
	_ =	strace s9  }
0x27: {  	s1 =	sld [smem:$0x3F91]  }
0x28: {  	s2 =	sld [smem:$0x3F92]  }
0x29: {  	s4 =	sld [smem:$0x3F94]  }
0x2a: {  	p0 =	seq.s32 s5, $0x0;
	s5 =	sld [smem:$0x3F95]  }
0x2b: {  	s6 =	sld [smem:$0x3F96]  }
0x2c: {  	s7 =	sld [smem:$0x3F97]  }
0x2d: {  	s3 =	simm.s32 $0x108;
	s8 =	sld [smem:$0x3F98]  }
0x2e: {  	s3 =	simm.s32 @!p0 $0x1082;
	s9 =	sld [smem:$0x3F99]  }
0x2f: {  	lr =	sadd.s32 s0, s3;
	s0 =	sld [smem:$0x3F90]  }
0x30: {  	s3 =	sld [smem:$0x3F93]  }
0x31: {  	[smem:$0x3F9C] =	sst s10  }
0x32: {  	s10 =	sld [smem:$0x3F9A];
	_ =	sdelay $0x3  }
0x33: {  	p0 =	seq.s32 s10, $0x1;
	s10 =	sld [smem:$0x3F9C];
	_ =	sdelay $0x3  }
0x34: {  	[smem:$0x3F9C] =	sst s10  }
0x35: {  	s10 =	sld [smem:$0x3F9B];
	_ =	sdelay $0x3  }
0x36: {  	p1 =	seq.s32 s10, $0x1;
	s10 =	sld [smem:$0x3F9C];
	_ =	sdelay $0x3  }
0x37: {  	[smem:$0x3F9C] =	sst s10  }
0x38: {  	s10 =	sld [smem:$0x3F9D]  }
0x39: {  	_ = 	snop;
	(pc) =	sbr.ind lr, $3  }
0x3a: {  	_ = 	snop  }
0x3b: {  	_ = 	snop  }
0x3c: {  	p2 =	seq.s32 s10, $0x1;
	s10 =	sld [smem:$0x3F9C]  }
0x3d: {  	_ =	shalt  }
0x3e: {  	_ =	shalt  }
0x3f: {  	_ =	shalt  }
0x40: {  	_ =	shalt  }
0x41: {  	_ =	shalt  }
0x42: {  	_ =	shalt  }
0x43: {  	_ =	shalt  }
0x44: {  	_ =	shalt  }
0x45: {  	_ =	shalt  }
0x46: {  	_ =	shalt  }
0x47: {  	_ =	shalt  }
0x48: {  	_ =	shalt  }
0x49: {  	_ =	shalt  }
0x4a: {  	_ =	shalt  }
0x4b: {  	_ =	shalt  }
0x4c: {  	_ =	shalt  }
0x4d: {  	_ =	shalt  }
0x4e: {  	_ =	shalt  }
0x4f: {  	_ =	shalt  }
0x50: {  	_ =	shalt  }
0x51: {  	_ =	shalt  }
0x52: {  	_ =	shalt  }
0x53: {  	_ =	shalt  }
0x54: {  	_ =	shalt  }
0x55: {  	_ =	shalt  }
0x56: {  	_ =	shalt  }
0x57: {  	_ =	shalt  }
0x58: {  	_ =	shalt  }
0x59: {  	_ =	shalt  }
0x5a: {  	_ =	shalt  }
0x5b: {  	_ =	shalt  }
0x5c: {  	_ =	shalt  }
0x5d: {  	_ =	shalt  }
0x5e: {  	_ =	shalt  }
0x5f: {  	_ =	shalt  }
0x60: {  	_ =	shalt  }
0x61: {  	_ =	shalt  }
0x62: {  	_ =	shalt  }
0x63: {  	_ =	shalt  }
0x64: {  	_ =	shalt  }
0x65: {  	_ =	shalt  }
0x66: {  	_ =	shalt  }
0x67: {  	_ =	shalt  }
0x68: {  	_ =	shalt  }
0x69: {  	_ =	shalt  }
0x6a: {  	_ =	shalt  }
0x6b: {  	_ =	shalt  }
0x6c: {  	_ =	shalt  }
0x6d: {  	_ =	shalt  }
0x6e: {  	_ =	shalt  }
0x6f: {  	_ =	shalt  }
0x70: {  	_ =	shalt  }
0x71: {  	_ =	shalt  }
0x72: {  	_ =	shalt  }
0x73: {  	_ =	shalt  }
0x74: {  	_ =	shalt  }
0x75: {  	_ =	shalt  }
0x76: {  	_ =	shalt  }
0x77: {  	_ =	shalt  }
0x78: {  	_ =	shalt  }
0x79: {  	_ =	shalt  }
0x7a: {  	_ =	shalt  }
0x7b: {  	_ =	shalt  }
0x7c: {  	_ =	shalt  }
0x7d: {  	_ =	shalt  }
0x7e: {  	_ =	shalt  }
0x7f: {  	_ =	shalt  }
0x80: {  	_ =	shalt  }
0x81: {  	_ =	shalt  }
0x82: {  	_ =	shalt  }
0x83: {  	_ =	shalt  }
0x84: {  	_ =	shalt  }
0x85: {  	_ =	shalt  }
0x86: {  	_ =	shalt  }
0x87: {  	_ =	shalt  }
.Lfunc_end0:
.L_simem_size_0:
called_computation.1_lowered:
.L_overlay_start_0:
0x88: {  	s2 =	sld [smem:$0x3FD9]  }
0x89: {  	s3 =	sld [smem:$0x3FFE];
	_ =	sdelay $0x1  }
0x8a: {  	s1 =	srdreg.scid  }
0x8b: {  	s0 =	sand.u32 $0x1, s1  }
0x8c: {  	s16 =	sshll.u32 s0, $0xA;
	s2 =	sadd.s32 s3, s2  }
0x8d: {  	s2 =	sadd.s32 s2, s16  }
0x8e: {  	[smem:$0x3FA8] =	sst s2  }
0x8f: {  	_ = 	snop  }
0x90: {  	(tm) =	ssettm $0x1  }
0x91: {  	s17 =	sld [smem:$0x3FFB];
	_ =	sdelay $0x3  }
0x92: {  	_ =	strace s17  }
0x93: {  	s2 =	sld [smem:$0x3FFC];
	_ =	sdelay $0x3  }
0x94: {  	_ =	strace s2  }
0x95: {  	s2 =	sld [smem:$0x3FFD];
	_ =	sdelay $0x3  }
0x96: {  	_ =	strace s2  }
0x97: {  	_ =	strace $0x8FFFFFFF  }
0x98: {  	s18 =	sld [smem:$0x3FDB];
	_ =	sdelay $0x1  }
0x99: {  	s19 =	simm.s32 $_scs_section_size  }
0x9a: {  	s4 =	simm.s32 $_size__tile_overlayer_lowered;
	s5 =	simm.s32 $_tile_overlayer_lowered  }
0x9b: {  	s22 =	simm.s32 $0x1BFF;
	s21 =	sshll.u32 s5, $0x1;
	s2 =	sadd.s32 s19, s18  }
0x9c: {  	s6 =	simm.s32 $0x0;
	s20 =	sshll.u32 s4, $0x1;
	s4 =	sadd.s32 s21, s2  }
0x9d: {  	[timem:s6], [sflag:s22] =	dma.local [hbm:s4], s20  }
0x9e: {  	_ =	swait.ge [sflag:s22], s20  }
0x9f: {  	s3 =	ssub.s32 $0x0, s20;
	[sflag:s22] =	ssyncset.done $0x0  }
0xa0: {  	[sflag:s22] =	ssyncadd.s32 s3;
	_ =	sdelay $0x1  }
0xa1: {  	s23 =	simm.s32 $0x1B8B  }
0xa2: {  	_ =	swait.ge [sflag:s23], $0x1  }
0xa3: {  	[sflag:s23] =	ssyncset.done $0x0  }
0xa4: {  	s25 =	simm.s32 $0x1B8E;
	s24 =	sld [smem:$0x3FFE];
	[sflag:s23] =	ssyncadd.s32 $0xFFFFFFFF  }
0xa5: {  	s26 =	simm.s32 $execute0_lowered;
	[smem:$0x3FD2] =	sst s25  }
0xa6: {  	s4 =	sshll.u32 s26, $0x1;
	_ =	strace $0x80000049;
	[dreg:$0x1] =	wrdreg $0xFFFFFFFF  }
0xa7: {  	s28 =	simm.s32 $_size_execute0_lowered;
	s2 =	sadd.s32 s2, s4;
	[dreg:$0x0] =	wrdreg $0x0  }
0xa8: {  	s4 =	sshll.u32 s28, $0x1;
	[dreg:$0x2] =	wrdreg s2  }
0xa9: {  	[dreg:$0x3] =	wrdreg s4  }
0xaa: {  	[dreg:$0x4] =	wrdreg $0xC0  }
0xab: {  	_ =	task [dreg:s6], $0x5FFFF  }
0xac: {  	[dreg:$0x1] =	wrdreg $0xFFFFFFFF  }
0xad: {  	[dreg:$0x0] =	wrdreg $0x60  }
0xae: {  	[dreg:$0x2] =	wrdreg s24  }
0xaf: {  	[dreg:$0x3] =	wrdreg $0xC3000  }
0xb0: {  	[dreg:$0x4] =	wrdreg $0x9  }
0xb1: {  	_ =	task.clear_ibuf [dreg:s6], $0x5FFFF;
	_ =	strace $0x90000049  }
0xb2: {  	s29 =	simm.s32 $0x9;
	_ =	strace $0x8000004B  }
0xb3: {  	_ =	swait.ge [sflag:s29], $0x1  }
0xb4: {  	[sflag:s29] =	ssyncadd.s32 $0xFFFFFFFF  }
0xb5: {  	_ =	strace $0x9000004B  }
0xb6: {  	_ =	sfence  }
0xb7: {  	s30 =	sld [smem:$0x0];
	_ =	sdelay $0x2  }
0xb8: {  	s31 =	sshll.u32 s1, $0xD;
	s1 =	sshrl.u32 s1, $0x2  }
0xb9: {  	s3 =	sand.u32 $0x4000, s31;
	s1 =	sadd.s32 s1, s30  }
0xba: {  	s0 =	sor.u32 s3, s0;
	s1 =	sshll.u32 s1, $0x11  }
0xbb: {  	s0 =	sor.u32 s1, s0  }
0xbc: {  	s0 =	sadd.s32 $0x8F2B, s0  }
0xbd: {  	[sflag:s0] =	ssyncadd.remote.s32 $0x1  }
0xbe: {  	_ =	sfence.sel $0xFFFF  }
0xbf: {  	[dreg:$0x0] =	wrdreg $0xFFFFFFFF;
	(pc) =	sbr.abs _section_cstart, $3  }
0xc0: {  	[dreg:$0x1] =	wrdreg $0xFFFFFFFF  }
0xc1: {  	_ =	task.clear_ibuf [dreg:s6], $0x2FFFF;
	_ =	strace $0x9FFFFFFF  }
0xc2: {  	(tm) =	ssettm $0x7FFFFFFF  }
0xc3: {  	_ =	shalt  }
tec
execute0_lowered:
.L_overlay_start_1:
0x0: {  	(tag) =	ssettag $0x1  }
0x1: {  	s18 =	stileid.u32  }
0x2: {  	s0 =	rddreg [dreg:$0x0];
	s10 =	smul.u32 $0x4F000, s18  }
0x3: {  	s2 =	rddreg [dreg:$0x1];
	s19 =	smul.u32 $0x13800, s18  }
0x4: {  	s3 =	simm.s32 $0x0;
	s1 =	srdreg.scid;
	s14 =	smul.u32 $0x4E000, s18  }
0x5: {  	s1 =	sand.u32 $0x1, s1;
	s4 =	sshll.u32 s18, $0x1;
	s18 =	smul.u32 $0xA000, s18  }
0x6: {  	[smem:$0x7FF] =	sst s3;
	s6 =	sadd.s32 $0x1B600, s0;
	s20 =	smul.u32 $0x138800, s1  }
0x7: {  	_ =	strace $0x8000004A;
	s5 =	sor.u32 s1, s4;
	s26 =	smul.u32 $0x5000, s1  }
0x8: {  	s4 =	sadd.s32 $0x43A00, s0;
	s7 =	ssub.s32 $0x2, s1;
	s8 =	smul.u32 $0x5000, s5  }
0x9: {  	s5 =	sadd.s32 $0x2F800, s0;
	s9 =	sshrl.u32 s7, $0x1;
	s0 =	sadd.s32 $0x91E00, s0  }
0xa: {  	s17 =	sshrl.u32 s10, $0x2;
	s13 =	sadd.s32 $0x4000, s19;
	s24 =	sadd.s32 $0xC000, s19  }
0xb: {  	s10 =	sadd.s32 $0x10000, s19;
	s9 =	ssub.s32 s7, s9;
	s7 =	sadd.s32 s17, s2  }
0xc: {  	s15 =	sadd.s32 s19, s20;
	s16 =	sadd.s32 s20, s13;
	s17 =	sadd.s32 $0x8000, s19  }
0xd: {  	s25 =	sadd.s32 s20, s24;
	s19 =	sshrl.u32 s14, $0x2;
	s14 =	simm.s32 $0x280  }
0xe: {  	s8 =	sshrl.u32 s8, $0x3;
	s15 =	sshrl.u32 s15, $0x3;
	s16 =	sshrl.u32 s16, $0x3  }
0xf: {  	s23 =	sadd.s32 s20, s17;
	s29 =	sadd.s32 $0x4000, s7;
	s11 =	sadd.s32 s5, s8  }
0x10: {  	s30 =	sadd.s32 $0x8000, s7;
	s12 =	sadd.s32 s6, s8;
	[dreg:$0x3] =	wrdreg s11  }
0x11: {  	s31 =	sadd.s32 $0xC000, s7;
	s15 =	sadd.s32 s0, s15;
	[dreg:$0x4] =	wrdreg s12  }
0x12: {  	s21 =	sor.u32 $0x10, s8;
	s22 =	sadd.s32 s0, s16;
	[dreg:$0x5] =	wrdreg s15  }
0x13: {  	s16 =	simm.s32 $0x1;
	[dreg:$0x6] =	wrdreg s22;
	s12 =	sadd.s32 s6, s21  }
0x14: {  	s11 =	sadd.s32 s20, s10;
	s20 =	sadd.s32 s19, s2;
	[dreg:$0xb] =	wrdreg s12  }
0x15: {  	s15 =	sshrl.u32 s23, $0x3;
	s22 =	sadd.s32 s17, s2;
	[dreg:$0xe] =	wrdreg s20  }
0x16: {  	s23 =	sadd.s32 s24, s2;
	s24 =	sadd.s32 s10, s2;
	[dreg:$0x10] =	wrdreg s22  }
0x17: {  	s10 =	simm.s32 $0x100;
	s17 =	simm.s32 $0x2;
	[dreg:$0x11] =	wrdreg s23  }
0x18: {  	s19 =	simm.s32 $0x0;
	s15 =	sadd.s32 s0, s15;
	[dreg:$0x12] =	wrdreg s24  }
0x19: {  	s11 =	sshrl.u32 s11, $0x3;
	[dreg:$0x7] =	wrdreg s15;
	s15 =	sshrl.u32 s25, $0x3  }
0x1a: {  	s24 =	smax.u32 s9, $0x1;
	s9 =	simm.s32 $0x80;
	s15 =	sadd.s32 s0, s15  }
0x1b: {  	s12 =	simm.s32 $0x4300;
	s0 =	sadd.s32 s0, s11;
	[dreg:$0x8] =	wrdreg s15  }
0x1c: {  	s11 =	sadd.s32 s5, s21;
	s21 =	sadd.s32 s13, s2;
	[dreg:$0x9] =	wrdreg s0  }
0x1d: {  	s13 =	simm.s32 $0x200;
	[dreg:$0xa] =	wrdreg s11;
	s15 =	sor.u32 $0x20, s8  }
0x1e: {  	s0 =	sadd.s32 s26, s18;
	[dreg:$0xf] =	wrdreg s21;
	s11 =	simm.s32 $0x180  }
0x1f: {  	s18 =	simm.s32 $0x3;
	s8 =	sadd.s32 s5, s15;
	s1 =	sadd.s32 s6, s15  }
0x20: {  	s25 =	sor.u32 $0x280, s0;
	s26 =	sor.u32 $0x200, s0;
	[dreg:$0xc] =	wrdreg s8  }
0x21: {  	s0 =	sor.u32 $0x180, s0;
	s15 =	simm.s32 $0x8300;
	[dreg:$0xd] =	wrdreg s1  }
0x22: {  	s25 =	sshrl.u32 s25, $0x3;
	s26 =	sshrl.u32 s26, $0x3;
	s28 =	sshrl.u32 s0, $0x3  }
0x23: {  	v0 =	vimm.f32 $0.0e+00;
	s0 =	sadd.s32 $0x10000, s7;
	s1 =	simm.s32 $0x300;
	s8 =	simm.s32 $0x4  }
.LBB2_1:
0x24: {  	s20 =	simm.s32 $0x0;
	s21 =	simm.s32 $0x200  }
.LBB2_2:
0x25: {  	p0 =	sne.s32 s21, $0xFE00;
	[tilespmem:s20+$0x370] =	vst v0  }
0x26: {  	[tilespmem:s20+$0x300] =	vst v0  }
0x27: {  	[tilespmem:s20+$0x310] =	vst v0  }
.Ltmp0:
0x28: {  	[tilespmem:s20+$0x320] =	vst v0;
	(pc) =	sbr.rel @p0 .LBB2_2-.Ltmp0, $4  }
0x29: {  	[tilespmem:s20+$0x330] =	vst v0  }
0x2a: {  	[tilespmem:s20+$0x340] =	vst v0  }
0x2b: {  	[tilespmem:s20+$0x350] =	vst v0  }
0x2c: {  	[tilespmem:s20+$0x360] =	vst v0;
	s20 =	sshra.s32 s21, $0x2;
	s21 =	sadd.s32 $0x200, s21  }
0x2d: {  	[tilespmem:s20+$0x370] =	vst v0  }
0x2e: {  	[tilespmem:s20+$0x300] =	vst v0  }
0x2f: {  	[tilespmem:s20+$0x310] =	vst v0  }
0x30: {  	[tilespmem:s20+$0x320] =	vst v0  }
0x31: {  	[tilespmem:s20+$0x330] =	vst v0  }
0x32: {  	[tilespmem:s20+$0x340] =	vst v0  }
0x33: {  	[tilespmem:s20+$0x350] =	vst v0  }
0x34: {  	[tilespmem:s20+$0x360] =	vst v0  }
0x35: {  	[spmem:s7] =	stream.linear.scatter [tilespmem:s1], [sflag:$0x4], $0x4000, $0x38;
	[tilespmem:$0x1FF00] =	vst v63  }
0x36: {  	_ =	swait.ge [sflag:s8], $0x4000  }
0x37: {  	[sflag:s8] =	ssyncset.done $0x0  }
0x38: {  	[sflag:s8] =	ssyncadd.s32 $0xFFFFC000  }
0x39: {  	[spmem:s29] =	stream.linear.scatter [tilespmem:s1], [sflag:$0x4], $0x4000, $0x38;
	[tilespmem:$0x1FF00] =	vst v63  }
0x3a: {  	_ =	swait.ge [sflag:s8], $0x4000  }
0x3b: {  	[sflag:s8] =	ssyncset.done $0x0  }
0x3c: {  	[sflag:s8] =	ssyncadd.s32 $0xFFFFC000  }
0x3d: {  	[spmem:s30] =	stream.linear.scatter [tilespmem:s1], [sflag:$0x4], $0x4000, $0x38;
	[tilespmem:$0x1FF00] =	vst v63  }
0x3e: {  	_ =	swait.ge [sflag:s8], $0x4000  }
0x3f: {  	[sflag:s8] =	ssyncset.done $0x0  }
0x40: {  	[sflag:s8] =	ssyncadd.s32 $0xFFFFC000  }
0x41: {  	[spmem:s31] =	stream.linear.scatter [tilespmem:s1], [sflag:$0x4], $0x4000, $0x38;
	[tilespmem:$0x1FF00] =	vst v63  }
0x42: {  	_ =	swait.ge [sflag:s8], $0x4000  }
0x43: {  	[sflag:s8] =	ssyncset.done $0x0  }
0x44: {  	[sflag:s8] =	ssyncadd.s32 $0xFFFFC000  }
0x45: {  	[spmem:s0] =	stream.linear.scatter [tilespmem:s1], [sflag:$0x4], $0x3C00, $0x38;
	[tilespmem:$0x1FF00] =	vst v63  }
0x46: {  	_ =	swait.ge [sflag:s8], $0x3C00  }
0x47: {  	[sflag:s8] =	ssyncset.done $0x0  }
0x48: {  	[sflag:s8] =	ssyncadd.s32 $0xFFFFC400  }
0x49: {  	[bflag:$0x0] =	sbarrier.arrive $0xFFFF  }
0x4a: {  	s21 =	rddreg [dreg:$0x3]  }
0x4b: {  	[tilespmem:s3], [sflag:$0x4] =	stream.linear.gather [hbm4b:s21+s3], $0x80, $0x38;
	[tilespmem:$0x1FF00] =	vst v63  }
0x4c: {  	_ =	swait.ge [sflag:s8], $0x80  }
0x4d: {  	[sflag:s8] =	ssyncset.done $0x0  }
0x4e: {  	s22 =	rddreg [dreg:$0x4];
	[sflag:s8] =	ssyncadd.s32 $0xFFFFFF80  }
0x4f: {  	[tilespmem:s9], [sflag:$0x4] =	stream.linear.gather [hbm4b:s22+s3], $0x80, $0x38;
	[tilespmem:$0x1FF00] =	vst v63  }
0x50: {  	_ =	swait.ge [sflag:s8], $0x80  }
0x51: {  	[sflag:s8] =	ssyncset.done $0x0  }
0x52: {  	[sflag:s8] =	ssyncadd.s32 $0xFFFFFF80  }
0x53: {  	[tilespmem:s1], [sflag:$0x1] =	stream.indirect.gather [hbm4b:s4+s9], $0x80, s3, s9, $0xb8;
	[tilespmem:$0x1FF00] =	vst v63  }
0x54: {  	s23 =	rddreg [dreg:$0xa]  }
0x55: {  	[tilespmem:s10], [sflag:$0x4] =	stream.linear.gather [hbm4b:s23+s3], $0x80, $0x38;
	[tilespmem:$0x1FF00] =	vst v63  }
0x56: {  	_ =	swait.ge [sflag:s8], $0x80  }
0x57: {  	[sflag:s8] =	ssyncset.done $0x0  }
0x58: {  	s21 =	rddreg [dreg:$0xb];
	[sflag:s8] =	ssyncadd.s32 $0xFFFFFF80  }
0x59: {  	[tilespmem:s11], [sflag:$0x4] =	stream.linear.gather [hbm4b:s21+s3], $0x80, $0x38;
	[tilespmem:$0x1FF00] =	vst v63  }
0x5a: {  	_ =	swait.ge [sflag:s8], $0x80  }
0x5b: {  	[sflag:s8] =	ssyncset.done $0x0  }
0x5c: {  	[sflag:s8] =	ssyncadd.s32 $0xFFFFFF80  }
0x5d: {  	[tilespmem:s12], [sflag:$0x2] =	stream.indirect.gather [hbm4b:s4+s9], $0x80, s10, s9, $0xb8;
	[tilespmem:$0x1FF00] =	vst v63  }
0x5e: {  	s22 =	rddreg [dreg:$0xc]  }
0x5f: {  	[tilespmem:s13], [sflag:$0x4] =	stream.linear.gather [hbm4b:s22+s3], $0x80, $0x38;
	[tilespmem:$0x1FF00] =	vst v63  }
0x60: {  	_ =	swait.ge [sflag:s8], $0x80  }
0x61: {  	[sflag:s8] =	ssyncset.done $0x0  }
0x62: {  	s23 =	rddreg [dreg:$0xd];
	[sflag:s8] =	ssyncadd.s32 $0xFFFFFF80  }
0x63: {  	[tilespmem:s14], [sflag:$0x4] =	stream.linear.gather [hbm4b:s23+s3], $0x80, $0x38;
	[tilespmem:$0x1FF00] =	vst v63  }
0x64: {  	_ =	swait.ge [sflag:s8], $0x80  }
0x65: {  	[sflag:s8] =	ssyncset.done $0x0  }
0x66: {  	[sflag:s8] =	ssyncadd.s32 $0xFFFFFF80  }
0x67: {  	[tilespmem:s15], [sflag:$0x3] =	stream.indirect.gather [hbm4b:s4+s9], $0x80, s13, s9, $0xb8;
	[tilespmem:$0x1FF00] =	vst v63  }
0x68: {  	_ =	swait.ge [sflag:s16], $0x4000  }
0x69: {  	[sflag:s16] =	ssyncset.done $0x0  }
0x6a: {  	[sflag:s16] =	ssyncadd.s32 $0xFFFFC000  }
0x6b: {  	[spmem:s2] =	stream.indirect.scatter.add.f32 [tilespmem:s1], [sflag:$0x4], $0x80, s9, s9, $0xb8;
	[tilespmem:$0x1FF00] =	vst v63  }
0x6c: {  	_ =	swait.ge [sflag:s8], $0x4000  }
0x6d: {  	[sflag:s8] =	ssyncset.done $0x0  }
0x6e: {  	s21 =	sadd.s32 s5, s28;
	[sflag:s8] =	ssyncadd.s32 $0xFFFFC000  }
0x6f: {  	[tilespmem:s3], [sflag:$0x4] =	stream.linear.gather [hbm4b:s21+s3], $0x80, $0x38;
	[tilespmem:$0x1FF00] =	vst v63  }
0x70: {  	_ =	swait.ge [sflag:s8], $0x80  }
0x71: {  	[sflag:s8] =	ssyncset.done $0x0  }
0x72: {  	s22 =	sadd.s32 s6, s28;
	[sflag:s8] =	ssyncadd.s32 $0xFFFFFF80  }
0x73: {  	[tilespmem:s9], [sflag:$0x4] =	stream.linear.gather [hbm4b:s22+s3], $0x80, $0x38;
	[tilespmem:$0x1FF00] =	vst v63  }
0x74: {  	_ =	swait.ge [sflag:s8], $0x80  }
0x75: {  	[sflag:s8] =	ssyncset.done $0x0  }
0x76: {  	[sflag:s8] =	ssyncadd.s32 $0xFFFFFF80  }
0x77: {  	[tilespmem:s1], [sflag:$0x1] =	stream.indirect.gather [hbm4b:s4+s9], $0x80, s3, s9, $0xb8;
	[tilespmem:$0x1FF00] =	vst v63  }
0x78: {  	_ =	swait.ge [sflag:s17], $0x4000  }
0x79: {  	[sflag:s17] =	ssyncset.done $0x0  }
0x7a: {  	[sflag:s17] =	ssyncadd.s32 $0xFFFFC000  }
0x7b: {  	[spmem:s2] =	stream.indirect.scatter.add.f32 [tilespmem:s12], [sflag:$0x4], $0x80, s11, s9, $0xb8;
	[tilespmem:$0x1FF00] =	vst v63  }
0x7c: {  	_ =	swait.ge [sflag:s8], $0x4000  }
0x7d: {  	[sflag:s8] =	ssyncset.done $0x0  }
0x7e: {  	s23 =	sadd.s32 s5, s26;
	[sflag:s8] =	ssyncadd.s32 $0xFFFFC000  }
0x7f: {  	[tilespmem:s10], [sflag:$0x4] =	stream.linear.gather [hbm4b:s23+s3], $0x80, $0x38;
	[tilespmem:$0x1FF00] =	vst v63  }
0x80: {  	_ =	swait.ge [sflag:s8], $0x80  }
0x81: {  	[sflag:s8] =	ssyncset.done $0x0  }
0x82: {  	s21 =	sadd.s32 s6, s26;
	[sflag:s8] =	ssyncadd.s32 $0xFFFFFF80  }
0x83: {  	[tilespmem:s11], [sflag:$0x4] =	stream.linear.gather [hbm4b:s21+s3], $0x80, $0x38;
	[tilespmem:$0x1FF00] =	vst v63  }
0x84: {  	_ =	swait.ge [sflag:s8], $0x80  }
0x85: {  	[sflag:s8] =	ssyncset.done $0x0  }
0x86: {  	[sflag:s8] =	ssyncadd.s32 $0xFFFFFF80  }
0x87: {  	[tilespmem:s12], [sflag:$0x2] =	stream.indirect.gather [hbm4b:s4+s9], $0x80, s10, s9, $0xb8;
	[tilespmem:$0x1FF00] =	vst v63  }
0x88: {  	_ =	swait.ge [sflag:s18], $0x4000  }
0x89: {  	[sflag:s18] =	ssyncset.done $0x0  }
0x8a: {  	[sflag:s18] =	ssyncadd.s32 $0xFFFFC000  }
0x8b: {  	[spmem:s2] =	stream.indirect.scatter.add.f32 [tilespmem:s15], [sflag:$0x4], $0x80, s14, s9, $0xb8;
	[tilespmem:$0x1FF00] =	vst v63  }
0x8c: {  	_ =	swait.ge [sflag:s8], $0x4000  }
0x8d: {  	[sflag:s8] =	ssyncset.done $0x0  }
0x8e: {  	s22 =	sadd.s32 s5, s25;
	[sflag:s8] =	ssyncadd.s32 $0xFFFFC000  }
0x8f: {  	[tilespmem:s13], [sflag:$0x4] =	stream.linear.gather [hbm4b:s22+s3], $0x80, $0x38;
	[tilespmem:$0x1FF00] =	vst v63  }
0x90: {  	_ =	swait.ge [sflag:s8], $0x80  }
0x91: {  	[sflag:s8] =	ssyncset.done $0x0  }
0x92: {  	s23 =	sadd.s32 s6, s25;
	[sflag:s8] =	ssyncadd.s32 $0xFFFFFF80  }
0x93: {  	[tilespmem:s14], [sflag:$0x4] =	stream.linear.gather [hbm4b:s23+s3], $0x80, $0x38;
	[tilespmem:$0x1FF00] =	vst v63  }
0x94: {  	_ =	swait.ge [sflag:s8], $0x80  }
0x95: {  	s20 =	simm.s32 $0x34;
	[sflag:s8] =	ssyncset.done $0x0  }
0x96: {  	s21 =	sadd.s32 $0x30, s6;
	s22 =	sadd.s32 $0x30, s5;
	[sflag:s8] =	ssyncadd.s32 $0xFFFFFF80  }
.LBB2_4:
0x97: {  	[tilespmem:s15], [sflag:$0x3] =	stream.indirect.gather [hbm4b:s4+s9], $0x80, s13, s9, $0xb8;
	[tilespmem:$0x1FF00] =	vst v63  }
0x98: {  	p0 =	sne.s32 s20, $0x1;
	s20 =	sadd.s32 $0xFFFFFFFF, s20;
	_ =	swait.ge [sflag:s16], $0x4000  }
0x99: {  	[sflag:s16] =	ssyncset.done $0x0  }
0x9a: {  	[sflag:s16] =	ssyncadd.s32 $0xFFFFC000  }
0x9b: {  	[spmem:s2] =	stream.indirect.scatter.add.f32 [tilespmem:s1], [sflag:$0x4], $0x80, s9, s9, $0xb8;
	[tilespmem:$0x1FF00] =	vst v63  }
0x9c: {  	_ =	swait.ge [sflag:s8], $0x4000  }
0x9d: {  	[sflag:s8] =	ssyncset.done $0x0  }
0x9e: {  	s23 =	sadd.s32 s22, s28;
	[sflag:s8] =	ssyncadd.s32 $0xFFFFC000  }
0x9f: {  	[tilespmem:s3], [sflag:$0x4] =	stream.linear.gather [hbm4b:s23+s3], $0x80, $0x38;
	[tilespmem:$0x1FF00] =	vst v63  }
0xa0: {  	_ =	swait.ge [sflag:s8], $0x80  }
0xa1: {  	[sflag:s8] =	ssyncset.done $0x0  }
0xa2: {  	s23 =	sadd.s32 s21, s28;
	[sflag:s8] =	ssyncadd.s32 $0xFFFFFF80  }
0xa3: {  	[tilespmem:s9], [sflag:$0x4] =	stream.linear.gather [hbm4b:s23+s3], $0x80, $0x38;
	[tilespmem:$0x1FF00] =	vst v63  }
0xa4: {  	_ =	swait.ge [sflag:s8], $0x80  }
0xa5: {  	[sflag:s8] =	ssyncset.done $0x0  }
0xa6: {  	[sflag:s8] =	ssyncadd.s32 $0xFFFFFF80  }
0xa7: {  	[tilespmem:s1], [sflag:$0x1] =	stream.indirect.gather [hbm4b:s4+s9], $0x80, s3, s9, $0xb8;
	[tilespmem:$0x1FF00] =	vst v63  }
0xa8: {  	_ =	swait.ge [sflag:s17], $0x4000  }
0xa9: {  	[sflag:s17] =	ssyncset.done $0x0  }
0xaa: {  	[sflag:s17] =	ssyncadd.s32 $0xFFFFC000  }
0xab: {  	[spmem:s2] =	stream.indirect.scatter.add.f32 [tilespmem:s12], [sflag:$0x4], $0x80, s11, s9, $0xb8;
	[tilespmem:$0x1FF00] =	vst v63  }
0xac: {  	_ =	swait.ge [sflag:s8], $0x4000  }
0xad: {  	[sflag:s8] =	ssyncset.done $0x0  }
0xae: {  	s23 =	sadd.s32 s22, s26;
	[sflag:s8] =	ssyncadd.s32 $0xFFFFC000  }
0xaf: {  	[tilespmem:s10], [sflag:$0x4] =	stream.linear.gather [hbm4b:s23+s3], $0x80, $0x38;
	[tilespmem:$0x1FF00] =	vst v63  }
0xb0: {  	_ =	swait.ge [sflag:s8], $0x80  }
0xb1: {  	[sflag:s8] =	ssyncset.done $0x0  }
0xb2: {  	s23 =	sadd.s32 s21, s26;
	[sflag:s8] =	ssyncadd.s32 $0xFFFFFF80  }
0xb3: {  	[tilespmem:s11], [sflag:$0x4] =	stream.linear.gather [hbm4b:s23+s3], $0x80, $0x38;
	[tilespmem:$0x1FF00] =	vst v63  }
0xb4: {  	_ =	swait.ge [sflag:s8], $0x80  }
0xb5: {  	[sflag:s8] =	ssyncset.done $0x0  }
0xb6: {  	[sflag:s8] =	ssyncadd.s32 $0xFFFFFF80  }
0xb7: {  	[tilespmem:s12], [sflag:$0x2] =	stream.indirect.gather [hbm4b:s4+s9], $0x80, s10, s9, $0xb8;
	[tilespmem:$0x1FF00] =	vst v63  }
0xb8: {  	_ =	swait.ge [sflag:s18], $0x4000  }
0xb9: {  	[sflag:s18] =	ssyncset.done $0x0  }
0xba: {  	[sflag:s18] =	ssyncadd.s32 $0xFFFFC000  }
0xbb: {  	[spmem:s2] =	stream.indirect.scatter.add.f32 [tilespmem:s15], [sflag:$0x4], $0x80, s14, s9, $0xb8;
	[tilespmem:$0x1FF00] =	vst v63  }
0xbc: {  	_ =	swait.ge [sflag:s8], $0x4000  }
0xbd: {  	[sflag:s8] =	ssyncset.done $0x0  }
0xbe: {  	s23 =	sadd.s32 s22, s25;
	[sflag:s8] =	ssyncadd.s32 $0xFFFFC000  }
0xbf: {  	[tilespmem:s13], [sflag:$0x4] =	stream.linear.gather [hbm4b:s23+s3], $0x80, $0x38;
	[tilespmem:$0x1FF00] =	vst v63  }
0xc0: {  	_ =	swait.ge [sflag:s8], $0x80  }
0xc1: {  	[sflag:s8] =	ssyncset.done $0x0  }
.Ltmp1:
0xc2: {  	s23 =	sadd.s32 s21, s25;
	[sflag:s8] =	ssyncadd.s32 $0xFFFFFF80;
	(pc) =	sbr.rel @p0 .LBB2_4-.Ltmp1, $4  }
0xc3: {  	[tilespmem:s14], [sflag:$0x4] =	stream.linear.gather [hbm4b:s23+s3], $0x80, $0x38;
	[tilespmem:$0x1FF00] =	vst v63  }
0xc4: {  	_ =	swait.ge [sflag:s8], $0x80  }
0xc5: {  	[sflag:s8] =	ssyncset.done $0x0  }
0xc6: {  	s22 =	sadd.s32 $0x30, s22;
	s21 =	sadd.s32 $0x30, s21;
	[sflag:s8] =	ssyncadd.s32 $0xFFFFFF80  }
0xc7: {  	[tilespmem:s15], [sflag:$0x3] =	stream.indirect.gather [hbm4b:s4+s9], $0x80, s13, s9, $0xb8;
	[tilespmem:$0x1FF00] =	vst v63  }
0xc8: {  	_ =	swait.ge [sflag:s16], $0x4000  }
0xc9: {  	[sflag:s16] =	ssyncset.done $0x0  }
0xca: {  	[sflag:s16] =	ssyncadd.s32 $0xFFFFC000  }
0xcb: {  	[spmem:s2] =	stream.indirect.scatter.add.f32 [tilespmem:s1], [sflag:$0x4], $0x80, s9, s9, $0xb8;
	[tilespmem:$0x1FF00] =	vst v63  }
0xcc: {  	_ =	swait.ge [sflag:s8], $0x4000  }
0xcd: {  	[sflag:s8] =	ssyncset.done $0x0  }
0xce: {  	[sflag:s8] =	ssyncadd.s32 $0xFFFFC000  }
0xcf: {  	_ =	swait.ge [sflag:s17], $0x4000  }
0xd0: {  	[sflag:s17] =	ssyncset.done $0x0  }
0xd1: {  	[sflag:s17] =	ssyncadd.s32 $0xFFFFC000  }
0xd2: {  	_ =	swait.ge [sflag:s18], $0x4000  }
0xd3: {  	[sflag:s18] =	ssyncset.done $0x0  }
0xd4: {  	[sflag:s18] =	ssyncadd.s32 $0xFFFFC000  }
0xd5: {  	[bflag:$0x0] =	sbarrier.arrive $0xFFFF  }
0xd6: {  	s20 =	rddreg [dreg:$0xe]  }
0xd7: {  	[tilespmem:s1], [sflag:$0x4] =	stream.linear.gather [spmem:s20], $0x4000, $0x38;
	[tilespmem:$0x1FF00] =	vst v63  }
0xd8: {  	_ =	swait.ge [sflag:s8], $0x4000  }
0xd9: {  	[sflag:s8] =	ssyncset.done $0x0  }
0xda: {  	s21 =	rddreg [dreg:$0x5];
	[sflag:s8] =	ssyncadd.s32 $0xFFFFC000  }
0xdb: {  	[hbm4b:s21+s3] =	stream.linear.scatter [tilespmem:s1], [sflag:$0x4], $0x4000, $0x38;
	[tilespmem:$0x1FF00] =	vst v63  }
0xdc: {  	_ =	swait.ge [sflag:s8], $0x4000  }
0xdd: {  	[sflag:s8] =	ssyncset.done $0x0  }
0xde: {  	s22 =	rddreg [dreg:$0xf];
	[sflag:s8] =	ssyncadd.s32 $0xFFFFC000  }
0xdf: {  	[tilespmem:s1], [sflag:$0x4] =	stream.linear.gather [spmem:s22], $0x4000, $0x38;
	[tilespmem:$0x1FF00] =	vst v63  }
0xe0: {  	_ =	swait.ge [sflag:s8], $0x4000  }
0xe1: {  	[sflag:s8] =	ssyncset.done $0x0  }
0xe2: {  	s23 =	rddreg [dreg:$0x6];
	[sflag:s8] =	ssyncadd.s32 $0xFFFFC000  }
0xe3: {  	[hbm4b:s23+s3] =	stream.linear.scatter [tilespmem:s1], [sflag:$0x4], $0x4000, $0x38;
	[tilespmem:$0x1FF00] =	vst v63  }
0xe4: {  	_ =	swait.ge [sflag:s8], $0x4000  }
0xe5: {  	[sflag:s8] =	ssyncset.done $0x0  }
0xe6: {  	s21 =	rddreg [dreg:$0x10];
	[sflag:s8] =	ssyncadd.s32 $0xFFFFC000  }
0xe7: {  	[tilespmem:s1], [sflag:$0x4] =	stream.linear.gather [spmem:s21], $0x4000, $0x38;
	[tilespmem:$0x1FF00] =	vst v63  }
0xe8: {  	_ =	swait.ge [sflag:s8], $0x4000  }
0xe9: {  	[sflag:s8] =	ssyncset.done $0x0  }
0xea: {  	s22 =	rddreg [dreg:$0x7];
	[sflag:s8] =	ssyncadd.s32 $0xFFFFC000  }
0xeb: {  	[hbm4b:s22+s3] =	stream.linear.scatter [tilespmem:s1], [sflag:$0x4], $0x4000, $0x38;
	[tilespmem:$0x1FF00] =	vst v63  }
0xec: {  	_ =	swait.ge [sflag:s8], $0x4000  }
0xed: {  	[sflag:s8] =	ssyncset.done $0x0  }
0xee: {  	s23 =	rddreg [dreg:$0x11];
	[sflag:s8] =	ssyncadd.s32 $0xFFFFC000  }
0xef: {  	[tilespmem:s1], [sflag:$0x4] =	stream.linear.gather [spmem:s23], $0x4000, $0x38;
	[tilespmem:$0x1FF00] =	vst v63  }
0xf0: {  	_ =	swait.ge [sflag:s8], $0x4000  }
0xf1: {  	[sflag:s8] =	ssyncset.done $0x0  }
0xf2: {  	s21 =	rddreg [dreg:$0x8];
	[sflag:s8] =	ssyncadd.s32 $0xFFFFC000  }
0xf3: {  	[hbm4b:s21+s3] =	stream.linear.scatter [tilespmem:s1], [sflag:$0x4], $0x4000, $0x38;
	[tilespmem:$0x1FF00] =	vst v63  }
0xf4: {  	_ =	swait.ge [sflag:s8], $0x4000  }
0xf5: {  	[sflag:s8] =	ssyncset.done $0x0  }
0xf6: {  	s22 =	rddreg [dreg:$0x12];
	[sflag:s8] =	ssyncadd.s32 $0xFFFFC000  }
0xf7: {  	[tilespmem:s1], [sflag:$0x4] =	stream.linear.gather [spmem:s22], $0x4000, $0x38;
	[tilespmem:$0x1FF00] =	vst v63  }
0xf8: {  	s19 =	sadd.s32 $0x1, s19;
	_ =	swait.ge [sflag:s8], $0x4000  }
0xf9: {  	p0 =	sne.s32 s19, s24;
	[sflag:s8] =	ssyncset.done $0x0  }
.Ltmp2:
0xfa: {  	s23 =	rddreg [dreg:$0x9];
	[sflag:s8] =	ssyncadd.s32 $0xFFFFC000;
	(pc) =	sbr.rel @p0 .LBB2_1-.Ltmp2, $4  }
0xfb: {  	[hbm4b:s23+s3] =	stream.linear.scatter [tilespmem:s1], [sflag:$0x4], $0x4000, $0x38;
	[tilespmem:$0x1FF00] =	vst v63  }
0xfc: {  	_ =	swait.ge [sflag:s8], $0x4000  }
0xfd: {  	[sflag:s8] =	ssyncset.done $0x0  }
0xfe: {  	[sflag:s8] =	ssyncadd.s32 $0xFFFFC000  }
0xff: {  	_ =	sfence.sel $0x180000  }
0x100: {  	[bflag:$0x0] =	sbarrier.arrive $0xFFFF  }
0x101: {  	_ =	strace $0x9000004A  }
0x102: {  	s0 =	stileid.u32;
	[bflag:$0x2] =	sbarrier.arrive $0xFFFF  }
0x103: {  	p0 =	sne.s32 s0, $0x0;
	s0 =	rddreg [dreg:$0x2]  }
0x104: {  	s0 =	sadd.s32 @!p0 $0x100000, s0  }
0x105: {  	[sflag:s0] =	ssyncadd.tile.s32 @!p0 $0x1;
	_ =	shalt  }
.Lfunc_end2:
_tile_overlayer_lowered:
.L_overlay_start_2:
0x106: {  	(tag) =	ssettag $0x2  }
0x107: {  	s0 =	rddreg [dreg:$0x0];
	s2 =	stileid.u32  }
0x108: {  	s1 =	rddreg [dreg:$0x1];
	p0 =	sne.s32 s2, $0x0  }
0x109: {  	s3 =	rddreg [dreg:$0x2];
	[bflag:$0x3] =	sbarrier.arrive $0xFFFF;
	s2 =	simm.s32 @!p0 $0x1C04  }
0x10a: {  	[timem:s3], [sflag:s2] =	dma.local @!p0 [hbm:s0], s1  }
0x10b: {  	s0 =	simm.s32 @!p0 $0x4  }
0x10c: {  	_ =	swait.ge @!p0 [sflag:s0], s1  }
0x10d: {  	s1 =	ssub.s32 @!p0 $0x0, s1;
	[sflag:s0] =	ssyncset.done @!p0 $0x0  }
0x10e: {  	[sflag:s0] =	ssyncadd.s32 @!p0 s1  }
0x10f: {  	[bflag:$0x3] =	sbarrier.arrive $0xFFFF  }
0x110: {  	_ =	shalt  }

// kernel: kernel.16.cloned.1.call-start
scs
__scs_entry_jumppad:
0x0: {  	(pc) =	sbr.rel $0x88, $3  }
0x1: {  	(tag) =	ssettag $0x0;
	lr =	simm.s32 $0x1  }
0x2: {  	[smem:$0x3F81] =	sst lr;
	_ =	strace $0xD0000000  }
0x3: {  	_ = 	snop  }
0x4: {  	_ = 	snop  }
0x5: {  	_ = 	snop  }
0x6: {  	_ = 	snop  }
0x7: {  	_ = 	snop  }
__scs_overlays_trampoline_lowered:
0x8: {  	[smem:$0x3F90] =	sst s0  }
0x9: {  	[smem:$0x3F91] =	sst s1  }
0xa: {  	[smem:$0x3F92] =	sst s2  }
0xb: {  	[smem:$0x3F93] =	sst s3  }
0xc: {  	[smem:$0x3F94] =	sst s4  }
0xd: {  	[smem:$0x3F95] =	sst s5  }
0xe: {  	[smem:$0x3F96] =	sst s6  }
0xf: {  	[smem:$0x3F97] =	sst s7  }
0x10: {  	[smem:$0x3F98] =	sst s8  }
0x11: {  	[smem:$0x3F99] =	sst s9;
	s0 =	simm.s32 @!p0 $0x0  }
0x12: {  	s1 =	sld [smem:$0x3F7F];
	s0 =	simm.s32 @p0 $0x1  }
0x13: {  	[smem:$0x3F9A] =	sst s0;
	s0 =	simm.s32 @!p1 $0x0  }
0x14: {  	s2 =	sld [smem:$0x3F7E];
	s0 =	simm.s32 @p1 $0x1  }
0x15: {  	[smem:$0x3F9B] =	sst s0;
	s0 =	simm.s32 @!p2 $0x0  }
0x16: {  	s3 =	sld [smem:$0x3FDB];
	s0 =	simm.s32 @p2 $0x1  }
0x17: {  	s4 =	simm.s32 $0x1BF5;
	[smem:$0x3F9D] =	sst s0  }
0x18: {  	s0 =	sld [smem:$0x3F80];
	_ =	swait.ge [sflag:s4], $0x0  }
0x19: {  	s7 =	sld [smem:$0x3F81]  }
0x1a: {  	s8 =	sadd.s32 $0xFFFFE003, lr  }
0x1b: {  	s9 =	sadd.s32 $0xFFFFFEF7, lr;
	s5 =	simm.s32 $0xFFFFFFFF;
	p2 =	slt.u32 s8, $0xFFFFF086  }
0x1c: {  	p1 =	slt.u32 s9, $0xF7A;
	s5 =	simm.s32 @!p2 $0x0  }
0x1d: {  	s5 =	simm.s32 @p1 $0x1;
	p0 =	seq.s32 s7, s2  }
0x1e: {  	s7 =	smul.u32 @!p0 $0xF7A, s2;
	p2 =	seq.s32 @!p0 s5, $0x0  }
0x1f: {  	s9 =	smul.u32 $0xF7A, s1;
	s8 =	simm.s32 @!p0 $0x1BF5;
	p2 =	por !p2, p0  }
0x20: {  	[sflag:s8] =	ssyncset.s32 @!p0 $0xFFFFF086;
	s6 =	sadd.s32 @!p0 s3, s7;
	s7 =	simm.s32 @!p0 $0x108  }
0x21: {  	s3 =	sadd.s32 s3, s9;
	s6 =	sadd.s32 @!p0 $0x88, s6;
	s7 =	simm.s32 @p2 $0x1082  }
0x22: {  	[simem:s7], [sflag:s8] =	dma.local @!p0 [hbm:s6], $0xF7A  }
0x23: {  	s9 =	sor.u32 $0xD0000000, s2;
	s6 =	simm.s32 $0x108;
	_ =	swait.ge @!p0 [sflag:s8], $0x0  }
0x24: {  	s3 =	sadd.s32 $0x88, s3;
	s6 =	simm.s32 @!p1 $0x1082;
	[sflag:s4] =	ssyncset.s32 $0xFFFFF086  }
0x25: {  	[simem:s6], [sflag:s4] =	dma.local [hbm:s3], $0xF7A  }
0x26: {  	[smem:$0x3F81] =	sst s1;
	(tag) =	ssettag s2;
	_ =	strace s9  }
0x27: {  	s1 =	sld [smem:$0x3F91]  }
0x28: {  	s2 =	sld [smem:$0x3F92]  }
0x29: {  	s4 =	sld [smem:$0x3F94]  }
0x2a: {  	p0 =	seq.s32 s5, $0x0;
	s5 =	sld [smem:$0x3F95]  }
0x2b: {  	s6 =	sld [smem:$0x3F96]  }
0x2c: {  	s7 =	sld [smem:$0x3F97]  }
0x2d: {  	s3 =	simm.s32 $0x108;
	s8 =	sld [smem:$0x3F98]  }
0x2e: {  	s3 =	simm.s32 @!p0 $0x1082;
	s9 =	sld [smem:$0x3F99]  }
0x2f: {  	lr =	sadd.s32 s0, s3;
	s0 =	sld [smem:$0x3F90]  }
0x30: {  	s3 =	sld [smem:$0x3F93]  }
0x31: {  	[smem:$0x3F9C] =	sst s10  }
0x32: {  	s10 =	sld [smem:$0x3F9A];
	_ =	sdelay $0x3  }
0x33: {  	p0 =	seq.s32 s10, $0x1;
	s10 =	sld [smem:$0x3F9C];
	_ =	sdelay $0x3  }
0x34: {  	[smem:$0x3F9C] =	sst s10  }
0x35: {  	s10 =	sld [smem:$0x3F9B];
	_ =	sdelay $0x3  }
0x36: {  	p1 =	seq.s32 s10, $0x1;
	s10 =	sld [smem:$0x3F9C];
	_ =	sdelay $0x3  }
0x37: {  	[smem:$0x3F9C] =	sst s10  }
0x38: {  	s10 =	sld [smem:$0x3F9D]  }
0x39: {  	_ = 	snop;
	(pc) =	sbr.ind lr, $3  }
0x3a: {  	_ = 	snop  }
0x3b: {  	_ = 	snop  }
0x3c: {  	p2 =	seq.s32 s10, $0x1;
	s10 =	sld [smem:$0x3F9C]  }
0x3d: {  	_ =	shalt  }
0x3e: {  	_ =	shalt  }
0x3f: {  	_ =	shalt  }
0x40: {  	_ =	shalt  }
0x41: {  	_ =	shalt  }
0x42: {  	_ =	shalt  }
0x43: {  	_ =	shalt  }
0x44: {  	_ =	shalt  }
0x45: {  	_ =	shalt  }
0x46: {  	_ =	shalt  }
0x47: {  	_ =	shalt  }
0x48: {  	_ =	shalt  }
0x49: {  	_ =	shalt  }
0x4a: {  	_ =	shalt  }
0x4b: {  	_ =	shalt  }
0x4c: {  	_ =	shalt  }
0x4d: {  	_ =	shalt  }
0x4e: {  	_ =	shalt  }
0x4f: {  	_ =	shalt  }
0x50: {  	_ =	shalt  }
0x51: {  	_ =	shalt  }
0x52: {  	_ =	shalt  }
0x53: {  	_ =	shalt  }
0x54: {  	_ =	shalt  }
0x55: {  	_ =	shalt  }
0x56: {  	_ =	shalt  }
0x57: {  	_ =	shalt  }
0x58: {  	_ =	shalt  }
0x59: {  	_ =	shalt  }
0x5a: {  	_ =	shalt  }
0x5b: {  	_ =	shalt  }
0x5c: {  	_ =	shalt  }
0x5d: {  	_ =	shalt  }
0x5e: {  	_ =	shalt  }
0x5f: {  	_ =	shalt  }
0x60: {  	_ =	shalt  }
0x61: {  	_ =	shalt  }
0x62: {  	_ =	shalt  }
0x63: {  	_ =	shalt  }
0x64: {  	_ =	shalt  }
0x65: {  	_ =	shalt  }
0x66: {  	_ =	shalt  }
0x67: {  	_ =	shalt  }
0x68: {  	_ =	shalt  }
0x69: {  	_ =	shalt  }
0x6a: {  	_ =	shalt  }
0x6b: {  	_ =	shalt  }
0x6c: {  	_ =	shalt  }
0x6d: {  	_ =	shalt  }
0x6e: {  	_ =	shalt  }
0x6f: {  	_ =	shalt  }
0x70: {  	_ =	shalt  }
0x71: {  	_ =	shalt  }
0x72: {  	_ =	shalt  }
0x73: {  	_ =	shalt  }
0x74: {  	_ =	shalt  }
0x75: {  	_ =	shalt  }
0x76: {  	_ =	shalt  }
0x77: {  	_ =	shalt  }
0x78: {  	_ =	shalt  }
0x79: {  	_ =	shalt  }
0x7a: {  	_ =	shalt  }
0x7b: {  	_ =	shalt  }
0x7c: {  	_ =	shalt  }
0x7d: {  	_ =	shalt  }
0x7e: {  	_ =	shalt  }
0x7f: {  	_ =	shalt  }
0x80: {  	_ =	shalt  }
0x81: {  	_ =	shalt  }
0x82: {  	_ =	shalt  }
0x83: {  	_ =	shalt  }
0x84: {  	_ =	shalt  }
0x85: {  	_ =	shalt  }
0x86: {  	_ =	shalt  }
0x87: {  	_ =	shalt  }
.Lfunc_end0:
.L_simem_size_0:
called_computation.2_lowered:
.L_overlay_start_0:
0x88: {  	s2 =	sld [smem:$0x3FD9]  }
0x89: {  	s3 =	sld [smem:$0x3FFE];
	_ =	sdelay $0x1  }
0x8a: {  	s1 =	srdreg.scid  }
0x8b: {  	s0 =	sand.u32 $0x1, s1  }
0x8c: {  	s16 =	sshll.u32 s0, $0xA;
	s2 =	sadd.s32 s3, s2  }
0x8d: {  	s2 =	sadd.s32 s2, s16  }
0x8e: {  	[smem:$0x3FA8] =	sst s2  }
0x8f: {  	_ = 	snop  }
0x90: {  	(tm) =	ssettm $0x1  }
0x91: {  	s17 =	sld [smem:$0x3FFB];
	_ =	sdelay $0x3  }
0x92: {  	_ =	strace s17  }
0x93: {  	s2 =	sld [smem:$0x3FFC];
	_ =	sdelay $0x3  }
0x94: {  	_ =	strace s2  }
0x95: {  	s2 =	sld [smem:$0x3FFD];
	_ =	sdelay $0x3  }
0x96: {  	_ =	strace s2  }
0x97: {  	_ =	strace $0x8FFFFFFF  }
0x98: {  	s18 =	sld [smem:$0x3FDB];
	_ =	sdelay $0x1  }
0x99: {  	s19 =	simm.s32 $_scs_section_size  }
0x9a: {  	s4 =	simm.s32 $_size__tile_overlayer_lowered;
	s5 =	simm.s32 $_tile_overlayer_lowered  }
0x9b: {  	s22 =	simm.s32 $0x1BFF;
	s21 =	sshll.u32 s5, $0x1;
	s2 =	sadd.s32 s19, s18  }
0x9c: {  	s6 =	simm.s32 $0x0;
	s20 =	sshll.u32 s4, $0x1;
	s4 =	sadd.s32 s21, s2  }
0x9d: {  	[timem:s6], [sflag:s22] =	dma.local [hbm:s4], s20  }
0x9e: {  	_ =	swait.ge [sflag:s22], s20  }
0x9f: {  	s3 =	ssub.s32 $0x0, s20;
	[sflag:s22] =	ssyncset.done $0x0  }
0xa0: {  	[sflag:s22] =	ssyncadd.s32 s3;
	_ =	sdelay $0x1  }
0xa1: {  	s23 =	simm.s32 $0x1B8B  }
0xa2: {  	_ =	swait.ge [sflag:s23], $0x1  }
0xa3: {  	[sflag:s23] =	ssyncset.done $0x0  }
0xa4: {  	s25 =	simm.s32 $0x1B8E;
	s24 =	sld [smem:$0x3FFE];
	[sflag:s23] =	ssyncadd.s32 $0xFFFFFFFF  }
0xa5: {  	s26 =	simm.s32 $execute0_lowered;
	[smem:$0x3FD2] =	sst s25  }
0xa6: {  	s4 =	sshll.u32 s26, $0x1;
	_ =	strace $0x8000004C;
	[dreg:$0x1] =	wrdreg $0xFFFFFFFF  }
0xa7: {  	s28 =	simm.s32 $_size_execute0_lowered;
	s2 =	sadd.s32 s2, s4;
	[dreg:$0x0] =	wrdreg $0x0  }
0xa8: {  	s4 =	sshll.u32 s28, $0x1;
	[dreg:$0x2] =	wrdreg s2  }
0xa9: {  	[dreg:$0x3] =	wrdreg s4  }
0xaa: {  	[dreg:$0x4] =	wrdreg $0xC0  }
0xab: {  	_ =	task [dreg:s6], $0x5FFFF  }
0xac: {  	[dreg:$0x1] =	wrdreg $0xFFFFFFFF  }
0xad: {  	[dreg:$0x0] =	wrdreg $0x60  }
0xae: {  	[dreg:$0x2] =	wrdreg s24  }
0xaf: {  	[dreg:$0x3] =	wrdreg $0xC3000  }
0xb0: {  	[dreg:$0x4] =	wrdreg $0x9  }
0xb1: {  	_ =	task.clear_ibuf [dreg:s6], $0x5FFFF;
	_ =	strace $0x9000004C  }
0xb2: {  	s29 =	simm.s32 $0x9;
	_ =	strace $0x8000004E  }
0xb3: {  	_ =	swait.ge [sflag:s29], $0x1  }
0xb4: {  	[sflag:s29] =	ssyncadd.s32 $0xFFFFFFFF  }
0xb5: {  	_ =	strace $0x9000004E  }
0xb6: {  	_ =	sfence  }
0xb7: {  	s30 =	sld [smem:$0x0];
	_ =	sdelay $0x2  }
0xb8: {  	s31 =	sshll.u32 s1, $0xD;
	s1 =	sshrl.u32 s1, $0x2  }
0xb9: {  	s3 =	sand.u32 $0x4000, s31;
	s1 =	sadd.s32 s1, s30  }
0xba: {  	s0 =	sor.u32 s3, s0;
	s1 =	sshll.u32 s1, $0x11  }
0xbb: {  	s0 =	sor.u32 s1, s0  }
0xbc: {  	s0 =	sadd.s32 $0x8F2B, s0  }
0xbd: {  	[sflag:s0] =	ssyncadd.remote.s32 $0x1  }
0xbe: {  	_ =	sfence.sel $0xFFFF  }
0xbf: {  	[dreg:$0x0] =	wrdreg $0xFFFFFFFF;
	(pc) =	sbr.abs _section_cstart, $3  }
0xc0: {  	[dreg:$0x1] =	wrdreg $0xFFFFFFFF  }
0xc1: {  	_ =	task.clear_ibuf [dreg:s6], $0x2FFFF;
	_ =	strace $0x9FFFFFFF  }
0xc2: {  	(tm) =	ssettm $0x7FFFFFFF  }
0xc3: {  	_ =	shalt  }
tec
execute0_lowered:
.L_overlay_start_1:
0x0: {  	(tag) =	ssettag $0x1  }
0x1: {  	s18 =	stileid.u32  }
0x2: {  	s0 =	rddreg [dreg:$0x0];
	s10 =	smul.u32 $0x4F000, s18  }
0x3: {  	s2 =	rddreg [dreg:$0x1];
	s19 =	smul.u32 $0x13800, s18  }
0x4: {  	s3 =	simm.s32 $0x0;
	s1 =	srdreg.scid;
	s14 =	smul.u32 $0x4E000, s18  }
0x5: {  	s1 =	sand.u32 $0x1, s1;
	s4 =	sshll.u32 s18, $0x1;
	s18 =	smul.u32 $0xA000, s18  }
0x6: {  	[smem:$0x7FF] =	sst s3;
	s6 =	sadd.s32 $0x1B600, s0;
	s20 =	smul.u32 $0x138800, s1  }
0x7: {  	_ =	strace $0x8000004D;
	s5 =	sor.u32 s1, s4;
	s26 =	smul.u32 $0x5000, s1  }
0x8: {  	s4 =	sadd.s32 $0x43A00, s0;
	s7 =	ssub.s32 $0x2, s1;
	s8 =	smul.u32 $0x5000, s5  }
0x9: {  	s5 =	sadd.s32 $0x2F800, s0;
	s9 =	sshrl.u32 s7, $0x1;
	s0 =	sadd.s32 $0x91E00, s0  }
0xa: {  	s17 =	sshrl.u32 s10, $0x2;
	s13 =	sadd.s32 $0x4000, s19;
	s24 =	sadd.s32 $0xC000, s19  }
0xb: {  	s10 =	sadd.s32 $0x10000, s19;
	s9 =	ssub.s32 s7, s9;
	s7 =	sadd.s32 s17, s2  }
0xc: {  	s15 =	sadd.s32 s19, s20;
	s16 =	sadd.s32 s20, s13;
	s17 =	sadd.s32 $0x8000, s19  }
0xd: {  	s25 =	sadd.s32 s20, s24;
	s19 =	sshrl.u32 s14, $0x2;
	s14 =	simm.s32 $0x280  }
0xe: {  	s8 =	sshrl.u32 s8, $0x3;
	s15 =	sshrl.u32 s15, $0x3;
	s16 =	sshrl.u32 s16, $0x3  }
0xf: {  	s23 =	sadd.s32 s20, s17;
	s29 =	sadd.s32 $0x4000, s7;
	s11 =	sadd.s32 s5, s8  }
0x10: {  	s30 =	sadd.s32 $0x8000, s7;
	s12 =	sadd.s32 s6, s8;
	[dreg:$0x3] =	wrdreg s11  }
0x11: {  	s31 =	sadd.s32 $0xC000, s7;
	s15 =	sadd.s32 s0, s15;
	[dreg:$0x4] =	wrdreg s12  }
0x12: {  	s21 =	sor.u32 $0x10, s8;
	s22 =	sadd.s32 s0, s16;
	[dreg:$0x5] =	wrdreg s15  }
0x13: {  	s16 =	simm.s32 $0x1;
	[dreg:$0x6] =	wrdreg s22;
	s12 =	sadd.s32 s6, s21  }
0x14: {  	s11 =	sadd.s32 s20, s10;
	s20 =	sadd.s32 s19, s2;
	[dreg:$0xb] =	wrdreg s12  }
0x15: {  	s15 =	sshrl.u32 s23, $0x3;
	s22 =	sadd.s32 s17, s2;
	[dreg:$0xe] =	wrdreg s20  }
0x16: {  	s23 =	sadd.s32 s24, s2;
	s24 =	sadd.s32 s10, s2;
	[dreg:$0x10] =	wrdreg s22  }
0x17: {  	s10 =	simm.s32 $0x100;
	s17 =	simm.s32 $0x2;
	[dreg:$0x11] =	wrdreg s23  }
0x18: {  	s19 =	simm.s32 $0x0;
	s15 =	sadd.s32 s0, s15;
	[dreg:$0x12] =	wrdreg s24  }
0x19: {  	s11 =	sshrl.u32 s11, $0x3;
	[dreg:$0x7] =	wrdreg s15;
	s15 =	sshrl.u32 s25, $0x3  }
0x1a: {  	s24 =	smax.u32 s9, $0x1;
	s9 =	simm.s32 $0x80;
	s15 =	sadd.s32 s0, s15  }
0x1b: {  	s12 =	simm.s32 $0x4300;
	s0 =	sadd.s32 s0, s11;
	[dreg:$0x8] =	wrdreg s15  }
0x1c: {  	s11 =	sadd.s32 s5, s21;
	s21 =	sadd.s32 s13, s2;
	[dreg:$0x9] =	wrdreg s0  }
0x1d: {  	s13 =	simm.s32 $0x200;
	[dreg:$0xa] =	wrdreg s11;
	s15 =	sor.u32 $0x20, s8  }
0x1e: {  	s0 =	sadd.s32 s26, s18;
	[dreg:$0xf] =	wrdreg s21;
	s11 =	simm.s32 $0x180  }
0x1f: {  	s18 =	simm.s32 $0x3;
	s8 =	sadd.s32 s5, s15;
	s1 =	sadd.s32 s6, s15  }
0x20: {  	s25 =	sor.u32 $0x280, s0;
	s26 =	sor.u32 $0x200, s0;
	[dreg:$0xc] =	wrdreg s8  }
0x21: {  	s0 =	sor.u32 $0x180, s0;
	s15 =	simm.s32 $0x8300;
	[dreg:$0xd] =	wrdreg s1  }
0x22: {  	s25 =	sshrl.u32 s25, $0x3;
	s26 =	sshrl.u32 s26, $0x3;
	s28 =	sshrl.u32 s0, $0x3  }
0x23: {  	v0 =	vimm.f32 $0.0e+00;
	s0 =	sadd.s32 $0x10000, s7;
	s1 =	simm.s32 $0x300;
	s8 =	simm.s32 $0x4  }
.LBB2_1:
0x24: {  	s20 =	simm.s32 $0x0;
	s21 =	simm.s32 $0x200  }
.LBB2_2:
0x25: {  	p0 =	sne.s32 s21, $0xFE00;
	[tilespmem:s20+$0x370] =	vst v0  }
0x26: {  	[tilespmem:s20+$0x300] =	vst v0  }
0x27: {  	[tilespmem:s20+$0x310] =	vst v0  }
.Ltmp0:
0x28: {  	[tilespmem:s20+$0x320] =	vst v0;
	(pc) =	sbr.rel @p0 .LBB2_2-.Ltmp0, $4  }
0x29: {  	[tilespmem:s20+$0x330] =	vst v0  }
0x2a: {  	[tilespmem:s20+$0x340] =	vst v0  }
0x2b: {  	[tilespmem:s20+$0x350] =	vst v0  }
0x2c: {  	[tilespmem:s20+$0x360] =	vst v0;
	s20 =	sshra.s32 s21, $0x2;
	s21 =	sadd.s32 $0x200, s21  }
0x2d: {  	[tilespmem:s20+$0x370] =	vst v0  }
0x2e: {  	[tilespmem:s20+$0x300] =	vst v0  }
0x2f: {  	[tilespmem:s20+$0x310] =	vst v0  }
0x30: {  	[tilespmem:s20+$0x320] =	vst v0  }
0x31: {  	[tilespmem:s20+$0x330] =	vst v0  }
0x32: {  	[tilespmem:s20+$0x340] =	vst v0  }
0x33: {  	[tilespmem:s20+$0x350] =	vst v0  }
0x34: {  	[tilespmem:s20+$0x360] =	vst v0  }
0x35: {  	[spmem:s7] =	stream.linear.scatter [tilespmem:s1], [sflag:$0x4], $0x4000, $0x38;
	[tilespmem:$0x1FF00] =	vst v63  }
0x36: {  	_ =	swait.ge [sflag:s8], $0x4000  }
0x37: {  	[sflag:s8] =	ssyncset.done $0x0  }
0x38: {  	[sflag:s8] =	ssyncadd.s32 $0xFFFFC000  }
0x39: {  	[spmem:s29] =	stream.linear.scatter [tilespmem:s1], [sflag:$0x4], $0x4000, $0x38;
	[tilespmem:$0x1FF00] =	vst v63  }
0x3a: {  	_ =	swait.ge [sflag:s8], $0x4000  }
0x3b: {  	[sflag:s8] =	ssyncset.done $0x0  }
0x3c: {  	[sflag:s8] =	ssyncadd.s32 $0xFFFFC000  }
0x3d: {  	[spmem:s30] =	stream.linear.scatter [tilespmem:s1], [sflag:$0x4], $0x4000, $0x38;
	[tilespmem:$0x1FF00] =	vst v63  }
0x3e: {  	_ =	swait.ge [sflag:s8], $0x4000  }
0x3f: {  	[sflag:s8] =	ssyncset.done $0x0  }
0x40: {  	[sflag:s8] =	ssyncadd.s32 $0xFFFFC000  }
0x41: {  	[spmem:s31] =	stream.linear.scatter [tilespmem:s1], [sflag:$0x4], $0x4000, $0x38;
	[tilespmem:$0x1FF00] =	vst v63  }
0x42: {  	_ =	swait.ge [sflag:s8], $0x4000  }
0x43: {  	[sflag:s8] =	ssyncset.done $0x0  }
0x44: {  	[sflag:s8] =	ssyncadd.s32 $0xFFFFC000  }
0x45: {  	[spmem:s0] =	stream.linear.scatter [tilespmem:s1], [sflag:$0x4], $0x3C00, $0x38;
	[tilespmem:$0x1FF00] =	vst v63  }
0x46: {  	_ =	swait.ge [sflag:s8], $0x3C00  }
0x47: {  	[sflag:s8] =	ssyncset.done $0x0  }
0x48: {  	[sflag:s8] =	ssyncadd.s32 $0xFFFFC400  }
0x49: {  	[bflag:$0x0] =	sbarrier.arrive $0xFFFF  }
0x4a: {  	s21 =	rddreg [dreg:$0x3]  }
0x4b: {  	[tilespmem:s3], [sflag:$0x4] =	stream.linear.gather [hbm4b:s21+s3], $0x80, $0x38;
	[tilespmem:$0x1FF00] =	vst v63  }
0x4c: {  	_ =	swait.ge [sflag:s8], $0x80  }
0x4d: {  	[sflag:s8] =	ssyncset.done $0x0  }
0x4e: {  	s22 =	rddreg [dreg:$0x4];
	[sflag:s8] =	ssyncadd.s32 $0xFFFFFF80  }
0x4f: {  	[tilespmem:s9], [sflag:$0x4] =	stream.linear.gather [hbm4b:s22+s3], $0x80, $0x38;
	[tilespmem:$0x1FF00] =	vst v63  }
0x50: {  	_ =	swait.ge [sflag:s8], $0x80  }
0x51: {  	[sflag:s8] =	ssyncset.done $0x0  }
0x52: {  	[sflag:s8] =	ssyncadd.s32 $0xFFFFFF80  }
0x53: {  	[tilespmem:s1], [sflag:$0x1] =	stream.indirect.gather [hbm4b:s4+s9], $0x80, s3, s9, $0xb8;
	[tilespmem:$0x1FF00] =	vst v63  }
0x54: {  	s23 =	rddreg [dreg:$0xa]  }
0x55: {  	[tilespmem:s10], [sflag:$0x4] =	stream.linear.gather [hbm4b:s23+s3], $0x80, $0x38;
	[tilespmem:$0x1FF00] =	vst v63  }
0x56: {  	_ =	swait.ge [sflag:s8], $0x80  }
0x57: {  	[sflag:s8] =	ssyncset.done $0x0  }
0x58: {  	s21 =	rddreg [dreg:$0xb];
	[sflag:s8] =	ssyncadd.s32 $0xFFFFFF80  }
0x59: {  	[tilespmem:s11], [sflag:$0x4] =	stream.linear.gather [hbm4b:s21+s3], $0x80, $0x38;
	[tilespmem:$0x1FF00] =	vst v63  }
0x5a: {  	_ =	swait.ge [sflag:s8], $0x80  }
0x5b: {  	[sflag:s8] =	ssyncset.done $0x0  }
0x5c: {  	[sflag:s8] =	ssyncadd.s32 $0xFFFFFF80  }
0x5d: {  	[tilespmem:s12], [sflag:$0x2] =	stream.indirect.gather [hbm4b:s4+s9], $0x80, s10, s9, $0xb8;
	[tilespmem:$0x1FF00] =	vst v63  }
0x5e: {  	s22 =	rddreg [dreg:$0xc]  }
0x5f: {  	[tilespmem:s13], [sflag:$0x4] =	stream.linear.gather [hbm4b:s22+s3], $0x80, $0x38;
	[tilespmem:$0x1FF00] =	vst v63  }
0x60: {  	_ =	swait.ge [sflag:s8], $0x80  }
0x61: {  	[sflag:s8] =	ssyncset.done $0x0  }
0x62: {  	s23 =	rddreg [dreg:$0xd];
	[sflag:s8] =	ssyncadd.s32 $0xFFFFFF80  }
0x63: {  	[tilespmem:s14], [sflag:$0x4] =	stream.linear.gather [hbm4b:s23+s3], $0x80, $0x38;
	[tilespmem:$0x1FF00] =	vst v63  }
0x64: {  	_ =	swait.ge [sflag:s8], $0x80  }
0x65: {  	[sflag:s8] =	ssyncset.done $0x0  }
0x66: {  	[sflag:s8] =	ssyncadd.s32 $0xFFFFFF80  }
0x67: {  	[tilespmem:s15], [sflag:$0x3] =	stream.indirect.gather [hbm4b:s4+s9], $0x80, s13, s9, $0xb8;
	[tilespmem:$0x1FF00] =	vst v63  }
0x68: {  	_ =	swait.ge [sflag:s16], $0x4000  }
0x69: {  	[sflag:s16] =	ssyncset.done $0x0  }
0x6a: {  	[sflag:s16] =	ssyncadd.s32 $0xFFFFC000  }
0x6b: {  	[spmem:s2] =	stream.indirect.scatter.add.f32 [tilespmem:s1], [sflag:$0x4], $0x80, s9, s9, $0xb8;
	[tilespmem:$0x1FF00] =	vst v63  }
0x6c: {  	_ =	swait.ge [sflag:s8], $0x4000  }
0x6d: {  	[sflag:s8] =	ssyncset.done $0x0  }
0x6e: {  	s21 =	sadd.s32 s5, s28;
	[sflag:s8] =	ssyncadd.s32 $0xFFFFC000  }
0x6f: {  	[tilespmem:s3], [sflag:$0x4] =	stream.linear.gather [hbm4b:s21+s3], $0x80, $0x38;
	[tilespmem:$0x1FF00] =	vst v63  }
0x70: {  	_ =	swait.ge [sflag:s8], $0x80  }
0x71: {  	[sflag:s8] =	ssyncset.done $0x0  }
0x72: {  	s22 =	sadd.s32 s6, s28;
	[sflag:s8] =	ssyncadd.s32 $0xFFFFFF80  }
0x73: {  	[tilespmem:s9], [sflag:$0x4] =	stream.linear.gather [hbm4b:s22+s3], $0x80, $0x38;
	[tilespmem:$0x1FF00] =	vst v63  }
0x74: {  	_ =	swait.ge [sflag:s8], $0x80  }
0x75: {  	[sflag:s8] =	ssyncset.done $0x0  }
0x76: {  	[sflag:s8] =	ssyncadd.s32 $0xFFFFFF80  }
0x77: {  	[tilespmem:s1], [sflag:$0x1] =	stream.indirect.gather [hbm4b:s4+s9], $0x80, s3, s9, $0xb8;
	[tilespmem:$0x1FF00] =	vst v63  }
0x78: {  	_ =	swait.ge [sflag:s17], $0x4000  }
0x79: {  	[sflag:s17] =	ssyncset.done $0x0  }
0x7a: {  	[sflag:s17] =	ssyncadd.s32 $0xFFFFC000  }
0x7b: {  	[spmem:s2] =	stream.indirect.scatter.add.f32 [tilespmem:s12], [sflag:$0x4], $0x80, s11, s9, $0xb8;
	[tilespmem:$0x1FF00] =	vst v63  }
0x7c: {  	_ =	swait.ge [sflag:s8], $0x4000  }
0x7d: {  	[sflag:s8] =	ssyncset.done $0x0  }
0x7e: {  	s23 =	sadd.s32 s5, s26;
	[sflag:s8] =	ssyncadd.s32 $0xFFFFC000  }
0x7f: {  	[tilespmem:s10], [sflag:$0x4] =	stream.linear.gather [hbm4b:s23+s3], $0x80, $0x38;
	[tilespmem:$0x1FF00] =	vst v63  }
0x80: {  	_ =	swait.ge [sflag:s8], $0x80  }
0x81: {  	[sflag:s8] =	ssyncset.done $0x0  }
0x82: {  	s21 =	sadd.s32 s6, s26;
	[sflag:s8] =	ssyncadd.s32 $0xFFFFFF80  }
0x83: {  	[tilespmem:s11], [sflag:$0x4] =	stream.linear.gather [hbm4b:s21+s3], $0x80, $0x38;
	[tilespmem:$0x1FF00] =	vst v63  }
0x84: {  	_ =	swait.ge [sflag:s8], $0x80  }
0x85: {  	[sflag:s8] =	ssyncset.done $0x0  }
0x86: {  	[sflag:s8] =	ssyncadd.s32 $0xFFFFFF80  }
0x87: {  	[tilespmem:s12], [sflag:$0x2] =	stream.indirect.gather [hbm4b:s4+s9], $0x80, s10, s9, $0xb8;
	[tilespmem:$0x1FF00] =	vst v63  }
0x88: {  	_ =	swait.ge [sflag:s18], $0x4000  }
0x89: {  	[sflag:s18] =	ssyncset.done $0x0  }
0x8a: {  	[sflag:s18] =	ssyncadd.s32 $0xFFFFC000  }
0x8b: {  	[spmem:s2] =	stream.indirect.scatter.add.f32 [tilespmem:s15], [sflag:$0x4], $0x80, s14, s9, $0xb8;
	[tilespmem:$0x1FF00] =	vst v63  }
0x8c: {  	_ =	swait.ge [sflag:s8], $0x4000  }
0x8d: {  	[sflag:s8] =	ssyncset.done $0x0  }
0x8e: {  	s22 =	sadd.s32 s5, s25;
	[sflag:s8] =	ssyncadd.s32 $0xFFFFC000  }
0x8f: {  	[tilespmem:s13], [sflag:$0x4] =	stream.linear.gather [hbm4b:s22+s3], $0x80, $0x38;
	[tilespmem:$0x1FF00] =	vst v63  }
0x90: {  	_ =	swait.ge [sflag:s8], $0x80  }
0x91: {  	[sflag:s8] =	ssyncset.done $0x0  }
0x92: {  	s23 =	sadd.s32 s6, s25;
	[sflag:s8] =	ssyncadd.s32 $0xFFFFFF80  }
0x93: {  	[tilespmem:s14], [sflag:$0x4] =	stream.linear.gather [hbm4b:s23+s3], $0x80, $0x38;
	[tilespmem:$0x1FF00] =	vst v63  }
0x94: {  	_ =	swait.ge [sflag:s8], $0x80  }
0x95: {  	s20 =	simm.s32 $0x34;
	[sflag:s8] =	ssyncset.done $0x0  }
0x96: {  	s21 =	sadd.s32 $0x30, s6;
	s22 =	sadd.s32 $0x30, s5;
	[sflag:s8] =	ssyncadd.s32 $0xFFFFFF80  }
.LBB2_4:
0x97: {  	[tilespmem:s15], [sflag:$0x3] =	stream.indirect.gather [hbm4b:s4+s9], $0x80, s13, s9, $0xb8;
	[tilespmem:$0x1FF00] =	vst v63  }
0x98: {  	p0 =	sne.s32 s20, $0x1;
	s20 =	sadd.s32 $0xFFFFFFFF, s20;
	_ =	swait.ge [sflag:s16], $0x4000  }
0x99: {  	[sflag:s16] =	ssyncset.done $0x0  }
0x9a: {  	[sflag:s16] =	ssyncadd.s32 $0xFFFFC000  }
0x9b: {  	[spmem:s2] =	stream.indirect.scatter.add.f32 [tilespmem:s1], [sflag:$0x4], $0x80, s9, s9, $0xb8;
	[tilespmem:$0x1FF00] =	vst v63  }
0x9c: {  	_ =	swait.ge [sflag:s8], $0x4000  }
0x9d: {  	[sflag:s8] =	ssyncset.done $0x0  }
0x9e: {  	s23 =	sadd.s32 s22, s28;
	[sflag:s8] =	ssyncadd.s32 $0xFFFFC000  }
0x9f: {  	[tilespmem:s3], [sflag:$0x4] =	stream.linear.gather [hbm4b:s23+s3], $0x80, $0x38;
	[tilespmem:$0x1FF00] =	vst v63  }
0xa0: {  	_ =	swait.ge [sflag:s8], $0x80  }
0xa1: {  	[sflag:s8] =	ssyncset.done $0x0  }
0xa2: {  	s23 =	sadd.s32 s21, s28;
	[sflag:s8] =	ssyncadd.s32 $0xFFFFFF80  }
0xa3: {  	[tilespmem:s9], [sflag:$0x4] =	stream.linear.gather [hbm4b:s23+s3], $0x80, $0x38;
	[tilespmem:$0x1FF00] =	vst v63  }
0xa4: {  	_ =	swait.ge [sflag:s8], $0x80  }
0xa5: {  	[sflag:s8] =	ssyncset.done $0x0  }
0xa6: {  	[sflag:s8] =	ssyncadd.s32 $0xFFFFFF80  }
0xa7: {  	[tilespmem:s1], [sflag:$0x1] =	stream.indirect.gather [hbm4b:s4+s9], $0x80, s3, s9, $0xb8;
	[tilespmem:$0x1FF00] =	vst v63  }
0xa8: {  	_ =	swait.ge [sflag:s17], $0x4000  }
0xa9: {  	[sflag:s17] =	ssyncset.done $0x0  }
0xaa: {  	[sflag:s17] =	ssyncadd.s32 $0xFFFFC000  }
0xab: {  	[spmem:s2] =	stream.indirect.scatter.add.f32 [tilespmem:s12], [sflag:$0x4], $0x80, s11, s9, $0xb8;
	[tilespmem:$0x1FF00] =	vst v63  }
0xac: {  	_ =	swait.ge [sflag:s8], $0x4000  }
0xad: {  	[sflag:s8] =	ssyncset.done $0x0  }
0xae: {  	s23 =	sadd.s32 s22, s26;
	[sflag:s8] =	ssyncadd.s32 $0xFFFFC000  }
0xaf: {  	[tilespmem:s10], [sflag:$0x4] =	stream.linear.gather [hbm4b:s23+s3], $0x80, $0x38;
	[tilespmem:$0x1FF00] =	vst v63  }
0xb0: {  	_ =	swait.ge [sflag:s8], $0x80  }
0xb1: {  	[sflag:s8] =	ssyncset.done $0x0  }
0xb2: {  	s23 =	sadd.s32 s21, s26;
	[sflag:s8] =	ssyncadd.s32 $0xFFFFFF80  }
0xb3: {  	[tilespmem:s11], [sflag:$0x4] =	stream.linear.gather [hbm4b:s23+s3], $0x80, $0x38;
	[tilespmem:$0x1FF00] =	vst v63  }
0xb4: {  	_ =	swait.ge [sflag:s8], $0x80  }
0xb5: {  	[sflag:s8] =	ssyncset.done $0x0  }
0xb6: {  	[sflag:s8] =	ssyncadd.s32 $0xFFFFFF80  }
0xb7: {  	[tilespmem:s12], [sflag:$0x2] =	stream.indirect.gather [hbm4b:s4+s9], $0x80, s10, s9, $0xb8;
	[tilespmem:$0x1FF00] =	vst v63  }
0xb8: {  	_ =	swait.ge [sflag:s18], $0x4000  }
0xb9: {  	[sflag:s18] =	ssyncset.done $0x0  }
0xba: {  	[sflag:s18] =	ssyncadd.s32 $0xFFFFC000  }
0xbb: {  	[spmem:s2] =	stream.indirect.scatter.add.f32 [tilespmem:s15], [sflag:$0x4], $0x80, s14, s9, $0xb8;
	[tilespmem:$0x1FF00] =	vst v63  }
0xbc: {  	_ =	swait.ge [sflag:s8], $0x4000  }
0xbd: {  	[sflag:s8] =	ssyncset.done $0x0  }
0xbe: {  	s23 =	sadd.s32 s22, s25;
	[sflag:s8] =	ssyncadd.s32 $0xFFFFC000  }
0xbf: {  	[tilespmem:s13], [sflag:$0x4] =	stream.linear.gather [hbm4b:s23+s3], $0x80, $0x38;
	[tilespmem:$0x1FF00] =	vst v63  }
0xc0: {  	_ =	swait.ge [sflag:s8], $0x80  }
0xc1: {  	[sflag:s8] =	ssyncset.done $0x0  }
.Ltmp1:
0xc2: {  	s23 =	sadd.s32 s21, s25;
	[sflag:s8] =	ssyncadd.s32 $0xFFFFFF80;
	(pc) =	sbr.rel @p0 .LBB2_4-.Ltmp1, $4  }
0xc3: {  	[tilespmem:s14], [sflag:$0x4] =	stream.linear.gather [hbm4b:s23+s3], $0x80, $0x38;
	[tilespmem:$0x1FF00] =	vst v63  }
0xc4: {  	_ =	swait.ge [sflag:s8], $0x80  }
0xc5: {  	[sflag:s8] =	ssyncset.done $0x0  }
0xc6: {  	s22 =	sadd.s32 $0x30, s22;
	s21 =	sadd.s32 $0x30, s21;
	[sflag:s8] =	ssyncadd.s32 $0xFFFFFF80  }
0xc7: {  	[tilespmem:s15], [sflag:$0x3] =	stream.indirect.gather [hbm4b:s4+s9], $0x80, s13, s9, $0xb8;
	[tilespmem:$0x1FF00] =	vst v63  }
0xc8: {  	_ =	swait.ge [sflag:s16], $0x4000  }
0xc9: {  	[sflag:s16] =	ssyncset.done $0x0  }
0xca: {  	[sflag:s16] =	ssyncadd.s32 $0xFFFFC000  }
0xcb: {  	[spmem:s2] =	stream.indirect.scatter.add.f32 [tilespmem:s1], [sflag:$0x4], $0x80, s9, s9, $0xb8;
	[tilespmem:$0x1FF00] =	vst v63  }
0xcc: {  	_ =	swait.ge [sflag:s8], $0x4000  }
0xcd: {  	[sflag:s8] =	ssyncset.done $0x0  }
0xce: {  	[sflag:s8] =	ssyncadd.s32 $0xFFFFC000  }
0xcf: {  	_ =	swait.ge [sflag:s17], $0x4000  }
0xd0: {  	[sflag:s17] =	ssyncset.done $0x0  }
0xd1: {  	[sflag:s17] =	ssyncadd.s32 $0xFFFFC000  }
0xd2: {  	_ =	swait.ge [sflag:s18], $0x4000  }
0xd3: {  	[sflag:s18] =	ssyncset.done $0x0  }
0xd4: {  	[sflag:s18] =	ssyncadd.s32 $0xFFFFC000  }
0xd5: {  	[bflag:$0x0] =	sbarrier.arrive $0xFFFF  }
0xd6: {  	s20 =	rddreg [dreg:$0xe]  }
0xd7: {  	[tilespmem:s1], [sflag:$0x4] =	stream.linear.gather [spmem:s20], $0x4000, $0x38;
	[tilespmem:$0x1FF00] =	vst v63  }
0xd8: {  	_ =	swait.ge [sflag:s8], $0x4000  }
0xd9: {  	[sflag:s8] =	ssyncset.done $0x0  }
0xda: {  	s21 =	rddreg [dreg:$0x5];
	[sflag:s8] =	ssyncadd.s32 $0xFFFFC000  }
0xdb: {  	[hbm4b:s21+s3] =	stream.linear.scatter [tilespmem:s1], [sflag:$0x4], $0x4000, $0x38;
	[tilespmem:$0x1FF00] =	vst v63  }
0xdc: {  	_ =	swait.ge [sflag:s8], $0x4000  }
0xdd: {  	[sflag:s8] =	ssyncset.done $0x0  }
0xde: {  	s22 =	rddreg [dreg:$0xf];
	[sflag:s8] =	ssyncadd.s32 $0xFFFFC000  }
0xdf: {  	[tilespmem:s1], [sflag:$0x4] =	stream.linear.gather [spmem:s22], $0x4000, $0x38;
	[tilespmem:$0x1FF00] =	vst v63  }
0xe0: {  	_ =	swait.ge [sflag:s8], $0x4000  }
0xe1: {  	[sflag:s8] =	ssyncset.done $0x0  }
0xe2: {  	s23 =	rddreg [dreg:$0x6];
	[sflag:s8] =	ssyncadd.s32 $0xFFFFC000  }
0xe3: {  	[hbm4b:s23+s3] =	stream.linear.scatter [tilespmem:s1], [sflag:$0x4], $0x4000, $0x38;
	[tilespmem:$0x1FF00] =	vst v63  }
0xe4: {  	_ =	swait.ge [sflag:s8], $0x4000  }
0xe5: {  	[sflag:s8] =	ssyncset.done $0x0  }
0xe6: {  	s21 =	rddreg [dreg:$0x10];
	[sflag:s8] =	ssyncadd.s32 $0xFFFFC000  }
0xe7: {  	[tilespmem:s1], [sflag:$0x4] =	stream.linear.gather [spmem:s21], $0x4000, $0x38;
	[tilespmem:$0x1FF00] =	vst v63  }
0xe8: {  	_ =	swait.ge [sflag:s8], $0x4000  }
0xe9: {  	[sflag:s8] =	ssyncset.done $0x0  }
0xea: {  	s22 =	rddreg [dreg:$0x7];
	[sflag:s8] =	ssyncadd.s32 $0xFFFFC000  }
0xeb: {  	[hbm4b:s22+s3] =	stream.linear.scatter [tilespmem:s1], [sflag:$0x4], $0x4000, $0x38;
	[tilespmem:$0x1FF00] =	vst v63  }
0xec: {  	_ =	swait.ge [sflag:s8], $0x4000  }
0xed: {  	[sflag:s8] =	ssyncset.done $0x0  }
0xee: {  	s23 =	rddreg [dreg:$0x11];
	[sflag:s8] =	ssyncadd.s32 $0xFFFFC000  }
0xef: {  	[tilespmem:s1], [sflag:$0x4] =	stream.linear.gather [spmem:s23], $0x4000, $0x38;
	[tilespmem:$0x1FF00] =	vst v63  }
0xf0: {  	_ =	swait.ge [sflag:s8], $0x4000  }
0xf1: {  	[sflag:s8] =	ssyncset.done $0x0  }
0xf2: {  	s21 =	rddreg [dreg:$0x8];
	[sflag:s8] =	ssyncadd.s32 $0xFFFFC000  }
0xf3: {  	[hbm4b:s21+s3] =	stream.linear.scatter [tilespmem:s1], [sflag:$0x4], $0x4000, $0x38;
	[tilespmem:$0x1FF00] =	vst v63  }
0xf4: {  	_ =	swait.ge [sflag:s8], $0x4000  }
0xf5: {  	[sflag:s8] =	ssyncset.done $0x0  }
0xf6: {  	s22 =	rddreg [dreg:$0x12];
	[sflag:s8] =	ssyncadd.s32 $0xFFFFC000  }
0xf7: {  	[tilespmem:s1], [sflag:$0x4] =	stream.linear.gather [spmem:s22], $0x4000, $0x38;
	[tilespmem:$0x1FF00] =	vst v63  }
0xf8: {  	s19 =	sadd.s32 $0x1, s19;
	_ =	swait.ge [sflag:s8], $0x4000  }
0xf9: {  	p0 =	sne.s32 s19, s24;
	[sflag:s8] =	ssyncset.done $0x0  }
.Ltmp2:
0xfa: {  	s23 =	rddreg [dreg:$0x9];
	[sflag:s8] =	ssyncadd.s32 $0xFFFFC000;
	(pc) =	sbr.rel @p0 .LBB2_1-.Ltmp2, $4  }
0xfb: {  	[hbm4b:s23+s3] =	stream.linear.scatter [tilespmem:s1], [sflag:$0x4], $0x4000, $0x38;
	[tilespmem:$0x1FF00] =	vst v63  }
0xfc: {  	_ =	swait.ge [sflag:s8], $0x4000  }
0xfd: {  	[sflag:s8] =	ssyncset.done $0x0  }
0xfe: {  	[sflag:s8] =	ssyncadd.s32 $0xFFFFC000  }
0xff: {  	_ =	sfence.sel $0x180000  }
0x100: {  	[bflag:$0x0] =	sbarrier.arrive $0xFFFF  }
0x101: {  	_ =	strace $0x9000004D  }
0x102: {  	s0 =	stileid.u32;
	[bflag:$0x2] =	sbarrier.arrive $0xFFFF  }
0x103: {  	p0 =	sne.s32 s0, $0x0;
	s0 =	rddreg [dreg:$0x2]  }
0x104: {  	s0 =	sadd.s32 @!p0 $0x100000, s0  }
0x105: {  	[sflag:s0] =	ssyncadd.tile.s32 @!p0 $0x1;
	_ =	shalt  }
.Lfunc_end2:
_tile_overlayer_lowered:
.L_overlay_start_2:
0x106: {  	(tag) =	ssettag $0x2  }
0x107: {  	s0 =	rddreg [dreg:$0x0];
	s2 =	stileid.u32  }
0x108: {  	s1 =	rddreg [dreg:$0x1];
	p0 =	sne.s32 s2, $0x0  }
0x109: {  	s3 =	rddreg [dreg:$0x2];
	[bflag:$0x3] =	sbarrier.arrive $0xFFFF;
	s2 =	simm.s32 @!p0 $0x1C04  }
0x10a: {  	[timem:s3], [sflag:s2] =	dma.local @!p0 [hbm:s0], s1  }
0x10b: {  	s0 =	simm.s32 @!p0 $0x4  }
0x10c: {  	_ =	swait.ge @!p0 [sflag:s0], s1  }
0x10d: {  	s1 =	ssub.s32 @!p0 $0x0, s1;
	[sflag:s0] =	ssyncset.done @!p0 $0x0  }
0x10e: {  	[sflag:s0] =	ssyncadd.s32 @!p0 s1  }
0x10f: {  	[bflag:$0x3] =	sbarrier.arrive $0xFFFF  }
0x110: {  	_ =	shalt  }

// kernel: kernel.19.cloned.1.call-start
scs
__scs_entry_jumppad:
0x0: {  	(pc) =	sbr.rel $0x88, $3  }
0x1: {  	(tag) =	ssettag $0x0;
	lr =	simm.s32 $0x1  }
0x2: {  	[smem:$0x3F81] =	sst lr;
	_ =	strace $0xD0000000  }
0x3: {  	_ = 	snop  }
0x4: {  	_ = 	snop  }
0x5: {  	_ = 	snop  }
0x6: {  	_ = 	snop  }
0x7: {  	_ = 	snop  }
__scs_overlays_trampoline_lowered:
0x8: {  	[smem:$0x3F90] =	sst s0  }
0x9: {  	[smem:$0x3F91] =	sst s1  }
0xa: {  	[smem:$0x3F92] =	sst s2  }
0xb: {  	[smem:$0x3F93] =	sst s3  }
0xc: {  	[smem:$0x3F94] =	sst s4  }
0xd: {  	[smem:$0x3F95] =	sst s5  }
0xe: {  	[smem:$0x3F96] =	sst s6  }
0xf: {  	[smem:$0x3F97] =	sst s7  }
0x10: {  	[smem:$0x3F98] =	sst s8  }
0x11: {  	[smem:$0x3F99] =	sst s9;
	s0 =	simm.s32 @!p0 $0x0  }
0x12: {  	s1 =	sld [smem:$0x3F7F];
	s0 =	simm.s32 @p0 $0x1  }
0x13: {  	[smem:$0x3F9A] =	sst s0;
	s0 =	simm.s32 @!p1 $0x0  }
0x14: {  	s2 =	sld [smem:$0x3F7E];
	s0 =	simm.s32 @p1 $0x1  }
0x15: {  	[smem:$0x3F9B] =	sst s0;
	s0 =	simm.s32 @!p2 $0x0  }
0x16: {  	s3 =	sld [smem:$0x3FDB];
	s0 =	simm.s32 @p2 $0x1  }
0x17: {  	s4 =	simm.s32 $0x1BF5;
	[smem:$0x3F9D] =	sst s0  }
0x18: {  	s0 =	sld [smem:$0x3F80];
	_ =	swait.ge [sflag:s4], $0x0  }
0x19: {  	s7 =	sld [smem:$0x3F81]  }
0x1a: {  	s8 =	sadd.s32 $0xFFFFE003, lr  }
0x1b: {  	s9 =	sadd.s32 $0xFFFFFEF7, lr;
	s5 =	simm.s32 $0xFFFFFFFF;
	p2 =	slt.u32 s8, $0xFFFFF086  }
0x1c: {  	p1 =	slt.u32 s9, $0xF7A;
	s5 =	simm.s32 @!p2 $0x0  }
0x1d: {  	s5 =	simm.s32 @p1 $0x1;
	p0 =	seq.s32 s7, s2  }
0x1e: {  	s7 =	smul.u32 @!p0 $0xF7A, s2;
	p2 =	seq.s32 @!p0 s5, $0x0  }
0x1f: {  	s9 =	smul.u32 $0xF7A, s1;
	s8 =	simm.s32 @!p0 $0x1BF5;
	p2 =	por !p2, p0  }
0x20: {  	[sflag:s8] =	ssyncset.s32 @!p0 $0xFFFFF086;
	s6 =	sadd.s32 @!p0 s3, s7;
	s7 =	simm.s32 @!p0 $0x108  }
0x21: {  	s3 =	sadd.s32 s3, s9;
	s6 =	sadd.s32 @!p0 $0x88, s6;
	s7 =	simm.s32 @p2 $0x1082  }
0x22: {  	[simem:s7], [sflag:s8] =	dma.local @!p0 [hbm:s6], $0xF7A  }
0x23: {  	s9 =	sor.u32 $0xD0000000, s2;
	s6 =	simm.s32 $0x108;
	_ =	swait.ge @!p0 [sflag:s8], $0x0  }
0x24: {  	s3 =	sadd.s32 $0x88, s3;
	s6 =	simm.s32 @!p1 $0x1082;
	[sflag:s4] =	ssyncset.s32 $0xFFFFF086  }
0x25: {  	[simem:s6], [sflag:s4] =	dma.local [hbm:s3], $0xF7A  }
0x26: {  	[smem:$0x3F81] =	sst s1;
	(tag) =	ssettag s2;
	_ =	strace s9  }
0x27: {  	s1 =	sld [smem:$0x3F91]  }
0x28: {  	s2 =	sld [smem:$0x3F92]  }
0x29: {  	s4 =	sld [smem:$0x3F94]  }
0x2a: {  	p0 =	seq.s32 s5, $0x0;
	s5 =	sld [smem:$0x3F95]  }
0x2b: {  	s6 =	sld [smem:$0x3F96]  }
0x2c: {  	s7 =	sld [smem:$0x3F97]  }
0x2d: {  	s3 =	simm.s32 $0x108;
	s8 =	sld [smem:$0x3F98]  }
0x2e: {  	s3 =	simm.s32 @!p0 $0x1082;
	s9 =	sld [smem:$0x3F99]  }
0x2f: {  	lr =	sadd.s32 s0, s3;
	s0 =	sld [smem:$0x3F90]  }
0x30: {  	s3 =	sld [smem:$0x3F93]  }
0x31: {  	[smem:$0x3F9C] =	sst s10  }
0x32: {  	s10 =	sld [smem:$0x3F9A];
	_ =	sdelay $0x3  }
0x33: {  	p0 =	seq.s32 s10, $0x1;
	s10 =	sld [smem:$0x3F9C];
	_ =	sdelay $0x3  }
0x34: {  	[smem:$0x3F9C] =	sst s10  }
0x35: {  	s10 =	sld [smem:$0x3F9B];
	_ =	sdelay $0x3  }
0x36: {  	p1 =	seq.s32 s10, $0x1;
	s10 =	sld [smem:$0x3F9C];
	_ =	sdelay $0x3  }
0x37: {  	[smem:$0x3F9C] =	sst s10  }
0x38: {  	s10 =	sld [smem:$0x3F9D]  }
0x39: {  	_ = 	snop;
	(pc) =	sbr.ind lr, $3  }
0x3a: {  	_ = 	snop  }
0x3b: {  	_ = 	snop  }
0x3c: {  	p2 =	seq.s32 s10, $0x1;
	s10 =	sld [smem:$0x3F9C]  }
0x3d: {  	_ =	shalt  }
0x3e: {  	_ =	shalt  }
0x3f: {  	_ =	shalt  }
0x40: {  	_ =	shalt  }
0x41: {  	_ =	shalt  }
0x42: {  	_ =	shalt  }
0x43: {  	_ =	shalt  }
0x44: {  	_ =	shalt  }
0x45: {  	_ =	shalt  }
0x46: {  	_ =	shalt  }
0x47: {  	_ =	shalt  }
0x48: {  	_ =	shalt  }
0x49: {  	_ =	shalt  }
0x4a: {  	_ =	shalt  }
0x4b: {  	_ =	shalt  }
0x4c: {  	_ =	shalt  }
0x4d: {  	_ =	shalt  }
0x4e: {  	_ =	shalt  }
0x4f: {  	_ =	shalt  }
0x50: {  	_ =	shalt  }
0x51: {  	_ =	shalt  }
0x52: {  	_ =	shalt  }
0x53: {  	_ =	shalt  }
0x54: {  	_ =	shalt  }
0x55: {  	_ =	shalt  }
0x56: {  	_ =	shalt  }
0x57: {  	_ =	shalt  }
0x58: {  	_ =	shalt  }
0x59: {  	_ =	shalt  }
0x5a: {  	_ =	shalt  }
0x5b: {  	_ =	shalt  }
0x5c: {  	_ =	shalt  }
0x5d: {  	_ =	shalt  }
0x5e: {  	_ =	shalt  }
0x5f: {  	_ =	shalt  }
0x60: {  	_ =	shalt  }
0x61: {  	_ =	shalt  }
0x62: {  	_ =	shalt  }
0x63: {  	_ =	shalt  }
0x64: {  	_ =	shalt  }
0x65: {  	_ =	shalt  }
0x66: {  	_ =	shalt  }
0x67: {  	_ =	shalt  }
0x68: {  	_ =	shalt  }
0x69: {  	_ =	shalt  }
0x6a: {  	_ =	shalt  }
0x6b: {  	_ =	shalt  }
0x6c: {  	_ =	shalt  }
0x6d: {  	_ =	shalt  }
0x6e: {  	_ =	shalt  }
0x6f: {  	_ =	shalt  }
0x70: {  	_ =	shalt  }
0x71: {  	_ =	shalt  }
0x72: {  	_ =	shalt  }
0x73: {  	_ =	shalt  }
0x74: {  	_ =	shalt  }
0x75: {  	_ =	shalt  }
0x76: {  	_ =	shalt  }
0x77: {  	_ =	shalt  }
0x78: {  	_ =	shalt  }
0x79: {  	_ =	shalt  }
0x7a: {  	_ =	shalt  }
0x7b: {  	_ =	shalt  }
0x7c: {  	_ =	shalt  }
0x7d: {  	_ =	shalt  }
0x7e: {  	_ =	shalt  }
0x7f: {  	_ =	shalt  }
0x80: {  	_ =	shalt  }
0x81: {  	_ =	shalt  }
0x82: {  	_ =	shalt  }
0x83: {  	_ =	shalt  }
0x84: {  	_ =	shalt  }
0x85: {  	_ =	shalt  }
0x86: {  	_ =	shalt  }
0x87: {  	_ =	shalt  }
.Lfunc_end0:
.L_simem_size_0:
called_computation.3_lowered:
.L_overlay_start_0:
0x88: {  	s2 =	sld [smem:$0x3FD9]  }
0x89: {  	s3 =	sld [smem:$0x3FFE];
	_ =	sdelay $0x1  }
0x8a: {  	s1 =	srdreg.scid  }
0x8b: {  	s0 =	sand.u32 $0x1, s1  }
0x8c: {  	s16 =	sshll.u32 s0, $0xA;
	s2 =	sadd.s32 s3, s2  }
0x8d: {  	s2 =	sadd.s32 s2, s16  }
0x8e: {  	[smem:$0x3FA8] =	sst s2  }
0x8f: {  	_ = 	snop  }
0x90: {  	(tm) =	ssettm $0x1  }
0x91: {  	s17 =	sld [smem:$0x3FFB];
	_ =	sdelay $0x3  }
0x92: {  	_ =	strace s17  }
0x93: {  	s2 =	sld [smem:$0x3FFC];
	_ =	sdelay $0x3  }
0x94: {  	_ =	strace s2  }
0x95: {  	s2 =	sld [smem:$0x3FFD];
	_ =	sdelay $0x3  }
0x96: {  	_ =	strace s2  }
0x97: {  	_ =	strace $0x8FFFFFFF  }
0x98: {  	s18 =	sld [smem:$0x3FDB];
	_ =	sdelay $0x1  }
0x99: {  	s19 =	simm.s32 $_scs_section_size  }
0x9a: {  	s4 =	simm.s32 $_size__tile_overlayer_lowered;
	s5 =	simm.s32 $_tile_overlayer_lowered  }
0x9b: {  	s22 =	simm.s32 $0x1BFF;
	s21 =	sshll.u32 s5, $0x1;
	s2 =	sadd.s32 s19, s18  }
0x9c: {  	s6 =	simm.s32 $0x0;
	s20 =	sshll.u32 s4, $0x1;
	s4 =	sadd.s32 s21, s2  }
0x9d: {  	[timem:s6], [sflag:s22] =	dma.local [hbm:s4], s20  }
0x9e: {  	_ =	swait.ge [sflag:s22], s20  }
0x9f: {  	s3 =	ssub.s32 $0x0, s20;
	[sflag:s22] =	ssyncset.done $0x0  }
0xa0: {  	[sflag:s22] =	ssyncadd.s32 s3;
	_ =	sdelay $0x1  }
0xa1: {  	s23 =	simm.s32 $0x1B8B  }
0xa2: {  	_ =	swait.ge [sflag:s23], $0x1  }
0xa3: {  	[sflag:s23] =	ssyncset.done $0x0  }
0xa4: {  	s25 =	simm.s32 $0x1B8E;
	s24 =	sld [smem:$0x3FFE];
	[sflag:s23] =	ssyncadd.s32 $0xFFFFFFFF  }
0xa5: {  	s26 =	simm.s32 $execute0_lowered;
	[smem:$0x3FD2] =	sst s25  }
0xa6: {  	s4 =	sshll.u32 s26, $0x1;
	_ =	strace $0x8000004F;
	[dreg:$0x1] =	wrdreg $0xFFFFFFFF  }
0xa7: {  	s28 =	simm.s32 $_size_execute0_lowered;
	s2 =	sadd.s32 s2, s4;
	[dreg:$0x0] =	wrdreg $0x0  }
0xa8: {  	s4 =	sshll.u32 s28, $0x1;
	[dreg:$0x2] =	wrdreg s2  }
0xa9: {  	[dreg:$0x3] =	wrdreg s4  }
0xaa: {  	[dreg:$0x4] =	wrdreg $0xC0  }
0xab: {  	_ =	task [dreg:s6], $0x5FFFF  }
0xac: {  	[dreg:$0x1] =	wrdreg $0xFFFFFFFF  }
0xad: {  	[dreg:$0x0] =	wrdreg $0x60  }
0xae: {  	[dreg:$0x2] =	wrdreg s24  }
0xaf: {  	[dreg:$0x3] =	wrdreg $0xC3000  }
0xb0: {  	[dreg:$0x4] =	wrdreg $0x9  }
0xb1: {  	_ =	task.clear_ibuf [dreg:s6], $0x5FFFF;
	_ =	strace $0x9000004F  }
0xb2: {  	s29 =	simm.s32 $0x9;
	_ =	strace $0x80000051  }
0xb3: {  	_ =	swait.ge [sflag:s29], $0x1  }
0xb4: {  	[sflag:s29] =	ssyncadd.s32 $0xFFFFFFFF  }
0xb5: {  	_ =	strace $0x90000051  }
0xb6: {  	_ =	sfence  }
0xb7: {  	s30 =	sld [smem:$0x0];
	_ =	sdelay $0x2  }
0xb8: {  	s31 =	sshll.u32 s1, $0xD;
	s1 =	sshrl.u32 s1, $0x2  }
0xb9: {  	s3 =	sand.u32 $0x4000, s31;
	s1 =	sadd.s32 s1, s30  }
0xba: {  	s0 =	sor.u32 s3, s0;
	s1 =	sshll.u32 s1, $0x11  }
0xbb: {  	s0 =	sor.u32 s1, s0  }
0xbc: {  	s0 =	sadd.s32 $0x8F2B, s0  }
0xbd: {  	[sflag:s0] =	ssyncadd.remote.s32 $0x1  }
0xbe: {  	_ =	sfence.sel $0xFFFF  }
0xbf: {  	[dreg:$0x0] =	wrdreg $0xFFFFFFFF;
	(pc) =	sbr.abs _section_cstart, $3  }
0xc0: {  	[dreg:$0x1] =	wrdreg $0xFFFFFFFF  }
0xc1: {  	_ =	task.clear_ibuf [dreg:s6], $0x2FFFF;
	_ =	strace $0x9FFFFFFF  }
0xc2: {  	(tm) =	ssettm $0x7FFFFFFF  }
0xc3: {  	_ =	shalt  }
tec
execute0_lowered:
.L_overlay_start_1:
0x0: {  	(tag) =	ssettag $0x1  }
0x1: {  	s18 =	stileid.u32  }
0x2: {  	s0 =	rddreg [dreg:$0x0];
	s10 =	smul.u32 $0x4F000, s18  }
0x3: {  	s2 =	rddreg [dreg:$0x1];
	s19 =	smul.u32 $0x13800, s18  }
0x4: {  	s3 =	simm.s32 $0x0;
	s1 =	srdreg.scid;
	s14 =	smul.u32 $0x4E000, s18  }
0x5: {  	s1 =	sand.u32 $0x1, s1;
	s4 =	sshll.u32 s18, $0x1;
	s18 =	smul.u32 $0xA000, s18  }
0x6: {  	[smem:$0x7FF] =	sst s3;
	s6 =	sadd.s32 $0x1B600, s0;
	s20 =	smul.u32 $0x138800, s1  }
0x7: {  	_ =	strace $0x80000050;
	s5 =	sor.u32 s1, s4;
	s26 =	smul.u32 $0x5000, s1  }
0x8: {  	s4 =	sadd.s32 $0x43A00, s0;
	s7 =	ssub.s32 $0x2, s1;
	s8 =	smul.u32 $0x5000, s5  }
0x9: {  	s5 =	sadd.s32 $0x2F800, s0;
	s9 =	sshrl.u32 s7, $0x1;
	s0 =	sadd.s32 $0x91E00, s0  }
0xa: {  	s17 =	sshrl.u32 s10, $0x2;
	s13 =	sadd.s32 $0x4000, s19;
	s24 =	sadd.s32 $0xC000, s19  }
0xb: {  	s10 =	sadd.s32 $0x10000, s19;
	s9 =	ssub.s32 s7, s9;
	s7 =	sadd.s32 s17, s2  }
0xc: {  	s15 =	sadd.s32 s19, s20;
	s16 =	sadd.s32 s20, s13;
	s17 =	sadd.s32 $0x8000, s19  }
0xd: {  	s25 =	sadd.s32 s20, s24;
	s19 =	sshrl.u32 s14, $0x2;
	s14 =	simm.s32 $0x280  }
0xe: {  	s8 =	sshrl.u32 s8, $0x3;
	s15 =	sshrl.u32 s15, $0x3;
	s16 =	sshrl.u32 s16, $0x3  }
0xf: {  	s23 =	sadd.s32 s20, s17;
	s29 =	sadd.s32 $0x4000, s7;
	s11 =	sadd.s32 s5, s8  }
0x10: {  	s30 =	sadd.s32 $0x8000, s7;
	s12 =	sadd.s32 s6, s8;
	[dreg:$0x3] =	wrdreg s11  }
0x11: {  	s31 =	sadd.s32 $0xC000, s7;
	s15 =	sadd.s32 s0, s15;
	[dreg:$0x4] =	wrdreg s12  }
0x12: {  	s21 =	sor.u32 $0x10, s8;
	s22 =	sadd.s32 s0, s16;
	[dreg:$0x5] =	wrdreg s15  }
0x13: {  	s16 =	simm.s32 $0x1;
	[dreg:$0x6] =	wrdreg s22;
	s12 =	sadd.s32 s6, s21  }
0x14: {  	s11 =	sadd.s32 s20, s10;
	s20 =	sadd.s32 s19, s2;
	[dreg:$0xb] =	wrdreg s12  }
0x15: {  	s15 =	sshrl.u32 s23, $0x3;
	s22 =	sadd.s32 s17, s2;
	[dreg:$0xe] =	wrdreg s20  }
0x16: {  	s23 =	sadd.s32 s24, s2;
	s24 =	sadd.s32 s10, s2;
	[dreg:$0x10] =	wrdreg s22  }
0x17: {  	s10 =	simm.s32 $0x100;
	s17 =	simm.s32 $0x2;
	[dreg:$0x11] =	wrdreg s23  }
0x18: {  	s19 =	simm.s32 $0x0;
	s15 =	sadd.s32 s0, s15;
	[dreg:$0x12] =	wrdreg s24  }
0x19: {  	s11 =	sshrl.u32 s11, $0x3;
	[dreg:$0x7] =	wrdreg s15;
	s15 =	sshrl.u32 s25, $0x3  }
0x1a: {  	s24 =	smax.u32 s9, $0x1;
	s9 =	simm.s32 $0x80;
	s15 =	sadd.s32 s0, s15  }
0x1b: {  	s12 =	simm.s32 $0x4300;
	s0 =	sadd.s32 s0, s11;
	[dreg:$0x8] =	wrdreg s15  }
0x1c: {  	s11 =	sadd.s32 s5, s21;
	s21 =	sadd.s32 s13, s2;
	[dreg:$0x9] =	wrdreg s0  }
0x1d: {  	s13 =	simm.s32 $0x200;
	[dreg:$0xa] =	wrdreg s11;
	s15 =	sor.u32 $0x20, s8  }
0x1e: {  	s0 =	sadd.s32 s26, s18;
	[dreg:$0xf] =	wrdreg s21;
	s11 =	simm.s32 $0x180  }
0x1f: {  	s18 =	simm.s32 $0x3;
	s8 =	sadd.s32 s5, s15;
	s1 =	sadd.s32 s6, s15  }
0x20: {  	s25 =	sor.u32 $0x280, s0;
	s26 =	sor.u32 $0x200, s0;
	[dreg:$0xc] =	wrdreg s8  }
0x21: {  	s0 =	sor.u32 $0x180, s0;
	s15 =	simm.s32 $0x8300;
	[dreg:$0xd] =	wrdreg s1  }
0x22: {  	s25 =	sshrl.u32 s25, $0x3;
	s26 =	sshrl.u32 s26, $0x3;
	s28 =	sshrl.u32 s0, $0x3  }
0x23: {  	v0 =	vimm.f32 $0.0e+00;
	s0 =	sadd.s32 $0x10000, s7;
	s1 =	simm.s32 $0x300;
	s8 =	simm.s32 $0x4  }
.LBB2_1:
0x24: {  	s20 =	simm.s32 $0x0;
	s21 =	simm.s32 $0x200  }
.LBB2_2:
0x25: {  	p0 =	sne.s32 s21, $0xFE00;
	[tilespmem:s20+$0x370] =	vst v0  }
0x26: {  	[tilespmem:s20+$0x300] =	vst v0  }
0x27: {  	[tilespmem:s20+$0x310] =	vst v0  }
.Ltmp0:
0x28: {  	[tilespmem:s20+$0x320] =	vst v0;
	(pc) =	sbr.rel @p0 .LBB2_2-.Ltmp0, $4  }
0x29: {  	[tilespmem:s20+$0x330] =	vst v0  }
0x2a: {  	[tilespmem:s20+$0x340] =	vst v0  }
0x2b: {  	[tilespmem:s20+$0x350] =	vst v0  }
0x2c: {  	[tilespmem:s20+$0x360] =	vst v0;
	s20 =	sshra.s32 s21, $0x2;
	s21 =	sadd.s32 $0x200, s21  }
0x2d: {  	[tilespmem:s20+$0x370] =	vst v0  }
0x2e: {  	[tilespmem:s20+$0x300] =	vst v0  }
0x2f: {  	[tilespmem:s20+$0x310] =	vst v0  }
0x30: {  	[tilespmem:s20+$0x320] =	vst v0  }
0x31: {  	[tilespmem:s20+$0x330] =	vst v0  }
0x32: {  	[tilespmem:s20+$0x340] =	vst v0  }
0x33: {  	[tilespmem:s20+$0x350] =	vst v0  }
0x34: {  	[tilespmem:s20+$0x360] =	vst v0  }
0x35: {  	[spmem:s7] =	stream.linear.scatter [tilespmem:s1], [sflag:$0x4], $0x4000, $0x38;
	[tilespmem:$0x1FF00] =	vst v63  }
0x36: {  	_ =	swait.ge [sflag:s8], $0x4000  }
0x37: {  	[sflag:s8] =	ssyncset.done $0x0  }
0x38: {  	[sflag:s8] =	ssyncadd.s32 $0xFFFFC000  }
0x39: {  	[spmem:s29] =	stream.linear.scatter [tilespmem:s1], [sflag:$0x4], $0x4000, $0x38;
	[tilespmem:$0x1FF00] =	vst v63  }
0x3a: {  	_ =	swait.ge [sflag:s8], $0x4000  }
0x3b: {  	[sflag:s8] =	ssyncset.done $0x0  }
0x3c: {  	[sflag:s8] =	ssyncadd.s32 $0xFFFFC000  }
0x3d: {  	[spmem:s30] =	stream.linear.scatter [tilespmem:s1], [sflag:$0x4], $0x4000, $0x38;
	[tilespmem:$0x1FF00] =	vst v63  }
0x3e: {  	_ =	swait.ge [sflag:s8], $0x4000  }
0x3f: {  	[sflag:s8] =	ssyncset.done $0x0  }
0x40: {  	[sflag:s8] =	ssyncadd.s32 $0xFFFFC000  }
0x41: {  	[spmem:s31] =	stream.linear.scatter [tilespmem:s1], [sflag:$0x4], $0x4000, $0x38;
	[tilespmem:$0x1FF00] =	vst v63  }
0x42: {  	_ =	swait.ge [sflag:s8], $0x4000  }
0x43: {  	[sflag:s8] =	ssyncset.done $0x0  }
0x44: {  	[sflag:s8] =	ssyncadd.s32 $0xFFFFC000  }
0x45: {  	[spmem:s0] =	stream.linear.scatter [tilespmem:s1], [sflag:$0x4], $0x3C00, $0x38;
	[tilespmem:$0x1FF00] =	vst v63  }
0x46: {  	_ =	swait.ge [sflag:s8], $0x3C00  }
0x47: {  	[sflag:s8] =	ssyncset.done $0x0  }
0x48: {  	[sflag:s8] =	ssyncadd.s32 $0xFFFFC400  }
0x49: {  	[bflag:$0x0] =	sbarrier.arrive $0xFFFF  }
0x4a: {  	s21 =	rddreg [dreg:$0x3]  }
0x4b: {  	[tilespmem:s3], [sflag:$0x4] =	stream.linear.gather [hbm4b:s21+s3], $0x80, $0x38;
	[tilespmem:$0x1FF00] =	vst v63  }
0x4c: {  	_ =	swait.ge [sflag:s8], $0x80  }
0x4d: {  	[sflag:s8] =	ssyncset.done $0x0  }
0x4e: {  	s22 =	rddreg [dreg:$0x4];
	[sflag:s8] =	ssyncadd.s32 $0xFFFFFF80  }
0x4f: {  	[tilespmem:s9], [sflag:$0x4] =	stream.linear.gather [hbm4b:s22+s3], $0x80, $0x38;
	[tilespmem:$0x1FF00] =	vst v63  }
0x50: {  	_ =	swait.ge [sflag:s8], $0x80  }
0x51: {  	[sflag:s8] =	ssyncset.done $0x0  }
0x52: {  	[sflag:s8] =	ssyncadd.s32 $0xFFFFFF80  }
0x53: {  	[tilespmem:s1], [sflag:$0x1] =	stream.indirect.gather [hbm4b:s4+s9], $0x80, s3, s9, $0xb8;
	[tilespmem:$0x1FF00] =	vst v63  }
0x54: {  	s23 =	rddreg [dreg:$0xa]  }
0x55: {  	[tilespmem:s10], [sflag:$0x4] =	stream.linear.gather [hbm4b:s23+s3], $0x80, $0x38;
	[tilespmem:$0x1FF00] =	vst v63  }
0x56: {  	_ =	swait.ge [sflag:s8], $0x80  }
0x57: {  	[sflag:s8] =	ssyncset.done $0x0  }
0x58: {  	s21 =	rddreg [dreg:$0xb];
	[sflag:s8] =	ssyncadd.s32 $0xFFFFFF80  }
0x59: {  	[tilespmem:s11], [sflag:$0x4] =	stream.linear.gather [hbm4b:s21+s3], $0x80, $0x38;
	[tilespmem:$0x1FF00] =	vst v63  }
0x5a: {  	_ =	swait.ge [sflag:s8], $0x80  }
0x5b: {  	[sflag:s8] =	ssyncset.done $0x0  }
0x5c: {  	[sflag:s8] =	ssyncadd.s32 $0xFFFFFF80  }
0x5d: {  	[tilespmem:s12], [sflag:$0x2] =	stream.indirect.gather [hbm4b:s4+s9], $0x80, s10, s9, $0xb8;
	[tilespmem:$0x1FF00] =	vst v63  }
0x5e: {  	s22 =	rddreg [dreg:$0xc]  }
0x5f: {  	[tilespmem:s13], [sflag:$0x4] =	stream.linear.gather [hbm4b:s22+s3], $0x80, $0x38;
	[tilespmem:$0x1FF00] =	vst v63  }
0x60: {  	_ =	swait.ge [sflag:s8], $0x80  }
0x61: {  	[sflag:s8] =	ssyncset.done $0x0  }
0x62: {  	s23 =	rddreg [dreg:$0xd];
	[sflag:s8] =	ssyncadd.s32 $0xFFFFFF80  }
0x63: {  	[tilespmem:s14], [sflag:$0x4] =	stream.linear.gather [hbm4b:s23+s3], $0x80, $0x38;
	[tilespmem:$0x1FF00] =	vst v63  }
0x64: {  	_ =	swait.ge [sflag:s8], $0x80  }
0x65: {  	[sflag:s8] =	ssyncset.done $0x0  }
0x66: {  	[sflag:s8] =	ssyncadd.s32 $0xFFFFFF80  }
0x67: {  	[tilespmem:s15], [sflag:$0x3] =	stream.indirect.gather [hbm4b:s4+s9], $0x80, s13, s9, $0xb8;
	[tilespmem:$0x1FF00] =	vst v63  }
0x68: {  	_ =	swait.ge [sflag:s16], $0x4000  }
0x69: {  	[sflag:s16] =	ssyncset.done $0x0  }
0x6a: {  	[sflag:s16] =	ssyncadd.s32 $0xFFFFC000  }
0x6b: {  	[spmem:s2] =	stream.indirect.scatter.add.f32 [tilespmem:s1], [sflag:$0x4], $0x80, s9, s9, $0xb8;
	[tilespmem:$0x1FF00] =	vst v63  }
0x6c: {  	_ =	swait.ge [sflag:s8], $0x4000  }
0x6d: {  	[sflag:s8] =	ssyncset.done $0x0  }
0x6e: {  	s21 =	sadd.s32 s5, s28;
	[sflag:s8] =	ssyncadd.s32 $0xFFFFC000  }
0x6f: {  	[tilespmem:s3], [sflag:$0x4] =	stream.linear.gather [hbm4b:s21+s3], $0x80, $0x38;
	[tilespmem:$0x1FF00] =	vst v63  }
0x70: {  	_ =	swait.ge [sflag:s8], $0x80  }
0x71: {  	[sflag:s8] =	ssyncset.done $0x0  }
0x72: {  	s22 =	sadd.s32 s6, s28;
	[sflag:s8] =	ssyncadd.s32 $0xFFFFFF80  }
0x73: {  	[tilespmem:s9], [sflag:$0x4] =	stream.linear.gather [hbm4b:s22+s3], $0x80, $0x38;
	[tilespmem:$0x1FF00] =	vst v63  }
0x74: {  	_ =	swait.ge [sflag:s8], $0x80  }
0x75: {  	[sflag:s8] =	ssyncset.done $0x0  }
0x76: {  	[sflag:s8] =	ssyncadd.s32 $0xFFFFFF80  }
0x77: {  	[tilespmem:s1], [sflag:$0x1] =	stream.indirect.gather [hbm4b:s4+s9], $0x80, s3, s9, $0xb8;
	[tilespmem:$0x1FF00] =	vst v63  }
0x78: {  	_ =	swait.ge [sflag:s17], $0x4000  }
0x79: {  	[sflag:s17] =	ssyncset.done $0x0  }
0x7a: {  	[sflag:s17] =	ssyncadd.s32 $0xFFFFC000  }
0x7b: {  	[spmem:s2] =	stream.indirect.scatter.add.f32 [tilespmem:s12], [sflag:$0x4], $0x80, s11, s9, $0xb8;
	[tilespmem:$0x1FF00] =	vst v63  }
0x7c: {  	_ =	swait.ge [sflag:s8], $0x4000  }
0x7d: {  	[sflag:s8] =	ssyncset.done $0x0  }
0x7e: {  	s23 =	sadd.s32 s5, s26;
	[sflag:s8] =	ssyncadd.s32 $0xFFFFC000  }
0x7f: {  	[tilespmem:s10], [sflag:$0x4] =	stream.linear.gather [hbm4b:s23+s3], $0x80, $0x38;
	[tilespmem:$0x1FF00] =	vst v63  }
0x80: {  	_ =	swait.ge [sflag:s8], $0x80  }
0x81: {  	[sflag:s8] =	ssyncset.done $0x0  }
0x82: {  	s21 =	sadd.s32 s6, s26;
	[sflag:s8] =	ssyncadd.s32 $0xFFFFFF80  }
0x83: {  	[tilespmem:s11], [sflag:$0x4] =	stream.linear.gather [hbm4b:s21+s3], $0x80, $0x38;
	[tilespmem:$0x1FF00] =	vst v63  }
0x84: {  	_ =	swait.ge [sflag:s8], $0x80  }
0x85: {  	[sflag:s8] =	ssyncset.done $0x0  }
0x86: {  	[sflag:s8] =	ssyncadd.s32 $0xFFFFFF80  }
0x87: {  	[tilespmem:s12], [sflag:$0x2] =	stream.indirect.gather [hbm4b:s4+s9], $0x80, s10, s9, $0xb8;
	[tilespmem:$0x1FF00] =	vst v63  }
0x88: {  	_ =	swait.ge [sflag:s18], $0x4000  }
0x89: {  	[sflag:s18] =	ssyncset.done $0x0  }
0x8a: {  	[sflag:s18] =	ssyncadd.s32 $0xFFFFC000  }
0x8b: {  	[spmem:s2] =	stream.indirect.scatter.add.f32 [tilespmem:s15], [sflag:$0x4], $0x80, s14, s9, $0xb8;
	[tilespmem:$0x1FF00] =	vst v63  }
0x8c: {  	_ =	swait.ge [sflag:s8], $0x4000  }
0x8d: {  	[sflag:s8] =	ssyncset.done $0x0  }
0x8e: {  	s22 =	sadd.s32 s5, s25;
	[sflag:s8] =	ssyncadd.s32 $0xFFFFC000  }
0x8f: {  	[tilespmem:s13], [sflag:$0x4] =	stream.linear.gather [hbm4b:s22+s3], $0x80, $0x38;
	[tilespmem:$0x1FF00] =	vst v63  }
0x90: {  	_ =	swait.ge [sflag:s8], $0x80  }
0x91: {  	[sflag:s8] =	ssyncset.done $0x0  }
0x92: {  	s23 =	sadd.s32 s6, s25;
	[sflag:s8] =	ssyncadd.s32 $0xFFFFFF80  }
0x93: {  	[tilespmem:s14], [sflag:$0x4] =	stream.linear.gather [hbm4b:s23+s3], $0x80, $0x38;
	[tilespmem:$0x1FF00] =	vst v63  }
0x94: {  	_ =	swait.ge [sflag:s8], $0x80  }
0x95: {  	s20 =	simm.s32 $0x34;
	[sflag:s8] =	ssyncset.done $0x0  }
0x96: {  	s21 =	sadd.s32 $0x30, s6;
	s22 =	sadd.s32 $0x30, s5;
	[sflag:s8] =	ssyncadd.s32 $0xFFFFFF80  }
.LBB2_4:
0x97: {  	[tilespmem:s15], [sflag:$0x3] =	stream.indirect.gather [hbm4b:s4+s9], $0x80, s13, s9, $0xb8;
	[tilespmem:$0x1FF00] =	vst v63  }
0x98: {  	p0 =	sne.s32 s20, $0x1;
	s20 =	sadd.s32 $0xFFFFFFFF, s20;
	_ =	swait.ge [sflag:s16], $0x4000  }
0x99: {  	[sflag:s16] =	ssyncset.done $0x0  }
0x9a: {  	[sflag:s16] =	ssyncadd.s32 $0xFFFFC000  }
0x9b: {  	[spmem:s2] =	stream.indirect.scatter.add.f32 [tilespmem:s1], [sflag:$0x4], $0x80, s9, s9, $0xb8;
	[tilespmem:$0x1FF00] =	vst v63  }
0x9c: {  	_ =	swait.ge [sflag:s8], $0x4000  }
0x9d: {  	[sflag:s8] =	ssyncset.done $0x0  }
0x9e: {  	s23 =	sadd.s32 s22, s28;
	[sflag:s8] =	ssyncadd.s32 $0xFFFFC000  }
0x9f: {  	[tilespmem:s3], [sflag:$0x4] =	stream.linear.gather [hbm4b:s23+s3], $0x80, $0x38;
	[tilespmem:$0x1FF00] =	vst v63  }
0xa0: {  	_ =	swait.ge [sflag:s8], $0x80  }
0xa1: {  	[sflag:s8] =	ssyncset.done $0x0  }
0xa2: {  	s23 =	sadd.s32 s21, s28;
	[sflag:s8] =	ssyncadd.s32 $0xFFFFFF80  }
0xa3: {  	[tilespmem:s9], [sflag:$0x4] =	stream.linear.gather [hbm4b:s23+s3], $0x80, $0x38;
	[tilespmem:$0x1FF00] =	vst v63  }
0xa4: {  	_ =	swait.ge [sflag:s8], $0x80  }
0xa5: {  	[sflag:s8] =	ssyncset.done $0x0  }
0xa6: {  	[sflag:s8] =	ssyncadd.s32 $0xFFFFFF80  }
0xa7: {  	[tilespmem:s1], [sflag:$0x1] =	stream.indirect.gather [hbm4b:s4+s9], $0x80, s3, s9, $0xb8;
	[tilespmem:$0x1FF00] =	vst v63  }
0xa8: {  	_ =	swait.ge [sflag:s17], $0x4000  }
0xa9: {  	[sflag:s17] =	ssyncset.done $0x0  }
0xaa: {  	[sflag:s17] =	ssyncadd.s32 $0xFFFFC000  }
0xab: {  	[spmem:s2] =	stream.indirect.scatter.add.f32 [tilespmem:s12], [sflag:$0x4], $0x80, s11, s9, $0xb8;
	[tilespmem:$0x1FF00] =	vst v63  }
0xac: {  	_ =	swait.ge [sflag:s8], $0x4000  }
0xad: {  	[sflag:s8] =	ssyncset.done $0x0  }
0xae: {  	s23 =	sadd.s32 s22, s26;
	[sflag:s8] =	ssyncadd.s32 $0xFFFFC000  }
0xaf: {  	[tilespmem:s10], [sflag:$0x4] =	stream.linear.gather [hbm4b:s23+s3], $0x80, $0x38;
	[tilespmem:$0x1FF00] =	vst v63  }
0xb0: {  	_ =	swait.ge [sflag:s8], $0x80  }
0xb1: {  	[sflag:s8] =	ssyncset.done $0x0  }
0xb2: {  	s23 =	sadd.s32 s21, s26;
	[sflag:s8] =	ssyncadd.s32 $0xFFFFFF80  }
0xb3: {  	[tilespmem:s11], [sflag:$0x4] =	stream.linear.gather [hbm4b:s23+s3], $0x80, $0x38;
	[tilespmem:$0x1FF00] =	vst v63  }
0xb4: {  	_ =	swait.ge [sflag:s8], $0x80  }
0xb5: {  	[sflag:s8] =	ssyncset.done $0x0  }
0xb6: {  	[sflag:s8] =	ssyncadd.s32 $0xFFFFFF80  }
0xb7: {  	[tilespmem:s12], [sflag:$0x2] =	stream.indirect.gather [hbm4b:s4+s9], $0x80, s10, s9, $0xb8;
	[tilespmem:$0x1FF00] =	vst v63  }
0xb8: {  	_ =	swait.ge [sflag:s18], $0x4000  }
0xb9: {  	[sflag:s18] =	ssyncset.done $0x0  }
0xba: {  	[sflag:s18] =	ssyncadd.s32 $0xFFFFC000  }
0xbb: {  	[spmem:s2] =	stream.indirect.scatter.add.f32 [tilespmem:s15], [sflag:$0x4], $0x80, s14, s9, $0xb8;
	[tilespmem:$0x1FF00] =	vst v63  }
0xbc: {  	_ =	swait.ge [sflag:s8], $0x4000  }
0xbd: {  	[sflag:s8] =	ssyncset.done $0x0  }
0xbe: {  	s23 =	sadd.s32 s22, s25;
	[sflag:s8] =	ssyncadd.s32 $0xFFFFC000  }
0xbf: {  	[tilespmem:s13], [sflag:$0x4] =	stream.linear.gather [hbm4b:s23+s3], $0x80, $0x38;
	[tilespmem:$0x1FF00] =	vst v63  }
0xc0: {  	_ =	swait.ge [sflag:s8], $0x80  }
0xc1: {  	[sflag:s8] =	ssyncset.done $0x0  }
.Ltmp1:
0xc2: {  	s23 =	sadd.s32 s21, s25;
	[sflag:s8] =	ssyncadd.s32 $0xFFFFFF80;
	(pc) =	sbr.rel @p0 .LBB2_4-.Ltmp1, $4  }
0xc3: {  	[tilespmem:s14], [sflag:$0x4] =	stream.linear.gather [hbm4b:s23+s3], $0x80, $0x38;
	[tilespmem:$0x1FF00] =	vst v63  }
0xc4: {  	_ =	swait.ge [sflag:s8], $0x80  }
0xc5: {  	[sflag:s8] =	ssyncset.done $0x0  }
0xc6: {  	s22 =	sadd.s32 $0x30, s22;
	s21 =	sadd.s32 $0x30, s21;
	[sflag:s8] =	ssyncadd.s32 $0xFFFFFF80  }
0xc7: {  	[tilespmem:s15], [sflag:$0x3] =	stream.indirect.gather [hbm4b:s4+s9], $0x80, s13, s9, $0xb8;
	[tilespmem:$0x1FF00] =	vst v63  }
0xc8: {  	_ =	swait.ge [sflag:s16], $0x4000  }
0xc9: {  	[sflag:s16] =	ssyncset.done $0x0  }
0xca: {  	[sflag:s16] =	ssyncadd.s32 $0xFFFFC000  }
0xcb: {  	[spmem:s2] =	stream.indirect.scatter.add.f32 [tilespmem:s1], [sflag:$0x4], $0x80, s9, s9, $0xb8;
	[tilespmem:$0x1FF00] =	vst v63  }
0xcc: {  	_ =	swait.ge [sflag:s8], $0x4000  }
0xcd: {  	[sflag:s8] =	ssyncset.done $0x0  }
0xce: {  	[sflag:s8] =	ssyncadd.s32 $0xFFFFC000  }
0xcf: {  	_ =	swait.ge [sflag:s17], $0x4000  }
0xd0: {  	[sflag:s17] =	ssyncset.done $0x0  }
0xd1: {  	[sflag:s17] =	ssyncadd.s32 $0xFFFFC000  }
0xd2: {  	_ =	swait.ge [sflag:s18], $0x4000  }
0xd3: {  	[sflag:s18] =	ssyncset.done $0x0  }
0xd4: {  	[sflag:s18] =	ssyncadd.s32 $0xFFFFC000  }
0xd5: {  	[bflag:$0x0] =	sbarrier.arrive $0xFFFF  }
0xd6: {  	s20 =	rddreg [dreg:$0xe]  }
0xd7: {  	[tilespmem:s1], [sflag:$0x4] =	stream.linear.gather [spmem:s20], $0x4000, $0x38;
	[tilespmem:$0x1FF00] =	vst v63  }
0xd8: {  	_ =	swait.ge [sflag:s8], $0x4000  }
0xd9: {  	[sflag:s8] =	ssyncset.done $0x0  }
0xda: {  	s21 =	rddreg [dreg:$0x5];
	[sflag:s8] =	ssyncadd.s32 $0xFFFFC000  }
0xdb: {  	[hbm4b:s21+s3] =	stream.linear.scatter [tilespmem:s1], [sflag:$0x4], $0x4000, $0x38;
	[tilespmem:$0x1FF00] =	vst v63  }
0xdc: {  	_ =	swait.ge [sflag:s8], $0x4000  }
0xdd: {  	[sflag:s8] =	ssyncset.done $0x0  }
0xde: {  	s22 =	rddreg [dreg:$0xf];
	[sflag:s8] =	ssyncadd.s32 $0xFFFFC000  }
0xdf: {  	[tilespmem:s1], [sflag:$0x4] =	stream.linear.gather [spmem:s22], $0x4000, $0x38;
	[tilespmem:$0x1FF00] =	vst v63  }
0xe0: {  	_ =	swait.ge [sflag:s8], $0x4000  }
0xe1: {  	[sflag:s8] =	ssyncset.done $0x0  }
0xe2: {  	s23 =	rddreg [dreg:$0x6];
	[sflag:s8] =	ssyncadd.s32 $0xFFFFC000  }
0xe3: {  	[hbm4b:s23+s3] =	stream.linear.scatter [tilespmem:s1], [sflag:$0x4], $0x4000, $0x38;
	[tilespmem:$0x1FF00] =	vst v63  }
0xe4: {  	_ =	swait.ge [sflag:s8], $0x4000  }
0xe5: {  	[sflag:s8] =	ssyncset.done $0x0  }
0xe6: {  	s21 =	rddreg [dreg:$0x10];
	[sflag:s8] =	ssyncadd.s32 $0xFFFFC000  }
0xe7: {  	[tilespmem:s1], [sflag:$0x4] =	stream.linear.gather [spmem:s21], $0x4000, $0x38;
	[tilespmem:$0x1FF00] =	vst v63  }
0xe8: {  	_ =	swait.ge [sflag:s8], $0x4000  }
0xe9: {  	[sflag:s8] =	ssyncset.done $0x0  }
0xea: {  	s22 =	rddreg [dreg:$0x7];
	[sflag:s8] =	ssyncadd.s32 $0xFFFFC000  }
0xeb: {  	[hbm4b:s22+s3] =	stream.linear.scatter [tilespmem:s1], [sflag:$0x4], $0x4000, $0x38;
	[tilespmem:$0x1FF00] =	vst v63  }
0xec: {  	_ =	swait.ge [sflag:s8], $0x4000  }
0xed: {  	[sflag:s8] =	ssyncset.done $0x0  }
0xee: {  	s23 =	rddreg [dreg:$0x11];
	[sflag:s8] =	ssyncadd.s32 $0xFFFFC000  }
0xef: {  	[tilespmem:s1], [sflag:$0x4] =	stream.linear.gather [spmem:s23], $0x4000, $0x38;
	[tilespmem:$0x1FF00] =	vst v63  }
0xf0: {  	_ =	swait.ge [sflag:s8], $0x4000  }
0xf1: {  	[sflag:s8] =	ssyncset.done $0x0  }
0xf2: {  	s21 =	rddreg [dreg:$0x8];
	[sflag:s8] =	ssyncadd.s32 $0xFFFFC000  }
0xf3: {  	[hbm4b:s21+s3] =	stream.linear.scatter [tilespmem:s1], [sflag:$0x4], $0x4000, $0x38;
	[tilespmem:$0x1FF00] =	vst v63  }
0xf4: {  	_ =	swait.ge [sflag:s8], $0x4000  }
0xf5: {  	[sflag:s8] =	ssyncset.done $0x0  }
0xf6: {  	s22 =	rddreg [dreg:$0x12];
	[sflag:s8] =	ssyncadd.s32 $0xFFFFC000  }
0xf7: {  	[tilespmem:s1], [sflag:$0x4] =	stream.linear.gather [spmem:s22], $0x4000, $0x38;
	[tilespmem:$0x1FF00] =	vst v63  }
0xf8: {  	s19 =	sadd.s32 $0x1, s19;
	_ =	swait.ge [sflag:s8], $0x4000  }
0xf9: {  	p0 =	sne.s32 s19, s24;
	[sflag:s8] =	ssyncset.done $0x0  }
.Ltmp2:
0xfa: {  	s23 =	rddreg [dreg:$0x9];
	[sflag:s8] =	ssyncadd.s32 $0xFFFFC000;
	(pc) =	sbr.rel @p0 .LBB2_1-.Ltmp2, $4  }
0xfb: {  	[hbm4b:s23+s3] =	stream.linear.scatter [tilespmem:s1], [sflag:$0x4], $0x4000, $0x38;
	[tilespmem:$0x1FF00] =	vst v63  }
0xfc: {  	_ =	swait.ge [sflag:s8], $0x4000  }
0xfd: {  	[sflag:s8] =	ssyncset.done $0x0  }
0xfe: {  	[sflag:s8] =	ssyncadd.s32 $0xFFFFC000  }
0xff: {  	_ =	sfence.sel $0x180000  }
0x100: {  	[bflag:$0x0] =	sbarrier.arrive $0xFFFF  }
0x101: {  	_ =	strace $0x90000050  }
0x102: {  	s0 =	stileid.u32;
	[bflag:$0x2] =	sbarrier.arrive $0xFFFF  }
0x103: {  	p0 =	sne.s32 s0, $0x0;
	s0 =	rddreg [dreg:$0x2]  }
0x104: {  	s0 =	sadd.s32 @!p0 $0x100000, s0  }
0x105: {  	[sflag:s0] =	ssyncadd.tile.s32 @!p0 $0x1;
	_ =	shalt  }
.Lfunc_end2:
_tile_overlayer_lowered:
.L_overlay_start_2:
0x106: {  	(tag) =	ssettag $0x2  }
0x107: {  	s0 =	rddreg [dreg:$0x0];
	s2 =	stileid.u32  }
0x108: {  	s1 =	rddreg [dreg:$0x1];
	p0 =	sne.s32 s2, $0x0  }
0x109: {  	s3 =	rddreg [dreg:$0x2];
	[bflag:$0x3] =	sbarrier.arrive $0xFFFF;
	s2 =	simm.s32 @!p0 $0x1C04  }
0x10a: {  	[timem:s3], [sflag:s2] =	dma.local @!p0 [hbm:s0], s1  }
0x10b: {  	s0 =	simm.s32 @!p0 $0x4  }
0x10c: {  	_ =	swait.ge @!p0 [sflag:s0], s1  }
0x10d: {  	s1 =	ssub.s32 @!p0 $0x0, s1;
	[sflag:s0] =	ssyncset.done @!p0 $0x0  }
0x10e: {  	[sflag:s0] =	ssyncadd.s32 @!p0 s1  }
0x10f: {  	[bflag:$0x3] =	sbarrier.arrive $0xFFFF  }
0x110: {  	_ =	shalt  }

</sc_bundles>
